<compile_context>
chip_gen: v7x
topology: tpu7x:2x2x1
jax: 0.10.2.dev20260603
libtpu: 0.0.44.dev20260713+nightly
codegen_flags: <defaults>
</compile_context>

<pallas_src>
import functools

import jax
import jax.numpy as jnp
from jax import lax
from jax.experimental import pallas as pl
from jax.experimental.pallas import tpu as pltpu
from jax.experimental.pallas import tpu_sc as plsc

_NC = 2
_NS = 16
_NW = _NC * _NS
_L = 16

_ROWS = 131072
_COLS = 80
_RSC = 32768
_RTC = _ROWS - _RSC
_RPT = _RSC // _NW
_RCHUNK = 128
_G = _RPT // _RCHUNK
_CV = _COLS // _L

_RBLK = 512
_GTC = _RTC // _RBLK

_NBINS = 10
_TRASH = 12
_UCLAMP = 2.31

_LOG1P_C = (
    -0.006151544861495495, 0.03485012799501419, -0.09325294196605682,
    0.16582375764846802, -0.23982678353786469, 0.3315488398075104,
    -0.49983859062194824, 0.9999942779541016, 3.380091939675367e-08,
)
_SIG_C = (
    -5.25261384609621e-06, 0.00013854062126483768, -0.001915045897476375,
    0.020575666800141335, -0.2081817090511322, 2.499974250793457,
)

_mesh = plsc.VectorSubcoreMesh(core_axis_name="c", subcore_axis_name="s")


@functools.partial(
    pl.kernel,
    out_type=jax.ShapeDtypeStruct((_NW * 2 * _NBINS * _L,), jnp.float32),
    mesh=_mesh,
    scratch_types=[
        pltpu.VMEM((_RCHUNK, _COLS), jnp.float32),
        pltpu.VMEM((_RCHUNK, _COLS), jnp.float32),
        pltpu.VMEM((_RCHUNK, _COLS), jnp.int32),
        pltpu.VMEM((_RCHUNK, _COLS), jnp.int32),
        pltpu.VMEM((_RCHUNK, _COLS), jnp.int32),
        pltpu.VMEM((_RCHUNK, _COLS), jnp.int32),
        pltpu.VMEM((2 * _NBINS * _L,), jnp.float32),
        pltpu.SemaphoreType.DMA,
        pltpu.SemaphoreType.DMA,
    ],
    compiler_params=pltpu.CompilerParams(
        needs_layout_passes=False, use_tc_tiling_on_sc=True),
)
def _ghm_sc_partials(pred_hbm, tgt_hbm, lw_hbm, out_hbm,
                     pa, pb, ta, tb, la, lb, stage, sem_a, sem_b):
    wid = lax.axis_index("s") * _NC + lax.axis_index("c")
    base = wid * _RPT

    zero = jnp.zeros((_L,), jnp.float32)
    bufs = ((pa, ta, la, sem_a), (pb, tb, lb, sem_b))

    def start(g, bs):
        r0 = base + g * _RCHUNK
        pltpu.async_copy(pred_hbm.at[pl.ds(r0, _RCHUNK), :], bs[0], bs[3])
        pltpu.async_copy(tgt_hbm.at[pl.ds(r0, _RCHUNK), :], bs[1], bs[3])
        pltpu.async_copy(lw_hbm.at[pl.ds(r0, _RCHUNK), :], bs[2], bs[3])

    def wait(bs):
        sl = pl.ds(0, _RCHUNK)
        pltpu.make_async_copy(pred_hbm.at[sl, :], bs[0], bs[3]).wait()
        pltpu.make_async_copy(tgt_hbm.at[sl, :], bs[1], bs[3]).wait()
        pltpu.make_async_copy(lw_hbm.at[sl, :], bs[2], bs[3]).wait()

    def process(bs, hist):
        pbuf, tbuf, lbuf, _ = bs

        def body(r, hist):
            cnts, sums = hist
            for c in range(_CV):
                sl = pl.ds(c * _L, _L)
                p = pbuf[r, sl]
                t = tbuf[r, sl]
                lwv = lbuf[r, sl]
                u = jnp.where(t > 0, -p, p)
                valid = lwv > 0
                uc = jnp.minimum(jnp.maximum(u, -_UCLAMP), _UCLAMP)
                x2 = uc * uc
                q = jnp.full((_L,), _SIG_C[0], jnp.float32)
                for cf in _SIG_C[1:]:
                    q = q * x2 + jnp.float32(cf)
                sig10 = uc * q + 5.0
                b_ = sig10.astype(jnp.int32)
                sel = jnp.where(valid, b_, _TRASH)
                e = jnp.exp(-jnp.abs(u))
                acc = jnp.full((_L,), _LOG1P_C[0], jnp.float32)
                for cf in _LOG1P_C[1:]:
                    acc = acc * e + jnp.float32(cf)
                bce = jnp.maximum(u, 0.0) + acc
                cnts = tuple(
                    cnts[b] + jnp.where(sel == b, 1.0, 0.0)
                    for b in range(_NBINS))
                sums = tuple(
                    sums[b] + jnp.where(sel == b, bce, 0.0)
                    for b in range(_NBINS))
            return (cnts, sums)

        return lax.fori_loop(0, _RCHUNK, body, hist)

    hist0 = (tuple(zero for _ in range(_NBINS)),
             tuple(zero for _ in range(_NBINS)))
    start(0, bufs[0])

    def pair_body(k, hist):
        g0 = 2 * k
        start(g0 + 1, bufs[1])
        wait(bufs[0])
        hist = process(bufs[0], hist)

        @pl.when(k < _G // 2 - 1)
        def _():
            start(g0 + 2, bufs[0])

        wait(bufs[1])
        return process(bufs[1], hist)

    cnts, sums = lax.fori_loop(0, _G // 2, pair_body, hist0)

    for b in range(_NBINS):
        stage[pl.ds(b * _L, _L)] = cnts[b]
        stage[pl.ds((_NBINS + b) * _L, _L)] = sums[b]
    pltpu.sync_copy(stage, out_hbm.at[pl.ds(wid * 2 * _NBINS * _L,
                                            2 * _NBINS * _L)])


_K = 4096.0


def _ghm_tc_body(pred_ref, tgt_ref, lw_ref, out_ref, sacc):
    i = pl.program_id(0)

    @pl.when(i == 0)
    def _():
        zeros = jnp.zeros((_RBLK, _COLS), jnp.float32)
        for b in range(_NBINS):
            sacc[b] = zeros

    p = pred_ref[...]
    t = tgt_ref[...].astype(jnp.float32)
    valid = lw_ref[...] > 0
    sig = jax.nn.sigmoid(p)
    g = jnp.abs(sig - t)
    b_ = jnp.minimum((g * jnp.float32(_NBINS)).astype(jnp.int32), _NBINS - 1)
    sel = jnp.where(valid, b_, _TRASH)
    bce = (jnp.maximum(p, 0.0) - p * t
           + jnp.log1p(jnp.exp(-jnp.abs(p))))
    val = bce + jnp.float32(_K)
    for b in range(_NBINS):
        sacc[b] += jnp.where(sel == b, val, 0.0)

    @pl.when(i == _GTC - 1)
    def _():
        for b in range(_NBINS):
            v = sacc[b]
            fl = jnp.floor(v * jnp.float32(1.0 / _K))
            out_ref[0, b] = jnp.sum(fl)
            out_ref[1, b] = jnp.sum(v - jnp.float32(_K) * fl)


_ghm_tc_partials = pl.pallas_call(
    _ghm_tc_body,
    grid=(_GTC,),
    in_specs=[
        pl.BlockSpec((_RBLK, _COLS), lambda i: (i + _RSC // _RBLK, 0)),
        pl.BlockSpec((_RBLK, _COLS), lambda i: (i + _RSC // _RBLK, 0)),
        pl.BlockSpec((_RBLK, _COLS), lambda i: (i + _RSC // _RBLK, 0)),
    ],
    out_specs=pl.BlockSpec(memory_space=pltpu.SMEM),
    out_shape=jax.ShapeDtypeStruct((2, _NBINS), jnp.float32),
    scratch_shapes=[
        pltpu.VMEM((_NBINS, _RBLK, _COLS), jnp.float32),
    ],
    compiler_params=pltpu.CompilerParams(
        dimension_semantics=("arbitrary",)),
)


def kernel(pred, target, label_weight):
    t32 = target.astype(jnp.int32)
    lw32 = label_weight.astype(jnp.int32)
    sc_partials = _ghm_sc_partials(pred, t32, lw32)
    tc_partials = _ghm_tc_partials(pred, t32, lw32)
    sc = sc_partials.reshape(_NW, 2, _NBINS, _L)
    cnts = jnp.sum(sc[:, 0], axis=(0, 2)) + tc_partials[0]
    sums = jnp.sum(sc[:, 1], axis=(0, 2)) + tc_partials[1]
    nz = cnts > 0.0
    n = jnp.sum(nz.astype(jnp.float32))
    contrib = jnp.sum(jnp.where(nz, sums / jnp.maximum(cnts, 1.0), 0.0))
    return jnp.where(n > 0.0, contrib / jnp.maximum(n, 1.0), 0.0)

# --- scband reference (transcript-rebuilt; emitter-appended) ---
"""Pipeline reference for scband-ghmc-loss-16535624089725 (READ-ONLY COPY).

The authoritative reference and input builder live on the scoring server;
editing this copy changes nothing except your own understanding.
"""

import jax, jax.numpy as jnp
import numpy as np

BINS = 10
MOMENTUM = 0
LOSS_WEIGHT = 1.0


def setup_inputs(seed: int = 0) -> dict:
    key = jax.random.key(seed)
    k1, k2, k3 = jax.random.split(key, 3)
    pred = jax.random.normal(k1, (131072, 80), dtype=jnp.float32)
    target = jax.random.randint(k2, (131072, 80), 0, 2).astype(jnp.int64)
    label_weight = jax.random.randint(k3, (131072, 80), 0, 2).astype(jnp.int64)
    return {"pred": pred, "target": target, "label_weight": label_weight}


def reference(pred, target, label_weight):
    edges = [float(x) / BINS for x in range(BINS + 1)]
    edges[-1] += 1e-06
    target_f = target.astype(jnp.float32)
    lw = label_weight.astype(jnp.float32)
    # g computed from detached sigmoid(pred), as in torch's .detach()
    g = jnp.abs(jax.nn.sigmoid(jax.lax.stop_gradient(pred)) - target_f)
    valid = lw > 0
    total = jnp.maximum(jnp.sum(valid.astype(jnp.float32)), 1.0)
    weights = jnp.zeros_like(pred)
    n = jnp.zeros((), dtype=jnp.float32)
    for i in range(BINS):
        inds = (g >= edges[i]) & (g <= edges[i + 1]) & valid
        num_in_bins = jnp.sum(inds.astype(jnp.float32))
        w_i = jnp.where(num_in_bins > 0, total / jnp.maximum(num_in_bins, 1.0), 0.0)
        weights = jnp.where(inds, w_i, weights)
        n = n + (num_in_bins > 0).astype(jnp.float32)
    weights = jnp.where(n > 0, weights / jnp.maximum(n, 1.0), weights)
    weights = jax.lax.stop_gradient(weights)
    # binary_cross_entropy_with_logits, reduction='sum', per-element weights
    loss_el = jnp.maximum(pred, 0.0) - pred * target_f + jnp.log1p(jnp.exp(-jnp.abs(pred)))
    loss = jnp.sum(weights * loss_el) / total
    return loss * LOSS_WEIGHT

if __name__ == "__main__":
    import jax
    _d = setup_inputs()
    print(jax.jit(kernel)(*tuple(_d.values())))

</pallas_src>

<mosaic_0001>
#map = affine_map<(d0, d1) -> (0, 0)>
#map1 = affine_map<(d0, d1) -> (0)>
module attributes {stable_mosaic.version = 14 : i64} {
  func.func @_ghm_sc_partials(%arg0: i32, %arg1: i32, %arg2: memref<131072x80xf32, #tpu.memory_space<hbm>>, %arg3: memref<131072x80xi32, #tpu.memory_space<hbm>>, %arg4: memref<131072x80xi32, #tpu.memory_space<hbm>>, %arg5: memref<10240xf32, #tpu.memory_space<hbm>>, %arg6: memref<128x80xf32, #tpu.memory_space<vmem>>, %arg7: memref<128x80xf32, #tpu.memory_space<vmem>>, %arg8: memref<128x80xi32, #tpu.memory_space<vmem>>, %arg9: memref<128x80xi32, #tpu.memory_space<vmem>>, %arg10: memref<128x80xi32, #tpu.memory_space<vmem>>, %arg11: memref<128x80xi32, #tpu.memory_space<vmem>>, %arg12: memref<320xf32, #tpu.memory_space<vmem>>, %arg13: memref<!tpu.dma_semaphore, #tpu.memory_space<semaphore_mem>>, %arg14: memref<!tpu.dma_semaphore, #tpu.memory_space<semaphore_mem>>) attributes {dimension_semantics = [#tpu.dimension_semantics<core_parallel>, #tpu.dimension_semantics<subcore_parallel>], iteration_bounds = array<i64: 2, 16>, scalar_prefetch = 0 : i64, scratch_operands = 9 : i64, tpu.core_type = #tpu.core_type<sc_vector_subcore>, window_params = [{transform_indices = #map}, {transform_indices = #map}, {transform_indices = #map}, {transform_indices = #map1}]} {
    %mul3A = arith.constant 2 : i32
    %mul3A_0 = arith.muli %arg1, %mul3A : i32
    %add3A = arith.addi %mul3A_0, %arg0 : i32
    %mul3A_1 = arith.constant 1024 : i32
    %mul3A_2 = arith.muli %add3A, %mul3A_1 : i32
    %broadcast_in_dim3A = arith.constant 0.000000e+00 : f32
    %broadcast_in_dim3A_3 = vector.broadcast %broadcast_in_dim3A : f32 to vector<16xf32>
    %add3A_4 = arith.constant 0 : i32
    %add3A_5 = arith.addi %mul3A_2, %add3A_4 : i32
    %dma_start3A = arith.constant 0 : i32
    %dma_start3A_6 = tpu.memref_slice %arg2[%add3A_5, %dma_start3A] : memref<131072x80xf32, #tpu.memory_space<hbm>> -> memref<128x80xf32, #tpu.memory_space<hbm>>
    %dma_start3A_7 = arith.constant 0 : i32
    %dma_start3A_8 = tpu.memref_slice %arg2[%add3A_5, %dma_start3A_7] : memref<131072x80xf32, #tpu.memory_space<hbm>> -> memref<128x80xf32, #tpu.memory_space<hbm>>
    tpu.enqueue_dma source(%dma_start3A_8 : memref<128x80xf32, #tpu.memory_space<hbm>>) target(%arg6 : memref<128x80xf32, #tpu.memory_space<vmem>>) target_semaphore(%arg13 : memref<!tpu.dma_semaphore, #tpu.memory_space<semaphore_mem>>)
    %dma_start3A_9 = arith.constant 0 : i32
    %dma_start3A_10 = tpu.memref_slice %arg3[%add3A_5, %dma_start3A_9] : memref<131072x80xi32, #tpu.memory_space<hbm>> -> memref<128x80xi32, #tpu.memory_space<hbm>>
    %dma_start3A_11 = arith.constant 0 : i32
    %dma_start3A_12 = tpu.memref_slice %arg3[%add3A_5, %dma_start3A_11] : memref<131072x80xi32, #tpu.memory_space<hbm>> -> memref<128x80xi32, #tpu.memory_space<hbm>>
    tpu.enqueue_dma source(%dma_start3A_12 : memref<128x80xi32, #tpu.memory_space<hbm>>) target(%arg8 : memref<128x80xi32, #tpu.memory_space<vmem>>) target_semaphore(%arg13 : memref<!tpu.dma_semaphore, #tpu.memory_space<semaphore_mem>>)
    %dma_start3A_13 = arith.constant 0 : i32
    %dma_start3A_14 = tpu.memref_slice %arg4[%add3A_5, %dma_start3A_13] : memref<131072x80xi32, #tpu.memory_space<hbm>> -> memref<128x80xi32, #tpu.memory_space<hbm>>
    %dma_start3A_15 = arith.constant 0 : i32
    %dma_start3A_16 = tpu.memref_slice %arg4[%add3A_5, %dma_start3A_15] : memref<131072x80xi32, #tpu.memory_space<hbm>> -> memref<128x80xi32, #tpu.memory_space<hbm>>
    tpu.enqueue_dma source(%dma_start3A_16 : memref<128x80xi32, #tpu.memory_space<hbm>>) target(%arg10 : memref<128x80xi32, #tpu.memory_space<vmem>>) target_semaphore(%arg13 : memref<!tpu.dma_semaphore, #tpu.memory_space<semaphore_mem>>)
    %scan3A = arith.constant 0 : i32
    %scan3A_17 = arith.constant 4 : i32
    %scan3A_18 = arith.addi %scan3A, %scan3A_17 : i32
    %scan3A_19 = arith.constant 1 : i32
    %scan3A_20:20 = scf.for %scan3A_67 = %scan3A to %scan3A_18 step %scan3A_19 iter_args(%scan3A_68 = %broadcast_in_dim3A_3, %scan3A_69 = %broadcast_in_dim3A_3, %scan3A_70 = %broadcast_in_dim3A_3, %scan3A_71 = %broadcast_in_dim3A_3, %scan3A_72 = %broadcast_in_dim3A_3, %scan3A_73 = %broadcast_in_dim3A_3, %scan3A_74 = %broadcast_in_dim3A_3, %scan3A_75 = %broadcast_in_dim3A_3, %scan3A_76 = %broadcast_in_dim3A_3, %scan3A_77 = %broadcast_in_dim3A_3, %scan3A_78 = %broadcast_in_dim3A_3, %scan3A_79 = %broadcast_in_dim3A_3, %scan3A_80 = %broadcast_in_dim3A_3, %scan3A_81 = %broadcast_in_dim3A_3, %scan3A_82 = %broadcast_in_dim3A_3, %scan3A_83 = %broadcast_in_dim3A_3, %scan3A_84 = %broadcast_in_dim3A_3, %scan3A_85 = %broadcast_in_dim3A_3, %scan3A_86 = %broadcast_in_dim3A_3, %scan3A_87 = %broadcast_in_dim3A_3) -> (vector<16xf32>, vector<16xf32>, vector<16xf32>, vector<16xf32>, vector<16xf32>, vector<16xf32>, vector<16xf32>, vector<16xf32>, vector<16xf32>, vector<16xf32>, vector<16xf32>, vector<16xf32>, vector<16xf32>, vector<16xf32>, vector<16xf32>, vector<16xf32>, vector<16xf32>, vector<16xf32>, vector<16xf32>, vector<16xf32>)  : i32 {
      %mul3A_88 = arith.constant 2 : i32
      %mul3A_89 = arith.muli %mul3A_88, %scan3A_67 : i32
      %add3A_90 = arith.constant 1 : i32
      %add3A_91 = arith.addi %mul3A_89, %add3A_90 : i32
      %mul3A_92 = arith.constant 128 : i32
      %mul3A_93 = arith.muli %add3A_91, %mul3A_92 : i32
      %add3A_94 = arith.addi %mul3A_2, %mul3A_93 : i32
      %dma_start3A_95 = arith.constant 0 : i32
      %dma_start3A_96 = tpu.memref_slice %arg2[%add3A_94, %dma_start3A_95] : memref<131072x80xf32, #tpu.memory_space<hbm>> -> memref<128x80xf32, #tpu.memory_space<hbm>>
      %dma_start3A_97 = arith.constant 0 : i32
      %dma_start3A_98 = tpu.memref_slice %arg2[%add3A_94, %dma_start3A_97] : memref<131072x80xf32, #tpu.memory_space<hbm>> -> memref<128x80xf32, #tpu.memory_space<hbm>>
      tpu.enqueue_dma source(%dma_start3A_98 : memref<128x80xf32, #tpu.memory_space<hbm>>) target(%arg7 : memref<128x80xf32, #tpu.memory_space<vmem>>) target_semaphore(%arg14 : memref<!tpu.dma_semaphore, #tpu.memory_space<semaphore_mem>>)
      %dma_start3A_99 = arith.constant 0 : i32
      %dma_start3A_100 = tpu.memref_slice %arg3[%add3A_94, %dma_start3A_99] : memref<131072x80xi32, #tpu.memory_space<hbm>> -> memref<128x80xi32, #tpu.memory_space<hbm>>
      %dma_start3A_101 = arith.constant 0 : i32
      %dma_start3A_102 = tpu.memref_slice %arg3[%add3A_94, %dma_start3A_101] : memref<131072x80xi32, #tpu.memory_space<hbm>> -> memref<128x80xi32, #tpu.memory_space<hbm>>
      tpu.enqueue_dma source(%dma_start3A_102 : memref<128x80xi32, #tpu.memory_space<hbm>>) target(%arg9 : memref<128x80xi32, #tpu.memory_space<vmem>>) target_semaphore(%arg14 : memref<!tpu.dma_semaphore, #tpu.memory_space<semaphore_mem>>)
      %dma_start3A_103 = arith.constant 0 : i32
      %dma_start3A_104 = tpu.memref_slice %arg4[%add3A_94, %dma_start3A_103] : memref<131072x80xi32, #tpu.memory_space<hbm>> -> memref<128x80xi32, #tpu.memory_space<hbm>>
      %dma_start3A_105 = arith.constant 0 : i32
      %dma_start3A_106 = tpu.memref_slice %arg4[%add3A_94, %dma_start3A_105] : memref<131072x80xi32, #tpu.memory_space<hbm>> -> memref<128x80xi32, #tpu.memory_space<hbm>>
      tpu.enqueue_dma source(%dma_start3A_106 : memref<128x80xi32, #tpu.memory_space<hbm>>) target(%arg11 : memref<128x80xi32, #tpu.memory_space<vmem>>) target_semaphore(%arg14 : memref<!tpu.dma_semaphore, #tpu.memory_space<semaphore_mem>>)
      %dma_wait3A = arith.constant 0 : i32
      %dma_wait3A_107 = arith.constant 0 : i32
      %dma_wait3A_108 = tpu.memref_slice %arg2[%dma_wait3A, %dma_wait3A_107] : memref<131072x80xf32, #tpu.memory_space<hbm>> -> memref<128x80xf32, #tpu.memory_space<hbm>>
      %dma_wait3A_109 = arith.constant 0 : i32
      %dma_wait3A_110 = arith.constant 0 : i32
      %dma_wait3A_111 = tpu.memref_slice %arg2[%dma_wait3A_109, %dma_wait3A_110] : memref<131072x80xf32, #tpu.memory_space<hbm>> -> memref<128x80xf32, #tpu.memory_space<hbm>>
      tpu.wait_dma2 semaphore(%arg13 : memref<!tpu.dma_semaphore, #tpu.memory_space<semaphore_mem>>) src(%dma_wait3A_111 : memref<128x80xf32, #tpu.memory_space<hbm>>) dst(%arg6 : memref<128x80xf32, #tpu.memory_space<vmem>>)
      %dma_wait3A_112 = arith.constant 0 : i32
      %dma_wait3A_113 = arith.constant 0 : i32
      %dma_wait3A_114 = tpu.memref_slice %arg3[%dma_wait3A_112, %dma_wait3A_113] : memref<131072x80xi32, #tpu.memory_space<hbm>> -> memref<128x80xi32, #tpu.memory_space<hbm>>
      %dma_wait3A_115 = arith.constant 0 : i32
      %dma_wait3A_116 = arith.constant 0 : i32
      %dma_wait3A_117 = tpu.memref_slice %arg3[%dma_wait3A_115, %dma_wait3A_116] : memref<131072x80xi32, #tpu.memory_space<hbm>> -> memref<128x80xi32, #tpu.memory_space<hbm>>
      tpu.wait_dma2 semaphore(%arg13 : memref<!tpu.dma_semaphore, #tpu.memory_space<semaphore_mem>>) src(%dma_wait3A_117 : memref<128x80xi32, #tpu.memory_space<hbm>>) dst(%arg8 : memref<128x80xi32, #tpu.memory_space<vmem>>)
      %dma_wait3A_118 = arith.constant 0 : i32
      %dma_wait3A_119 = arith.constant 0 : i32
      %dma_wait3A_120 = tpu.memref_slice %arg4[%dma_wait3A_118, %dma_wait3A_119] : memref<131072x80xi32, #tpu.memory_space<hbm>> -> memref<128x80xi32, #tpu.memory_space<hbm>>
      %dma_wait3A_121 = arith.constant 0 : i32
      %dma_wait3A_122 = arith.constant 0 : i32
      %dma_wait3A_123 = tpu.memref_slice %arg4[%dma_wait3A_121, %dma_wait3A_122] : memref<131072x80xi32, #tpu.memory_space<hbm>> -> memref<128x80xi32, #tpu.memory_space<hbm>>
      tpu.wait_dma2 semaphore(%arg13 : memref<!tpu.dma_semaphore, #tpu.memory_space<semaphore_mem>>) src(%dma_wait3A_123 : memref<128x80xi32, #tpu.memory_space<hbm>>) dst(%arg10 : memref<128x80xi32, #tpu.memory_space<vmem>>)
      %scan3A_124 = arith.constant 0 : i32
      %scan3A_125 = arith.constant 128 : i32
      %scan3A_126 = arith.addi %scan3A_124, %scan3A_125 : i32
      %scan3A_127 = arith.constant 1 : i32
      %scan3A_128:20 = scf.for %scan3A_156 = %scan3A_124 to %scan3A_126 step %scan3A_127 iter_args(%scan3A_157 = %scan3A_68, %scan3A_158 = %scan3A_69, %scan3A_159 = %scan3A_70, %scan3A_160 = %scan3A_71, %scan3A_161 = %scan3A_72, %scan3A_162 = %scan3A_73, %scan3A_163 = %scan3A_74, %scan3A_164 = %scan3A_75, %scan3A_165 = %scan3A_76, %scan3A_166 = %scan3A_77, %scan3A_167 = %scan3A_78, %scan3A_168 = %scan3A_79, %scan3A_169 = %scan3A_80, %scan3A_170 = %scan3A_81, %scan3A_171 = %scan3A_82, %scan3A_172 = %scan3A_83, %scan3A_173 = %scan3A_84, %scan3A_174 = %scan3A_85, %scan3A_175 = %scan3A_86, %scan3A_176 = %scan3A_87) -> (vector<16xf32>, vector<16xf32>, vector<16xf32>, vector<16xf32>, vector<16xf32>, vector<16xf32>, vector<16xf32>, vector<16xf32>, vector<16xf32>, vector<16xf32>, vector<16xf32>, vector<16xf32>, vector<16xf32>, vector<16xf32>, vector<16xf32>, vector<16xf32>, vector<16xf32>, vector<16xf32>, vector<16xf32>, vector<16xf32>)  : i32 {
        %get3A = arith.index_cast %scan3A_156 : i32 to index
        %get3A_177 = arith.constant 0 : index
        %get3A_178 = tpu.vector_load %arg6[%get3A, %get3A_177] {strides = array<i32>} : memref<128x80xf32, #tpu.memory_space<vmem>>, vector<16xf32>,
        %get3A_179 = arith.index_cast %scan3A_156 : i32 to index
        %get3A_180 = arith.constant 0 : index
        %get3A_181 = tpu.vector_load %arg8[%get3A_179, %get3A_180] {strides = array<i32>} : memref<128x80xi32, #tpu.memory_space<vmem>>, vector<16xi32>,
        %get3A_182 = arith.index_cast %scan3A_156 : i32 to index
        %get3A_183 = arith.constant 0 : index
        %get3A_184 = tpu.vector_load %arg10[%get3A_182, %get3A_183] {strides = array<i32>} : memref<128x80xi32, #tpu.memory_space<vmem>>, vector<16xi32>,
        %gt3A = arith.constant 0 : i32
        %gt3A_185 = vector.broadcast %gt3A : i32 to vector<16xi32>
        %gt3A_186 = arith.cmpi sgt, %get3A_181, %gt3A_185 : vector<16xi32>
        %neg3A = arith.constant 0.000000e+00 : f32
        %neg3A_187 = vector.broadcast %neg3A : f32 to vector<16xf32>
        %neg3A_188 = arith.subf %neg3A_187, %get3A_178 : vector<16xf32>
        %select_n3A = arith.select %gt3A_186, %neg3A_188, %get3A_178 : vector<16xi1>, vector<16xf32>
        %gt3A_189 = arith.constant 0 : i32
        %gt3A_190 = vector.broadcast %gt3A_189 : i32 to vector<16xi32>
        %gt3A_191 = arith.cmpi sgt, %get3A_184, %gt3A_190 : vector<16xi32>
        %max3A = arith.constant -2.310000e+00 : f32
        %max3A_192 = vector.broadcast %max3A : f32 to vector<16xf32>
        %max3A_193 = arith.maximumf %select_n3A, %max3A_192 : vector<16xf32>
        %min3A = arith.constant 2.310000e+00 : f32
        %min3A_194 = vector.broadcast %min3A : f32 to vector<16xf32>
        %min3A_195 = arith.minimumf %max3A_193, %min3A_194 : vector<16xf32>
        %mul3A_196 = arith.mulf %min3A_195, %min3A_195 : vector<16xf32>
        %broadcast_in_dim3A_197 = arith.constant -5.25261385E-6 : f32
        %broadcast_in_dim3A_198 = vector.broadcast %broadcast_in_dim3A_197 : f32 to vector<16xf32>
        %mul3A_199 = arith.mulf %broadcast_in_dim3A_198, %mul3A_196 : vector<16xf32>
        %add3A_200 = arith.constant 1.38540621E-4 : f32
        %add3A_201 = vector.broadcast %add3A_200 : f32 to vector<16xf32>
        %add3A_202 = arith.addf %mul3A_199, %add3A_201 : vector<16xf32>
        %mul3A_203 = arith.mulf %add3A_202, %mul3A_196 : vector<16xf32>
        %add3A_204 = arith.constant -0.0019150459 : f32
        %add3A_205 = vector.broadcast %add3A_204 : f32 to vector<16xf32>
        %add3A_206 = arith.addf %mul3A_203, %add3A_205 : vector<16xf32>
        %mul3A_207 = arith.mulf %add3A_206, %mul3A_196 : vector<16xf32>
        %add3A_208 = arith.constant 0.0205756668 : f32
        %add3A_209 = vector.broadcast %add3A_208 : f32 to vector<16xf32>
        %add3A_210 = arith.addf %mul3A_207, %add3A_209 : vector<16xf32>
        %mul3A_211 = arith.mulf %add3A_210, %mul3A_196 : vector<16xf32>
        %add3A_212 = arith.constant -0.208181709 : f32
        %add3A_213 = vector.broadcast %add3A_212 : f32 to vector<16xf32>
        %add3A_214 = arith.addf %mul3A_211, %add3A_213 : vector<16xf32>
        %mul3A_215 = arith.mulf %add3A_214, %mul3A_196 : vector<16xf32>
        %add3A_216 = arith.constant 2.49997425 : f32
        %add3A_217 = vector.broadcast %add3A_216 : f32 to vector<16xf32>
        %add3A_218 = arith.addf %mul3A_215, %add3A_217 : vector<16xf32>
        %mul3A_219 = arith.mulf %min3A_195, %add3A_218 : vector<16xf32>
        %add3A_220 = arith.constant 5.000000e+00 : f32
        %add3A_221 = vector.broadcast %add3A_220 : f32 to vector<16xf32>
        %add3A_222 = arith.addf %mul3A_219, %add3A_221 : vector<16xf32>
        %convert_element_type3A_223 = arith.fptosi %add3A_222 : vector<16xf32> to vector<16xi32>
        %jit3A = arith.constant 12 : i32
        %broadcast_in_dim3A_224 = vector.broadcast %jit3A : i32 to vector<16xi32>
        %select_n3A_225 = arith.select %gt3A_191, %convert_element_type3A_223, %broadcast_in_dim3A_224 : vector<16xi1>, vector<16xi32>
        %abs3A = math.absf %select_n3A : vector<16xf32>
        %neg3A_226 = arith.constant 0.000000e+00 : f32
        %neg3A_227 = vector.broadcast %neg3A_226 : f32 to vector<16xf32>
        %neg3A_228 = arith.subf %neg3A_227, %abs3A : vector<16xf32>
        %exp3A = math.exp %neg3A_228 : vector<16xf32>
        %broadcast_in_dim3A_229 = arith.constant -0.00615154486 : f32
        %broadcast_in_dim3A_230 = vector.broadcast %broadcast_in_dim3A_229 : f32 to vector<16xf32>
        %mul3A_231 = arith.mulf %broadcast_in_dim3A_230, %exp3A : vector<16xf32>
        %add3A_232 = arith.constant 0.034850128 : f32
        %add3A_233 = vector.broadcast %add3A_232 : f32 to vector<16xf32>
        %add3A_234 = arith.addf %mul3A_231, %add3A_233 : vector<16xf32>
        %mul3A_235 = arith.mulf %add3A_234, %exp3A : vector<16xf32>
        %add3A_236 = arith.constant -0.093252942 : f32
        %add3A_237 = vector.broadcast %add3A_236 : f32 to vector<16xf32>
        %add3A_238 = arith.addf %mul3A_235, %add3A_237 : vector<16xf32>
        %mul3A_239 = arith.mulf %add3A_238, %exp3A : vector<16xf32>
        %add3A_240 = arith.constant 0.165823758 : f32
        %add3A_241 = vector.broadcast %add3A_240 : f32 to vector<16xf32>
        %add3A_242 = arith.addf %mul3A_239, %add3A_241 : vector<16xf32>
        %mul3A_243 = arith.mulf %add3A_242, %exp3A : vector<16xf32>
        %add3A_244 = arith.constant -0.239826784 : f32
        %add3A_245 = vector.broadcast %add3A_244 : f32 to vector<16xf32>
        %add3A_246 = arith.addf %mul3A_243, %add3A_245 : vector<16xf32>
        %mul3A_247 = arith.mulf %add3A_246, %exp3A : vector<16xf32>
        %add3A_248 = arith.constant 0.33154884 : f32
        %add3A_249 = vector.broadcast %add3A_248 : f32 to vector<16xf32>
        %add3A_250 = arith.addf %mul3A_247, %add3A_249 : vector<16xf32>
        %mul3A_251 = arith.mulf %add3A_250, %exp3A : vector<16xf32>
        %add3A_252 = arith.constant -0.499838591 : f32
        %add3A_253 = vector.broadcast %add3A_252 : f32 to vector<16xf32>
        %add3A_254 = arith.addf %mul3A_251, %add3A_253 : vector<16xf32>
        %mul3A_255 = arith.mulf %add3A_254, %exp3A : vector<16xf32>
        %add3A_256 = arith.constant 0.999994277 : f32
        %add3A_257 = vector.broadcast %add3A_256 : f32 to vector<16xf32>
        %add3A_258 = arith.addf %mul3A_255, %add3A_257 : vector<16xf32>
        %mul3A_259 = arith.mulf %add3A_258, %exp3A : vector<16xf32>
        %add3A_260 = arith.constant 3.38009194E-8 : f32
        %add3A_261 = vector.broadcast %add3A_260 : f32 to vector<16xf32>
        %add3A_262 = arith.addf %mul3A_259, %add3A_261 : vector<16xf32>
        %max3A_263 = arith.constant 0.000000e+00 : f32
        %max3A_264 = vector.broadcast %max3A_263 : f32 to vector<16xf32>
        %max3A_265 = arith.maximumf %select_n3A, %max3A_264 : vector<16xf32>
        %add3A_266 = arith.addf %max3A_265, %add3A_262 : vector<16xf32>
        %eq3A = arith.constant 0 : i32
        %eq3A_267 = vector.broadcast %eq3A : i32 to vector<16xi32>
        %eq3A_268 = arith.cmpi eq, %select_n3A_225, %eq3A_267 : vector<16xi32>
        %jit3A_269 = arith.constant 1.000000e+00 : f32
        %jit3A_270 = arith.constant 0.000000e+00 : f32
        %broadcast_in_dim3A_271 = vector.broadcast %jit3A_269 : f32 to vector<16xf32>
        %broadcast_in_dim3A_272 = vector.broadcast %jit3A_270 : f32 to vector<16xf32>
        %select_n3A_273 = arith.select %eq3A_268, %broadcast_in_dim3A_271, %broadcast_in_dim3A_272 : vector<16xi1>, vector<16xf32>
        %add3A_274 = arith.addf %scan3A_157, %select_n3A_273 : vector<16xf32>
        %eq3A_275 = arith.constant 1 : i32
        %eq3A_276 = vector.broadcast %eq3A_275 : i32 to vector<16xi32>
        %eq3A_277 = arith.cmpi eq, %select_n3A_225, %eq3A_276 : vector<16xi32>
        %jit3A_278 = arith.constant 1.000000e+00 : f32
        %jit3A_279 = arith.constant 0.000000e+00 : f32
        %broadcast_in_dim3A_280 = vector.broadcast %jit3A_278 : f32 to vector<16xf32>
        %broadcast_in_dim3A_281 = vector.broadcast %jit3A_279 : f32 to vector<16xf32>
        %select_n3A_282 = arith.select %eq3A_277, %broadcast_in_dim3A_280, %broadcast_in_dim3A_281 : vector<16xi1>, vector<16xf32>
        %add3A_283 = arith.addf %scan3A_158, %select_n3A_282 : vector<16xf32>
        %eq3A_284 = arith.constant 2 : i32
        %eq3A_285 = vector.broadcast %eq3A_284 : i32 to vector<16xi32>
        %eq3A_286 = arith.cmpi eq, %select_n3A_225, %eq3A_285 : vector<16xi32>
        %jit3A_287 = arith.constant 1.000000e+00 : f32
        %jit3A_288 = arith.constant 0.000000e+00 : f32
        %broadcast_in_dim3A_289 = vector.broadcast %jit3A_287 : f32 to vector<16xf32>
        %broadcast_in_dim3A_290 = vector.broadcast %jit3A_288 : f32 to vector<16xf32>
        %select_n3A_291 = arith.select %eq3A_286, %broadcast_in_dim3A_289, %broadcast_in_dim3A_290 : vector<16xi1>, vector<16xf32>
        %add3A_292 = arith.addf %scan3A_159, %select_n3A_291 : vector<16xf32>
        %eq3A_293 = arith.constant 3 : i32
        %eq3A_294 = vector.broadcast %eq3A_293 : i32 to vector<16xi32>
        %eq3A_295 = arith.cmpi eq, %select_n3A_225, %eq3A_294 : vector<16xi32>
        %jit3A_296 = arith.constant 1.000000e+00 : f32
        %jit3A_297 = arith.constant 0.000000e+00 : f32
        %broadcast_in_dim3A_298 = vector.broadcast %jit3A_296 : f32 to vector<16xf32>
        %broadcast_in_dim3A_299 = vector.broadcast %jit3A_297 : f32 to vector<16xf32>
        %select_n3A_300 = arith.select %eq3A_295, %broadcast_in_dim3A_298, %broadcast_in_dim3A_299 : vector<16xi1>, vector<16xf32>
        %add3A_301 = arith.addf %scan3A_160, %select_n3A_300 : vector<16xf32>
        %eq3A_302 = arith.constant 4 : i32
        %eq3A_303 = vector.broadcast %eq3A_302 : i32 to vector<16xi32>
        %eq3A_304 = arith.cmpi eq, %select_n3A_225, %eq3A_303 : vector<16xi32>
        %jit3A_305 = arith.constant 1.000000e+00 : f32
        %jit3A_306 = arith.constant 0.000000e+00 : f32
        %broadcast_in_dim3A_307 = vector.broadcast %jit3A_305 : f32 to vector<16xf32>
        %broadcast_in_dim3A_308 = vector.broadcast %jit3A_306 : f32 to vector<16xf32>
        %select_n3A_309 = arith.select %eq3A_304, %broadcast_in_dim3A_307, %broadcast_in_dim3A_308 : vector<16xi1>, vector<16xf32>
        %add3A_310 = arith.addf %scan3A_161, %select_n3A_309 : vector<16xf32>
        %eq3A_311 = arith.constant 5 : i32
        %eq3A_312 = vector.broadcast %eq3A_311 : i32 to vector<16xi32>
        %eq3A_313 = arith.cmpi eq, %select_n3A_225, %eq3A_312 : vector<16xi32>
        %jit3A_314 = arith.constant 1.000000e+00 : f32
        %jit3A_315 = arith.constant 0.000000e+00 : f32
        %broadcast_in_dim3A_316 = vector.broadcast %jit3A_314 : f32 to vector<16xf32>
        %broadcast_in_dim3A_317 = vector.broadcast %jit3A_315 : f32 to vector<16xf32>
        %select_n3A_318 = arith.select %eq3A_313, %broadcast_in_dim3A_316, %broadcast_in_dim3A_317 : vector<16xi1>, vector<16xf32>
        %add3A_319 = arith.addf %scan3A_162, %select_n3A_318 : vector<16xf32>
        %eq3A_320 = arith.constant 6 : i32
        %eq3A_321 = vector.broadcast %eq3A_320 : i32 to vector<16xi32>
        %eq3A_322 = arith.cmpi eq, %select_n3A_225, %eq3A_321 : vector<16xi32>
        %jit3A_323 = arith.constant 1.000000e+00 : f32
        %jit3A_324 = arith.constant 0.000000e+00 : f32
        %broadcast_in_dim3A_325 = vector.broadcast %jit3A_323 : f32 to vector<16xf32>
        %broadcast_in_dim3A_326 = vector.broadcast %jit3A_324 : f32 to vector<16xf32>
        %select_n3A_327 = arith.select %eq3A_322, %broadcast_in_dim3A_325, %broadcast_in_dim3A_326 : vector<16xi1>, vector<16xf32>
        %add3A_328 = arith.addf %scan3A_163, %select_n3A_327 : vector<16xf32>
        %eq3A_329 = arith.constant 7 : i32
        %eq3A_330 = vector.broadcast %eq3A_329 : i32 to vector<16xi32>
        %eq3A_331 = arith.cmpi eq, %select_n3A_225, %eq3A_330 : vector<16xi32>
        %jit3A_332 = arith.constant 1.000000e+00 : f32
        %jit3A_333 = arith.constant 0.000000e+00 : f32
        %broadcast_in_dim3A_334 = vector.broadcast %jit3A_332 : f32 to vector<16xf32>
        %broadcast_in_dim3A_335 = vector.broadcast %jit3A_333 : f32 to vector<16xf32>
        %select_n3A_336 = arith.select %eq3A_331, %broadcast_in_dim3A_334, %broadcast_in_dim3A_335 : vector<16xi1>, vector<16xf32>
        %add3A_337 = arith.addf %scan3A_164, %select_n3A_336 : vector<16xf32>
        %eq3A_338 = arith.constant 8 : i32
        %eq3A_339 = vector.broadcast %eq3A_338 : i32 to vector<16xi32>
        %eq3A_340 = arith.cmpi eq, %select_n3A_225, %eq3A_339 : vector<16xi32>
        %jit3A_341 = arith.constant 1.000000e+00 : f32
        %jit3A_342 = arith.constant 0.000000e+00 : f32
        %broadcast_in_dim3A_343 = vector.broadcast %jit3A_341 : f32 to vector<16xf32>
        %broadcast_in_dim3A_344 = vector.broadcast %jit3A_342 : f32 to vector<16xf32>
        %select_n3A_345 = arith.select %eq3A_340, %broadcast_in_dim3A_343, %broadcast_in_dim3A_344 : vector<16xi1>, vector<16xf32>
        %add3A_346 = arith.addf %scan3A_165, %select_n3A_345 : vector<16xf32>
        %eq3A_347 = arith.constant 9 : i32
        %eq3A_348 = vector.broadcast %eq3A_347 : i32 to vector<16xi32>
        %eq3A_349 = arith.cmpi eq, %select_n3A_225, %eq3A_348 : vector<16xi32>
        %jit3A_350 = arith.constant 1.000000e+00 : f32
        %jit3A_351 = arith.constant 0.000000e+00 : f32
        %broadcast_in_dim3A_352 = vector.broadcast %jit3A_350 : f32 to vector<16xf32>
        %broadcast_in_dim3A_353 = vector.broadcast %jit3A_351 : f32 to vector<16xf32>
        %select_n3A_354 = arith.select %eq3A_349, %broadcast_in_dim3A_352, %broadcast_in_dim3A_353 : vector<16xi1>, vector<16xf32>
        %add3A_355 = arith.addf %scan3A_166, %select_n3A_354 : vector<16xf32>
        %eq3A_356 = arith.constant 0 : i32
        %eq3A_357 = vector.broadcast %eq3A_356 : i32 to vector<16xi32>
        %eq3A_358 = arith.cmpi eq, %select_n3A_225, %eq3A_357 : vector<16xi32>
        %jit3A_359 = arith.constant 0.000000e+00 : f32
        %broadcast_in_dim3A_360 = vector.broadcast %jit3A_359 : f32 to vector<16xf32>
        %select_n3A_361 = arith.select %eq3A_358, %add3A_266, %broadcast_in_dim3A_360 : vector<16xi1>, vector<16xf32>
        %add3A_362 = arith.addf %scan3A_167, %select_n3A_361 : vector<16xf32>
        %eq3A_363 = arith.constant 1 : i32
        %eq3A_364 = vector.broadcast %eq3A_363 : i32 to vector<16xi32>
        %eq3A_365 = arith.cmpi eq, %select_n3A_225, %eq3A_364 : vector<16xi32>
        %jit3A_366 = arith.constant 0.000000e+00 : f32
        %broadcast_in_dim3A_367 = vector.broadcast %jit3A_366 : f32 to vector<16xf32>
        %select_n3A_368 = arith.select %eq3A_365, %add3A_266, %broadcast_in_dim3A_367 : vector<16xi1>, vector<16xf32>
        %add3A_369 = arith.addf %scan3A_168, %select_n3A_368 : vector<16xf32>
        %eq3A_370 = arith.constant 2 : i32
        %eq3A_371 = vector.broadcast %eq3A_370 : i32 to vector<16xi32>
        %eq3A_372 = arith.cmpi eq, %select_n3A_225, %eq3A_371 : vector<16xi32>
        %jit3A_373 = arith.constant 0.000000e+00 : f32
        %broadcast_in_dim3A_374 = vector.broadcast %jit3A_373 : f32 to vector<16xf32>
        %select_n3A_375 = arith.select %eq3A_372, %add3A_266, %broadcast_in_dim3A_374 : vector<16xi1>, vector<16xf32>
        %add3A_376 = arith.addf %scan3A_169, %select_n3A_375 : vector<16xf32>
        %eq3A_377 = arith.constant 3 : i32
        %eq3A_378 = vector.broadcast %eq3A_377 : i32 to vector<16xi32>
        %eq3A_379 = arith.cmpi eq, %select_n3A_225, %eq3A_378 : vector<16xi32>
        %jit3A_380 = arith.constant 0.000000e+00 : f32
        %broadcast_in_dim3A_381 = vector.broadcast %jit3A_380 : f32 to vector<16xf32>
        %select_n3A_382 = arith.select %eq3A_379, %add3A_266, %broadcast_in_dim3A_381 : vector<16xi1>, vector<16xf32>
        %add3A_383 = arith.addf %scan3A_170, %select_n3A_382 : vector<16xf32>
        %eq3A_384 = arith.constant 4 : i32
        %eq3A_385 = vector.broadcast %eq3A_384 : i32 to vector<16xi32>
        %eq3A_386 = arith.cmpi eq, %select_n3A_225, %eq3A_385 : vector<16xi32>
        %jit3A_387 = arith.constant 0.000000e+00 : f32
        %broadcast_in_dim3A_388 = vector.broadcast %jit3A_387 : f32 to vector<16xf32>
        %select_n3A_389 = arith.select %eq3A_386, %add3A_266, %broadcast_in_dim3A_388 : vector<16xi1>, vector<16xf32>
        %add3A_390 = arith.addf %scan3A_171, %select_n3A_389 : vector<16xf32>
        %eq3A_391 = arith.constant 5 : i32
        %eq3A_392 = vector.broadcast %eq3A_391 : i32 to vector<16xi32>
        %eq3A_393 = arith.cmpi eq, %select_n3A_225, %eq3A_392 : vector<16xi32>
        %jit3A_394 = arith.constant 0.000000e+00 : f32
        %broadcast_in_dim3A_395 = vector.broadcast %jit3A_394 : f32 to vector<16xf32>
        %select_n3A_396 = arith.select %eq3A_393, %add3A_266, %broadcast_in_dim3A_395 : vector<16xi1>, vector<16xf32>
        %add3A_397 = arith.addf %scan3A_172, %select_n3A_396 : vector<16xf32>
        %eq3A_398 = arith.constant 6 : i32
        %eq3A_399 = vector.broadcast %eq3A_398 : i32 to vector<16xi32>
        %eq3A_400 = arith.cmpi eq, %select_n3A_225, %eq3A_399 : vector<16xi32>
        %jit3A_401 = arith.constant 0.000000e+00 : f32
        %broadcast_in_dim3A_402 = vector.broadcast %jit3A_401 : f32 to vector<16xf32>
        %select_n3A_403 = arith.select %eq3A_400, %add3A_266, %broadcast_in_dim3A_402 : vector<16xi1>, vector<16xf32>
        %add3A_404 = arith.addf %scan3A_173, %select_n3A_403 : vector<16xf32>
        %eq3A_405 = arith.constant 7 : i32
        %eq3A_406 = vector.broadcast %eq3A_405 : i32 to vector<16xi32>
        %eq3A_407 = arith.cmpi eq, %select_n3A_225, %eq3A_406 : vector<16xi32>
        %jit3A_408 = arith.constant 0.000000e+00 : f32
        %broadcast_in_dim3A_409 = vector.broadcast %jit3A_408 : f32 to vector<16xf32>
        %select_n3A_410 = arith.select %eq3A_407, %add3A_266, %broadcast_in_dim3A_409 : vector<16xi1>, vector<16xf32>
        %add3A_411 = arith.addf %scan3A_174, %select_n3A_410 : vector<16xf32>
        %eq3A_412 = arith.constant 8 : i32
        %eq3A_413 = vector.broadcast %eq3A_412 : i32 to vector<16xi32>
        %eq3A_414 = arith.cmpi eq, %select_n3A_225, %eq3A_413 : vector<16xi32>
        %jit3A_415 = arith.constant 0.000000e+00 : f32
        %broadcast_in_dim3A_416 = vector.broadcast %jit3A_415 : f32 to vector<16xf32>
        %select_n3A_417 = arith.select %eq3A_414, %add3A_266, %broadcast_in_dim3A_416 : vector<16xi1>, vector<16xf32>
        %add3A_418 = arith.addf %scan3A_175, %select_n3A_417 : vector<16xf32>
        %eq3A_419 = arith.constant 9 : i32
        %eq3A_420 = vector.broadcast %eq3A_419 : i32 to vector<16xi32>
        %eq3A_421 = arith.cmpi eq, %select_n3A_225, %eq3A_420 : vector<16xi32>
        %jit3A_422 = arith.constant 0.000000e+00 : f32
        %broadcast_in_dim3A_423 = vector.broadcast %jit3A_422 : f32 to vector<16xf32>
        %select_n3A_424 = arith.select %eq3A_421, %add3A_266, %broadcast_in_dim3A_423 : vector<16xi1>, vector<16xf32>
        %add3A_425 = arith.addf %scan3A_176, %select_n3A_424 : vector<16xf32>
        %get3A_426 = arith.index_cast %scan3A_156 : i32 to index
        %get3A_427 = arith.constant 16 : index
        %get3A_428 = tpu.vector_load %arg6[%get3A_426, %get3A_427] {strides = array<i32>} : memref<128x80xf32, #tpu.memory_space<vmem>>, vector<16xf32>,
        %get3A_429 = arith.index_cast %scan3A_156 : i32 to index
        %get3A_430 = arith.constant 16 : index
        %get3A_431 = tpu.vector_load %arg8[%get3A_429, %get3A_430] {strides = array<i32>} : memref<128x80xi32, #tpu.memory_space<vmem>>, vector<16xi32>,
        %get3A_432 = arith.index_cast %scan3A_156 : i32 to index
        %get3A_433 = arith.constant 16 : index
        %get3A_434 = tpu.vector_load %arg10[%get3A_432, %get3A_433] {strides = array<i32>} : memref<128x80xi32, #tpu.memory_space<vmem>>, vector<16xi32>,
        %gt3A_435 = arith.constant 0 : i32
        %gt3A_436 = vector.broadcast %gt3A_435 : i32 to vector<16xi32>
        %gt3A_437 = arith.cmpi sgt, %get3A_431, %gt3A_436 : vector<16xi32>
        %neg3A_438 = arith.constant 0.000000e+00 : f32
        %neg3A_439 = vector.broadcast %neg3A_438 : f32 to vector<16xf32>
        %neg3A_440 = arith.subf %neg3A_439, %get3A_428 : vector<16xf32>
        %select_n3A_441 = arith.select %gt3A_437, %neg3A_440, %get3A_428 : vector<16xi1>, vector<16xf32>
        %gt3A_442 = arith.constant 0 : i32
        %gt3A_443 = vector.broadcast %gt3A_442 : i32 to vector<16xi32>
        %gt3A_444 = arith.cmpi sgt, %get3A_434, %gt3A_443 : vector<16xi32>
        %max3A_445 = arith.constant -2.310000e+00 : f32
        %max3A_446 = vector.broadcast %max3A_445 : f32 to vector<16xf32>
        %max3A_447 = arith.maximumf %select_n3A_441, %max3A_446 : vector<16xf32>
        %min3A_448 = arith.constant 2.310000e+00 : f32
        %min3A_449 = vector.broadcast %min3A_448 : f32 to vector<16xf32>
        %min3A_450 = arith.minimumf %max3A_447, %min3A_449 : vector<16xf32>
        %mul3A_451 = arith.mulf %min3A_450, %min3A_450 : vector<16xf32>
        %broadcast_in_dim3A_452 = arith.constant -5.25261385E-6 : f32
        %broadcast_in_dim3A_453 = vector.broadcast %broadcast_in_dim3A_452 : f32 to vector<16xf32>
        %mul3A_454 = arith.mulf %broadcast_in_dim3A_453, %mul3A_451 : vector<16xf32>
        %add3A_455 = arith.constant 1.38540621E-4 : f32
        %add3A_456 = vector.broadcast %add3A_455 : f32 to vector<16xf32>
        %add3A_457 = arith.addf %mul3A_454, %add3A_456 : vector<16xf32>
        %mul3A_458 = arith.mulf %add3A_457, %mul3A_451 : vector<16xf32>
        %add3A_459 = arith.constant -0.0019150459 : f32
        %add3A_460 = vector.broadcast %add3A_459 : f32 to vector<16xf32>
        %add3A_461 = arith.addf %mul3A_458, %add3A_460 : vector<16xf32>
        %mul3A_462 = arith.mulf %add3A_461, %mul3A_451 : vector<16xf32>
        %add3A_463 = arith.constant 0.0205756668 : f32
        %add3A_464 = vector.broadcast %add3A_463 : f32 to vector<16xf32>
        %add3A_465 = arith.addf %mul3A_462, %add3A_464 : vector<16xf32>
        %mul3A_466 = arith.mulf %add3A_465, %mul3A_451 : vector<16xf32>
        %add3A_467 = arith.constant -0.208181709 : f32
        %add3A_468 = vector.broadcast %add3A_467 : f32 to vector<16xf32>
        %add3A_469 = arith.addf %mul3A_466, %add3A_468 : vector<16xf32>
        %mul3A_470 = arith.mulf %add3A_469, %mul3A_451 : vector<16xf32>
        %add3A_471 = arith.constant 2.49997425 : f32
        %add3A_472 = vector.broadcast %add3A_471 : f32 to vector<16xf32>
        %add3A_473 = arith.addf %mul3A_470, %add3A_472 : vector<16xf32>
        %mul3A_474 = arith.mulf %min3A_450, %add3A_473 : vector<16xf32>
        %add3A_475 = arith.constant 5.000000e+00 : f32
        %add3A_476 = vector.broadcast %add3A_475 : f32 to vector<16xf32>
        %add3A_477 = arith.addf %mul3A_474, %add3A_476 : vector<16xf32>
        %convert_element_type3A_478 = arith.fptosi %add3A_477 : vector<16xf32> to vector<16xi32>
        %jit3A_479 = arith.constant 12 : i32
        %broadcast_in_dim3A_480 = vector.broadcast %jit3A_479 : i32 to vector<16xi32>
        %select_n3A_481 = arith.select %gt3A_444, %convert_element_type3A_478, %broadcast_in_dim3A_480 : vector<16xi1>, vector<16xi32>
        %abs3A_482 = math.absf %select_n3A_441 : vector<16xf32>
        %neg3A_483 = arith.constant 0.000000e+00 : f32
        %neg3A_484 = vector.broadcast %neg3A_483 : f32 to vector<16xf32>
        %neg3A_485 = arith.subf %neg3A_484, %abs3A_482 : vector<16xf32>
        %exp3A_486 = math.exp %neg3A_485 : vector<16xf32>
        %broadcast_in_dim3A_487 = arith.constant -0.00615154486 : f32
        %broadcast_in_dim3A_488 = vector.broadcast %broadcast_in_dim3A_487 : f32 to vector<16xf32>
        %mul3A_489 = arith.mulf %broadcast_in_dim3A_488, %exp3A_486 : vector<16xf32>
        %add3A_490 = arith.constant 0.034850128 : f32
        %add3A_491 = vector.broadcast %add3A_490 : f32 to vector<16xf32>
        %add3A_492 = arith.addf %mul3A_489, %add3A_491 : vector<16xf32>
        %mul3A_493 = arith.mulf %add3A_492, %exp3A_486 : vector<16xf32>
        %add3A_494 = arith.constant -0.093252942 : f32
        %add3A_495 = vector.broadcast %add3A_494 : f32 to vector<16xf32>
        %add3A_496 = arith.addf %mul3A_493, %add3A_495 : vector<16xf32>
        %mul3A_497 = arith.mulf %add3A_496, %exp3A_486 : vector<16xf32>
        %add3A_498 = arith.constant 0.165823758 : f32
        %add3A_499 = vector.broadcast %add3A_498 : f32 to vector<16xf32>
        %add3A_500 = arith.addf %mul3A_497, %add3A_499 : vector<16xf32>
        %mul3A_501 = arith.mulf %add3A_500, %exp3A_486 : vector<16xf32>
        %add3A_502 = arith.constant -0.239826784 : f32
        %add3A_503 = vector.broadcast %add3A_502 : f32 to vector<16xf32>
        %add3A_504 = arith.addf %mul3A_501, %add3A_503 : vector<16xf32>
        %mul3A_505 = arith.mulf %add3A_504, %exp3A_486 : vector<16xf32>
        %add3A_506 = arith.constant 0.33154884 : f32
        %add3A_507 = vector.broadcast %add3A_506 : f32 to vector<16xf32>
        %add3A_508 = arith.addf %mul3A_505, %add3A_507 : vector<16xf32>
        %mul3A_509 = arith.mulf %add3A_508, %exp3A_486 : vector<16xf32>
        %add3A_510 = arith.constant -0.499838591 : f32
        %add3A_511 = vector.broadcast %add3A_510 : f32 to vector<16xf32>
        %add3A_512 = arith.addf %mul3A_509, %add3A_511 : vector<16xf32>
        %mul3A_513 = arith.mulf %add3A_512, %exp3A_486 : vector<16xf32>
        %add3A_514 = arith.constant 0.999994277 : f32
        %add3A_515 = vector.broadcast %add3A_514 : f32 to vector<16xf32>
        %add3A_516 = arith.addf %mul3A_513, %add3A_515 : vector<16xf32>
        %mul3A_517 = arith.mulf %add3A_516, %exp3A_486 : vector<16xf32>
        %add3A_518 = arith.constant 3.38009194E-8 : f32
        %add3A_519 = vector.broadcast %add3A_518 : f32 to vector<16xf32>
        %add3A_520 = arith.addf %mul3A_517, %add3A_519 : vector<16xf32>
        %max3A_521 = arith.constant 0.000000e+00 : f32
        %max3A_522 = vector.broadcast %max3A_521 : f32 to vector<16xf32>
        %max3A_523 = arith.maximumf %select_n3A_441, %max3A_522 : vector<16xf32>
        %add3A_524 = arith.addf %max3A_523, %add3A_520 : vector<16xf32>
        %eq3A_525 = arith.constant 0 : i32
        %eq3A_526 = vector.broadcast %eq3A_525 : i32 to vector<16xi32>
        %eq3A_527 = arith.cmpi eq, %select_n3A_481, %eq3A_526 : vector<16xi32>
        %jit3A_528 = arith.constant 1.000000e+00 : f32
        %jit3A_529 = arith.constant 0.000000e+00 : f32
        %broadcast_in_dim3A_530 = vector.broadcast %jit3A_528 : f32 to vector<16xf32>
        %broadcast_in_dim3A_531 = vector.broadcast %jit3A_529 : f32 to vector<16xf32>
        %select_n3A_532 = arith.select %eq3A_527, %broadcast_in_dim3A_530, %broadcast_in_dim3A_531 : vector<16xi1>, vector<16xf32>
        %add3A_533 = arith.addf %add3A_274, %select_n3A_532 : vector<16xf32>
        %eq3A_534 = arith.constant 1 : i32
        %eq3A_535 = vector.broadcast %eq3A_534 : i32 to vector<16xi32>
        %eq3A_536 = arith.cmpi eq, %select_n3A_481, %eq3A_535 : vector<16xi32>
        %jit3A_537 = arith.constant 1.000000e+00 : f32
        %jit3A_538 = arith.constant 0.000000e+00 : f32
        %broadcast_in_dim3A_539 = vector.broadcast %jit3A_537 : f32 to vector<16xf32>
        %broadcast_in_dim3A_540 = vector.broadcast %jit3A_538 : f32 to vector<16xf32>
        %select_n3A_541 = arith.select %eq3A_536, %broadcast_in_dim3A_539, %broadcast_in_dim3A_540 : vector<16xi1>, vector<16xf32>
        %add3A_542 = arith.addf %add3A_283, %select_n3A_541 : vector<16xf32>
        %eq3A_543 = arith.constant 2 : i32
        %eq3A_544 = vector.broadcast %eq3A_543 : i32 to vector<16xi32>
        %eq3A_545 = arith.cmpi eq, %select_n3A_481, %eq3A_544 : vector<16xi32>
        %jit3A_546 = arith.constant 1.000000e+00 : f32
        %jit3A_547 = arith.constant 0.000000e+00 : f32
        %broadcast_in_dim3A_548 = vector.broadcast %jit3A_546 : f32 to vector<16xf32>
        %broadcast_in_dim3A_549 = vector.broadcast %jit3A_547 : f32 to vector<16xf32>
        %select_n3A_550 = arith.select %eq3A_545, %broadcast_in_dim3A_548, %broadcast_in_dim3A_549 : vector<16xi1>, vector<16xf32>
        %add3A_551 = arith.addf %add3A_292, %select_n3A_550 : vector<16xf32>
        %eq3A_552 = arith.constant 3 : i32
        %eq3A_553 = vector.broadcast %eq3A_552 : i32 to vector<16xi32>
        %eq3A_554 = arith.cmpi eq, %select_n3A_481, %eq3A_553 : vector<16xi32>
        %jit3A_555 = arith.constant 1.000000e+00 : f32
        %jit3A_556 = arith.constant 0.000000e+00 : f32
        %broadcast_in_dim3A_557 = vector.broadcast %jit3A_555 : f32 to vector<16xf32>
        %broadcast_in_dim3A_558 = vector.broadcast %jit3A_556 : f32 to vector<16xf32>
        %select_n3A_559 = arith.select %eq3A_554, %broadcast_in_dim3A_557, %broadcast_in_dim3A_558 : vector<16xi1>, vector<16xf32>
        %add3A_560 = arith.addf %add3A_301, %select_n3A_559 : vector<16xf32>
        %eq3A_561 = arith.constant 4 : i32
        %eq3A_562 = vector.broadcast %eq3A_561 : i32 to vector<16xi32>
        %eq3A_563 = arith.cmpi eq, %select_n3A_481, %eq3A_562 : vector<16xi32>
        %jit3A_564 = arith.constant 1.000000e+00 : f32
        %jit3A_565 = arith.constant 0.000000e+00 : f32
        %broadcast_in_dim3A_566 = vector.broadcast %jit3A_564 : f32 to vector<16xf32>
        %broadcast_in_dim3A_567 = vector.broadcast %jit3A_565 : f32 to vector<16xf32>
        %select_n3A_568 = arith.select %eq3A_563, %broadcast_in_dim3A_566, %broadcast_in_dim3A_567 : vector<16xi1>, vector<16xf32>
        %add3A_569 = arith.addf %add3A_310, %select_n3A_568 : vector<16xf32>
        %eq3A_570 = arith.constant 5 : i32
        %eq3A_571 = vector.broadcast %eq3A_570 : i32 to vector<16xi32>
        %eq3A_572 = arith.cmpi eq, %select_n3A_481, %eq3A_571 : vector<16xi32>
        %jit3A_573 = arith.constant 1.000000e+00 : f32
        %jit3A_574 = arith.constant 0.000000e+00 : f32
        %broadcast_in_dim3A_575 = vector.broadcast %jit3A_573 : f32 to vector<16xf32>
        %broadcast_in_dim3A_576 = vector.broadcast %jit3A_574 : f32 to vector<16xf32>
        %select_n3A_577 = arith.select %eq3A_572, %broadcast_in_dim3A_575, %broadcast_in_dim3A_576 : vector<16xi1>, vector<16xf32>
        %add3A_578 = arith.addf %add3A_319, %select_n3A_577 : vector<16xf32>
        %eq3A_579 = arith.constant 6 : i32
        %eq3A_580 = vector.broadcast %eq3A_579 : i32 to vector<16xi32>
        %eq3A_581 = arith.cmpi eq, %select_n3A_481, %eq3A_580 : vector<16xi32>
        %jit3A_582 = arith.constant 1.000000e+00 : f32
        %jit3A_583 = arith.constant 0.000000e+00 : f32
        %broadcast_in_dim3A_584 = vector.broadcast %jit3A_582 : f32 to vector<16xf32>
        %broadcast_in_dim3A_585 = vector.broadcast %jit3A_583 : f32 to vector<16xf32>
        %select_n3A_586 = arith.select %eq3A_581, %broadcast_in_dim3A_584, %broadcast_in_dim3A_585 : vector<16xi1>, vector<16xf32>
        %add3A_587 = arith.addf %add3A_328, %select_n3A_586 : vector<16xf32>
        %eq3A_588 = arith.constant 7 : i32
        %eq3A_589 = vector.broadcast %eq3A_588 : i32 to vector<16xi32>
        %eq3A_590 = arith.cmpi eq, %select_n3A_481, %eq3A_589 : vector<16xi32>
        %jit3A_591 = arith.constant 1.000000e+00 : f32
        %jit3A_592 = arith.constant 0.000000e+00 : f32
        %broadcast_in_dim3A_593 = vector.broadcast %jit3A_591 : f32 to vector<16xf32>
        %broadcast_in_dim3A_594 = vector.broadcast %jit3A_592 : f32 to vector<16xf32>
        %select_n3A_595 = arith.select %eq3A_590, %broadcast_in_dim3A_593, %broadcast_in_dim3A_594 : vector<16xi1>, vector<16xf32>
        %add3A_596 = arith.addf %add3A_337, %select_n3A_595 : vector<16xf32>
        %eq3A_597 = arith.constant 8 : i32
        %eq3A_598 = vector.broadcast %eq3A_597 : i32 to vector<16xi32>
        %eq3A_599 = arith.cmpi eq, %select_n3A_481, %eq3A_598 : vector<16xi32>
        %jit3A_600 = arith.constant 1.000000e+00 : f32
        %jit3A_601 = arith.constant 0.000000e+00 : f32
        %broadcast_in_dim3A_602 = vector.broadcast %jit3A_600 : f32 to vector<16xf32>
        %broadcast_in_dim3A_603 = vector.broadcast %jit3A_601 : f32 to vector<16xf32>
        %select_n3A_604 = arith.select %eq3A_599, %broadcast_in_dim3A_602, %broadcast_in_dim3A_603 : vector<16xi1>, vector<16xf32>
        %add3A_605 = arith.addf %add3A_346, %select_n3A_604 : vector<16xf32>
        %eq3A_606 = arith.constant 9 : i32
        %eq3A_607 = vector.broadcast %eq3A_606 : i32 to vector<16xi32>
        %eq3A_608 = arith.cmpi eq, %select_n3A_481, %eq3A_607 : vector<16xi32>
        %jit3A_609 = arith.constant 1.000000e+00 : f32
        %jit3A_610 = arith.constant 0.000000e+00 : f32
        %broadcast_in_dim3A_611 = vector.broadcast %jit3A_609 : f32 to vector<16xf32>
        %broadcast_in_dim3A_612 = vector.broadcast %jit3A_610 : f32 to vector<16xf32>
        %select_n3A_613 = arith.select %eq3A_608, %broadcast_in_dim3A_611, %broadcast_in_dim3A_612 : vector<16xi1>, vector<16xf32>
        %add3A_614 = arith.addf %add3A_355, %select_n3A_613 : vector<16xf32>
        %eq3A_615 = arith.constant 0 : i32
        %eq3A_616 = vector.broadcast %eq3A_615 : i32 to vector<16xi32>
        %eq3A_617 = arith.cmpi eq, %select_n3A_481, %eq3A_616 : vector<16xi32>
        %jit3A_618 = arith.constant 0.000000e+00 : f32
        %broadcast_in_dim3A_619 = vector.broadcast %jit3A_618 : f32 to vector<16xf32>
        %select_n3A_620 = arith.select %eq3A_617, %add3A_524, %broadcast_in_dim3A_619 : vector<16xi1>, vector<16xf32>
        %add3A_621 = arith.addf %add3A_362, %select_n3A_620 : vector<16xf32>
        %eq3A_622 = arith.constant 1 : i32
        %eq3A_623 = vector.broadcast %eq3A_622 : i32 to vector<16xi32>
        %eq3A_624 = arith.cmpi eq, %select_n3A_481, %eq3A_623 : vector<16xi32>
        %jit3A_625 = arith.constant 0.000000e+00 : f32
        %broadcast_in_dim3A_626 = vector.broadcast %jit3A_625 : f32 to vector<16xf32>
        %select_n3A_627 = arith.select %eq3A_624, %add3A_524, %broadcast_in_dim3A_626 : vector<16xi1>, vector<16xf32>
        %add3A_628 = arith.addf %add3A_369, %select_n3A_627 : vector<16xf32>
        %eq3A_629 = arith.constant 2 : i32
        %eq3A_630 = vector.broadcast %eq3A_629 : i32 to vector<16xi32>
        %eq3A_631 = arith.cmpi eq, %select_n3A_481, %eq3A_630 : vector<16xi32>
        %jit3A_632 = arith.constant 0.000000e+00 : f32
        %broadcast_in_dim3A_633 = vector.broadcast %jit3A_632 : f32 to vector<16xf32>
        %select_n3A_634 = arith.select %eq3A_631, %add3A_524, %broadcast_in_dim3A_633 : vector<16xi1>, vector<16xf32>
        %add3A_635 = arith.addf %add3A_376, %select_n3A_634 : vector<16xf32>
        %eq3A_636 = arith.constant 3 : i32
        %eq3A_637 = vector.broadcast %eq3A_636 : i32 to vector<16xi32>
        %eq3A_638 = arith.cmpi eq, %select_n3A_481, %eq3A_637 : vector<16xi32>
        %jit3A_639 = arith.constant 0.000000e+00 : f32
        %broadcast_in_dim3A_640 = vector.broadcast %jit3A_639 : f32 to vector<16xf32>
        %select_n3A_641 = arith.select %eq3A_638, %add3A_524, %broadcast_in_dim3A_640 : vector<16xi1>, vector<16xf32>
        %add3A_642 = arith.addf %add3A_383, %select_n3A_641 : vector<16xf32>
        %eq3A_643 = arith.constant 4 : i32
        %eq3A_644 = vector.broadcast %eq3A_643 : i32 to vector<16xi32>
        %eq3A_645 = arith.cmpi eq, %select_n3A_481, %eq3A_644 : vector<16xi32>
        %jit3A_646 = arith.constant 0.000000e+00 : f32
        %broadcast_in_dim3A_647 = vector.broadcast %jit3A_646 : f32 to vector<16xf32>
        %select_n3A_648 = arith.select %eq3A_645, %add3A_524, %broadcast_in_dim3A_647 : vector<16xi1>, vector<16xf32>
        %add3A_649 = arith.addf %add3A_390, %select_n3A_648 : vector<16xf32>
        %eq3A_650 = arith.constant 5 : i32
        %eq3A_651 = vector.broadcast %eq3A_650 : i32 to vector<16xi32>
        %eq3A_652 = arith.cmpi eq, %select_n3A_481, %eq3A_651 : vector<16xi32>
        %jit3A_653 = arith.constant 0.000000e+00 : f32
        %broadcast_in_dim3A_654 = vector.broadcast %jit3A_653 : f32 to vector<16xf32>
        %select_n3A_655 = arith.select %eq3A_652, %add3A_524, %broadcast_in_dim3A_654 : vector<16xi1>, vector<16xf32>
        %add3A_656 = arith.addf %add3A_397, %select_n3A_655 : vector<16xf32>
        %eq3A_657 = arith.constant 6 : i32
        %eq3A_658 = vector.broadcast %eq3A_657 : i32 to vector<16xi32>
        %eq3A_659 = arith.cmpi eq, %select_n3A_481, %eq3A_658 : vector<16xi32>
        %jit3A_660 = arith.constant 0.000000e+00 : f32
        %broadcast_in_dim3A_661 = vector.broadcast %jit3A_660 : f32 to vector<16xf32>
        %select_n3A_662 = arith.select %eq3A_659, %add3A_524, %broadcast_in_dim3A_661 : vector<16xi1>, vector<16xf32>
        %add3A_663 = arith.addf %add3A_404, %select_n3A_662 : vector<16xf32>
        %eq3A_664 = arith.constant 7 : i32
        %eq3A_665 = vector.broadcast %eq3A_664 : i32 to vector<16xi32>
        %eq3A_666 = arith.cmpi eq, %select_n3A_481, %eq3A_665 : vector<16xi32>
        %jit3A_667 = arith.constant 0.000000e+00 : f32
        %broadcast_in_dim3A_668 = vector.broadcast %jit3A_667 : f32 to vector<16xf32>
        %select_n3A_669 = arith.select %eq3A_666, %add3A_524, %broadcast_in_dim3A_668 : vector<16xi1>, vector<16xf32>
        %add3A_670 = arith.addf %add3A_411, %select_n3A_669 : vector<16xf32>
        %eq3A_671 = arith.constant 8 : i32
        %eq3A_672 = vector.broadcast %eq3A_671 : i32 to vector<16xi32>
        %eq3A_673 = arith.cmpi eq, %select_n3A_481, %eq3A_672 : vector<16xi32>
        %jit3A_674 = arith.constant 0.000000e+00 : f32
        %broadcast_in_dim3A_675 = vector.broadcast %jit3A_674 : f32 to vector<16xf32>
        %select_n3A_676 = arith.select %eq3A_673, %add3A_524, %broadcast_in_dim3A_675 : vector<16xi1>, vector<16xf32>
        %add3A_677 = arith.addf %add3A_418, %select_n3A_676 : vector<16xf32>
        %eq3A_678 = arith.constant 9 : i32
        %eq3A_679 = vector.broadcast %eq3A_678 : i32 to vector<16xi32>
        %eq3A_680 = arith.cmpi eq, %select_n3A_481, %eq3A_679 : vector<16xi32>
        %jit3A_681 = arith.constant 0.000000e+00 : f32
        %broadcast_in_dim3A_682 = vector.broadcast %jit3A_681 : f32 to vector<16xf32>
        %select_n3A_683 = arith.select %eq3A_680, %add3A_524, %broadcast_in_dim3A_682 : vector<16xi1>, vector<16xf32>
        %add3A_684 = arith.addf %add3A_425, %select_n3A_683 : vector<16xf32>
        %get3A_685 = arith.index_cast %scan3A_156 : i32 to index
        %get3A_686 = arith.constant 32 : index
        %get3A_687 = tpu.vector_load %arg6[%get3A_685, %get3A_686] {strides = array<i32>} : memref<128x80xf32, #tpu.memory_space<vmem>>, vector<16xf32>,
        %get3A_688 = arith.index_cast %scan3A_156 : i32 to index
        %get3A_689 = arith.constant 32 : index
        %get3A_690 = tpu.vector_load %arg8[%get3A_688, %get3A_689] {strides = array<i32>} : memref<128x80xi32, #tpu.memory_space<vmem>>, vector<16xi32>,
        %get3A_691 = arith.index_cast %scan3A_156 : i32 to index
        %get3A_692 = arith.constant 32 : index
        %get3A_693 = tpu.vector_load %arg10[%get3A_691, %get3A_692] {strides = array<i32>} : memref<128x80xi32, #tpu.memory_space<vmem>>, vector<16xi32>,
        %gt3A_694 = arith.constant 0 : i32
        %gt3A_695 = vector.broadcast %gt3A_694 : i32 to vector<16xi32>
        %gt3A_696 = arith.cmpi sgt, %get3A_690, %gt3A_695 : vector<16xi32>
        %neg3A_697 = arith.constant 0.000000e+00 : f32
        %neg3A_698 = vector.broadcast %neg3A_697 : f32 to vector<16xf32>
        %neg3A_699 = arith.subf %neg3A_698, %get3A_687 : vector<16xf32>
        %select_n3A_700 = arith.select %gt3A_696, %neg3A_699, %get3A_687 : vector<16xi1>, vector<16xf32>
        %gt3A_701 = arith.constant 0 : i32
        %gt3A_702 = vector.broadcast %gt3A_701 : i32 to vector<16xi32>
        %gt3A_703 = arith.cmpi sgt, %get3A_693, %gt3A_702 : vector<16xi32>
        %max3A_704 = arith.constant -2.310000e+00 : f32
        %max3A_705 = vector.broadcast %max3A_704 : f32 to vector<16xf32>
        %max3A_706 = arith.maximumf %select_n3A_700, %max3A_705 : vector<16xf32>
        %min3A_707 = arith.constant 2.310000e+00 : f32
        %min3A_708 = vector.broadcast %min3A_707 : f32 to vector<16xf32>
        %min3A_709 = arith.minimumf %max3A_706, %min3A_708 : vector<16xf32>
        %mul3A_710 = arith.mulf %min3A_709, %min3A_709 : vector<16xf32>
        %broadcast_in_dim3A_711 = arith.constant -5.25261385E-6 : f32
        %broadcast_in_dim3A_712 = vector.broadcast %broadcast_in_dim3A_711 : f32 to vector<16xf32>
        %mul3A_713 = arith.mulf %broadcast_in_dim3A_712, %mul3A_710 : vector<16xf32>
        %add3A_714 = arith.constant 1.38540621E-4 : f32
        %add3A_715 = vector.broadcast %add3A_714 : f32 to vector<16xf32>
        %add3A_716 = arith.addf %mul3A_713, %add3A_715 : vector<16xf32>
        %mul3A_717 = arith.mulf %add3A_716, %mul3A_710 : vector<16xf32>
        %add3A_718 = arith.constant -0.0019150459 : f32
        %add3A_719 = vector.broadcast %add3A_718 : f32 to vector<16xf32>
        %add3A_720 = arith.addf %mul3A_717, %add3A_719 : vector<16xf32>
        %mul3A_721 = arith.mulf %add3A_720, %mul3A_710 : vector<16xf32>
        %add3A_722 = arith.constant 0.0205756668 : f32
        %add3A_723 = vector.broadcast %add3A_722 : f32 to vector<16xf32>
        %add3A_724 = arith.addf %mul3A_721, %add3A_723 : vector<16xf32>
        %mul3A_725 = arith.mulf %add3A_724, %mul3A_710 : vector<16xf32>
        %add3A_726 = arith.constant -0.208181709 : f32
        %add3A_727 = vector.broadcast %add3A_726 : f32 to vector<16xf32>
        %add3A_728 = arith.addf %mul3A_725, %add3A_727 : vector<16xf32>
        %mul3A_729 = arith.mulf %add3A_728, %mul3A_710 : vector<16xf32>
        %add3A_730 = arith.constant 2.49997425 : f32
        %add3A_731 = vector.broadcast %add3A_730 : f32 to vector<16xf32>
        %add3A_732 = arith.addf %mul3A_729, %add3A_731 : vector<16xf32>
        %mul3A_733 = arith.mulf %min3A_709, %add3A_732 : vector<16xf32>
        %add3A_734 = arith.constant 5.000000e+00 : f32
        %add3A_735 = vector.broadcast %add3A_734 : f32 to vector<16xf32>
        %add3A_736 = arith.addf %mul3A_733, %add3A_735 : vector<16xf32>
        %convert_element_type3A_737 = arith.fptosi %add3A_736 : vector<16xf32> to vector<16xi32>
        %jit3A_738 = arith.constant 12 : i32
        %broadcast_in_dim3A_739 = vector.broadcast %jit3A_738 : i32 to vector<16xi32>
        %select_n3A_740 = arith.select %gt3A_703, %convert_element_type3A_737, %broadcast_in_dim3A_739 : vector<16xi1>, vector<16xi32>
        %abs3A_741 = math.absf %select_n3A_700 : vector<16xf32>
        %neg3A_742 = arith.constant 0.000000e+00 : f32
        %neg3A_743 = vector.broadcast %neg3A_742 : f32 to vector<16xf32>
        %neg3A_744 = arith.subf %neg3A_743, %abs3A_741 : vector<16xf32>
        %exp3A_745 = math.exp %neg3A_744 : vector<16xf32>
        %broadcast_in_dim3A_746 = arith.constant -0.00615154486 : f32
        %broadcast_in_dim3A_747 = vector.broadcast %broadcast_in_dim3A_746 : f32 to vector<16xf32>
        %mul3A_748 = arith.mulf %broadcast_in_dim3A_747, %exp3A_745 : vector<16xf32>
        %add3A_749 = arith.constant 0.034850128 : f32
        %add3A_750 = vector.broadcast %add3A_749 : f32 to vector<16xf32>
        %add3A_751 = arith.addf %mul3A_748, %add3A_750 : vector<16xf32>
        %mul3A_752 = arith.mulf %add3A_751, %exp3A_745 : vector<16xf32>
        %add3A_753 = arith.constant -0.093252942 : f32
        %add3A_754 = vector.broadcast %add3A_753 : f32 to vector<16xf32>
        %add3A_755 = arith.addf %mul3A_752, %add3A_754 : vector<16xf32>
        %mul3A_756 = arith.mulf %add3A_755, %exp3A_745 : vector<16xf32>
        %add3A_757 = arith.constant 0.165823758 : f32
        %add3A_758 = vector.broadcast %add3A_757 : f32 to vector<16xf32>
        %add3A_759 = arith.addf %mul3A_756, %add3A_758 : vector<16xf32>
        %mul3A_760 = arith.mulf %add3A_759, %exp3A_745 : vector<16xf32>
        %add3A_761 = arith.constant -0.239826784 : f32
        %add3A_762 = vector.broadcast %add3A_761 : f32 to vector<16xf32>
        %add3A_763 = arith.addf %mul3A_760, %add3A_762 : vector<16xf32>
        %mul3A_764 = arith.mulf %add3A_763, %exp3A_745 : vector<16xf32>
        %add3A_765 = arith.constant 0.33154884 : f32
        %add3A_766 = vector.broadcast %add3A_765 : f32 to vector<16xf32>
        %add3A_767 = arith.addf %mul3A_764, %add3A_766 : vector<16xf32>
        %mul3A_768 = arith.mulf %add3A_767, %exp3A_745 : vector<16xf32>
        %add3A_769 = arith.constant -0.499838591 : f32
        %add3A_770 = vector.broadcast %add3A_769 : f32 to vector<16xf32>
        %add3A_771 = arith.addf %mul3A_768, %add3A_770 : vector<16xf32>
        %mul3A_772 = arith.mulf %add3A_771, %exp3A_745 : vector<16xf32>
        %add3A_773 = arith.constant 0.999994277 : f32
        %add3A_774 = vector.broadcast %add3A_773 : f32 to vector<16xf32>
        %add3A_775 = arith.addf %mul3A_772, %add3A_774 : vector<16xf32>
        %mul3A_776 = arith.mulf %add3A_775, %exp3A_745 : vector<16xf32>
        %add3A_777 = arith.constant 3.38009194E-8 : f32
        %add3A_778 = vector.broadcast %add3A_777 : f32 to vector<16xf32>
        %add3A_779 = arith.addf %mul3A_776, %add3A_778 : vector<16xf32>
        %max3A_780 = arith.constant 0.000000e+00 : f32
        %max3A_781 = vector.broadcast %max3A_780 : f32 to vector<16xf32>
        %max3A_782 = arith.maximumf %select_n3A_700, %max3A_781 : vector<16xf32>
        %add3A_783 = arith.addf %max3A_782, %add3A_779 : vector<16xf32>
        %eq3A_784 = arith.constant 0 : i32
        %eq3A_785 = vector.broadcast %eq3A_784 : i32 to vector<16xi32>
        %eq3A_786 = arith.cmpi eq, %select_n3A_740, %eq3A_785 : vector<16xi32>
        %jit3A_787 = arith.constant 1.000000e+00 : f32
        %jit3A_788 = arith.constant 0.000000e+00 : f32
        %broadcast_in_dim3A_789 = vector.broadcast %jit3A_787 : f32 to vector<16xf32>
        %broadcast_in_dim3A_790 = vector.broadcast %jit3A_788 : f32 to vector<16xf32>
        %select_n3A_791 = arith.select %eq3A_786, %broadcast_in_dim3A_789, %broadcast_in_dim3A_790 : vector<16xi1>, vector<16xf32>
        %add3A_792 = arith.addf %add3A_533, %select_n3A_791 : vector<16xf32>
        %eq3A_793 = arith.constant 1 : i32
        %eq3A_794 = vector.broadcast %eq3A_793 : i32 to vector<16xi32>
        %eq3A_795 = arith.cmpi eq, %select_n3A_740, %eq3A_794 : vector<16xi32>
        %jit3A_796 = arith.constant 1.000000e+00 : f32
        %jit3A_797 = arith.constant 0.000000e+00 : f32
        %broadcast_in_dim3A_798 = vector.broadcast %jit3A_796 : f32 to vector<16xf32>
        %broadcast_in_dim3A_799 = vector.broadcast %jit3A_797 : f32 to vector<16xf32>
        %select_n3A_800 = arith.select %eq3A_795, %broadcast_in_dim3A_798, %broadcast_in_dim3A_799 : vector<16xi1>, vector<16xf32>
        %add3A_801 = arith.addf %add3A_542, %select_n3A_800 : vector<16xf32>
        %eq3A_802 = arith.constant 2 : i32
        %eq3A_803 = vector.broadcast %eq3A_802 : i32 to vector<16xi32>
        %eq3A_804 = arith.cmpi eq, %select_n3A_740, %eq3A_803 : vector<16xi32>
        %jit3A_805 = arith.constant 1.000000e+00 : f32
        %jit3A_806 = arith.constant 0.000000e+00 : f32
        %broadcast_in_dim3A_807 = vector.broadcast %jit3A_805 : f32 to vector<16xf32>
        %broadcast_in_dim3A_808 = vector.broadcast %jit3A_806 : f32 to vector<16xf32>
        %select_n3A_809 = arith.select %eq3A_804, %broadcast_in_dim3A_807, %broadcast_in_dim3A_808 : vector<16xi1>, vector<16xf32>
        %add3A_810 = arith.addf %add3A_551, %select_n3A_809 : vector<16xf32>
        %eq3A_811 = arith.constant 3 : i32
        %eq3A_812 = vector.broadcast %eq3A_811 : i32 to vector<16xi32>
        %eq3A_813 = arith.cmpi eq, %select_n3A_740, %eq3A_812 : vector<16xi32>
        %jit3A_814 = arith.constant 1.000000e+00 : f32
        %jit3A_815 = arith.constant 0.000000e+00 : f32
        %broadcast_in_dim3A_816 = vector.broadcast %jit3A_814 : f32 to vector<16xf32>
        %broadcast_in_dim3A_817 = vector.broadcast %jit3A_815 : f32 to vector<16xf32>
        %select_n3A_818 = arith.select %eq3A_813, %broadcast_in_dim3A_816, %broadcast_in_dim3A_817 : vector<16xi1>, vector<16xf32>
        %add3A_819 = arith.addf %add3A_560, %select_n3A_818 : vector<16xf32>
        %eq3A_820 = arith.constant 4 : i32
        %eq3A_821 = vector.broadcast %eq3A_820 : i32 to vector<16xi32>
        %eq3A_822 = arith.cmpi eq, %select_n3A_740, %eq3A_821 : vector<16xi32>
        %jit3A_823 = arith.constant 1.000000e+00 : f32
        %jit3A_824 = arith.constant 0.000000e+00 : f32
        %broadcast_in_dim3A_825 = vector.broadcast %jit3A_823 : f32 to vector<16xf32>
        %broadcast_in_dim3A_826 = vector.broadcast %jit3A_824 : f32 to vector<16xf32>
        %select_n3A_827 = arith.select %eq3A_822, %broadcast_in_dim3A_825, %broadcast_in_dim3A_826 : vector<16xi1>, vector<16xf32>
        %add3A_828 = arith.addf %add3A_569, %select_n3A_827 : vector<16xf32>
        %eq3A_829 = arith.constant 5 : i32
        %eq3A_830 = vector.broadcast %eq3A_829 : i32 to vector<16xi32>
        %eq3A_831 = arith.cmpi eq, %select_n3A_740, %eq3A_830 : vector<16xi32>
        %jit3A_832 = arith.constant 1.000000e+00 : f32
        %jit3A_833 = arith.constant 0.000000e+00 : f32
        %broadcast_in_dim3A_834 = vector.broadcast %jit3A_832 : f32 to vector<16xf32>
        %broadcast_in_dim3A_835 = vector.broadcast %jit3A_833 : f32 to vector<16xf32>
        %select_n3A_836 = arith.select %eq3A_831, %broadcast_in_dim3A_834, %broadcast_in_dim3A_835 : vector<16xi1>, vector<16xf32>
        %add3A_837 = arith.addf %add3A_578, %select_n3A_836 : vector<16xf32>
        %eq3A_838 = arith.constant 6 : i32
        %eq3A_839 = vector.broadcast %eq3A_838 : i32 to vector<16xi32>
        %eq3A_840 = arith.cmpi eq, %select_n3A_740, %eq3A_839 : vector<16xi32>
        %jit3A_841 = arith.constant 1.000000e+00 : f32
        %jit3A_842 = arith.constant 0.000000e+00 : f32
        %broadcast_in_dim3A_843 = vector.broadcast %jit3A_841 : f32 to vector<16xf32>
        %broadcast_in_dim3A_844 = vector.broadcast %jit3A_842 : f32 to vector<16xf32>
        %select_n3A_845 = arith.select %eq3A_840, %broadcast_in_dim3A_843, %broadcast_in_dim3A_844 : vector<16xi1>, vector<16xf32>
        %add3A_846 = arith.addf %add3A_587, %select_n3A_845 : vector<16xf32>
        %eq3A_847 = arith.constant 7 : i32
        %eq3A_848 = vector.broadcast %eq3A_847 : i32 to vector<16xi32>
        %eq3A_849 = arith.cmpi eq, %select_n3A_740, %eq3A_848 : vector<16xi32>
        %jit3A_850 = arith.constant 1.000000e+00 : f32
        %jit3A_851 = arith.constant 0.000000e+00 : f32
        %broadcast_in_dim3A_852 = vector.broadcast %jit3A_850 : f32 to vector<16xf32>
        %broadcast_in_dim3A_853 = vector.broadcast %jit3A_851 : f32 to vector<16xf32>
        %select_n3A_854 = arith.select %eq3A_849, %broadcast_in_dim3A_852, %broadcast_in_dim3A_853 : vector<16xi1>, vector<16xf32>
        %add3A_855 = arith.addf %add3A_596, %select_n3A_854 : vector<16xf32>
        %eq3A_856 = arith.constant 8 : i32
        %eq3A_857 = vector.broadcast %eq3A_856 : i32 to vector<16xi32>
        %eq3A_858 = arith.cmpi eq, %select_n3A_740, %eq3A_857 : vector<16xi32>
        %jit3A_859 = arith.constant 1.000000e+00 : f32
        %jit3A_860 = arith.constant 0.000000e+00 : f32
        %broadcast_in_dim3A_861 = vector.broadcast %jit3A_859 : f32 to vector<16xf32>
        %broadcast_in_dim3A_862 = vector.broadcast %jit3A_860 : f32 to vector<16xf32>
        %select_n3A_863 = arith.select %eq3A_858, %broadcast_in_dim3A_861, %broadcast_in_dim3A_862 : vector<16xi1>, vector<16xf32>
        %add3A_864 = arith.addf %add3A_605, %select_n3A_863 : vector<16xf32>
        %eq3A_865 = arith.constant 9 : i32
        %eq3A_866 = vector.broadcast %eq3A_865 : i32 to vector<16xi32>
        %eq3A_867 = arith.cmpi eq, %select_n3A_740, %eq3A_866 : vector<16xi32>
        %jit3A_868 = arith.constant 1.000000e+00 : f32
        %jit3A_869 = arith.constant 0.000000e+00 : f32
        %broadcast_in_dim3A_870 = vector.broadcast %jit3A_868 : f32 to vector<16xf32>
        %broadcast_in_dim3A_871 = vector.broadcast %jit3A_869 : f32 to vector<16xf32>
        %select_n3A_872 = arith.select %eq3A_867, %broadcast_in_dim3A_870, %broadcast_in_dim3A_871 : vector<16xi1>, vector<16xf32>
        %add3A_873 = arith.addf %add3A_614, %select_n3A_872 : vector<16xf32>
        %eq3A_874 = arith.constant 0 : i32
        %eq3A_875 = vector.broadcast %eq3A_874 : i32 to vector<16xi32>
        %eq3A_876 = arith.cmpi eq, %select_n3A_740, %eq3A_875 : vector<16xi32>
        %jit3A_877 = arith.constant 0.000000e+00 : f32
        %broadcast_in_dim3A_878 = vector.broadcast %jit3A_877 : f32 to vector<16xf32>
        %select_n3A_879 = arith.select %eq3A_876, %add3A_783, %broadcast_in_dim3A_878 : vector<16xi1>, vector<16xf32>
        %add3A_880 = arith.addf %add3A_621, %select_n3A_879 : vector<16xf32>
        %eq3A_881 = arith.constant 1 : i32
        %eq3A_882 = vector.broadcast %eq3A_881 : i32 to vector<16xi32>
        %eq3A_883 = arith.cmpi eq, %select_n3A_740, %eq3A_882 : vector<16xi32>
        %jit3A_884 = arith.constant 0.000000e+00 : f32
        %broadcast_in_dim3A_885 = vector.broadcast %jit3A_884 : f32 to vector<16xf32>
        %select_n3A_886 = arith.select %eq3A_883, %add3A_783, %broadcast_in_dim3A_885 : vector<16xi1>, vector<16xf32>
        %add3A_887 = arith.addf %add3A_628, %select_n3A_886 : vector<16xf32>
        %eq3A_888 = arith.constant 2 : i32
        %eq3A_889 = vector.broadcast %eq3A_888 : i32 to vector<16xi32>
        %eq3A_890 = arith.cmpi eq, %select_n3A_740, %eq3A_889 : vector<16xi32>
        %jit3A_891 = arith.constant 0.000000e+00 : f32
        %broadcast_in_dim3A_892 = vector.broadcast %jit3A_891 : f32 to vector<16xf32>
        %select_n3A_893 = arith.select %eq3A_890, %add3A_783, %broadcast_in_dim3A_892 : vector<16xi1>, vector<16xf32>
        %add3A_894 = arith.addf %add3A_635, %select_n3A_893 : vector<16xf32>
        %eq3A_895 = arith.constant 3 : i32
        %eq3A_896 = vector.broadcast %eq3A_895 : i32 to vector<16xi32>
        %eq3A_897 = arith.cmpi eq, %select_n3A_740, %eq3A_896 : vector<16xi32>
        %jit3A_898 = arith.constant 0.000000e+00 : f32
        %broadcast_in_dim3A_899 = vector.broadcast %jit3A_898 : f32 to vector<16xf32>
        %select_n3A_900 = arith.select %eq3A_897, %add3A_783, %broadcast_in_dim3A_899 : vector<16xi1>, vector<16xf32>
        %add3A_901 = arith.addf %add3A_642, %select_n3A_900 : vector<16xf32>
        %eq3A_902 = arith.constant 4 : i32
        %eq3A_903 = vector.broadcast %eq3A_902 : i32 to vector<16xi32>
        %eq3A_904 = arith.cmpi eq, %select_n3A_740, %eq3A_903 : vector<16xi32>
        %jit3A_905 = arith.constant 0.000000e+00 : f32
        %broadcast_in_dim3A_906 = vector.broadcast %jit3A_905 : f32 to vector<16xf32>
        %select_n3A_907 = arith.select %eq3A_904, %add3A_783, %broadcast_in_dim3A_906 : vector<16xi1>, vector<16xf32>
        %add3A_908 = arith.addf %add3A_649, %select_n3A_907 : vector<16xf32>
        %eq3A_909 = arith.constant 5 : i32
        %eq3A_910 = vector.broadcast %eq3A_909 : i32 to vector<16xi32>
        %eq3A_911 = arith.cmpi eq, %select_n3A_740, %eq3A_910 : vector<16xi32>
        %jit3A_912 = arith.constant 0.000000e+00 : f32
        %broadcast_in_dim3A_913 = vector.broadcast %jit3A_912 : f32 to vector<16xf32>
        %select_n3A_914 = arith.select %eq3A_911, %add3A_783, %broadcast_in_dim3A_913 : vector<16xi1>, vector<16xf32>
        %add3A_915 = arith.addf %add3A_656, %select_n3A_914 : vector<16xf32>
        %eq3A_916 = arith.constant 6 : i32
        %eq3A_917 = vector.broadcast %eq3A_916 : i32 to vector<16xi32>
        %eq3A_918 = arith.cmpi eq, %select_n3A_740, %eq3A_917 : vector<16xi32>
        %jit3A_919 = arith.constant 0.000000e+00 : f32
        %broadcast_in_dim3A_920 = vector.broadcast %jit3A_919 : f32 to vector<16xf32>
        %select_n3A_921 = arith.select %eq3A_918, %add3A_783, %broadcast_in_dim3A_920 : vector<16xi1>, vector<16xf32>
        %add3A_922 = arith.addf %add3A_663, %select_n3A_921 : vector<16xf32>
        %eq3A_923 = arith.constant 7 : i32
        %eq3A_924 = vector.broadcast %eq3A_923 : i32 to vector<16xi32>
        %eq3A_925 = arith.cmpi eq, %select_n3A_740, %eq3A_924 : vector<16xi32>
        %jit3A_926 = arith.constant 0.000000e+00 : f32
        %broadcast_in_dim3A_927 = vector.broadcast %jit3A_926 : f32 to vector<16xf32>
        %select_n3A_928 = arith.select %eq3A_925, %add3A_783, %broadcast_in_dim3A_927 : vector<16xi1>, vector<16xf32>
        %add3A_929 = arith.addf %add3A_670, %select_n3A_928 : vector<16xf32>
        %eq3A_930 = arith.constant 8 : i32
        %eq3A_931 = vector.broadcast %eq3A_930 : i32 to vector<16xi32>
        %eq3A_932 = arith.cmpi eq, %select_n3A_740, %eq3A_931 : vector<16xi32>
        %jit3A_933 = arith.constant 0.000000e+00 : f32
        %broadcast_in_dim3A_934 = vector.broadcast %jit3A_933 : f32 to vector<16xf32>
        %select_n3A_935 = arith.select %eq3A_932, %add3A_783, %broadcast_in_dim3A_934 : vector<16xi1>, vector<16xf32>
        %add3A_936 = arith.addf %add3A_677, %select_n3A_935 : vector<16xf32>
        %eq3A_937 = arith.constant 9 : i32
        %eq3A_938 = vector.broadcast %eq3A_937 : i32 to vector<16xi32>
        %eq3A_939 = arith.cmpi eq, %select_n3A_740, %eq3A_938 : vector<16xi32>
        %jit3A_940 = arith.constant 0.000000e+00 : f32
        %broadcast_in_dim3A_941 = vector.broadcast %jit3A_940 : f32 to vector<16xf32>
        %select_n3A_942 = arith.select %eq3A_939, %add3A_783, %broadcast_in_dim3A_941 : vector<16xi1>, vector<16xf32>
        %add3A_943 = arith.addf %add3A_684, %select_n3A_942 : vector<16xf32>
        %get3A_944 = arith.index_cast %scan3A_156 : i32 to index
        %get3A_945 = arith.constant 48 : index
        %get3A_946 = tpu.vector_load %arg6[%get3A_944, %get3A_945] {strides = array<i32>} : memref<128x80xf32, #tpu.memory_space<vmem>>, vector<16xf32>,
        %get3A_947 = arith.index_cast %scan3A_156 : i32 to index
        %get3A_948 = arith.constant 48 : index
        %get3A_949 = tpu.vector_load %arg8[%get3A_947, %get3A_948] {strides = array<i32>} : memref<128x80xi32, #tpu.memory_space<vmem>>, vector<16xi32>,
        %get3A_950 = arith.index_cast %scan3A_156 : i32 to index
        %get3A_951 = arith.constant 48 : index
        %get3A_952 = tpu.vector_load %arg10[%get3A_950, %get3A_951] {strides = array<i32>} : memref<128x80xi32, #tpu.memory_space<vmem>>, vector<16xi32>,
        %gt3A_953 = arith.constant 0 : i32
        %gt3A_954 = vector.broadcast %gt3A_953 : i32 to vector<16xi32>
        %gt3A_955 = arith.cmpi sgt, %get3A_949, %gt3A_954 : vector<16xi32>
        %neg3A_956 = arith.constant 0.000000e+00 : f32
        %neg3A_957 = vector.broadcast %neg3A_956 : f32 to vector<16xf32>
        %neg3A_958 = arith.subf %neg3A_957, %get3A_946 : vector<16xf32>
        %select_n3A_959 = arith.select %gt3A_955, %neg3A_958, %get3A_946 : vector<16xi1>, vector<16xf32>
        %gt3A_960 = arith.constant 0 : i32
        %gt3A_961 = vector.broadcast %gt3A_960 : i32 to vector<16xi32>
        %gt3A_962 = arith.cmpi sgt, %get3A_952, %gt3A_961 : vector<16xi32>
        %max3A_963 = arith.constant -2.310000e+00 : f32
        %max3A_964 = vector.broadcast %max3A_963 : f32 to vector<16xf32>
        %max3A_965 = arith.maximumf %select_n3A_959, %max3A_964 : vector<16xf32>
        %min3A_966 = arith.constant 2.310000e+00 : f32
        %min3A_967 = vector.broadcast %min3A_966 : f32 to vector<16xf32>
        %min3A_968 = arith.minimumf %max3A_965, %min3A_967 : vector<16xf32>
        %mul3A_969 = arith.mulf %min3A_968, %min3A_968 : vector<16xf32>
        %broadcast_in_dim3A_970 = arith.constant -5.25261385E-6 : f32
        %broadcast_in_dim3A_971 = vector.broadcast %broadcast_in_dim3A_970 : f32 to vector<16xf32>
        %mul3A_972 = arith.mulf %broadcast_in_dim3A_971, %mul3A_969 : vector<16xf32>
        %add3A_973 = arith.constant 1.38540621E-4 : f32
        %add3A_974 = vector.broadcast %add3A_973 : f32 to vector<16xf32>
        %add3A_975 = arith.addf %mul3A_972, %add3A_974 : vector<16xf32>
        %mul3A_976 = arith.mulf %add3A_975, %mul3A_969 : vector<16xf32>
        %add3A_977 = arith.constant -0.0019150459 : f32
        %add3A_978 = vector.broadcast %add3A_977 : f32 to vector<16xf32>
        %add3A_979 = arith.addf %mul3A_976, %add3A_978 : vector<16xf32>
        %mul3A_980 = arith.mulf %add3A_979, %mul3A_969 : vector<16xf32>
        %add3A_981 = arith.constant 0.0205756668 : f32
        %add3A_982 = vector.broadcast %add3A_981 : f32 to vector<16xf32>
        %add3A_983 = arith.addf %mul3A_980, %add3A_982 : vector<16xf32>
        %mul3A_984 = arith.mulf %add3A_983, %mul3A_969 : vector<16xf32>
        %add3A_985 = arith.constant -0.208181709 : f32
        %add3A_986 = vector.broadcast %add3A_985 : f32 to vector<16xf32>
        %add3A_987 = arith.addf %mul3A_984, %add3A_986 : vector<16xf32>
        %mul3A_988 = arith.mulf %add3A_987, %mul3A_969 : vector<16xf32>
        %add3A_989 = arith.constant 2.49997425 : f32
        %add3A_990 = vector.broadcast %add3A_989 : f32 to vector<16xf32>
        %add3A_991 = arith.addf %mul3A_988, %add3A_990 : vector<16xf32>
        %mul3A_992 = arith.mulf %min3A_968, %add3A_991 : vector<16xf32>
        %add3A_993 = arith.constant 5.000000e+00 : f32
        %add3A_994 = vector.broadcast %add3A_993 : f32 to vector<16xf32>
        %add3A_995 = arith.addf %mul3A_992, %add3A_994 : vector<16xf32>
        %convert_element_type3A_996 = arith.fptosi %add3A_995 : vector<16xf32> to vector<16xi32>
        %jit3A_997 = arith.constant 12 : i32
        %broadcast_in_dim3A_998 = vector.broadcast %jit3A_997 : i32 to vector<16xi32>
        %select_n3A_999 = arith.select %gt3A_962, %convert_element_type3A_996, %broadcast_in_dim3A_998 : vector<16xi1>, vector<16xi32>
        %abs3A_1000 = math.absf %select_n3A_959 : vector<16xf32>
        %neg3A_1001 = arith.constant 0.000000e+00 : f32
        %neg3A_1002 = vector.broadcast %neg3A_1001 : f32 to vector<16xf32>
        %neg3A_1003 = arith.subf %neg3A_1002, %abs3A_1000 : vector<16xf32>
        %exp3A_1004 = math.exp %neg3A_1003 : vector<16xf32>
        %broadcast_in_dim3A_1005 = arith.constant -0.00615154486 : f32
        %broadcast_in_dim3A_1006 = vector.broadcast %broadcast_in_dim3A_1005 : f32 to vector<16xf32>
        %mul3A_1007 = arith.mulf %broadcast_in_dim3A_1006, %exp3A_1004 : vector<16xf32>
        %add3A_1008 = arith.constant 0.034850128 : f32
        %add3A_1009 = vector.broadcast %add3A_1008 : f32 to vector<16xf32>
        %add3A_1010 = arith.addf %mul3A_1007, %add3A_1009 : vector<16xf32>
        %mul3A_1011 = arith.mulf %add3A_1010, %exp3A_1004 : vector<16xf32>
        %add3A_1012 = arith.constant -0.093252942 : f32
        %add3A_1013 = vector.broadcast %add3A_1012 : f32 to vector<16xf32>
        %add3A_1014 = arith.addf %mul3A_1011, %add3A_1013 : vector<16xf32>
        %mul3A_1015 = arith.mulf %add3A_1014, %exp3A_1004 : vector<16xf32>
        %add3A_1016 = arith.constant 0.165823758 : f32
        %add3A_1017 = vector.broadcast %add3A_1016 : f32 to vector<16xf32>
        %add3A_1018 = arith.addf %mul3A_1015, %add3A_1017 : vector<16xf32>
        %mul3A_1019 = arith.mulf %add3A_1018, %exp3A_1004 : vector<16xf32>
        %add3A_1020 = arith.constant -0.239826784 : f32
        %add3A_1021 = vector.broadcast %add3A_1020 : f32 to vector<16xf32>
        %add3A_1022 = arith.addf %mul3A_1019, %add3A_1021 : vector<16xf32>
        %mul3A_1023 = arith.mulf %add3A_1022, %exp3A_1004 : vector<16xf32>
        %add3A_1024 = arith.constant 0.33154884 : f32
        %add3A_1025 = vector.broadcast %add3A_1024 : f32 to vector<16xf32>
        %add3A_1026 = arith.addf %mul3A_1023, %add3A_1025 : vector<16xf32>
        %mul3A_1027 = arith.mulf %add3A_1026, %exp3A_1004 : vector<16xf32>
        %add3A_1028 = arith.constant -0.499838591 : f32
        %add3A_1029 = vector.broadcast %add3A_1028 : f32 to vector<16xf32>
        %add3A_1030 = arith.addf %mul3A_1027, %add3A_1029 : vector<16xf32>
        %mul3A_1031 = arith.mulf %add3A_1030, %exp3A_1004 : vector<16xf32>
        %add3A_1032 = arith.constant 0.999994277 : f32
        %add3A_1033 = vector.broadcast %add3A_1032 : f32 to vector<16xf32>
        %add3A_1034 = arith.addf %mul3A_1031, %add3A_1033 : vector<16xf32>
        %mul3A_1035 = arith.mulf %add3A_1034, %exp3A_1004 : vector<16xf32>
        %add3A_1036 = arith.constant 3.38009194E-8 : f32
        %add3A_1037 = vector.broadcast %add3A_1036 : f32 to vector<16xf32>
        %add3A_1038 = arith.addf %mul3A_1035, %add3A_1037 : vector<16xf32>
        %max3A_1039 = arith.constant 0.000000e+00 : f32
        %max3A_1040 = vector.broadcast %max3A_1039 : f32 to vector<16xf32>
        %max3A_1041 = arith.maximumf %select_n3A_959, %max3A_1040 : vector<16xf32>
        %add3A_1042 = arith.addf %max3A_1041, %add3A_1038 : vector<16xf32>
        %eq3A_1043 = arith.constant 0 : i32
        %eq3A_1044 = vector.broadcast %eq3A_1043 : i32 to vector<16xi32>
        %eq3A_1045 = arith.cmpi eq, %select_n3A_999, %eq3A_1044 : vector<16xi32>
        %jit3A_1046 = arith.constant 1.000000e+00 : f32
        %jit3A_1047 = arith.constant 0.000000e+00 : f32
        %broadcast_in_dim3A_1048 = vector.broadcast %jit3A_1046 : f32 to vector<16xf32>
        %broadcast_in_dim3A_1049 = vector.broadcast %jit3A_1047 : f32 to vector<16xf32>
        %select_n3A_1050 = arith.select %eq3A_1045, %broadcast_in_dim3A_1048, %broadcast_in_dim3A_1049 : vector<16xi1>, vector<16xf32>
        %add3A_1051 = arith.addf %add3A_792, %select_n3A_1050 : vector<16xf32>
        %eq3A_1052 = arith.constant 1 : i32
        %eq3A_1053 = vector.broadcast %eq3A_1052 : i32 to vector<16xi32>
        %eq3A_1054 = arith.cmpi eq, %select_n3A_999, %eq3A_1053 : vector<16xi32>
        %jit3A_1055 = arith.constant 1.000000e+00 : f32
        %jit3A_1056 = arith.constant 0.000000e+00 : f32
        %broadcast_in_dim3A_1057 = vector.broadcast %jit3A_1055 : f32 to vector<16xf32>
        %broadcast_in_dim3A_1058 = vector.broadcast %jit3A_1056 : f32 to vector<16xf32>
        %select_n3A_1059 = arith.select %eq3A_1054, %broadcast_in_dim3A_1057, %broadcast_in_dim3A_1058 : vector<16xi1>, vector<16xf32>
        %add3A_1060 = arith.addf %add3A_801, %select_n3A_1059 : vector<16xf32>
        %eq3A_1061 = arith.constant 2 : i32
        %eq3A_1062 = vector.broadcast %eq3A_1061 : i32 to vector<16xi32>
        %eq3A_1063 = arith.cmpi eq, %select_n3A_999, %eq3A_1062 : vector<16xi32>
        %jit3A_1064 = arith.constant 1.000000e+00 : f32
        %jit3A_1065 = arith.constant 0.000000e+00 : f32
        %broadcast_in_dim3A_1066 = vector.broadcast %jit3A_1064 : f32 to vector<16xf32>
        %broadcast_in_dim3A_1067 = vector.broadcast %jit3A_1065 : f32 to vector<16xf32>
        %select_n3A_1068 = arith.select %eq3A_1063, %broadcast_in_dim3A_1066, %broadcast_in_dim3A_1067 : vector<16xi1>, vector<16xf32>
        %add3A_1069 = arith.addf %add3A_810, %select_n3A_1068 : vector<16xf32>
        %eq3A_1070 = arith.constant 3 : i32
        %eq3A_1071 = vector.broadcast %eq3A_1070 : i32 to vector<16xi32>
        %eq3A_1072 = arith.cmpi eq, %select_n3A_999, %eq3A_1071 : vector<16xi32>
        %jit3A_1073 = arith.constant 1.000000e+00 : f32
        %jit3A_1074 = arith.constant 0.000000e+00 : f32
        %broadcast_in_dim3A_1075 = vector.broadcast %jit3A_1073 : f32 to vector<16xf32>
        %broadcast_in_dim3A_1076 = vector.broadcast %jit3A_1074 : f32 to vector<16xf32>
        %select_n3A_1077 = arith.select %eq3A_1072, %broadcast_in_dim3A_1075, %broadcast_in_dim3A_1076 : vector<16xi1>, vector<16xf32>
        %add3A_1078 = arith.addf %add3A_819, %select_n3A_1077 : vector<16xf32>
        %eq3A_1079 = arith.constant 4 : i32
        %eq3A_1080 = vector.broadcast %eq3A_1079 : i32 to vector<16xi32>
        %eq3A_1081 = arith.cmpi eq, %select_n3A_999, %eq3A_1080 : vector<16xi32>
        %jit3A_1082 = arith.constant 1.000000e+00 : f32
        %jit3A_1083 = arith.constant 0.000000e+00 : f32
        %broadcast_in_dim3A_1084 = vector.broadcast %jit3A_1082 : f32 to vector<16xf32>
        %broadcast_in_dim3A_1085 = vector.broadcast %jit3A_1083 : f32 to vector<16xf32>
        %select_n3A_1086 = arith.select %eq3A_1081, %broadcast_in_dim3A_1084, %broadcast_in_dim3A_1085 : vector<16xi1>, vector<16xf32>
        %add3A_1087 = arith.addf %add3A_828, %select_n3A_1086 : vector<16xf32>
        %eq3A_1088 = arith.constant 5 : i32
        %eq3A_1089 = vector.broadcast %eq3A_1088 : i32 to vector<16xi32>
        %eq3A_1090 = arith.cmpi eq, %select_n3A_999, %eq3A_1089 : vector<16xi32>
        %jit3A_1091 = arith.constant 1.000000e+00 : f32
        %jit3A_1092 = arith.constant 0.000000e+00 : f32
        %broadcast_in_dim3A_1093 = vector.broadcast %jit3A_1091 : f32 to vector<16xf32>
        %broadcast_in_dim3A_1094 = vector.broadcast %jit3A_1092 : f32 to vector<16xf32>
        %select_n3A_1095 = arith.select %eq3A_1090, %broadcast_in_dim3A_1093, %broadcast_in_dim3A_1094 : vector<16xi1>, vector<16xf32>
        %add3A_1096 = arith.addf %add3A_837, %select_n3A_1095 : vector<16xf32>
        %eq3A_1097 = arith.constant 6 : i32
        %eq3A_1098 = vector.broadcast %eq3A_1097 : i32 to vector<16xi32>
        %eq3A_1099 = arith.cmpi eq, %select_n3A_999, %eq3A_1098 : vector<16xi32>
        %jit3A_1100 = arith.constant 1.000000e+00 : f32
        %jit3A_1101 = arith.constant 0.000000e+00 : f32
        %broadcast_in_dim3A_1102 = vector.broadcast %jit3A_1100 : f32 to vector<16xf32>
        %broadcast_in_dim3A_1103 = vector.broadcast %jit3A_1101 : f32 to vector<16xf32>
        %select_n3A_1104 = arith.select %eq3A_1099, %broadcast_in_dim3A_1102, %broadcast_in_dim3A_1103 : vector<16xi1>, vector<16xf32>
        %add3A_1105 = arith.addf %add3A_846, %select_n3A_1104 : vector<16xf32>
        %eq3A_1106 = arith.constant 7 : i32
        %eq3A_1107 = vector.broadcast %eq3A_1106 : i32 to vector<16xi32>
        %eq3A_1108 = arith.cmpi eq, %select_n3A_999, %eq3A_1107 : vector<16xi32>
        %jit3A_1109 = arith.constant 1.000000e+00 : f32
        %jit3A_1110 = arith.constant 0.000000e+00 : f32
        %broadcast_in_dim3A_1111 = vector.broadcast %jit3A_1109 : f32 to vector<16xf32>
        %broadcast_in_dim3A_1112 = vector.broadcast %jit3A_1110 : f32 to vector<16xf32>
        %select_n3A_1113 = arith.select %eq3A_1108, %broadcast_in_dim3A_1111, %broadcast_in_dim3A_1112 : vector<16xi1>, vector<16xf32>
        %add3A_1114 = arith.addf %add3A_855, %select_n3A_1113 : vector<16xf32>
        %eq3A_1115 = arith.constant 8 : i32
        %eq3A_1116 = vector.broadcast %eq3A_1115 : i32 to vector<16xi32>
        %eq3A_1117 = arith.cmpi eq, %select_n3A_999, %eq3A_1116 : vector<16xi32>
        %jit3A_1118 = arith.constant 1.000000e+00 : f32
        %jit3A_1119 = arith.constant 0.000000e+00 : f32
        %broadcast_in_dim3A_1120 = vector.broadcast %jit3A_1118 : f32 to vector<16xf32>
        %broadcast_in_dim3A_1121 = vector.broadcast %jit3A_1119 : f32 to vector<16xf32>
        %select_n3A_1122 = arith.select %eq3A_1117, %broadcast_in_dim3A_1120, %broadcast_in_dim3A_1121 : vector<16xi1>, vector<16xf32>
        %add3A_1123 = arith.addf %add3A_864, %select_n3A_1122 : vector<16xf32>
        %eq3A_1124 = arith.constant 9 : i32
        %eq3A_1125 = vector.broadcast %eq3A_1124 : i32 to vector<16xi32>
        %eq3A_1126 = arith.cmpi eq, %select_n3A_999, %eq3A_1125 : vector<16xi32>
        %jit3A_1127 = arith.constant 1.000000e+00 : f32
        %jit3A_1128 = arith.constant 0.000000e+00 : f32
        %broadcast_in_dim3A_1129 = vector.broadcast %jit3A_1127 : f32 to vector<16xf32>
        %broadcast_in_dim3A_1130 = vector.broadcast %jit3A_1128 : f32 to vector<16xf32>
        %select_n3A_1131 = arith.select %eq3A_1126, %broadcast_in_dim3A_1129, %broadcast_in_dim3A_1130 : vector<16xi1>, vector<16xf32>
        %add3A_1132 = arith.addf %add3A_873, %select_n3A_1131 : vector<16xf32>
        %eq3A_1133 = arith.constant 0 : i32
        %eq3A_1134 = vector.broadcast %eq3A_1133 : i32 to vector<16xi32>
        %eq3A_1135 = arith.cmpi eq, %select_n3A_999, %eq3A_1134 : vector<16xi32>
        %jit3A_1136 = arith.constant 0.000000e+00 : f32
        %broadcast_in_dim3A_1137 = vector.broadcast %jit3A_1136 : f32 to vector<16xf32>
        %select_n3A_1138 = arith.select %eq3A_1135, %add3A_1042, %broadcast_in_dim3A_1137 : vector<16xi1>, vector<16xf32>
        %add3A_1139 = arith.addf %add3A_880, %select_n3A_1138 : vector<16xf32>
        %eq3A_1140 = arith.constant 1 : i32
        %eq3A_1141 = vector.broadcast %eq3A_1140 : i32 to vector<16xi32>
        %eq3A_1142 = arith.cmpi eq, %select_n3A_999, %eq3A_1141 : vector<16xi32>
        %jit3A_1143 = arith.constant 0.000000e+00 : f32
        %broadcast_in_dim3A_1144 = vector.broadcast %jit3A_1143 : f32 to vector<16xf32>
        %select_n3A_1145 = arith.select %eq3A_1142, %add3A_1042, %broadcast_in_dim3A_1144 : vector<16xi1>, vector<16xf32>
        %add3A_1146 = arith.addf %add3A_887, %select_n3A_1145 : vector<16xf32>
        %eq3A_1147 = arith.constant 2 : i32
        %eq3A_1148 = vector.broadcast %eq3A_1147 : i32 to vector<16xi32>
        %eq3A_1149 = arith.cmpi eq, %select_n3A_999, %eq3A_1148 : vector<16xi32>
        %jit3A_1150 = arith.constant 0.000000e+00 : f32
        %broadcast_in_dim3A_1151 = vector.broadcast %jit3A_1150 : f32 to vector<16xf32>
        %select_n3A_1152 = arith.select %eq3A_1149, %add3A_1042, %broadcast_in_dim3A_1151 : vector<16xi1>, vector<16xf32>
        %add3A_1153 = arith.addf %add3A_894, %select_n3A_1152 : vector<16xf32>
        %eq3A_1154 = arith.constant 3 : i32
        %eq3A_1155 = vector.broadcast %eq3A_1154 : i32 to vector<16xi32>
        %eq3A_1156 = arith.cmpi eq, %select_n3A_999, %eq3A_1155 : vector<16xi32>
        %jit3A_1157 = arith.constant 0.000000e+00 : f32
        %broadcast_in_dim3A_1158 = vector.broadcast %jit3A_1157 : f32 to vector<16xf32>
        %select_n3A_1159 = arith.select %eq3A_1156, %add3A_1042, %broadcast_in_dim3A_1158 : vector<16xi1>, vector<16xf32>
        %add3A_1160 = arith.addf %add3A_901, %select_n3A_1159 : vector<16xf32>
        %eq3A_1161 = arith.constant 4 : i32
        %eq3A_1162 = vector.broadcast %eq3A_1161 : i32 to vector<16xi32>
        %eq3A_1163 = arith.cmpi eq, %select_n3A_999, %eq3A_1162 : vector<16xi32>
        %jit3A_1164 = arith.constant 0.000000e+00 : f32
        %broadcast_in_dim3A_1165 = vector.broadcast %jit3A_1164 : f32 to vector<16xf32>
        %select_n3A_1166 = arith.select %eq3A_1163, %add3A_1042, %broadcast_in_dim3A_1165 : vector<16xi1>, vector<16xf32>
        %add3A_1167 = arith.addf %add3A_908, %select_n3A_1166 : vector<16xf32>
        %eq3A_1168 = arith.constant 5 : i32
        %eq3A_1169 = vector.broadcast %eq3A_1168 : i32 to vector<16xi32>
        %eq3A_1170 = arith.cmpi eq, %select_n3A_999, %eq3A_1169 : vector<16xi32>
        %jit3A_1171 = arith.constant 0.000000e+00 : f32
        %broadcast_in_dim3A_1172 = vector.broadcast %jit3A_1171 : f32 to vector<16xf32>
        %select_n3A_1173 = arith.select %eq3A_1170, %add3A_1042, %broadcast_in_dim3A_1172 : vector<16xi1>, vector<16xf32>
        %add3A_1174 = arith.addf %add3A_915, %select_n3A_1173 : vector<16xf32>
        %eq3A_1175 = arith.constant 6 : i32
        %eq3A_1176 = vector.broadcast %eq3A_1175 : i32 to vector<16xi32>
        %eq3A_1177 = arith.cmpi eq, %select_n3A_999, %eq3A_1176 : vector<16xi32>
        %jit3A_1178 = arith.constant 0.000000e+00 : f32
        %broadcast_in_dim3A_1179 = vector.broadcast %jit3A_1178 : f32 to vector<16xf32>
        %select_n3A_1180 = arith.select %eq3A_1177, %add3A_1042, %broadcast_in_dim3A_1179 : vector<16xi1>, vector<16xf32>
        %add3A_1181 = arith.addf %add3A_922, %select_n3A_1180 : vector<16xf32>
        %eq3A_1182 = arith.constant 7 : i32
        %eq3A_1183 = vector.broadcast %eq3A_1182 : i32 to vector<16xi32>
        %eq3A_1184 = arith.cmpi eq, %select_n3A_999, %eq3A_1183 : vector<16xi32>
        %jit3A_1185 = arith.constant 0.000000e+00 : f32
        %broadcast_in_dim3A_1186 = vector.broadcast %jit3A_1185 : f32 to vector<16xf32>
        %select_n3A_1187 = arith.select %eq3A_1184, %add3A_1042, %broadcast_in_dim3A_1186 : vector<16xi1>, vector<16xf32>
        %add3A_1188 = arith.addf %add3A_929, %select_n3A_1187 : vector<16xf32>
        %eq3A_1189 = arith.constant 8 : i32
        %eq3A_1190 = vector.broadcast %eq3A_1189 : i32 to vector<16xi32>
        %eq3A_1191 = arith.cmpi eq, %select_n3A_999, %eq3A_1190 : vector<16xi32>
        %jit3A_1192 = arith.constant 0.000000e+00 : f32
        %broadcast_in_dim3A_1193 = vector.broadcast %jit3A_1192 : f32 to vector<16xf32>
        %select_n3A_1194 = arith.select %eq3A_1191, %add3A_1042, %broadcast_in_dim3A_1193 : vector<16xi1>, vector<16xf32>
        %add3A_1195 = arith.addf %add3A_936, %select_n3A_1194 : vector<16xf32>
        %eq3A_1196 = arith.constant 9 : i32
        %eq3A_1197 = vector.broadcast %eq3A_1196 : i32 to vector<16xi32>
        %eq3A_1198 = arith.cmpi eq, %select_n3A_999, %eq3A_1197 : vector<16xi32>
        %jit3A_1199 = arith.constant 0.000000e+00 : f32
        %broadcast_in_dim3A_1200 = vector.broadcast %jit3A_1199 : f32 to vector<16xf32>
        %select_n3A_1201 = arith.select %eq3A_1198, %add3A_1042, %broadcast_in_dim3A_1200 : vector<16xi1>, vector<16xf32>
        %add3A_1202 = arith.addf %add3A_943, %select_n3A_1201 : vector<16xf32>
        %get3A_1203 = arith.index_cast %scan3A_156 : i32 to index
        %get3A_1204 = arith.constant 64 : index
        %get3A_1205 = tpu.vector_load %arg6[%get3A_1203, %get3A_1204] {strides = array<i32>} : memref<128x80xf32, #tpu.memory_space<vmem>>, vector<16xf32>,
        %get3A_1206 = arith.index_cast %scan3A_156 : i32 to index
        %get3A_1207 = arith.constant 64 : index
        %get3A_1208 = tpu.vector_load %arg8[%get3A_1206, %get3A_1207] {strides = array<i32>} : memref<128x80xi32, #tpu.memory_space<vmem>>, vector<16xi32>,
        %get3A_1209 = arith.index_cast %scan3A_156 : i32 to index
        %get3A_1210 = arith.constant 64 : index
        %get3A_1211 = tpu.vector_load %arg10[%get3A_1209, %get3A_1210] {strides = array<i32>} : memref<128x80xi32, #tpu.memory_space<vmem>>, vector<16xi32>,
        %gt3A_1212 = arith.constant 0 : i32
        %gt3A_1213 = vector.broadcast %gt3A_1212 : i32 to vector<16xi32>
        %gt3A_1214 = arith.cmpi sgt, %get3A_1208, %gt3A_1213 : vector<16xi32>
        %neg3A_1215 = arith.constant 0.000000e+00 : f32
        %neg3A_1216 = vector.broadcast %neg3A_1215 : f32 to vector<16xf32>
        %neg3A_1217 = arith.subf %neg3A_1216, %get3A_1205 : vector<16xf32>
        %select_n3A_1218 = arith.select %gt3A_1214, %neg3A_1217, %get3A_1205 : vector<16xi1>, vector<16xf32>
        %gt3A_1219 = arith.constant 0 : i32
        %gt3A_1220 = vector.broadcast %gt3A_1219 : i32 to vector<16xi32>
        %gt3A_1221 = arith.cmpi sgt, %get3A_1211, %gt3A_1220 : vector<16xi32>
        %max3A_1222 = arith.constant -2.310000e+00 : f32
        %max3A_1223 = vector.broadcast %max3A_1222 : f32 to vector<16xf32>
        %max3A_1224 = arith.maximumf %select_n3A_1218, %max3A_1223 : vector<16xf32>
        %min3A_1225 = arith.constant 2.310000e+00 : f32
        %min3A_1226 = vector.broadcast %min3A_1225 : f32 to vector<16xf32>
        %min3A_1227 = arith.minimumf %max3A_1224, %min3A_1226 : vector<16xf32>
        %mul3A_1228 = arith.mulf %min3A_1227, %min3A_1227 : vector<16xf32>
        %broadcast_in_dim3A_1229 = arith.constant -5.25261385E-6 : f32
        %broadcast_in_dim3A_1230 = vector.broadcast %broadcast_in_dim3A_1229 : f32 to vector<16xf32>
        %mul3A_1231 = arith.mulf %broadcast_in_dim3A_1230, %mul3A_1228 : vector<16xf32>
        %add3A_1232 = arith.constant 1.38540621E-4 : f32
        %add3A_1233 = vector.broadcast %add3A_1232 : f32 to vector<16xf32>
        %add3A_1234 = arith.addf %mul3A_1231, %add3A_1233 : vector<16xf32>
        %mul3A_1235 = arith.mulf %add3A_1234, %mul3A_1228 : vector<16xf32>
        %add3A_1236 = arith.constant -0.0019150459 : f32
        %add3A_1237 = vector.broadcast %add3A_1236 : f32 to vector<16xf32>
        %add3A_1238 = arith.addf %mul3A_1235, %add3A_1237 : vector<16xf32>
        %mul3A_1239 = arith.mulf %add3A_1238, %mul3A_1228 : vector<16xf32>
        %add3A_1240 = arith.constant 0.0205756668 : f32
        %add3A_1241 = vector.broadcast %add3A_1240 : f32 to vector<16xf32>
        %add3A_1242 = arith.addf %mul3A_1239, %add3A_1241 : vector<16xf32>
        %mul3A_1243 = arith.mulf %add3A_1242, %mul3A_1228 : vector<16xf32>
        %add3A_1244 = arith.constant -0.208181709 : f32
        %add3A_1245 = vector.broadcast %add3A_1244 : f32 to vector<16xf32>
        %add3A_1246 = arith.addf %mul3A_1243, %add3A_1245 : vector<16xf32>
        %mul3A_1247 = arith.mulf %add3A_1246, %mul3A_1228 : vector<16xf32>
        %add3A_1248 = arith.constant 2.49997425 : f32
        %add3A_1249 = vector.broadcast %add3A_1248 : f32 to vector<16xf32>
        %add3A_1250 = arith.addf %mul3A_1247, %add3A_1249 : vector<16xf32>
        %mul3A_1251 = arith.mulf %min3A_1227, %add3A_1250 : vector<16xf32>
        %add3A_1252 = arith.constant 5.000000e+00 : f32
        %add3A_1253 = vector.broadcast %add3A_1252 : f32 to vector<16xf32>
        %add3A_1254 = arith.addf %mul3A_1251, %add3A_1253 : vector<16xf32>
        %convert_element_type3A_1255 = arith.fptosi %add3A_1254 : vector<16xf32> to vector<16xi32>
        %jit3A_1256 = arith.constant 12 : i32
        %broadcast_in_dim3A_1257 = vector.broadcast %jit3A_1256 : i32 to vector<16xi32>
        %select_n3A_1258 = arith.select %gt3A_1221, %convert_element_type3A_1255, %broadcast_in_dim3A_1257 : vector<16xi1>, vector<16xi32>
        %abs3A_1259 = math.absf %select_n3A_1218 : vector<16xf32>
        %neg3A_1260 = arith.constant 0.000000e+00 : f32
        %neg3A_1261 = vector.broadcast %neg3A_1260 : f32 to vector<16xf32>
        %neg3A_1262 = arith.subf %neg3A_1261, %abs3A_1259 : vector<16xf32>
        %exp3A_1263 = math.exp %neg3A_1262 : vector<16xf32>
        %broadcast_in_dim3A_1264 = arith.constant -0.00615154486 : f32
        %broadcast_in_dim3A_1265 = vector.broadcast %broadcast_in_dim3A_1264 : f32 to vector<16xf32>
        %mul3A_1266 = arith.mulf %broadcast_in_dim3A_1265, %exp3A_1263 : vector<16xf32>
        %add3A_1267 = arith.constant 0.034850128 : f32
        %add3A_1268 = vector.broadcast %add3A_1267 : f32 to vector<16xf32>
        %add3A_1269 = arith.addf %mul3A_1266, %add3A_1268 : vector<16xf32>
        %mul3A_1270 = arith.mulf %add3A_1269, %exp3A_1263 : vector<16xf32>
        %add3A_1271 = arith.constant -0.093252942 : f32
        %add3A_1272 = vector.broadcast %add3A_1271 : f32 to vector<16xf32>
        %add3A_1273 = arith.addf %mul3A_1270, %add3A_1272 : vector<16xf32>
        %mul3A_1274 = arith.mulf %add3A_1273, %exp3A_1263 : vector<16xf32>
        %add3A_1275 = arith.constant 0.165823758 : f32
        %add3A_1276 = vector.broadcast %add3A_1275 : f32 to vector<16xf32>
        %add3A_1277 = arith.addf %mul3A_1274, %add3A_1276 : vector<16xf32>
        %mul3A_1278 = arith.mulf %add3A_1277, %exp3A_1263 : vector<16xf32>
        %add3A_1279 = arith.constant -0.239826784 : f32
        %add3A_1280 = vector.broadcast %add3A_1279 : f32 to vector<16xf32>
        %add3A_1281 = arith.addf %mul3A_1278, %add3A_1280 : vector<16xf32>
        %mul3A_1282 = arith.mulf %add3A_1281, %exp3A_1263 : vector<16xf32>
        %add3A_1283 = arith.constant 0.33154884 : f32
        %add3A_1284 = vector.broadcast %add3A_1283 : f32 to vector<16xf32>
        %add3A_1285 = arith.addf %mul3A_1282, %add3A_1284 : vector<16xf32>
        %mul3A_1286 = arith.mulf %add3A_1285, %exp3A_1263 : vector<16xf32>
        %add3A_1287 = arith.constant -0.499838591 : f32
        %add3A_1288 = vector.broadcast %add3A_1287 : f32 to vector<16xf32>
        %add3A_1289 = arith.addf %mul3A_1286, %add3A_1288 : vector<16xf32>
        %mul3A_1290 = arith.mulf %add3A_1289, %exp3A_1263 : vector<16xf32>
        %add3A_1291 = arith.constant 0.999994277 : f32
        %add3A_1292 = vector.broadcast %add3A_1291 : f32 to vector<16xf32>
        %add3A_1293 = arith.addf %mul3A_1290, %add3A_1292 : vector<16xf32>
        %mul3A_1294 = arith.mulf %add3A_1293, %exp3A_1263 : vector<16xf32>
        %add3A_1295 = arith.constant 3.38009194E-8 : f32
        %add3A_1296 = vector.broadcast %add3A_1295 : f32 to vector<16xf32>
        %add3A_1297 = arith.addf %mul3A_1294, %add3A_1296 : vector<16xf32>
        %max3A_1298 = arith.constant 0.000000e+00 : f32
        %max3A_1299 = vector.broadcast %max3A_1298 : f32 to vector<16xf32>
        %max3A_1300 = arith.maximumf %select_n3A_1218, %max3A_1299 : vector<16xf32>
        %add3A_1301 = arith.addf %max3A_1300, %add3A_1297 : vector<16xf32>
        %eq3A_1302 = arith.constant 0 : i32
        %eq3A_1303 = vector.broadcast %eq3A_1302 : i32 to vector<16xi32>
        %eq3A_1304 = arith.cmpi eq, %select_n3A_1258, %eq3A_1303 : vector<16xi32>
        %jit3A_1305 = arith.constant 1.000000e+00 : f32
        %jit3A_1306 = arith.constant 0.000000e+00 : f32
        %broadcast_in_dim3A_1307 = vector.broadcast %jit3A_1305 : f32 to vector<16xf32>
        %broadcast_in_dim3A_1308 = vector.broadcast %jit3A_1306 : f32 to vector<16xf32>
        %select_n3A_1309 = arith.select %eq3A_1304, %broadcast_in_dim3A_1307, %broadcast_in_dim3A_1308 : vector<16xi1>, vector<16xf32>
        %add3A_1310 = arith.addf %add3A_1051, %select_n3A_1309 : vector<16xf32>
        %eq3A_1311 = arith.constant 1 : i32
        %eq3A_1312 = vector.broadcast %eq3A_1311 : i32 to vector<16xi32>
        %eq3A_1313 = arith.cmpi eq, %select_n3A_1258, %eq3A_1312 : vector<16xi32>
        %jit3A_1314 = arith.constant 1.000000e+00 : f32
        %jit3A_1315 = arith.constant 0.000000e+00 : f32
        %broadcast_in_dim3A_1316 = vector.broadcast %jit3A_1314 : f32 to vector<16xf32>
        %broadcast_in_dim3A_1317 = vector.broadcast %jit3A_1315 : f32 to vector<16xf32>
        %select_n3A_1318 = arith.select %eq3A_1313, %broadcast_in_dim3A_1316, %broadcast_in_dim3A_1317 : vector<16xi1>, vector<16xf32>
        %add3A_1319 = arith.addf %add3A_1060, %select_n3A_1318 : vector<16xf32>
        %eq3A_1320 = arith.constant 2 : i32
        %eq3A_1321 = vector.broadcast %eq3A_1320 : i32 to vector<16xi32>
        %eq3A_1322 = arith.cmpi eq, %select_n3A_1258, %eq3A_1321 : vector<16xi32>
        %jit3A_1323 = arith.constant 1.000000e+00 : f32
        %jit3A_1324 = arith.constant 0.000000e+00 : f32
        %broadcast_in_dim3A_1325 = vector.broadcast %jit3A_1323 : f32 to vector<16xf32>
        %broadcast_in_dim3A_1326 = vector.broadcast %jit3A_1324 : f32 to vector<16xf32>
        %select_n3A_1327 = arith.select %eq3A_1322, %broadcast_in_dim3A_1325, %broadcast_in_dim3A_1326 : vector<16xi1>, vector<16xf32>
        %add3A_1328 = arith.addf %add3A_1069, %select_n3A_1327 : vector<16xf32>
        %eq3A_1329 = arith.constant 3 : i32
        %eq3A_1330 = vector.broadcast %eq3A_1329 : i32 to vector<16xi32>
        %eq3A_1331 = arith.cmpi eq, %select_n3A_1258, %eq3A_1330 : vector<16xi32>
        %jit3A_1332 = arith.constant 1.000000e+00 : f32
        %jit3A_1333 = arith.constant 0.000000e+00 : f32
        %broadcast_in_dim3A_1334 = vector.broadcast %jit3A_1332 : f32 to vector<16xf32>
        %broadcast_in_dim3A_1335 = vector.broadcast %jit3A_1333 : f32 to vector<16xf32>
        %select_n3A_1336 = arith.select %eq3A_1331, %broadcast_in_dim3A_1334, %broadcast_in_dim3A_1335 : vector<16xi1>, vector<16xf32>
        %add3A_1337 = arith.addf %add3A_1078, %select_n3A_1336 : vector<16xf32>
        %eq3A_1338 = arith.constant 4 : i32
        %eq3A_1339 = vector.broadcast %eq3A_1338 : i32 to vector<16xi32>
        %eq3A_1340 = arith.cmpi eq, %select_n3A_1258, %eq3A_1339 : vector<16xi32>
        %jit3A_1341 = arith.constant 1.000000e+00 : f32
        %jit3A_1342 = arith.constant 0.000000e+00 : f32
        %broadcast_in_dim3A_1343 = vector.broadcast %jit3A_1341 : f32 to vector<16xf32>
        %broadcast_in_dim3A_1344 = vector.broadcast %jit3A_1342 : f32 to vector<16xf32>
        %select_n3A_1345 = arith.select %eq3A_1340, %broadcast_in_dim3A_1343, %broadcast_in_dim3A_1344 : vector<16xi1>, vector<16xf32>
        %add3A_1346 = arith.addf %add3A_1087, %select_n3A_1345 : vector<16xf32>
        %eq3A_1347 = arith.constant 5 : i32
        %eq3A_1348 = vector.broadcast %eq3A_1347 : i32 to vector<16xi32>
        %eq3A_1349 = arith.cmpi eq, %select_n3A_1258, %eq3A_1348 : vector<16xi32>
        %jit3A_1350 = arith.constant 1.000000e+00 : f32
        %jit3A_1351 = arith.constant 0.000000e+00 : f32
        %broadcast_in_dim3A_1352 = vector.broadcast %jit3A_1350 : f32 to vector<16xf32>
        %broadcast_in_dim3A_1353 = vector.broadcast %jit3A_1351 : f32 to vector<16xf32>
        %select_n3A_1354 = arith.select %eq3A_1349, %broadcast_in_dim3A_1352, %broadcast_in_dim3A_1353 : vector<16xi1>, vector<16xf32>
        %add3A_1355 = arith.addf %add3A_1096, %select_n3A_1354 : vector<16xf32>
        %eq3A_1356 = arith.constant 6 : i32
        %eq3A_1357 = vector.broadcast %eq3A_1356 : i32 to vector<16xi32>
        %eq3A_1358 = arith.cmpi eq, %select_n3A_1258, %eq3A_1357 : vector<16xi32>
        %jit3A_1359 = arith.constant 1.000000e+00 : f32
        %jit3A_1360 = arith.constant 0.000000e+00 : f32
        %broadcast_in_dim3A_1361 = vector.broadcast %jit3A_1359 : f32 to vector<16xf32>
        %broadcast_in_dim3A_1362 = vector.broadcast %jit3A_1360 : f32 to vector<16xf32>
        %select_n3A_1363 = arith.select %eq3A_1358, %broadcast_in_dim3A_1361, %broadcast_in_dim3A_1362 : vector<16xi1>, vector<16xf32>
        %add3A_1364 = arith.addf %add3A_1105, %select_n3A_1363 : vector<16xf32>
        %eq3A_1365 = arith.constant 7 : i32
        %eq3A_1366 = vector.broadcast %eq3A_1365 : i32 to vector<16xi32>
        %eq3A_1367 = arith.cmpi eq, %select_n3A_1258, %eq3A_1366 : vector<16xi32>
        %jit3A_1368 = arith.constant 1.000000e+00 : f32
        %jit3A_1369 = arith.constant 0.000000e+00 : f32
        %broadcast_in_dim3A_1370 = vector.broadcast %jit3A_1368 : f32 to vector<16xf32>
        %broadcast_in_dim3A_1371 = vector.broadcast %jit3A_1369 : f32 to vector<16xf32>
        %select_n3A_1372 = arith.select %eq3A_1367, %broadcast_in_dim3A_1370, %broadcast_in_dim3A_1371 : vector<16xi1>, vector<16xf32>
        %add3A_1373 = arith.addf %add3A_1114, %select_n3A_1372 : vector<16xf32>
        %eq3A_1374 = arith.constant 8 : i32
        %eq3A_1375 = vector.broadcast %eq3A_1374 : i32 to vector<16xi32>
        %eq3A_1376 = arith.cmpi eq, %select_n3A_1258, %eq3A_1375 : vector<16xi32>
        %jit3A_1377 = arith.constant 1.000000e+00 : f32
        %jit3A_1378 = arith.constant 0.000000e+00 : f32
        %broadcast_in_dim3A_1379 = vector.broadcast %jit3A_1377 : f32 to vector<16xf32>
        %broadcast_in_dim3A_1380 = vector.broadcast %jit3A_1378 : f32 to vector<16xf32>
        %select_n3A_1381 = arith.select %eq3A_1376, %broadcast_in_dim3A_1379, %broadcast_in_dim3A_1380 : vector<16xi1>, vector<16xf32>
        %add3A_1382 = arith.addf %add3A_1123, %select_n3A_1381 : vector<16xf32>
        %eq3A_1383 = arith.constant 9 : i32
        %eq3A_1384 = vector.broadcast %eq3A_1383 : i32 to vector<16xi32>
        %eq3A_1385 = arith.cmpi eq, %select_n3A_1258, %eq3A_1384 : vector<16xi32>
        %jit3A_1386 = arith.constant 1.000000e+00 : f32
        %jit3A_1387 = arith.constant 0.000000e+00 : f32
        %broadcast_in_dim3A_1388 = vector.broadcast %jit3A_1386 : f32 to vector<16xf32>
        %broadcast_in_dim3A_1389 = vector.broadcast %jit3A_1387 : f32 to vector<16xf32>
        %select_n3A_1390 = arith.select %eq3A_1385, %broadcast_in_dim3A_1388, %broadcast_in_dim3A_1389 : vector<16xi1>, vector<16xf32>
        %add3A_1391 = arith.addf %add3A_1132, %select_n3A_1390 : vector<16xf32>
        %eq3A_1392 = arith.constant 0 : i32
        %eq3A_1393 = vector.broadcast %eq3A_1392 : i32 to vector<16xi32>
        %eq3A_1394 = arith.cmpi eq, %select_n3A_1258, %eq3A_1393 : vector<16xi32>
        %jit3A_1395 = arith.constant 0.000000e+00 : f32
        %broadcast_in_dim3A_1396 = vector.broadcast %jit3A_1395 : f32 to vector<16xf32>
        %select_n3A_1397 = arith.select %eq3A_1394, %add3A_1301, %broadcast_in_dim3A_1396 : vector<16xi1>, vector<16xf32>
        %add3A_1398 = arith.addf %add3A_1139, %select_n3A_1397 : vector<16xf32>
        %eq3A_1399 = arith.constant 1 : i32
        %eq3A_1400 = vector.broadcast %eq3A_1399 : i32 to vector<16xi32>
        %eq3A_1401 = arith.cmpi eq, %select_n3A_1258, %eq3A_1400 : vector<16xi32>
        %jit3A_1402 = arith.constant 0.000000e+00 : f32
        %broadcast_in_dim3A_1403 = vector.broadcast %jit3A_1402 : f32 to vector<16xf32>
        %select_n3A_1404 = arith.select %eq3A_1401, %add3A_1301, %broadcast_in_dim3A_1403 : vector<16xi1>, vector<16xf32>
        %add3A_1405 = arith.addf %add3A_1146, %select_n3A_1404 : vector<16xf32>
        %eq3A_1406 = arith.constant 2 : i32
        %eq3A_1407 = vector.broadcast %eq3A_1406 : i32 to vector<16xi32>
        %eq3A_1408 = arith.cmpi eq, %select_n3A_1258, %eq3A_1407 : vector<16xi32>
        %jit3A_1409 = arith.constant 0.000000e+00 : f32
        %broadcast_in_dim3A_1410 = vector.broadcast %jit3A_1409 : f32 to vector<16xf32>
        %select_n3A_1411 = arith.select %eq3A_1408, %add3A_1301, %broadcast_in_dim3A_1410 : vector<16xi1>, vector<16xf32>
        %add3A_1412 = arith.addf %add3A_1153, %select_n3A_1411 : vector<16xf32>
        %eq3A_1413 = arith.constant 3 : i32
        %eq3A_1414 = vector.broadcast %eq3A_1413 : i32 to vector<16xi32>
        %eq3A_1415 = arith.cmpi eq, %select_n3A_1258, %eq3A_1414 : vector<16xi32>
        %jit3A_1416 = arith.constant 0.000000e+00 : f32
        %broadcast_in_dim3A_1417 = vector.broadcast %jit3A_1416 : f32 to vector<16xf32>
        %select_n3A_1418 = arith.select %eq3A_1415, %add3A_1301, %broadcast_in_dim3A_1417 : vector<16xi1>, vector<16xf32>
        %add3A_1419 = arith.addf %add3A_1160, %select_n3A_1418 : vector<16xf32>
        %eq3A_1420 = arith.constant 4 : i32
        %eq3A_1421 = vector.broadcast %eq3A_1420 : i32 to vector<16xi32>
        %eq3A_1422 = arith.cmpi eq, %select_n3A_1258, %eq3A_1421 : vector<16xi32>
        %jit3A_1423 = arith.constant 0.000000e+00 : f32
        %broadcast_in_dim3A_1424 = vector.broadcast %jit3A_1423 : f32 to vector<16xf32>
        %select_n3A_1425 = arith.select %eq3A_1422, %add3A_1301, %broadcast_in_dim3A_1424 : vector<16xi1>, vector<16xf32>
        %add3A_1426 = arith.addf %add3A_1167, %select_n3A_1425 : vector<16xf32>
        %eq3A_1427 = arith.constant 5 : i32
        %eq3A_1428 = vector.broadcast %eq3A_1427 : i32 to vector<16xi32>
        %eq3A_1429 = arith.cmpi eq, %select_n3A_1258, %eq3A_1428 : vector<16xi32>
        %jit3A_1430 = arith.constant 0.000000e+00 : f32
        %broadcast_in_dim3A_1431 = vector.broadcast %jit3A_1430 : f32 to vector<16xf32>
        %select_n3A_1432 = arith.select %eq3A_1429, %add3A_1301, %broadcast_in_dim3A_1431 : vector<16xi1>, vector<16xf32>
        %add3A_1433 = arith.addf %add3A_1174, %select_n3A_1432 : vector<16xf32>
        %eq3A_1434 = arith.constant 6 : i32
        %eq3A_1435 = vector.broadcast %eq3A_1434 : i32 to vector<16xi32>
        %eq3A_1436 = arith.cmpi eq, %select_n3A_1258, %eq3A_1435 : vector<16xi32>
        %jit3A_1437 = arith.constant 0.000000e+00 : f32
        %broadcast_in_dim3A_1438 = vector.broadcast %jit3A_1437 : f32 to vector<16xf32>
        %select_n3A_1439 = arith.select %eq3A_1436, %add3A_1301, %broadcast_in_dim3A_1438 : vector<16xi1>, vector<16xf32>
        %add3A_1440 = arith.addf %add3A_1181, %select_n3A_1439 : vector<16xf32>
        %eq3A_1441 = arith.constant 7 : i32
        %eq3A_1442 = vector.broadcast %eq3A_1441 : i32 to vector<16xi32>
        %eq3A_1443 = arith.cmpi eq, %select_n3A_1258, %eq3A_1442 : vector<16xi32>
        %jit3A_1444 = arith.constant 0.000000e+00 : f32
        %broadcast_in_dim3A_1445 = vector.broadcast %jit3A_1444 : f32 to vector<16xf32>
        %select_n3A_1446 = arith.select %eq3A_1443, %add3A_1301, %broadcast_in_dim3A_1445 : vector<16xi1>, vector<16xf32>
        %add3A_1447 = arith.addf %add3A_1188, %select_n3A_1446 : vector<16xf32>
        %eq3A_1448 = arith.constant 8 : i32
        %eq3A_1449 = vector.broadcast %eq3A_1448 : i32 to vector<16xi32>
        %eq3A_1450 = arith.cmpi eq, %select_n3A_1258, %eq3A_1449 : vector<16xi32>
        %jit3A_1451 = arith.constant 0.000000e+00 : f32
        %broadcast_in_dim3A_1452 = vector.broadcast %jit3A_1451 : f32 to vector<16xf32>
        %select_n3A_1453 = arith.select %eq3A_1450, %add3A_1301, %broadcast_in_dim3A_1452 : vector<16xi1>, vector<16xf32>
        %add3A_1454 = arith.addf %add3A_1195, %select_n3A_1453 : vector<16xf32>
        %eq3A_1455 = arith.constant 9 : i32
        %eq3A_1456 = vector.broadcast %eq3A_1455 : i32 to vector<16xi32>
        %eq3A_1457 = arith.cmpi eq, %select_n3A_1258, %eq3A_1456 : vector<16xi32>
        %jit3A_1458 = arith.constant 0.000000e+00 : f32
        %broadcast_in_dim3A_1459 = vector.broadcast %jit3A_1458 : f32 to vector<16xf32>
        %select_n3A_1460 = arith.select %eq3A_1457, %add3A_1301, %broadcast_in_dim3A_1459 : vector<16xi1>, vector<16xf32>
        %add3A_1461 = arith.addf %add3A_1202, %select_n3A_1460 : vector<16xf32>
        scf.yield %add3A_1310, %add3A_1319, %add3A_1328, %add3A_1337, %add3A_1346, %add3A_1355, %add3A_1364, %add3A_1373, %add3A_1382, %add3A_1391, %add3A_1398, %add3A_1405, %add3A_1412, %add3A_1419, %add3A_1426, %add3A_1433, %add3A_1440, %add3A_1447, %add3A_1454, %add3A_1461 : vector<16xf32>, vector<16xf32>, vector<16xf32>, vector<16xf32>, vector<16xf32>, vector<16xf32>, vector<16xf32>, vector<16xf32>, vector<16xf32>, vector<16xf32>, vector<16xf32>, vector<16xf32>, vector<16xf32>, vector<16xf32>, vector<16xf32>, vector<16xf32>, vector<16xf32>, vector<16xf32>, vector<16xf32>, vector<16xf32>
      }
      %scan3A_129 = arith.constant 128 : i32
      %lt3A = arith.constant 3 : i32
      %lt3A_130 = arith.cmpi slt, %scan3A_67, %lt3A : i32
      %convert_element_type3A = arith.extui %lt3A_130 : i1 to i32
      %cond3A = arith.constant 0 : i32
      %cond3A_131 = arith.cmpi ne, %convert_element_type3A, %cond3A : i32
      scf.if %cond3A_131 {
        %add3A_156 = arith.constant 2 : i32
        %add3A_157 = arith.addi %mul3A_89, %add3A_156 : i32
        %mul3A_158 = arith.constant 128 : i32
        %mul3A_159 = arith.muli %add3A_157, %mul3A_158 : i32
        %add3A_160 = arith.addi %mul3A_2, %mul3A_159 : i32
        %dma_start3A_161 = arith.constant 0 : i32
        %dma_start3A_162 = tpu.memref_slice %arg2[%add3A_160, %dma_start3A_161] : memref<131072x80xf32, #tpu.memory_space<hbm>> -> memref<128x80xf32, #tpu.memory_space<hbm>>
        %dma_start3A_163 = arith.constant 0 : i32
        %dma_start3A_164 = tpu.memref_slice %arg2[%add3A_160, %dma_start3A_163] : memref<131072x80xf32, #tpu.memory_space<hbm>> -> memref<128x80xf32, #tpu.memory_space<hbm>>
        tpu.enqueue_dma source(%dma_start3A_164 : memref<128x80xf32, #tpu.memory_space<hbm>>) target(%arg6 : memref<128x80xf32, #tpu.memory_space<vmem>>) target_semaphore(%arg13 : memref<!tpu.dma_semaphore, #tpu.memory_space<semaphore_mem>>)
        %dma_start3A_165 = arith.constant 0 : i32
        %dma_start3A_166 = tpu.memref_slice %arg3[%add3A_160, %dma_start3A_165] : memref<131072x80xi32, #tpu.memory_space<hbm>> -> memref<128x80xi32, #tpu.memory_space<hbm>>
        %dma_start3A_167 = arith.constant 0 : i32
        %dma_start3A_168 = tpu.memref_slice %arg3[%add3A_160, %dma_start3A_167] : memref<131072x80xi32, #tpu.memory_space<hbm>> -> memref<128x80xi32, #tpu.memory_space<hbm>>
        tpu.enqueue_dma source(%dma_start3A_168 : memref<128x80xi32, #tpu.memory_space<hbm>>) target(%arg8 : memref<128x80xi32, #tpu.memory_space<vmem>>) target_semaphore(%arg13 : memref<!tpu.dma_semaphore, #tpu.memory_space<semaphore_mem>>)
        %dma_start3A_169 = arith.constant 0 : i32
        %dma_start3A_170 = tpu.memref_slice %arg4[%add3A_160, %dma_start3A_169] : memref<131072x80xi32, #tpu.memory_space<hbm>> -> memref<128x80xi32, #tpu.memory_space<hbm>>
        %dma_start3A_171 = arith.constant 0 : i32
        %dma_start3A_172 = tpu.memref_slice %arg4[%add3A_160, %dma_start3A_171] : memref<131072x80xi32, #tpu.memory_space<hbm>> -> memref<128x80xi32, #tpu.memory_space<hbm>>
        tpu.enqueue_dma source(%dma_start3A_172 : memref<128x80xi32, #tpu.memory_space<hbm>>) target(%arg10 : memref<128x80xi32, #tpu.memory_space<vmem>>) target_semaphore(%arg13 : memref<!tpu.dma_semaphore, #tpu.memory_space<semaphore_mem>>)
      } else {
      }
      %dma_wait3A_132 = arith.constant 0 : i32
      %dma_wait3A_133 = arith.constant 0 : i32
      %dma_wait3A_134 = tpu.memref_slice %arg2[%dma_wait3A_132, %dma_wait3A_133] : memref<131072x80xf32, #tpu.memory_space<hbm>> -> memref<128x80xf32, #tpu.memory_space<hbm>>
      %dma_wait3A_135 = arith.constant 0 : i32
      %dma_wait3A_136 = arith.constant 0 : i32
      %dma_wait3A_137 = tpu.memref_slice %arg2[%dma_wait3A_135, %dma_wait3A_136] : memref<131072x80xf32, #tpu.memory_space<hbm>> -> memref<128x80xf32, #tpu.memory_space<hbm>>
      tpu.wait_dma2 semaphore(%arg14 : memref<!tpu.dma_semaphore, #tpu.memory_space<semaphore_mem>>) src(%dma_wait3A_137 : memref<128x80xf32, #tpu.memory_space<hbm>>) dst(%arg7 : memref<128x80xf32, #tpu.memory_space<vmem>>)
      %dma_wait3A_138 = arith.constant 0 : i32
      %dma_wait3A_139 = arith.constant 0 : i32
      %dma_wait3A_140 = tpu.memref_slice %arg3[%dma_wait3A_138, %dma_wait3A_139] : memref<131072x80xi32, #tpu.memory_space<hbm>> -> memref<128x80xi32, #tpu.memory_space<hbm>>
      %dma_wait3A_141 = arith.constant 0 : i32
      %dma_wait3A_142 = arith.constant 0 : i32
      %dma_wait3A_143 = tpu.memref_slice %arg3[%dma_wait3A_141, %dma_wait3A_142] : memref<131072x80xi32, #tpu.memory_space<hbm>> -> memref<128x80xi32, #tpu.memory_space<hbm>>
      tpu.wait_dma2 semaphore(%arg14 : memref<!tpu.dma_semaphore, #tpu.memory_space<semaphore_mem>>) src(%dma_wait3A_143 : memref<128x80xi32, #tpu.memory_space<hbm>>) dst(%arg9 : memref<128x80xi32, #tpu.memory_space<vmem>>)
      %dma_wait3A_144 = arith.constant 0 : i32
      %dma_wait3A_145 = arith.constant 0 : i32
      %dma_wait3A_146 = tpu.memref_slice %arg4[%dma_wait3A_144, %dma_wait3A_145] : memref<131072x80xi32, #tpu.memory_space<hbm>> -> memref<128x80xi32, #tpu.memory_space<hbm>>
      %dma_wait3A_147 = arith.constant 0 : i32
      %dma_wait3A_148 = arith.constant 0 : i32
      %dma_wait3A_149 = tpu.memref_slice %arg4[%dma_wait3A_147, %dma_wait3A_148] : memref<131072x80xi32, #tpu.memory_space<hbm>> -> memref<128x80xi32, #tpu.memory_space<hbm>>
      tpu.wait_dma2 semaphore(%arg14 : memref<!tpu.dma_semaphore, #tpu.memory_space<semaphore_mem>>) src(%dma_wait3A_149 : memref<128x80xi32, #tpu.memory_space<hbm>>) dst(%arg11 : memref<128x80xi32, #tpu.memory_space<vmem>>)
      %scan3A_150 = arith.constant 0 : i32
      %scan3A_151 = arith.constant 128 : i32
      %scan3A_152 = arith.addi %scan3A_150, %scan3A_151 : i32
      %scan3A_153 = arith.constant 1 : i32
      %scan3A_154:20 = scf.for %scan3A_156 = %scan3A_150 to %scan3A_152 step %scan3A_153 iter_args(%scan3A_157 = %scan3A_128#0, %scan3A_158 = %scan3A_128#1, %scan3A_159 = %scan3A_128#2, %scan3A_160 = %scan3A_128#3, %scan3A_161 = %scan3A_128#4, %scan3A_162 = %scan3A_128#5, %scan3A_163 = %scan3A_128#6, %scan3A_164 = %scan3A_128#7, %scan3A_165 = %scan3A_128#8, %scan3A_166 = %scan3A_128#9, %scan3A_167 = %scan3A_128#10, %scan3A_168 = %scan3A_128#11, %scan3A_169 = %scan3A_128#12, %scan3A_170 = %scan3A_128#13, %scan3A_171 = %scan3A_128#14, %scan3A_172 = %scan3A_128#15, %scan3A_173 = %scan3A_128#16, %scan3A_174 = %scan3A_128#17, %scan3A_175 = %scan3A_128#18, %scan3A_176 = %scan3A_128#19) -> (vector<16xf32>, vector<16xf32>, vector<16xf32>, vector<16xf32>, vector<16xf32>, vector<16xf32>, vector<16xf32>, vector<16xf32>, vector<16xf32>, vector<16xf32>, vector<16xf32>, vector<16xf32>, vector<16xf32>, vector<16xf32>, vector<16xf32>, vector<16xf32>, vector<16xf32>, vector<16xf32>, vector<16xf32>, vector<16xf32>)  : i32 {
        %get3A = arith.index_cast %scan3A_156 : i32 to index
        %get3A_177 = arith.constant 0 : index
        %get3A_178 = tpu.vector_load %arg7[%get3A, %get3A_177] {strides = array<i32>} : memref<128x80xf32, #tpu.memory_space<vmem>>, vector<16xf32>,
        %get3A_179 = arith.index_cast %scan3A_156 : i32 to index
        %get3A_180 = arith.constant 0 : index
        %get3A_181 = tpu.vector_load %arg9[%get3A_179, %get3A_180] {strides = array<i32>} : memref<128x80xi32, #tpu.memory_space<vmem>>, vector<16xi32>,
        %get3A_182 = arith.index_cast %scan3A_156 : i32 to index
        %get3A_183 = arith.constant 0 : index
        %get3A_184 = tpu.vector_load %arg11[%get3A_182, %get3A_183] {strides = array<i32>} : memref<128x80xi32, #tpu.memory_space<vmem>>, vector<16xi32>,
        %gt3A = arith.constant 0 : i32
        %gt3A_185 = vector.broadcast %gt3A : i32 to vector<16xi32>
        %gt3A_186 = arith.cmpi sgt, %get3A_181, %gt3A_185 : vector<16xi32>
        %neg3A = arith.constant 0.000000e+00 : f32
        %neg3A_187 = vector.broadcast %neg3A : f32 to vector<16xf32>
        %neg3A_188 = arith.subf %neg3A_187, %get3A_178 : vector<16xf32>
        %select_n3A = arith.select %gt3A_186, %neg3A_188, %get3A_178 : vector<16xi1>, vector<16xf32>
        %gt3A_189 = arith.constant 0 : i32
        %gt3A_190 = vector.broadcast %gt3A_189 : i32 to vector<16xi32>
        %gt3A_191 = arith.cmpi sgt, %get3A_184, %gt3A_190 : vector<16xi32>
        %max3A = arith.constant -2.310000e+00 : f32
        %max3A_192 = vector.broadcast %max3A : f32 to vector<16xf32>
        %max3A_193 = arith.maximumf %select_n3A, %max3A_192 : vector<16xf32>
        %min3A = arith.constant 2.310000e+00 : f32
        %min3A_194 = vector.broadcast %min3A : f32 to vector<16xf32>
        %min3A_195 = arith.minimumf %max3A_193, %min3A_194 : vector<16xf32>
        %mul3A_196 = arith.mulf %min3A_195, %min3A_195 : vector<16xf32>
        %broadcast_in_dim3A_197 = arith.constant -5.25261385E-6 : f32
        %broadcast_in_dim3A_198 = vector.broadcast %broadcast_in_dim3A_197 : f32 to vector<16xf32>
        %mul3A_199 = arith.mulf %broadcast_in_dim3A_198, %mul3A_196 : vector<16xf32>
        %add3A_200 = arith.constant 1.38540621E-4 : f32
        %add3A_201 = vector.broadcast %add3A_200 : f32 to vector<16xf32>
        %add3A_202 = arith.addf %mul3A_199, %add3A_201 : vector<16xf32>
        %mul3A_203 = arith.mulf %add3A_202, %mul3A_196 : vector<16xf32>
        %add3A_204 = arith.constant -0.0019150459 : f32
        %add3A_205 = vector.broadcast %add3A_204 : f32 to vector<16xf32>
        %add3A_206 = arith.addf %mul3A_203, %add3A_205 : vector<16xf32>
        %mul3A_207 = arith.mulf %add3A_206, %mul3A_196 : vector<16xf32>
        %add3A_208 = arith.constant 0.0205756668 : f32
        %add3A_209 = vector.broadcast %add3A_208 : f32 to vector<16xf32>
        %add3A_210 = arith.addf %mul3A_207, %add3A_209 : vector<16xf32>
        %mul3A_211 = arith.mulf %add3A_210, %mul3A_196 : vector<16xf32>
        %add3A_212 = arith.constant -0.208181709 : f32
        %add3A_213 = vector.broadcast %add3A_212 : f32 to vector<16xf32>
        %add3A_214 = arith.addf %mul3A_211, %add3A_213 : vector<16xf32>
        %mul3A_215 = arith.mulf %add3A_214, %mul3A_196 : vector<16xf32>
        %add3A_216 = arith.constant 2.49997425 : f32
        %add3A_217 = vector.broadcast %add3A_216 : f32 to vector<16xf32>
        %add3A_218 = arith.addf %mul3A_215, %add3A_217 : vector<16xf32>
        %mul3A_219 = arith.mulf %min3A_195, %add3A_218 : vector<16xf32>
        %add3A_220 = arith.constant 5.000000e+00 : f32
        %add3A_221 = vector.broadcast %add3A_220 : f32 to vector<16xf32>
        %add3A_222 = arith.addf %mul3A_219, %add3A_221 : vector<16xf32>
        %convert_element_type3A_223 = arith.fptosi %add3A_222 : vector<16xf32> to vector<16xi32>
        %jit3A = arith.constant 12 : i32
        %broadcast_in_dim3A_224 = vector.broadcast %jit3A : i32 to vector<16xi32>
        %select_n3A_225 = arith.select %gt3A_191, %convert_element_type3A_223, %broadcast_in_dim3A_224 : vector<16xi1>, vector<16xi32>
        %abs3A = math.absf %select_n3A : vector<16xf32>
        %neg3A_226 = arith.constant 0.000000e+00 : f32
        %neg3A_227 = vector.broadcast %neg3A_226 : f32 to vector<16xf32>
        %neg3A_228 = arith.subf %neg3A_227, %abs3A : vector<16xf32>
        %exp3A = math.exp %neg3A_228 : vector<16xf32>
        %broadcast_in_dim3A_229 = arith.constant -0.00615154486 : f32
        %broadcast_in_dim3A_230 = vector.broadcast %broadcast_in_dim3A_229 : f32 to vector<16xf32>
        %mul3A_231 = arith.mulf %broadcast_in_dim3A_230, %exp3A : vector<16xf32>
        %add3A_232 = arith.constant 0.034850128 : f32
        %add3A_233 = vector.broadcast %add3A_232 : f32 to vector<16xf32>
        %add3A_234 = arith.addf %mul3A_231, %add3A_233 : vector<16xf32>
        %mul3A_235 = arith.mulf %add3A_234, %exp3A : vector<16xf32>
        %add3A_236 = arith.constant -0.093252942 : f32
        %add3A_237 = vector.broadcast %add3A_236 : f32 to vector<16xf32>
        %add3A_238 = arith.addf %mul3A_235, %add3A_237 : vector<16xf32>
        %mul3A_239 = arith.mulf %add3A_238, %exp3A : vector<16xf32>
        %add3A_240 = arith.constant 0.165823758 : f32
        %add3A_241 = vector.broadcast %add3A_240 : f32 to vector<16xf32>
        %add3A_242 = arith.addf %mul3A_239, %add3A_241 : vector<16xf32>
        %mul3A_243 = arith.mulf %add3A_242, %exp3A : vector<16xf32>
        %add3A_244 = arith.constant -0.239826784 : f32
        %add3A_245 = vector.broadcast %add3A_244 : f32 to vector<16xf32>
        %add3A_246 = arith.addf %mul3A_243, %add3A_245 : vector<16xf32>
        %mul3A_247 = arith.mulf %add3A_246, %exp3A : vector<16xf32>
        %add3A_248 = arith.constant 0.33154884 : f32
        %add3A_249 = vector.broadcast %add3A_248 : f32 to vector<16xf32>
        %add3A_250 = arith.addf %mul3A_247, %add3A_249 : vector<16xf32>
        %mul3A_251 = arith.mulf %add3A_250, %exp3A : vector<16xf32>
        %add3A_252 = arith.constant -0.499838591 : f32
        %add3A_253 = vector.broadcast %add3A_252 : f32 to vector<16xf32>
        %add3A_254 = arith.addf %mul3A_251, %add3A_253 : vector<16xf32>
        %mul3A_255 = arith.mulf %add3A_254, %exp3A : vector<16xf32>
        %add3A_256 = arith.constant 0.999994277 : f32
        %add3A_257 = vector.broadcast %add3A_256 : f32 to vector<16xf32>
        %add3A_258 = arith.addf %mul3A_255, %add3A_257 : vector<16xf32>
        %mul3A_259 = arith.mulf %add3A_258, %exp3A : vector<16xf32>
        %add3A_260 = arith.constant 3.38009194E-8 : f32
        %add3A_261 = vector.broadcast %add3A_260 : f32 to vector<16xf32>
        %add3A_262 = arith.addf %mul3A_259, %add3A_261 : vector<16xf32>
        %max3A_263 = arith.constant 0.000000e+00 : f32
        %max3A_264 = vector.broadcast %max3A_263 : f32 to vector<16xf32>
        %max3A_265 = arith.maximumf %select_n3A, %max3A_264 : vector<16xf32>
        %add3A_266 = arith.addf %max3A_265, %add3A_262 : vector<16xf32>
        %eq3A = arith.constant 0 : i32
        %eq3A_267 = vector.broadcast %eq3A : i32 to vector<16xi32>
        %eq3A_268 = arith.cmpi eq, %select_n3A_225, %eq3A_267 : vector<16xi32>
        %jit3A_269 = arith.constant 1.000000e+00 : f32
        %jit3A_270 = arith.constant 0.000000e+00 : f32
        %broadcast_in_dim3A_271 = vector.broadcast %jit3A_269 : f32 to vector<16xf32>
        %broadcast_in_dim3A_272 = vector.broadcast %jit3A_270 : f32 to vector<16xf32>
        %select_n3A_273 = arith.select %eq3A_268, %broadcast_in_dim3A_271, %broadcast_in_dim3A_272 : vector<16xi1>, vector<16xf32>
        %add3A_274 = arith.addf %scan3A_157, %select_n3A_273 : vector<16xf32>
        %eq3A_275 = arith.constant 1 : i32
        %eq3A_276 = vector.broadcast %eq3A_275 : i32 to vector<16xi32>
        %eq3A_277 = arith.cmpi eq, %select_n3A_225, %eq3A_276 : vector<16xi32>
        %jit3A_278 = arith.constant 1.000000e+00 : f32
        %jit3A_279 = arith.constant 0.000000e+00 : f32
        %broadcast_in_dim3A_280 = vector.broadcast %jit3A_278 : f32 to vector<16xf32>
        %broadcast_in_dim3A_281 = vector.broadcast %jit3A_279 : f32 to vector<16xf32>
        %select_n3A_282 = arith.select %eq3A_277, %broadcast_in_dim3A_280, %broadcast_in_dim3A_281 : vector<16xi1>, vector<16xf32>
        %add3A_283 = arith.addf %scan3A_158, %select_n3A_282 : vector<16xf32>
        %eq3A_284 = arith.constant 2 : i32
        %eq3A_285 = vector.broadcast %eq3A_284 : i32 to vector<16xi32>
        %eq3A_286 = arith.cmpi eq, %select_n3A_225, %eq3A_285 : vector<16xi32>
        %jit3A_287 = arith.constant 1.000000e+00 : f32
        %jit3A_288 = arith.constant 0.000000e+00 : f32
        %broadcast_in_dim3A_289 = vector.broadcast %jit3A_287 : f32 to vector<16xf32>
        %broadcast_in_dim3A_290 = vector.broadcast %jit3A_288 : f32 to vector<16xf32>
        %select_n3A_291 = arith.select %eq3A_286, %broadcast_in_dim3A_289, %broadcast_in_dim3A_290 : vector<16xi1>, vector<16xf32>
        %add3A_292 = arith.addf %scan3A_159, %select_n3A_291 : vector<16xf32>
        %eq3A_293 = arith.constant 3 : i32
        %eq3A_294 = vector.broadcast %eq3A_293 : i32 to vector<16xi32>
        %eq3A_295 = arith.cmpi eq, %select_n3A_225, %eq3A_294 : vector<16xi32>
        %jit3A_296 = arith.constant 1.000000e+00 : f32
        %jit3A_297 = arith.constant 0.000000e+00 : f32
        %broadcast_in_dim3A_298 = vector.broadcast %jit3A_296 : f32 to vector<16xf32>
        %broadcast_in_dim3A_299 = vector.broadcast %jit3A_297 : f32 to vector<16xf32>
        %select_n3A_300 = arith.select %eq3A_295, %broadcast_in_dim3A_298, %broadcast_in_dim3A_299 : vector<16xi1>, vector<16xf32>
        %add3A_301 = arith.addf %scan3A_160, %select_n3A_300 : vector<16xf32>
        %eq3A_302 = arith.constant 4 : i32
        %eq3A_303 = vector.broadcast %eq3A_302 : i32 to vector<16xi32>
        %eq3A_304 = arith.cmpi eq, %select_n3A_225, %eq3A_303 : vector<16xi32>
        %jit3A_305 = arith.constant 1.000000e+00 : f32
        %jit3A_306 = arith.constant 0.000000e+00 : f32
        %broadcast_in_dim3A_307 = vector.broadcast %jit3A_305 : f32 to vector<16xf32>
        %broadcast_in_dim3A_308 = vector.broadcast %jit3A_306 : f32 to vector<16xf32>
        %select_n3A_309 = arith.select %eq3A_304, %broadcast_in_dim3A_307, %broadcast_in_dim3A_308 : vector<16xi1>, vector<16xf32>
        %add3A_310 = arith.addf %scan3A_161, %select_n3A_309 : vector<16xf32>
        %eq3A_311 = arith.constant 5 : i32
        %eq3A_312 = vector.broadcast %eq3A_311 : i32 to vector<16xi32>
        %eq3A_313 = arith.cmpi eq, %select_n3A_225, %eq3A_312 : vector<16xi32>
        %jit3A_314 = arith.constant 1.000000e+00 : f32
        %jit3A_315 = arith.constant 0.000000e+00 : f32
        %broadcast_in_dim3A_316 = vector.broadcast %jit3A_314 : f32 to vector<16xf32>
        %broadcast_in_dim3A_317 = vector.broadcast %jit3A_315 : f32 to vector<16xf32>
        %select_n3A_318 = arith.select %eq3A_313, %broadcast_in_dim3A_316, %broadcast_in_dim3A_317 : vector<16xi1>, vector<16xf32>
        %add3A_319 = arith.addf %scan3A_162, %select_n3A_318 : vector<16xf32>
        %eq3A_320 = arith.constant 6 : i32
        %eq3A_321 = vector.broadcast %eq3A_320 : i32 to vector<16xi32>
        %eq3A_322 = arith.cmpi eq, %select_n3A_225, %eq3A_321 : vector<16xi32>
        %jit3A_323 = arith.constant 1.000000e+00 : f32
        %jit3A_324 = arith.constant 0.000000e+00 : f32
        %broadcast_in_dim3A_325 = vector.broadcast %jit3A_323 : f32 to vector<16xf32>
        %broadcast_in_dim3A_326 = vector.broadcast %jit3A_324 : f32 to vector<16xf32>
        %select_n3A_327 = arith.select %eq3A_322, %broadcast_in_dim3A_325, %broadcast_in_dim3A_326 : vector<16xi1>, vector<16xf32>
        %add3A_328 = arith.addf %scan3A_163, %select_n3A_327 : vector<16xf32>
        %eq3A_329 = arith.constant 7 : i32
        %eq3A_330 = vector.broadcast %eq3A_329 : i32 to vector<16xi32>
        %eq3A_331 = arith.cmpi eq, %select_n3A_225, %eq3A_330 : vector<16xi32>
        %jit3A_332 = arith.constant 1.000000e+00 : f32
        %jit3A_333 = arith.constant 0.000000e+00 : f32
        %broadcast_in_dim3A_334 = vector.broadcast %jit3A_332 : f32 to vector<16xf32>
        %broadcast_in_dim3A_335 = vector.broadcast %jit3A_333 : f32 to vector<16xf32>
        %select_n3A_336 = arith.select %eq3A_331, %broadcast_in_dim3A_334, %broadcast_in_dim3A_335 : vector<16xi1>, vector<16xf32>
        %add3A_337 = arith.addf %scan3A_164, %select_n3A_336 : vector<16xf32>
        %eq3A_338 = arith.constant 8 : i32
        %eq3A_339 = vector.broadcast %eq3A_338 : i32 to vector<16xi32>
        %eq3A_340 = arith.cmpi eq, %select_n3A_225, %eq3A_339 : vector<16xi32>
        %jit3A_341 = arith.constant 1.000000e+00 : f32
        %jit3A_342 = arith.constant 0.000000e+00 : f32
        %broadcast_in_dim3A_343 = vector.broadcast %jit3A_341 : f32 to vector<16xf32>
        %broadcast_in_dim3A_344 = vector.broadcast %jit3A_342 : f32 to vector<16xf32>
        %select_n3A_345 = arith.select %eq3A_340, %broadcast_in_dim3A_343, %broadcast_in_dim3A_344 : vector<16xi1>, vector<16xf32>
        %add3A_346 = arith.addf %scan3A_165, %select_n3A_345 : vector<16xf32>
        %eq3A_347 = arith.constant 9 : i32
        %eq3A_348 = vector.broadcast %eq3A_347 : i32 to vector<16xi32>
        %eq3A_349 = arith.cmpi eq, %select_n3A_225, %eq3A_348 : vector<16xi32>
        %jit3A_350 = arith.constant 1.000000e+00 : f32
        %jit3A_351 = arith.constant 0.000000e+00 : f32
        %broadcast_in_dim3A_352 = vector.broadcast %jit3A_350 : f32 to vector<16xf32>
        %broadcast_in_dim3A_353 = vector.broadcast %jit3A_351 : f32 to vector<16xf32>
        %select_n3A_354 = arith.select %eq3A_349, %broadcast_in_dim3A_352, %broadcast_in_dim3A_353 : vector<16xi1>, vector<16xf32>
        %add3A_355 = arith.addf %scan3A_166, %select_n3A_354 : vector<16xf32>
        %eq3A_356 = arith.constant 0 : i32
        %eq3A_357 = vector.broadcast %eq3A_356 : i32 to vector<16xi32>
        %eq3A_358 = arith.cmpi eq, %select_n3A_225, %eq3A_357 : vector<16xi32>
        %jit3A_359 = arith.constant 0.000000e+00 : f32
        %broadcast_in_dim3A_360 = vector.broadcast %jit3A_359 : f32 to vector<16xf32>
        %select_n3A_361 = arith.select %eq3A_358, %add3A_266, %broadcast_in_dim3A_360 : vector<16xi1>, vector<16xf32>
        %add3A_362 = arith.addf %scan3A_167, %select_n3A_361 : vector<16xf32>
        %eq3A_363 = arith.constant 1 : i32
        %eq3A_364 = vector.broadcast %eq3A_363 : i32 to vector<16xi32>
        %eq3A_365 = arith.cmpi eq, %select_n3A_225, %eq3A_364 : vector<16xi32>
        %jit3A_366 = arith.constant 0.000000e+00 : f32
        %broadcast_in_dim3A_367 = vector.broadcast %jit3A_366 : f32 to vector<16xf32>
        %select_n3A_368 = arith.select %eq3A_365, %add3A_266, %broadcast_in_dim3A_367 : vector<16xi1>, vector<16xf32>
        %add3A_369 = arith.addf %scan3A_168, %select_n3A_368 : vector<16xf32>
        %eq3A_370 = arith.constant 2 : i32
        %eq3A_371 = vector.broadcast %eq3A_370 : i32 to vector<16xi32>
        %eq3A_372 = arith.cmpi eq, %select_n3A_225, %eq3A_371 : vector<16xi32>
        %jit3A_373 = arith.constant 0.000000e+00 : f32
        %broadcast_in_dim3A_374 = vector.broadcast %jit3A_373 : f32 to vector<16xf32>
        %select_n3A_375 = arith.select %eq3A_372, %add3A_266, %broadcast_in_dim3A_374 : vector<16xi1>, vector<16xf32>
        %add3A_376 = arith.addf %scan3A_169, %select_n3A_375 : vector<16xf32>
        %eq3A_377 = arith.constant 3 : i32
        %eq3A_378 = vector.broadcast %eq3A_377 : i32 to vector<16xi32>
        %eq3A_379 = arith.cmpi eq, %select_n3A_225, %eq3A_378 : vector<16xi32>
        %jit3A_380 = arith.constant 0.000000e+00 : f32
        %broadcast_in_dim3A_381 = vector.broadcast %jit3A_380 : f32 to vector<16xf32>
        %select_n3A_382 = arith.select %eq3A_379, %add3A_266, %broadcast_in_dim3A_381 : vector<16xi1>, vector<16xf32>
        %add3A_383 = arith.addf %scan3A_170, %select_n3A_382 : vector<16xf32>
        %eq3A_384 = arith.constant 4 : i32
        %eq3A_385 = vector.broadcast %eq3A_384 : i32 to vector<16xi32>
        %eq3A_386 = arith.cmpi eq, %select_n3A_225, %eq3A_385 : vector<16xi32>
        %jit3A_387 = arith.constant 0.000000e+00 : f32
        %broadcast_in_dim3A_388 = vector.broadcast %jit3A_387 : f32 to vector<16xf32>
        %select_n3A_389 = arith.select %eq3A_386, %add3A_266, %broadcast_in_dim3A_388 : vector<16xi1>, vector<16xf32>
        %add3A_390 = arith.addf %scan3A_171, %select_n3A_389 : vector<16xf32>
        %eq3A_391 = arith.constant 5 : i32
        %eq3A_392 = vector.broadcast %eq3A_391 : i32 to vector<16xi32>
        %eq3A_393 = arith.cmpi eq, %select_n3A_225, %eq3A_392 : vector<16xi32>
        %jit3A_394 = arith.constant 0.000000e+00 : f32
        %broadcast_in_dim3A_395 = vector.broadcast %jit3A_394 : f32 to vector<16xf32>
        %select_n3A_396 = arith.select %eq3A_393, %add3A_266, %broadcast_in_dim3A_395 : vector<16xi1>, vector<16xf32>
        %add3A_397 = arith.addf %scan3A_172, %select_n3A_396 : vector<16xf32>
        %eq3A_398 = arith.constant 6 : i32
        %eq3A_399 = vector.broadcast %eq3A_398 : i32 to vector<16xi32>
        %eq3A_400 = arith.cmpi eq, %select_n3A_225, %eq3A_399 : vector<16xi32>
        %jit3A_401 = arith.constant 0.000000e+00 : f32
        %broadcast_in_dim3A_402 = vector.broadcast %jit3A_401 : f32 to vector<16xf32>
        %select_n3A_403 = arith.select %eq3A_400, %add3A_266, %broadcast_in_dim3A_402 : vector<16xi1>, vector<16xf32>
        %add3A_404 = arith.addf %scan3A_173, %select_n3A_403 : vector<16xf32>
        %eq3A_405 = arith.constant 7 : i32
        %eq3A_406 = vector.broadcast %eq3A_405 : i32 to vector<16xi32>
        %eq3A_407 = arith.cmpi eq, %select_n3A_225, %eq3A_406 : vector<16xi32>
        %jit3A_408 = arith.constant 0.000000e+00 : f32
        %broadcast_in_dim3A_409 = vector.broadcast %jit3A_408 : f32 to vector<16xf32>
        %select_n3A_410 = arith.select %eq3A_407, %add3A_266, %broadcast_in_dim3A_409 : vector<16xi1>, vector<16xf32>
        %add3A_411 = arith.addf %scan3A_174, %select_n3A_410 : vector<16xf32>
        %eq3A_412 = arith.constant 8 : i32
        %eq3A_413 = vector.broadcast %eq3A_412 : i32 to vector<16xi32>
        %eq3A_414 = arith.cmpi eq, %select_n3A_225, %eq3A_413 : vector<16xi32>
        %jit3A_415 = arith.constant 0.000000e+00 : f32
        %broadcast_in_dim3A_416 = vector.broadcast %jit3A_415 : f32 to vector<16xf32>
        %select_n3A_417 = arith.select %eq3A_414, %add3A_266, %broadcast_in_dim3A_416 : vector<16xi1>, vector<16xf32>
        %add3A_418 = arith.addf %scan3A_175, %select_n3A_417 : vector<16xf32>
        %eq3A_419 = arith.constant 9 : i32
        %eq3A_420 = vector.broadcast %eq3A_419 : i32 to vector<16xi32>
        %eq3A_421 = arith.cmpi eq, %select_n3A_225, %eq3A_420 : vector<16xi32>
        %jit3A_422 = arith.constant 0.000000e+00 : f32
        %broadcast_in_dim3A_423 = vector.broadcast %jit3A_422 : f32 to vector<16xf32>
        %select_n3A_424 = arith.select %eq3A_421, %add3A_266, %broadcast_in_dim3A_423 : vector<16xi1>, vector<16xf32>
        %add3A_425 = arith.addf %scan3A_176, %select_n3A_424 : vector<16xf32>
        %get3A_426 = arith.index_cast %scan3A_156 : i32 to index
        %get3A_427 = arith.constant 16 : index
        %get3A_428 = tpu.vector_load %arg7[%get3A_426, %get3A_427] {strides = array<i32>} : memref<128x80xf32, #tpu.memory_space<vmem>>, vector<16xf32>,
        %get3A_429 = arith.index_cast %scan3A_156 : i32 to index
        %get3A_430 = arith.constant 16 : index
        %get3A_431 = tpu.vector_load %arg9[%get3A_429, %get3A_430] {strides = array<i32>} : memref<128x80xi32, #tpu.memory_space<vmem>>, vector<16xi32>,
        %get3A_432 = arith.index_cast %scan3A_156 : i32 to index
        %get3A_433 = arith.constant 16 : index
        %get3A_434 = tpu.vector_load %arg11[%get3A_432, %get3A_433] {strides = array<i32>} : memref<128x80xi32, #tpu.memory_space<vmem>>, vector<16xi32>,
        %gt3A_435 = arith.constant 0 : i32
        %gt3A_436 = vector.broadcast %gt3A_435 : i32 to vector<16xi32>
        %gt3A_437 = arith.cmpi sgt, %get3A_431, %gt3A_436 : vector<16xi32>
        %neg3A_438 = arith.constant 0.000000e+00 : f32
        %neg3A_439 = vector.broadcast %neg3A_438 : f32 to vector<16xf32>
        %neg3A_440 = arith.subf %neg3A_439, %get3A_428 : vector<16xf32>
        %select_n3A_441 = arith.select %gt3A_437, %neg3A_440, %get3A_428 : vector<16xi1>, vector<16xf32>
        %gt3A_442 = arith.constant 0 : i32
        %gt3A_443 = vector.broadcast %gt3A_442 : i32 to vector<16xi32>
        %gt3A_444 = arith.cmpi sgt, %get3A_434, %gt3A_443 : vector<16xi32>
        %max3A_445 = arith.constant -2.310000e+00 : f32
        %max3A_446 = vector.broadcast %max3A_445 : f32 to vector<16xf32>
        %max3A_447 = arith.maximumf %select_n3A_441, %max3A_446 : vector<16xf32>
        %min3A_448 = arith.constant 2.310000e+00 : f32
        %min3A_449 = vector.broadcast %min3A_448 : f32 to vector<16xf32>
        %min3A_450 = arith.minimumf %max3A_447, %min3A_449 : vector<16xf32>
        %mul3A_451 = arith.mulf %min3A_450, %min3A_450 : vector<16xf32>
        %broadcast_in_dim3A_452 = arith.constant -5.25261385E-6 : f32
        %broadcast_in_dim3A_453 = vector.broadcast %broadcast_in_dim3A_452 : f32 to vector<16xf32>
        %mul3A_454 = arith.mulf %broadcast_in_dim3A_453, %mul3A_451 : vector<16xf32>
        %add3A_455 = arith.constant 1.38540621E-4 : f32
        %add3A_456 = vector.broadcast %add3A_455 : f32 to vector<16xf32>
        %add3A_457 = arith.addf %mul3A_454, %add3A_456 : vector<16xf32>
        %mul3A_458 = arith.mulf %add3A_457, %mul3A_451 : vector<16xf32>
        %add3A_459 = arith.constant -0.0019150459 : f32
        %add3A_460 = vector.broadcast %add3A_459 : f32 to vector<16xf32>
        %add3A_461 = arith.addf %mul3A_458, %add3A_460 : vector<16xf32>
        %mul3A_462 = arith.mulf %add3A_461, %mul3A_451 : vector<16xf32>
        %add3A_463 = arith.constant 0.0205756668 : f32
        %add3A_464 = vector.broadcast %add3A_463 : f32 to vector<16xf32>
        %add3A_465 = arith.addf %mul3A_462, %add3A_464 : vector<16xf32>
        %mul3A_466 = arith.mulf %add3A_465, %mul3A_451 : vector<16xf32>
        %add3A_467 = arith.constant -0.208181709 : f32
        %add3A_468 = vector.broadcast %add3A_467 : f32 to vector<16xf32>
        %add3A_469 = arith.addf %mul3A_466, %add3A_468 : vector<16xf32>
        %mul3A_470 = arith.mulf %add3A_469, %mul3A_451 : vector<16xf32>
        %add3A_471 = arith.constant 2.49997425 : f32
        %add3A_472 = vector.broadcast %add3A_471 : f32 to vector<16xf32>
        %add3A_473 = arith.addf %mul3A_470, %add3A_472 : vector<16xf32>
        %mul3A_474 = arith.mulf %min3A_450, %add3A_473 : vector<16xf32>
        %add3A_475 = arith.constant 5.000000e+00 : f32
        %add3A_476 = vector.broadcast %add3A_475 : f32 to vector<16xf32>
        %add3A_477 = arith.addf %mul3A_474, %add3A_476 : vector<16xf32>
        %convert_element_type3A_478 = arith.fptosi %add3A_477 : vector<16xf32> to vector<16xi32>
        %jit3A_479 = arith.constant 12 : i32
        %broadcast_in_dim3A_480 = vector.broadcast %jit3A_479 : i32 to vector<16xi32>
        %select_n3A_481 = arith.select %gt3A_444, %convert_element_type3A_478, %broadcast_in_dim3A_480 : vector<16xi1>, vector<16xi32>
        %abs3A_482 = math.absf %select_n3A_441 : vector<16xf32>
        %neg3A_483 = arith.constant 0.000000e+00 : f32
        %neg3A_484 = vector.broadcast %neg3A_483 : f32 to vector<16xf32>
        %neg3A_485 = arith.subf %neg3A_484, %abs3A_482 : vector<16xf32>
        %exp3A_486 = math.exp %neg3A_485 : vector<16xf32>
        %broadcast_in_dim3A_487 = arith.constant -0.00615154486 : f32
        %broadcast_in_dim3A_488 = vector.broadcast %broadcast_in_dim3A_487 : f32 to vector<16xf32>
        %mul3A_489 = arith.mulf %broadcast_in_dim3A_488, %exp3A_486 : vector<16xf32>
        %add3A_490 = arith.constant 0.034850128 : f32
        %add3A_491 = vector.broadcast %add3A_490 : f32 to vector<16xf32>
        %add3A_492 = arith.addf %mul3A_489, %add3A_491 : vector<16xf32>
        %mul3A_493 = arith.mulf %add3A_492, %exp3A_486 : vector<16xf32>
        %add3A_494 = arith.constant -0.093252942 : f32
        %add3A_495 = vector.broadcast %add3A_494 : f32 to vector<16xf32>
        %add3A_496 = arith.addf %mul3A_493, %add3A_495 : vector<16xf32>
        %mul3A_497 = arith.mulf %add3A_496, %exp3A_486 : vector<16xf32>
        %add3A_498 = arith.constant 0.165823758 : f32
        %add3A_499 = vector.broadcast %add3A_498 : f32 to vector<16xf32>
        %add3A_500 = arith.addf %mul3A_497, %add3A_499 : vector<16xf32>
        %mul3A_501 = arith.mulf %add3A_500, %exp3A_486 : vector<16xf32>
        %add3A_502 = arith.constant -0.239826784 : f32
        %add3A_503 = vector.broadcast %add3A_502 : f32 to vector<16xf32>
        %add3A_504 = arith.addf %mul3A_501, %add3A_503 : vector<16xf32>
        %mul3A_505 = arith.mulf %add3A_504, %exp3A_486 : vector<16xf32>
        %add3A_506 = arith.constant 0.33154884 : f32
        %add3A_507 = vector.broadcast %add3A_506 : f32 to vector<16xf32>
        %add3A_508 = arith.addf %mul3A_505, %add3A_507 : vector<16xf32>
        %mul3A_509 = arith.mulf %add3A_508, %exp3A_486 : vector<16xf32>
        %add3A_510 = arith.constant -0.499838591 : f32
        %add3A_511 = vector.broadcast %add3A_510 : f32 to vector<16xf32>
        %add3A_512 = arith.addf %mul3A_509, %add3A_511 : vector<16xf32>
        %mul3A_513 = arith.mulf %add3A_512, %exp3A_486 : vector<16xf32>
        %add3A_514 = arith.constant 0.999994277 : f32
        %add3A_515 = vector.broadcast %add3A_514 : f32 to vector<16xf32>
        %add3A_516 = arith.addf %mul3A_513, %add3A_515 : vector<16xf32>
        %mul3A_517 = arith.mulf %add3A_516, %exp3A_486 : vector<16xf32>
        %add3A_518 = arith.constant 3.38009194E-8 : f32
        %add3A_519 = vector.broadcast %add3A_518 : f32 to vector<16xf32>
        %add3A_520 = arith.addf %mul3A_517, %add3A_519 : vector<16xf32>
        %max3A_521 = arith.constant 0.000000e+00 : f32
        %max3A_522 = vector.broadcast %max3A_521 : f32 to vector<16xf32>
        %max3A_523 = arith.maximumf %select_n3A_441, %max3A_522 : vector<16xf32>
        %add3A_524 = arith.addf %max3A_523, %add3A_520 : vector<16xf32>
        %eq3A_525 = arith.constant 0 : i32
        %eq3A_526 = vector.broadcast %eq3A_525 : i32 to vector<16xi32>
        %eq3A_527 = arith.cmpi eq, %select_n3A_481, %eq3A_526 : vector<16xi32>
        %jit3A_528 = arith.constant 1.000000e+00 : f32
        %jit3A_529 = arith.constant 0.000000e+00 : f32
        %broadcast_in_dim3A_530 = vector.broadcast %jit3A_528 : f32 to vector<16xf32>
        %broadcast_in_dim3A_531 = vector.broadcast %jit3A_529 : f32 to vector<16xf32>
        %select_n3A_532 = arith.select %eq3A_527, %broadcast_in_dim3A_530, %broadcast_in_dim3A_531 : vector<16xi1>, vector<16xf32>
        %add3A_533 = arith.addf %add3A_274, %select_n3A_532 : vector<16xf32>
        %eq3A_534 = arith.constant 1 : i32
        %eq3A_535 = vector.broadcast %eq3A_534 : i32 to vector<16xi32>
        %eq3A_536 = arith.cmpi eq, %select_n3A_481, %eq3A_535 : vector<16xi32>
        %jit3A_537 = arith.constant 1.000000e+00 : f32
        %jit3A_538 = arith.constant 0.000000e+00 : f32
        %broadcast_in_dim3A_539 = vector.broadcast %jit3A_537 : f32 to vector<16xf32>
        %broadcast_in_dim3A_540 = vector.broadcast %jit3A_538 : f32 to vector<16xf32>
        %select_n3A_541 = arith.select %eq3A_536, %broadcast_in_dim3A_539, %broadcast_in_dim3A_540 : vector<16xi1>, vector<16xf32>
        %add3A_542 = arith.addf %add3A_283, %select_n3A_541 : vector<16xf32>
        %eq3A_543 = arith.constant 2 : i32
        %eq3A_544 = vector.broadcast %eq3A_543 : i32 to vector<16xi32>
        %eq3A_545 = arith.cmpi eq, %select_n3A_481, %eq3A_544 : vector<16xi32>
        %jit3A_546 = arith.constant 1.000000e+00 : f32
        %jit3A_547 = arith.constant 0.000000e+00 : f32
        %broadcast_in_dim3A_548 = vector.broadcast %jit3A_546 : f32 to vector<16xf32>
        %broadcast_in_dim3A_549 = vector.broadcast %jit3A_547 : f32 to vector<16xf32>
        %select_n3A_550 = arith.select %eq3A_545, %broadcast_in_dim3A_548, %broadcast_in_dim3A_549 : vector<16xi1>, vector<16xf32>
        %add3A_551 = arith.addf %add3A_292, %select_n3A_550 : vector<16xf32>
        %eq3A_552 = arith.constant 3 : i32
        %eq3A_553 = vector.broadcast %eq3A_552 : i32 to vector<16xi32>
        %eq3A_554 = arith.cmpi eq, %select_n3A_481, %eq3A_553 : vector<16xi32>
        %jit3A_555 = arith.constant 1.000000e+00 : f32
        %jit3A_556 = arith.constant 0.000000e+00 : f32
        %broadcast_in_dim3A_557 = vector.broadcast %jit3A_555 : f32 to vector<16xf32>
        %broadcast_in_dim3A_558 = vector.broadcast %jit3A_556 : f32 to vector<16xf32>
        %select_n3A_559 = arith.select %eq3A_554, %broadcast_in_dim3A_557, %broadcast_in_dim3A_558 : vector<16xi1>, vector<16xf32>
        %add3A_560 = arith.addf %add3A_301, %select_n3A_559 : vector<16xf32>
        %eq3A_561 = arith.constant 4 : i32
        %eq3A_562 = vector.broadcast %eq3A_561 : i32 to vector<16xi32>
        %eq3A_563 = arith.cmpi eq, %select_n3A_481, %eq3A_562 : vector<16xi32>
        %jit3A_564 = arith.constant 1.000000e+00 : f32
        %jit3A_565 = arith.constant 0.000000e+00 : f32
        %broadcast_in_dim3A_566 = vector.broadcast %jit3A_564 : f32 to vector<16xf32>
        %broadcast_in_dim3A_567 = vector.broadcast %jit3A_565 : f32 to vector<16xf32>
        %select_n3A_568 = arith.select %eq3A_563, %broadcast_in_dim3A_566, %broadcast_in_dim3A_567 : vector<16xi1>, vector<16xf32>
        %add3A_569 = arith.addf %add3A_310, %select_n3A_568 : vector<16xf32>
        %eq3A_570 = arith.constant 5 : i32
        %eq3A_571 = vector.broadcast %eq3A_570 : i32 to vector<16xi32>
        %eq3A_572 = arith.cmpi eq, %select_n3A_481, %eq3A_571 : vector<16xi32>
        %jit3A_573 = arith.constant 1.000000e+00 : f32
        %jit3A_574 = arith.constant 0.000000e+00 : f32
        %broadcast_in_dim3A_575 = vector.broadcast %jit3A_573 : f32 to vector<16xf32>
        %broadcast_in_dim3A_576 = vector.broadcast %jit3A_574 : f32 to vector<16xf32>
        %select_n3A_577 = arith.select %eq3A_572, %broadcast_in_dim3A_575, %broadcast_in_dim3A_576 : vector<16xi1>, vector<16xf32>
        %add3A_578 = arith.addf %add3A_319, %select_n3A_577 : vector<16xf32>
        %eq3A_579 = arith.constant 6 : i32
        %eq3A_580 = vector.broadcast %eq3A_579 : i32 to vector<16xi32>
        %eq3A_581 = arith.cmpi eq, %select_n3A_481, %eq3A_580 : vector<16xi32>
        %jit3A_582 = arith.constant 1.000000e+00 : f32
        %jit3A_583 = arith.constant 0.000000e+00 : f32
        %broadcast_in_dim3A_584 = vector.broadcast %jit3A_582 : f32 to vector<16xf32>
        %broadcast_in_dim3A_585 = vector.broadcast %jit3A_583 : f32 to vector<16xf32>
        %select_n3A_586 = arith.select %eq3A_581, %broadcast_in_dim3A_584, %broadcast_in_dim3A_585 : vector<16xi1>, vector<16xf32>
        %add3A_587 = arith.addf %add3A_328, %select_n3A_586 : vector<16xf32>
        %eq3A_588 = arith.constant 7 : i32
        %eq3A_589 = vector.broadcast %eq3A_588 : i32 to vector<16xi32>
        %eq3A_590 = arith.cmpi eq, %select_n3A_481, %eq3A_589 : vector<16xi32>
        %jit3A_591 = arith.constant 1.000000e+00 : f32
        %jit3A_592 = arith.constant 0.000000e+00 : f32
        %broadcast_in_dim3A_593 = vector.broadcast %jit3A_591 : f32 to vector<16xf32>
        %broadcast_in_dim3A_594 = vector.broadcast %jit3A_592 : f32 to vector<16xf32>
        %select_n3A_595 = arith.select %eq3A_590, %broadcast_in_dim3A_593, %broadcast_in_dim3A_594 : vector<16xi1>, vector<16xf32>
        %add3A_596 = arith.addf %add3A_337, %select_n3A_595 : vector<16xf32>
        %eq3A_597 = arith.constant 8 : i32
        %eq3A_598 = vector.broadcast %eq3A_597 : i32 to vector<16xi32>
        %eq3A_599 = arith.cmpi eq, %select_n3A_481, %eq3A_598 : vector<16xi32>
        %jit3A_600 = arith.constant 1.000000e+00 : f32
        %jit3A_601 = arith.constant 0.000000e+00 : f32
        %broadcast_in_dim3A_602 = vector.broadcast %jit3A_600 : f32 to vector<16xf32>
        %broadcast_in_dim3A_603 = vector.broadcast %jit3A_601 : f32 to vector<16xf32>
        %select_n3A_604 = arith.select %eq3A_599, %broadcast_in_dim3A_602, %broadcast_in_dim3A_603 : vector<16xi1>, vector<16xf32>
        %add3A_605 = arith.addf %add3A_346, %select_n3A_604 : vector<16xf32>
        %eq3A_606 = arith.constant 9 : i32
        %eq3A_607 = vector.broadcast %eq3A_606 : i32 to vector<16xi32>
        %eq3A_608 = arith.cmpi eq, %select_n3A_481, %eq3A_607 : vector<16xi32>
        %jit3A_609 = arith.constant 1.000000e+00 : f32
        %jit3A_610 = arith.constant 0.000000e+00 : f32
        %broadcast_in_dim3A_611 = vector.broadcast %jit3A_609 : f32 to vector<16xf32>
        %broadcast_in_dim3A_612 = vector.broadcast %jit3A_610 : f32 to vector<16xf32>
        %select_n3A_613 = arith.select %eq3A_608, %broadcast_in_dim3A_611, %broadcast_in_dim3A_612 : vector<16xi1>, vector<16xf32>
        %add3A_614 = arith.addf %add3A_355, %select_n3A_613 : vector<16xf32>
        %eq3A_615 = arith.constant 0 : i32
        %eq3A_616 = vector.broadcast %eq3A_615 : i32 to vector<16xi32>
        %eq3A_617 = arith.cmpi eq, %select_n3A_481, %eq3A_616 : vector<16xi32>
        %jit3A_618 = arith.constant 0.000000e+00 : f32
        %broadcast_in_dim3A_619 = vector.broadcast %jit3A_618 : f32 to vector<16xf32>
        %select_n3A_620 = arith.select %eq3A_617, %add3A_524, %broadcast_in_dim3A_619 : vector<16xi1>, vector<16xf32>
        %add3A_621 = arith.addf %add3A_362, %select_n3A_620 : vector<16xf32>
        %eq3A_622 = arith.constant 1 : i32
        %eq3A_623 = vector.broadcast %eq3A_622 : i32 to vector<16xi32>
        %eq3A_624 = arith.cmpi eq, %select_n3A_481, %eq3A_623 : vector<16xi32>
        %jit3A_625 = arith.constant 0.000000e+00 : f32
        %broadcast_in_dim3A_626 = vector.broadcast %jit3A_625 : f32 to vector<16xf32>
        %select_n3A_627 = arith.select %eq3A_624, %add3A_524, %broadcast_in_dim3A_626 : vector<16xi1>, vector<16xf32>
        %add3A_628 = arith.addf %add3A_369, %select_n3A_627 : vector<16xf32>
        %eq3A_629 = arith.constant 2 : i32
        %eq3A_630 = vector.broadcast %eq3A_629 : i32 to vector<16xi32>
        %eq3A_631 = arith.cmpi eq, %select_n3A_481, %eq3A_630 : vector<16xi32>
        %jit3A_632 = arith.constant 0.000000e+00 : f32
        %broadcast_in_dim3A_633 = vector.broadcast %jit3A_632 : f32 to vector<16xf32>
        %select_n3A_634 = arith.select %eq3A_631, %add3A_524, %broadcast_in_dim3A_633 : vector<16xi1>, vector<16xf32>
        %add3A_635 = arith.addf %add3A_376, %select_n3A_634 : vector<16xf32>
        %eq3A_636 = arith.constant 3 : i32
        %eq3A_637 = vector.broadcast %eq3A_636 : i32 to vector<16xi32>
        %eq3A_638 = arith.cmpi eq, %select_n3A_481, %eq3A_637 : vector<16xi32>
        %jit3A_639 = arith.constant 0.000000e+00 : f32
        %broadcast_in_dim3A_640 = vector.broadcast %jit3A_639 : f32 to vector<16xf32>
        %select_n3A_641 = arith.select %eq3A_638, %add3A_524, %broadcast_in_dim3A_640 : vector<16xi1>, vector<16xf32>
        %add3A_642 = arith.addf %add3A_383, %select_n3A_641 : vector<16xf32>
        %eq3A_643 = arith.constant 4 : i32
        %eq3A_644 = vector.broadcast %eq3A_643 : i32 to vector<16xi32>
        %eq3A_645 = arith.cmpi eq, %select_n3A_481, %eq3A_644 : vector<16xi32>
        %jit3A_646 = arith.constant 0.000000e+00 : f32
        %broadcast_in_dim3A_647 = vector.broadcast %jit3A_646 : f32 to vector<16xf32>
        %select_n3A_648 = arith.select %eq3A_645, %add3A_524, %broadcast_in_dim3A_647 : vector<16xi1>, vector<16xf32>
        %add3A_649 = arith.addf %add3A_390, %select_n3A_648 : vector<16xf32>
        %eq3A_650 = arith.constant 5 : i32
        %eq3A_651 = vector.broadcast %eq3A_650 : i32 to vector<16xi32>
        %eq3A_652 = arith.cmpi eq, %select_n3A_481, %eq3A_651 : vector<16xi32>
        %jit3A_653 = arith.constant 0.000000e+00 : f32
        %broadcast_in_dim3A_654 = vector.broadcast %jit3A_653 : f32 to vector<16xf32>
        %select_n3A_655 = arith.select %eq3A_652, %add3A_524, %broadcast_in_dim3A_654 : vector<16xi1>, vector<16xf32>
        %add3A_656 = arith.addf %add3A_397, %select_n3A_655 : vector<16xf32>
        %eq3A_657 = arith.constant 6 : i32
        %eq3A_658 = vector.broadcast %eq3A_657 : i32 to vector<16xi32>
        %eq3A_659 = arith.cmpi eq, %select_n3A_481, %eq3A_658 : vector<16xi32>
        %jit3A_660 = arith.constant 0.000000e+00 : f32
        %broadcast_in_dim3A_661 = vector.broadcast %jit3A_660 : f32 to vector<16xf32>
        %select_n3A_662 = arith.select %eq3A_659, %add3A_524, %broadcast_in_dim3A_661 : vector<16xi1>, vector<16xf32>
        %add3A_663 = arith.addf %add3A_404, %select_n3A_662 : vector<16xf32>
        %eq3A_664 = arith.constant 7 : i32
        %eq3A_665 = vector.broadcast %eq3A_664 : i32 to vector<16xi32>
        %eq3A_666 = arith.cmpi eq, %select_n3A_481, %eq3A_665 : vector<16xi32>
        %jit3A_667 = arith.constant 0.000000e+00 : f32
        %broadcast_in_dim3A_668 = vector.broadcast %jit3A_667 : f32 to vector<16xf32>
        %select_n3A_669 = arith.select %eq3A_666, %add3A_524, %broadcast_in_dim3A_668 : vector<16xi1>, vector<16xf32>
        %add3A_670 = arith.addf %add3A_411, %select_n3A_669 : vector<16xf32>
        %eq3A_671 = arith.constant 8 : i32
        %eq3A_672 = vector.broadcast %eq3A_671 : i32 to vector<16xi32>
        %eq3A_673 = arith.cmpi eq, %select_n3A_481, %eq3A_672 : vector<16xi32>
        %jit3A_674 = arith.constant 0.000000e+00 : f32
        %broadcast_in_dim3A_675 = vector.broadcast %jit3A_674 : f32 to vector<16xf32>
        %select_n3A_676 = arith.select %eq3A_673, %add3A_524, %broadcast_in_dim3A_675 : vector<16xi1>, vector<16xf32>
        %add3A_677 = arith.addf %add3A_418, %select_n3A_676 : vector<16xf32>
        %eq3A_678 = arith.constant 9 : i32
        %eq3A_679 = vector.broadcast %eq3A_678 : i32 to vector<16xi32>
        %eq3A_680 = arith.cmpi eq, %select_n3A_481, %eq3A_679 : vector<16xi32>
        %jit3A_681 = arith.constant 0.000000e+00 : f32
        %broadcast_in_dim3A_682 = vector.broadcast %jit3A_681 : f32 to vector<16xf32>
        %select_n3A_683 = arith.select %eq3A_680, %add3A_524, %broadcast_in_dim3A_682 : vector<16xi1>, vector<16xf32>
        %add3A_684 = arith.addf %add3A_425, %select_n3A_683 : vector<16xf32>
        %get3A_685 = arith.index_cast %scan3A_156 : i32 to index
        %get3A_686 = arith.constant 32 : index
        %get3A_687 = tpu.vector_load %arg7[%get3A_685, %get3A_686] {strides = array<i32>} : memref<128x80xf32, #tpu.memory_space<vmem>>, vector<16xf32>,
        %get3A_688 = arith.index_cast %scan3A_156 : i32 to index
        %get3A_689 = arith.constant 32 : index
        %get3A_690 = tpu.vector_load %arg9[%get3A_688, %get3A_689] {strides = array<i32>} : memref<128x80xi32, #tpu.memory_space<vmem>>, vector<16xi32>,
        %get3A_691 = arith.index_cast %scan3A_156 : i32 to index
        %get3A_692 = arith.constant 32 : index
        %get3A_693 = tpu.vector_load %arg11[%get3A_691, %get3A_692] {strides = array<i32>} : memref<128x80xi32, #tpu.memory_space<vmem>>, vector<16xi32>,
        %gt3A_694 = arith.constant 0 : i32
        %gt3A_695 = vector.broadcast %gt3A_694 : i32 to vector<16xi32>
        %gt3A_696 = arith.cmpi sgt, %get3A_690, %gt3A_695 : vector<16xi32>
        %neg3A_697 = arith.constant 0.000000e+00 : f32
        %neg3A_698 = vector.broadcast %neg3A_697 : f32 to vector<16xf32>
        %neg3A_699 = arith.subf %neg3A_698, %get3A_687 : vector<16xf32>
        %select_n3A_700 = arith.select %gt3A_696, %neg3A_699, %get3A_687 : vector<16xi1>, vector<16xf32>
        %gt3A_701 = arith.constant 0 : i32
        %gt3A_702 = vector.broadcast %gt3A_701 : i32 to vector<16xi32>
        %gt3A_703 = arith.cmpi sgt, %get3A_693, %gt3A_702 : vector<16xi32>
        %max3A_704 = arith.constant -2.310000e+00 : f32
        %max3A_705 = vector.broadcast %max3A_704 : f32 to vector<16xf32>
        %max3A_706 = arith.maximumf %select_n3A_700, %max3A_705 : vector<16xf32>
        %min3A_707 = arith.constant 2.310000e+00 : f32
        %min3A_708 = vector.broadcast %min3A_707 : f32 to vector<16xf32>
        %min3A_709 = arith.minimumf %max3A_706, %min3A_708 : vector<16xf32>
        %mul3A_710 = arith.mulf %min3A_709, %min3A_709 : vector<16xf32>
        %broadcast_in_dim3A_711 = arith.constant -5.25261385E-6 : f32
        %broadcast_in_dim3A_712 = vector.broadcast %broadcast_in_dim3A_711 : f32 to vector<16xf32>
        %mul3A_713 = arith.mulf %broadcast_in_dim3A_712, %mul3A_710 : vector<16xf32>
        %add3A_714 = arith.constant 1.38540621E-4 : f32
        %add3A_715 = vector.broadcast %add3A_714 : f32 to vector<16xf32>
        %add3A_716 = arith.addf %mul3A_713, %add3A_715 : vector<16xf32>
        %mul3A_717 = arith.mulf %add3A_716, %mul3A_710 : vector<16xf32>
        %add3A_718 = arith.constant -0.0019150459 : f32
        %add3A_719 = vector.broadcast %add3A_718 : f32 to vector<16xf32>
        %add3A_720 = arith.addf %mul3A_717, %add3A_719 : vector<16xf32>
        %mul3A_721 = arith.mulf %add3A_720, %mul3A_710 : vector<16xf32>
        %add3A_722 = arith.constant 0.0205756668 : f32
        %add3A_723 = vector.broadcast %add3A_722 : f32 to vector<16xf32>
        %add3A_724 = arith.addf %mul3A_721, %add3A_723 : vector<16xf32>
        %mul3A_725 = arith.mulf %add3A_724, %mul3A_710 : vector<16xf32>
        %add3A_726 = arith.constant -0.208181709 : f32
        %add3A_727 = vector.broadcast %add3A_726 : f32 to vector<16xf32>
        %add3A_728 = arith.addf %mul3A_725, %add3A_727 : vector<16xf32>
        %mul3A_729 = arith.mulf %add3A_728, %mul3A_710 : vector<16xf32>
        %add3A_730 = arith.constant 2.49997425 : f32
        %add3A_731 = vector.broadcast %add3A_730 : f32 to vector<16xf32>
        %add3A_732 = arith.addf %mul3A_729, %add3A_731 : vector<16xf32>
        %mul3A_733 = arith.mulf %min3A_709, %add3A_732 : vector<16xf32>
        %add3A_734 = arith.constant 5.000000e+00 : f32
        %add3A_735 = vector.broadcast %add3A_734 : f32 to vector<16xf32>
        %add3A_736 = arith.addf %mul3A_733, %add3A_735 : vector<16xf32>
        %convert_element_type3A_737 = arith.fptosi %add3A_736 : vector<16xf32> to vector<16xi32>
        %jit3A_738 = arith.constant 12 : i32
        %broadcast_in_dim3A_739 = vector.broadcast %jit3A_738 : i32 to vector<16xi32>
        %select_n3A_740 = arith.select %gt3A_703, %convert_element_type3A_737, %broadcast_in_dim3A_739 : vector<16xi1>, vector<16xi32>
        %abs3A_741 = math.absf %select_n3A_700 : vector<16xf32>
        %neg3A_742 = arith.constant 0.000000e+00 : f32
        %neg3A_743 = vector.broadcast %neg3A_742 : f32 to vector<16xf32>
        %neg3A_744 = arith.subf %neg3A_743, %abs3A_741 : vector<16xf32>
        %exp3A_745 = math.exp %neg3A_744 : vector<16xf32>
        %broadcast_in_dim3A_746 = arith.constant -0.00615154486 : f32
        %broadcast_in_dim3A_747 = vector.broadcast %broadcast_in_dim3A_746 : f32 to vector<16xf32>
        %mul3A_748 = arith.mulf %broadcast_in_dim3A_747, %exp3A_745 : vector<16xf32>
        %add3A_749 = arith.constant 0.034850128 : f32
        %add3A_750 = vector.broadcast %add3A_749 : f32 to vector<16xf32>
        %add3A_751 = arith.addf %mul3A_748, %add3A_750 : vector<16xf32>
        %mul3A_752 = arith.mulf %add3A_751, %exp3A_745 : vector<16xf32>
        %add3A_753 = arith.constant -0.093252942 : f32
        %add3A_754 = vector.broadcast %add3A_753 : f32 to vector<16xf32>
        %add3A_755 = arith.addf %mul3A_752, %add3A_754 : vector<16xf32>
        %mul3A_756 = arith.mulf %add3A_755, %exp3A_745 : vector<16xf32>
        %add3A_757 = arith.constant 0.165823758 : f32
        %add3A_758 = vector.broadcast %add3A_757 : f32 to vector<16xf32>
        %add3A_759 = arith.addf %mul3A_756, %add3A_758 : vector<16xf32>
        %mul3A_760 = arith.mulf %add3A_759, %exp3A_745 : vector<16xf32>
        %add3A_761 = arith.constant -0.239826784 : f32
        %add3A_762 = vector.broadcast %add3A_761 : f32 to vector<16xf32>
        %add3A_763 = arith.addf %mul3A_760, %add3A_762 : vector<16xf32>
        %mul3A_764 = arith.mulf %add3A_763, %exp3A_745 : vector<16xf32>
        %add3A_765 = arith.constant 0.33154884 : f32
        %add3A_766 = vector.broadcast %add3A_765 : f32 to vector<16xf32>
        %add3A_767 = arith.addf %mul3A_764, %add3A_766 : vector<16xf32>
        %mul3A_768 = arith.mulf %add3A_767, %exp3A_745 : vector<16xf32>
        %add3A_769 = arith.constant -0.499838591 : f32
        %add3A_770 = vector.broadcast %add3A_769 : f32 to vector<16xf32>
        %add3A_771 = arith.addf %mul3A_768, %add3A_770 : vector<16xf32>
        %mul3A_772 = arith.mulf %add3A_771, %exp3A_745 : vector<16xf32>
        %add3A_773 = arith.constant 0.999994277 : f32
        %add3A_774 = vector.broadcast %add3A_773 : f32 to vector<16xf32>
        %add3A_775 = arith.addf %mul3A_772, %add3A_774 : vector<16xf32>
        %mul3A_776 = arith.mulf %add3A_775, %exp3A_745 : vector<16xf32>
        %add3A_777 = arith.constant 3.38009194E-8 : f32
        %add3A_778 = vector.broadcast %add3A_777 : f32 to vector<16xf32>
        %add3A_779 = arith.addf %mul3A_776, %add3A_778 : vector<16xf32>
        %max3A_780 = arith.constant 0.000000e+00 : f32
        %max3A_781 = vector.broadcast %max3A_780 : f32 to vector<16xf32>
        %max3A_782 = arith.maximumf %select_n3A_700, %max3A_781 : vector<16xf32>
        %add3A_783 = arith.addf %max3A_782, %add3A_779 : vector<16xf32>
        %eq3A_784 = arith.constant 0 : i32
        %eq3A_785 = vector.broadcast %eq3A_784 : i32 to vector<16xi32>
        %eq3A_786 = arith.cmpi eq, %select_n3A_740, %eq3A_785 : vector<16xi32>
        %jit3A_787 = arith.constant 1.000000e+00 : f32
        %jit3A_788 = arith.constant 0.000000e+00 : f32
        %broadcast_in_dim3A_789 = vector.broadcast %jit3A_787 : f32 to vector<16xf32>
        %broadcast_in_dim3A_790 = vector.broadcast %jit3A_788 : f32 to vector<16xf32>
        %select_n3A_791 = arith.select %eq3A_786, %broadcast_in_dim3A_789, %broadcast_in_dim3A_790 : vector<16xi1>, vector<16xf32>
        %add3A_792 = arith.addf %add3A_533, %select_n3A_791 : vector<16xf32>
        %eq3A_793 = arith.constant 1 : i32
        %eq3A_794 = vector.broadcast %eq3A_793 : i32 to vector<16xi32>
        %eq3A_795 = arith.cmpi eq, %select_n3A_740, %eq3A_794 : vector<16xi32>
        %jit3A_796 = arith.constant 1.000000e+00 : f32
        %jit3A_797 = arith.constant 0.000000e+00 : f32
        %broadcast_in_dim3A_798 = vector.broadcast %jit3A_796 : f32 to vector<16xf32>
        %broadcast_in_dim3A_799 = vector.broadcast %jit3A_797 : f32 to vector<16xf32>
        %select_n3A_800 = arith.select %eq3A_795, %broadcast_in_dim3A_798, %broadcast_in_dim3A_799 : vector<16xi1>, vector<16xf32>
        %add3A_801 = arith.addf %add3A_542, %select_n3A_800 : vector<16xf32>
        %eq3A_802 = arith.constant 2 : i32
        %eq3A_803 = vector.broadcast %eq3A_802 : i32 to vector<16xi32>
        %eq3A_804 = arith.cmpi eq, %select_n3A_740, %eq3A_803 : vector<16xi32>
        %jit3A_805 = arith.constant 1.000000e+00 : f32
        %jit3A_806 = arith.constant 0.000000e+00 : f32
        %broadcast_in_dim3A_807 = vector.broadcast %jit3A_805 : f32 to vector<16xf32>
        %broadcast_in_dim3A_808 = vector.broadcast %jit3A_806 : f32 to vector<16xf32>
        %select_n3A_809 = arith.select %eq3A_804, %broadcast_in_dim3A_807, %broadcast_in_dim3A_808 : vector<16xi1>, vector<16xf32>
        %add3A_810 = arith.addf %add3A_551, %select_n3A_809 : vector<16xf32>
        %eq3A_811 = arith.constant 3 : i32
        %eq3A_812 = vector.broadcast %eq3A_811 : i32 to vector<16xi32>
        %eq3A_813 = arith.cmpi eq, %select_n3A_740, %eq3A_812 : vector<16xi32>
        %jit3A_814 = arith.constant 1.000000e+00 : f32
        %jit3A_815 = arith.constant 0.000000e+00 : f32
        %broadcast_in_dim3A_816 = vector.broadcast %jit3A_814 : f32 to vector<16xf32>
        %broadcast_in_dim3A_817 = vector.broadcast %jit3A_815 : f32 to vector<16xf32>
        %select_n3A_818 = arith.select %eq3A_813, %broadcast_in_dim3A_816, %broadcast_in_dim3A_817 : vector<16xi1>, vector<16xf32>
        %add3A_819 = arith.addf %add3A_560, %select_n3A_818 : vector<16xf32>
        %eq3A_820 = arith.constant 4 : i32
        %eq3A_821 = vector.broadcast %eq3A_820 : i32 to vector<16xi32>
        %eq3A_822 = arith.cmpi eq, %select_n3A_740, %eq3A_821 : vector<16xi32>
        %jit3A_823 = arith.constant 1.000000e+00 : f32
        %jit3A_824 = arith.constant 0.000000e+00 : f32
        %broadcast_in_dim3A_825 = vector.broadcast %jit3A_823 : f32 to vector<16xf32>
        %broadcast_in_dim3A_826 = vector.broadcast %jit3A_824 : f32 to vector<16xf32>
        %select_n3A_827 = arith.select %eq3A_822, %broadcast_in_dim3A_825, %broadcast_in_dim3A_826 : vector<16xi1>, vector<16xf32>
        %add3A_828 = arith.addf %add3A_569, %select_n3A_827 : vector<16xf32>
        %eq3A_829 = arith.constant 5 : i32
        %eq3A_830 = vector.broadcast %eq3A_829 : i32 to vector<16xi32>
        %eq3A_831 = arith.cmpi eq, %select_n3A_740, %eq3A_830 : vector<16xi32>
        %jit3A_832 = arith.constant 1.000000e+00 : f32
        %jit3A_833 = arith.constant 0.000000e+00 : f32
        %broadcast_in_dim3A_834 = vector.broadcast %jit3A_832 : f32 to vector<16xf32>
        %broadcast_in_dim3A_835 = vector.broadcast %jit3A_833 : f32 to vector<16xf32>
        %select_n3A_836 = arith.select %eq3A_831, %broadcast_in_dim3A_834, %broadcast_in_dim3A_835 : vector<16xi1>, vector<16xf32>
        %add3A_837 = arith.addf %add3A_578, %select_n3A_836 : vector<16xf32>
        %eq3A_838 = arith.constant 6 : i32
        %eq3A_839 = vector.broadcast %eq3A_838 : i32 to vector<16xi32>
        %eq3A_840 = arith.cmpi eq, %select_n3A_740, %eq3A_839 : vector<16xi32>
        %jit3A_841 = arith.constant 1.000000e+00 : f32
        %jit3A_842 = arith.constant 0.000000e+00 : f32
        %broadcast_in_dim3A_843 = vector.broadcast %jit3A_841 : f32 to vector<16xf32>
        %broadcast_in_dim3A_844 = vector.broadcast %jit3A_842 : f32 to vector<16xf32>
        %select_n3A_845 = arith.select %eq3A_840, %broadcast_in_dim3A_843, %broadcast_in_dim3A_844 : vector<16xi1>, vector<16xf32>
        %add3A_846 = arith.addf %add3A_587, %select_n3A_845 : vector<16xf32>
        %eq3A_847 = arith.constant 7 : i32
        %eq3A_848 = vector.broadcast %eq3A_847 : i32 to vector<16xi32>
        %eq3A_849 = arith.cmpi eq, %select_n3A_740, %eq3A_848 : vector<16xi32>
        %jit3A_850 = arith.constant 1.000000e+00 : f32
        %jit3A_851 = arith.constant 0.000000e+00 : f32
        %broadcast_in_dim3A_852 = vector.broadcast %jit3A_850 : f32 to vector<16xf32>
        %broadcast_in_dim3A_853 = vector.broadcast %jit3A_851 : f32 to vector<16xf32>
        %select_n3A_854 = arith.select %eq3A_849, %broadcast_in_dim3A_852, %broadcast_in_dim3A_853 : vector<16xi1>, vector<16xf32>
        %add3A_855 = arith.addf %add3A_596, %select_n3A_854 : vector<16xf32>
        %eq3A_856 = arith.constant 8 : i32
        %eq3A_857 = vector.broadcast %eq3A_856 : i32 to vector<16xi32>
        %eq3A_858 = arith.cmpi eq, %select_n3A_740, %eq3A_857 : vector<16xi32>
        %jit3A_859 = arith.constant 1.000000e+00 : f32
        %jit3A_860 = arith.constant 0.000000e+00 : f32
        %broadcast_in_dim3A_861 = vector.broadcast %jit3A_859 : f32 to vector<16xf32>
        %broadcast_in_dim3A_862 = vector.broadcast %jit3A_860 : f32 to vector<16xf32>
        %select_n3A_863 = arith.select %eq3A_858, %broadcast_in_dim3A_861, %broadcast_in_dim3A_862 : vector<16xi1>, vector<16xf32>
        %add3A_864 = arith.addf %add3A_605, %select_n3A_863 : vector<16xf32>
        %eq3A_865 = arith.constant 9 : i32
        %eq3A_866 = vector.broadcast %eq3A_865 : i32 to vector<16xi32>
        %eq3A_867 = arith.cmpi eq, %select_n3A_740, %eq3A_866 : vector<16xi32>
        %jit3A_868 = arith.constant 1.000000e+00 : f32
        %jit3A_869 = arith.constant 0.000000e+00 : f32
        %broadcast_in_dim3A_870 = vector.broadcast %jit3A_868 : f32 to vector<16xf32>
        %broadcast_in_dim3A_871 = vector.broadcast %jit3A_869 : f32 to vector<16xf32>
        %select_n3A_872 = arith.select %eq3A_867, %broadcast_in_dim3A_870, %broadcast_in_dim3A_871 : vector<16xi1>, vector<16xf32>
        %add3A_873 = arith.addf %add3A_614, %select_n3A_872 : vector<16xf32>
        %eq3A_874 = arith.constant 0 : i32
        %eq3A_875 = vector.broadcast %eq3A_874 : i32 to vector<16xi32>
        %eq3A_876 = arith.cmpi eq, %select_n3A_740, %eq3A_875 : vector<16xi32>
        %jit3A_877 = arith.constant 0.000000e+00 : f32
        %broadcast_in_dim3A_878 = vector.broadcast %jit3A_877 : f32 to vector<16xf32>
        %select_n3A_879 = arith.select %eq3A_876, %add3A_783, %broadcast_in_dim3A_878 : vector<16xi1>, vector<16xf32>
        %add3A_880 = arith.addf %add3A_621, %select_n3A_879 : vector<16xf32>
        %eq3A_881 = arith.constant 1 : i32
        %eq3A_882 = vector.broadcast %eq3A_881 : i32 to vector<16xi32>
        %eq3A_883 = arith.cmpi eq, %select_n3A_740, %eq3A_882 : vector<16xi32>
        %jit3A_884 = arith.constant 0.000000e+00 : f32
        %broadcast_in_dim3A_885 = vector.broadcast %jit3A_884 : f32 to vector<16xf32>
        %select_n3A_886 = arith.select %eq3A_883, %add3A_783, %broadcast_in_dim3A_885 : vector<16xi1>, vector<16xf32>
        %add3A_887 = arith.addf %add3A_628, %select_n3A_886 : vector<16xf32>
        %eq3A_888 = arith.constant 2 : i32
        %eq3A_889 = vector.broadcast %eq3A_888 : i32 to vector<16xi32>
        %eq3A_890 = arith.cmpi eq, %select_n3A_740, %eq3A_889 : vector<16xi32>
        %jit3A_891 = arith.constant 0.000000e+00 : f32
        %broadcast_in_dim3A_892 = vector.broadcast %jit3A_891 : f32 to vector<16xf32>
        %select_n3A_893 = arith.select %eq3A_890, %add3A_783, %broadcast_in_dim3A_892 : vector<16xi1>, vector<16xf32>
        %add3A_894 = arith.addf %add3A_635, %select_n3A_893 : vector<16xf32>
        %eq3A_895 = arith.constant 3 : i32
        %eq3A_896 = vector.broadcast %eq3A_895 : i32 to vector<16xi32>
        %eq3A_897 = arith.cmpi eq, %select_n3A_740, %eq3A_896 : vector<16xi32>
        %jit3A_898 = arith.constant 0.000000e+00 : f32
        %broadcast_in_dim3A_899 = vector.broadcast %jit3A_898 : f32 to vector<16xf32>
        %select_n3A_900 = arith.select %eq3A_897, %add3A_783, %broadcast_in_dim3A_899 : vector<16xi1>, vector<16xf32>
        %add3A_901 = arith.addf %add3A_642, %select_n3A_900 : vector<16xf32>
        %eq3A_902 = arith.constant 4 : i32
        %eq3A_903 = vector.broadcast %eq3A_902 : i32 to vector<16xi32>
        %eq3A_904 = arith.cmpi eq, %select_n3A_740, %eq3A_903 : vector<16xi32>
        %jit3A_905 = arith.constant 0.000000e+00 : f32
        %broadcast_in_dim3A_906 = vector.broadcast %jit3A_905 : f32 to vector<16xf32>
        %select_n3A_907 = arith.select %eq3A_904, %add3A_783, %broadcast_in_dim3A_906 : vector<16xi1>, vector<16xf32>
        %add3A_908 = arith.addf %add3A_649, %select_n3A_907 : vector<16xf32>
        %eq3A_909 = arith.constant 5 : i32
        %eq3A_910 = vector.broadcast %eq3A_909 : i32 to vector<16xi32>
        %eq3A_911 = arith.cmpi eq, %select_n3A_740, %eq3A_910 : vector<16xi32>
        %jit3A_912 = arith.constant 0.000000e+00 : f32
        %broadcast_in_dim3A_913 = vector.broadcast %jit3A_912 : f32 to vector<16xf32>
        %select_n3A_914 = arith.select %eq3A_911, %add3A_783, %broadcast_in_dim3A_913 : vector<16xi1>, vector<16xf32>
        %add3A_915 = arith.addf %add3A_656, %select_n3A_914 : vector<16xf32>
        %eq3A_916 = arith.constant 6 : i32
        %eq3A_917 = vector.broadcast %eq3A_916 : i32 to vector<16xi32>
        %eq3A_918 = arith.cmpi eq, %select_n3A_740, %eq3A_917 : vector<16xi32>
        %jit3A_919 = arith.constant 0.000000e+00 : f32
        %broadcast_in_dim3A_920 = vector.broadcast %jit3A_919 : f32 to vector<16xf32>
        %select_n3A_921 = arith.select %eq3A_918, %add3A_783, %broadcast_in_dim3A_920 : vector<16xi1>, vector<16xf32>
        %add3A_922 = arith.addf %add3A_663, %select_n3A_921 : vector<16xf32>
        %eq3A_923 = arith.constant 7 : i32
        %eq3A_924 = vector.broadcast %eq3A_923 : i32 to vector<16xi32>
        %eq3A_925 = arith.cmpi eq, %select_n3A_740, %eq3A_924 : vector<16xi32>
        %jit3A_926 = arith.constant 0.000000e+00 : f32
        %broadcast_in_dim3A_927 = vector.broadcast %jit3A_926 : f32 to vector<16xf32>
        %select_n3A_928 = arith.select %eq3A_925, %add3A_783, %broadcast_in_dim3A_927 : vector<16xi1>, vector<16xf32>
        %add3A_929 = arith.addf %add3A_670, %select_n3A_928 : vector<16xf32>
        %eq3A_930 = arith.constant 8 : i32
        %eq3A_931 = vector.broadcast %eq3A_930 : i32 to vector<16xi32>
        %eq3A_932 = arith.cmpi eq, %select_n3A_740, %eq3A_931 : vector<16xi32>
        %jit3A_933 = arith.constant 0.000000e+00 : f32
        %broadcast_in_dim3A_934 = vector.broadcast %jit3A_933 : f32 to vector<16xf32>
        %select_n3A_935 = arith.select %eq3A_932, %add3A_783, %broadcast_in_dim3A_934 : vector<16xi1>, vector<16xf32>
        %add3A_936 = arith.addf %add3A_677, %select_n3A_935 : vector<16xf32>
        %eq3A_937 = arith.constant 9 : i32
        %eq3A_938 = vector.broadcast %eq3A_937 : i32 to vector<16xi32>
        %eq3A_939 = arith.cmpi eq, %select_n3A_740, %eq3A_938 : vector<16xi32>
        %jit3A_940 = arith.constant 0.000000e+00 : f32
        %broadcast_in_dim3A_941 = vector.broadcast %jit3A_940 : f32 to vector<16xf32>
        %select_n3A_942 = arith.select %eq3A_939, %add3A_783, %broadcast_in_dim3A_941 : vector<16xi1>, vector<16xf32>
        %add3A_943 = arith.addf %add3A_684, %select_n3A_942 : vector<16xf32>
        %get3A_944 = arith.index_cast %scan3A_156 : i32 to index
        %get3A_945 = arith.constant 48 : index
        %get3A_946 = tpu.vector_load %arg7[%get3A_944, %get3A_945] {strides = array<i32>} : memref<128x80xf32, #tpu.memory_space<vmem>>, vector<16xf32>,
        %get3A_947 = arith.index_cast %scan3A_156 : i32 to index
        %get3A_948 = arith.constant 48 : index
        %get3A_949 = tpu.vector_load %arg9[%get3A_947, %get3A_948] {strides = array<i32>} : memref<128x80xi32, #tpu.memory_space<vmem>>, vector<16xi32>,
        %get3A_950 = arith.index_cast %scan3A_156 : i32 to index
        %get3A_951 = arith.constant 48 : index
        %get3A_952 = tpu.vector_load %arg11[%get3A_950, %get3A_951] {strides = array<i32>} : memref<128x80xi32, #tpu.memory_space<vmem>>, vector<16xi32>,
        %gt3A_953 = arith.constant 0 : i32
        %gt3A_954 = vector.broadcast %gt3A_953 : i32 to vector<16xi32>
        %gt3A_955 = arith.cmpi sgt, %get3A_949, %gt3A_954 : vector<16xi32>
        %neg3A_956 = arith.constant 0.000000e+00 : f32
        %neg3A_957 = vector.broadcast %neg3A_956 : f32 to vector<16xf32>
        %neg3A_958 = arith.subf %neg3A_957, %get3A_946 : vector<16xf32>
        %select_n3A_959 = arith.select %gt3A_955, %neg3A_958, %get3A_946 : vector<16xi1>, vector<16xf32>
        %gt3A_960 = arith.constant 0 : i32
        %gt3A_961 = vector.broadcast %gt3A_960 : i32 to vector<16xi32>
        %gt3A_962 = arith.cmpi sgt, %get3A_952, %gt3A_961 : vector<16xi32>
        %max3A_963 = arith.constant -2.310000e+00 : f32
        %max3A_964 = vector.broadcast %max3A_963 : f32 to vector<16xf32>
        %max3A_965 = arith.maximumf %select_n3A_959, %max3A_964 : vector<16xf32>
        %min3A_966 = arith.constant 2.310000e+00 : f32
        %min3A_967 = vector.broadcast %min3A_966 : f32 to vector<16xf32>
        %min3A_968 = arith.minimumf %max3A_965, %min3A_967 : vector<16xf32>
        %mul3A_969 = arith.mulf %min3A_968, %min3A_968 : vector<16xf32>
        %broadcast_in_dim3A_970 = arith.constant -5.25261385E-6 : f32
        %broadcast_in_dim3A_971 = vector.broadcast %broadcast_in_dim3A_970 : f32 to vector<16xf32>
        %mul3A_972 = arith.mulf %broadcast_in_dim3A_971, %mul3A_969 : vector<16xf32>
        %add3A_973 = arith.constant 1.38540621E-4 : f32
        %add3A_974 = vector.broadcast %add3A_973 : f32 to vector<16xf32>
        %add3A_975 = arith.addf %mul3A_972, %add3A_974 : vector<16xf32>
        %mul3A_976 = arith.mulf %add3A_975, %mul3A_969 : vector<16xf32>
        %add3A_977 = arith.constant -0.0019150459 : f32
        %add3A_978 = vector.broadcast %add3A_977 : f32 to vector<16xf32>
        %add3A_979 = arith.addf %mul3A_976, %add3A_978 : vector<16xf32>
        %mul3A_980 = arith.mulf %add3A_979, %mul3A_969 : vector<16xf32>
        %add3A_981 = arith.constant 0.0205756668 : f32
        %add3A_982 = vector.broadcast %add3A_981 : f32 to vector<16xf32>
        %add3A_983 = arith.addf %mul3A_980, %add3A_982 : vector<16xf32>
        %mul3A_984 = arith.mulf %add3A_983, %mul3A_969 : vector<16xf32>
        %add3A_985 = arith.constant -0.208181709 : f32
        %add3A_986 = vector.broadcast %add3A_985 : f32 to vector<16xf32>
        %add3A_987 = arith.addf %mul3A_984, %add3A_986 : vector<16xf32>
        %mul3A_988 = arith.mulf %add3A_987, %mul3A_969 : vector<16xf32>
        %add3A_989 = arith.constant 2.49997425 : f32
        %add3A_990 = vector.broadcast %add3A_989 : f32 to vector<16xf32>
        %add3A_991 = arith.addf %mul3A_988, %add3A_990 : vector<16xf32>
        %mul3A_992 = arith.mulf %min3A_968, %add3A_991 : vector<16xf32>
        %add3A_993 = arith.constant 5.000000e+00 : f32
        %add3A_994 = vector.broadcast %add3A_993 : f32 to vector<16xf32>
        %add3A_995 = arith.addf %mul3A_992, %add3A_994 : vector<16xf32>
        %convert_element_type3A_996 = arith.fptosi %add3A_995 : vector<16xf32> to vector<16xi32>
        %jit3A_997 = arith.constant 12 : i32
        %broadcast_in_dim3A_998 = vector.broadcast %jit3A_997 : i32 to vector<16xi32>
        %select_n3A_999 = arith.select %gt3A_962, %convert_element_type3A_996, %broadcast_in_dim3A_998 : vector<16xi1>, vector<16xi32>
        %abs3A_1000 = math.absf %select_n3A_959 : vector<16xf32>
        %neg3A_1001 = arith.constant 0.000000e+00 : f32
        %neg3A_1002 = vector.broadcast %neg3A_1001 : f32 to vector<16xf32>
        %neg3A_1003 = arith.subf %neg3A_1002, %abs3A_1000 : vector<16xf32>
        %exp3A_1004 = math.exp %neg3A_1003 : vector<16xf32>
        %broadcast_in_dim3A_1005 = arith.constant -0.00615154486 : f32
        %broadcast_in_dim3A_1006 = vector.broadcast %broadcast_in_dim3A_1005 : f32 to vector<16xf32>
        %mul3A_1007 = arith.mulf %broadcast_in_dim3A_1006, %exp3A_1004 : vector<16xf32>
        %add3A_1008 = arith.constant 0.034850128 : f32
        %add3A_1009 = vector.broadcast %add3A_1008 : f32 to vector<16xf32>
        %add3A_1010 = arith.addf %mul3A_1007, %add3A_1009 : vector<16xf32>
        %mul3A_1011 = arith.mulf %add3A_1010, %exp3A_1004 : vector<16xf32>
        %add3A_1012 = arith.constant -0.093252942 : f32
        %add3A_1013 = vector.broadcast %add3A_1012 : f32 to vector<16xf32>
        %add3A_1014 = arith.addf %mul3A_1011, %add3A_1013 : vector<16xf32>
        %mul3A_1015 = arith.mulf %add3A_1014, %exp3A_1004 : vector<16xf32>
        %add3A_1016 = arith.constant 0.165823758 : f32
        %add3A_1017 = vector.broadcast %add3A_1016 : f32 to vector<16xf32>
        %add3A_1018 = arith.addf %mul3A_1015, %add3A_1017 : vector<16xf32>
        %mul3A_1019 = arith.mulf %add3A_1018, %exp3A_1004 : vector<16xf32>
        %add3A_1020 = arith.constant -0.239826784 : f32
        %add3A_1021 = vector.broadcast %add3A_1020 : f32 to vector<16xf32>
        %add3A_1022 = arith.addf %mul3A_1019, %add3A_1021 : vector<16xf32>
        %mul3A_1023 = arith.mulf %add3A_1022, %exp3A_1004 : vector<16xf32>
        %add3A_1024 = arith.constant 0.33154884 : f32
        %add3A_1025 = vector.broadcast %add3A_1024 : f32 to vector<16xf32>
        %add3A_1026 = arith.addf %mul3A_1023, %add3A_1025 : vector<16xf32>
        %mul3A_1027 = arith.mulf %add3A_1026, %exp3A_1004 : vector<16xf32>
        %add3A_1028 = arith.constant -0.499838591 : f32
        %add3A_1029 = vector.broadcast %add3A_1028 : f32 to vector<16xf32>
        %add3A_1030 = arith.addf %mul3A_1027, %add3A_1029 : vector<16xf32>
        %mul3A_1031 = arith.mulf %add3A_1030, %exp3A_1004 : vector<16xf32>
        %add3A_1032 = arith.constant 0.999994277 : f32
        %add3A_1033 = vector.broadcast %add3A_1032 : f32 to vector<16xf32>
        %add3A_1034 = arith.addf %mul3A_1031, %add3A_1033 : vector<16xf32>
        %mul3A_1035 = arith.mulf %add3A_1034, %exp3A_1004 : vector<16xf32>
        %add3A_1036 = arith.constant 3.38009194E-8 : f32
        %add3A_1037 = vector.broadcast %add3A_1036 : f32 to vector<16xf32>
        %add3A_1038 = arith.addf %mul3A_1035, %add3A_1037 : vector<16xf32>
        %max3A_1039 = arith.constant 0.000000e+00 : f32
        %max3A_1040 = vector.broadcast %max3A_1039 : f32 to vector<16xf32>
        %max3A_1041 = arith.maximumf %select_n3A_959, %max3A_1040 : vector<16xf32>
        %add3A_1042 = arith.addf %max3A_1041, %add3A_1038 : vector<16xf32>
        %eq3A_1043 = arith.constant 0 : i32
        %eq3A_1044 = vector.broadcast %eq3A_1043 : i32 to vector<16xi32>
        %eq3A_1045 = arith.cmpi eq, %select_n3A_999, %eq3A_1044 : vector<16xi32>
        %jit3A_1046 = arith.constant 1.000000e+00 : f32
        %jit3A_1047 = arith.constant 0.000000e+00 : f32
        %broadcast_in_dim3A_1048 = vector.broadcast %jit3A_1046 : f32 to vector<16xf32>
        %broadcast_in_dim3A_1049 = vector.broadcast %jit3A_1047 : f32 to vector<16xf32>
        %select_n3A_1050 = arith.select %eq3A_1045, %broadcast_in_dim3A_1048, %broadcast_in_dim3A_1049 : vector<16xi1>, vector<16xf32>
        %add3A_1051 = arith.addf %add3A_792, %select_n3A_1050 : vector<16xf32>
        %eq3A_1052 = arith.constant 1 : i32
        %eq3A_1053 = vector.broadcast %eq3A_1052 : i32 to vector<16xi32>
        %eq3A_1054 = arith.cmpi eq, %select_n3A_999, %eq3A_1053 : vector<16xi32>
        %jit3A_1055 = arith.constant 1.000000e+00 : f32
        %jit3A_1056 = arith.constant 0.000000e+00 : f32
        %broadcast_in_dim3A_1057 = vector.broadcast %jit3A_1055 : f32 to vector<16xf32>
        %broadcast_in_dim3A_1058 = vector.broadcast %jit3A_1056 : f32 to vector<16xf32>
        %select_n3A_1059 = arith.select %eq3A_1054, %broadcast_in_dim3A_1057, %broadcast_in_dim3A_1058 : vector<16xi1>, vector<16xf32>
        %add3A_1060 = arith.addf %add3A_801, %select_n3A_1059 : vector<16xf32>
        %eq3A_1061 = arith.constant 2 : i32
        %eq3A_1062 = vector.broadcast %eq3A_1061 : i32 to vector<16xi32>
        %eq3A_1063 = arith.cmpi eq, %select_n3A_999, %eq3A_1062 : vector<16xi32>
        %jit3A_1064 = arith.constant 1.000000e+00 : f32
        %jit3A_1065 = arith.constant 0.000000e+00 : f32
        %broadcast_in_dim3A_1066 = vector.broadcast %jit3A_1064 : f32 to vector<16xf32>
        %broadcast_in_dim3A_1067 = vector.broadcast %jit3A_1065 : f32 to vector<16xf32>
        %select_n3A_1068 = arith.select %eq3A_1063, %broadcast_in_dim3A_1066, %broadcast_in_dim3A_1067 : vector<16xi1>, vector<16xf32>
        %add3A_1069 = arith.addf %add3A_810, %select_n3A_1068 : vector<16xf32>
        %eq3A_1070 = arith.constant 3 : i32
        %eq3A_1071 = vector.broadcast %eq3A_1070 : i32 to vector<16xi32>
        %eq3A_1072 = arith.cmpi eq, %select_n3A_999, %eq3A_1071 : vector<16xi32>
        %jit3A_1073 = arith.constant 1.000000e+00 : f32
        %jit3A_1074 = arith.constant 0.000000e+00 : f32
        %broadcast_in_dim3A_1075 = vector.broadcast %jit3A_1073 : f32 to vector<16xf32>
        %broadcast_in_dim3A_1076 = vector.broadcast %jit3A_1074 : f32 to vector<16xf32>
        %select_n3A_1077 = arith.select %eq3A_1072, %broadcast_in_dim3A_1075, %broadcast_in_dim3A_1076 : vector<16xi1>, vector<16xf32>
        %add3A_1078 = arith.addf %add3A_819, %select_n3A_1077 : vector<16xf32>
        %eq3A_1079 = arith.constant 4 : i32
        %eq3A_1080 = vector.broadcast %eq3A_1079 : i32 to vector<16xi32>
        %eq3A_1081 = arith.cmpi eq, %select_n3A_999, %eq3A_1080 : vector<16xi32>
        %jit3A_1082 = arith.constant 1.000000e+00 : f32
        %jit3A_1083 = arith.constant 0.000000e+00 : f32
        %broadcast_in_dim3A_1084 = vector.broadcast %jit3A_1082 : f32 to vector<16xf32>
        %broadcast_in_dim3A_1085 = vector.broadcast %jit3A_1083 : f32 to vector<16xf32>
        %select_n3A_1086 = arith.select %eq3A_1081, %broadcast_in_dim3A_1084, %broadcast_in_dim3A_1085 : vector<16xi1>, vector<16xf32>
        %add3A_1087 = arith.addf %add3A_828, %select_n3A_1086 : vector<16xf32>
        %eq3A_1088 = arith.constant 5 : i32
        %eq3A_1089 = vector.broadcast %eq3A_1088 : i32 to vector<16xi32>
        %eq3A_1090 = arith.cmpi eq, %select_n3A_999, %eq3A_1089 : vector<16xi32>
        %jit3A_1091 = arith.constant 1.000000e+00 : f32
        %jit3A_1092 = arith.constant 0.000000e+00 : f32
        %broadcast_in_dim3A_1093 = vector.broadcast %jit3A_1091 : f32 to vector<16xf32>
        %broadcast_in_dim3A_1094 = vector.broadcast %jit3A_1092 : f32 to vector<16xf32>
        %select_n3A_1095 = arith.select %eq3A_1090, %broadcast_in_dim3A_1093, %broadcast_in_dim3A_1094 : vector<16xi1>, vector<16xf32>
        %add3A_1096 = arith.addf %add3A_837, %select_n3A_1095 : vector<16xf32>
        %eq3A_1097 = arith.constant 6 : i32
        %eq3A_1098 = vector.broadcast %eq3A_1097 : i32 to vector<16xi32>
        %eq3A_1099 = arith.cmpi eq, %select_n3A_999, %eq3A_1098 : vector<16xi32>
        %jit3A_1100 = arith.constant 1.000000e+00 : f32
        %jit3A_1101 = arith.constant 0.000000e+00 : f32
        %broadcast_in_dim3A_1102 = vector.broadcast %jit3A_1100 : f32 to vector<16xf32>
        %broadcast_in_dim3A_1103 = vector.broadcast %jit3A_1101 : f32 to vector<16xf32>
        %select_n3A_1104 = arith.select %eq3A_1099, %broadcast_in_dim3A_1102, %broadcast_in_dim3A_1103 : vector<16xi1>, vector<16xf32>
        %add3A_1105 = arith.addf %add3A_846, %select_n3A_1104 : vector<16xf32>
        %eq3A_1106 = arith.constant 7 : i32
        %eq3A_1107 = vector.broadcast %eq3A_1106 : i32 to vector<16xi32>
        %eq3A_1108 = arith.cmpi eq, %select_n3A_999, %eq3A_1107 : vector<16xi32>
        %jit3A_1109 = arith.constant 1.000000e+00 : f32
        %jit3A_1110 = arith.constant 0.000000e+00 : f32
        %broadcast_in_dim3A_1111 = vector.broadcast %jit3A_1109 : f32 to vector<16xf32>
        %broadcast_in_dim3A_1112 = vector.broadcast %jit3A_1110 : f32 to vector<16xf32>
        %select_n3A_1113 = arith.select %eq3A_1108, %broadcast_in_dim3A_1111, %broadcast_in_dim3A_1112 : vector<16xi1>, vector<16xf32>
        %add3A_1114 = arith.addf %add3A_855, %select_n3A_1113 : vector<16xf32>
        %eq3A_1115 = arith.constant 8 : i32
        %eq3A_1116 = vector.broadcast %eq3A_1115 : i32 to vector<16xi32>
        %eq3A_1117 = arith.cmpi eq, %select_n3A_999, %eq3A_1116 : vector<16xi32>
        %jit3A_1118 = arith.constant 1.000000e+00 : f32
        %jit3A_1119 = arith.constant 0.000000e+00 : f32
        %broadcast_in_dim3A_1120 = vector.broadcast %jit3A_1118 : f32 to vector<16xf32>
        %broadcast_in_dim3A_1121 = vector.broadcast %jit3A_1119 : f32 to vector<16xf32>
        %select_n3A_1122 = arith.select %eq3A_1117, %broadcast_in_dim3A_1120, %broadcast_in_dim3A_1121 : vector<16xi1>, vector<16xf32>
        %add3A_1123 = arith.addf %add3A_864, %select_n3A_1122 : vector<16xf32>
        %eq3A_1124 = arith.constant 9 : i32
        %eq3A_1125 = vector.broadcast %eq3A_1124 : i32 to vector<16xi32>
        %eq3A_1126 = arith.cmpi eq, %select_n3A_999, %eq3A_1125 : vector<16xi32>
        %jit3A_1127 = arith.constant 1.000000e+00 : f32
        %jit3A_1128 = arith.constant 0.000000e+00 : f32
        %broadcast_in_dim3A_1129 = vector.broadcast %jit3A_1127 : f32 to vector<16xf32>
        %broadcast_in_dim3A_1130 = vector.broadcast %jit3A_1128 : f32 to vector<16xf32>
        %select_n3A_1131 = arith.select %eq3A_1126, %broadcast_in_dim3A_1129, %broadcast_in_dim3A_1130 : vector<16xi1>, vector<16xf32>
        %add3A_1132 = arith.addf %add3A_873, %select_n3A_1131 : vector<16xf32>
        %eq3A_1133 = arith.constant 0 : i32
        %eq3A_1134 = vector.broadcast %eq3A_1133 : i32 to vector<16xi32>
        %eq3A_1135 = arith.cmpi eq, %select_n3A_999, %eq3A_1134 : vector<16xi32>
        %jit3A_1136 = arith.constant 0.000000e+00 : f32
        %broadcast_in_dim3A_1137 = vector.broadcast %jit3A_1136 : f32 to vector<16xf32>
        %select_n3A_1138 = arith.select %eq3A_1135, %add3A_1042, %broadcast_in_dim3A_1137 : vector<16xi1>, vector<16xf32>
        %add3A_1139 = arith.addf %add3A_880, %select_n3A_1138 : vector<16xf32>
        %eq3A_1140 = arith.constant 1 : i32
        %eq3A_1141 = vector.broadcast %eq3A_1140 : i32 to vector<16xi32>
        %eq3A_1142 = arith.cmpi eq, %select_n3A_999, %eq3A_1141 : vector<16xi32>
        %jit3A_1143 = arith.constant 0.000000e+00 : f32
        %broadcast_in_dim3A_1144 = vector.broadcast %jit3A_1143 : f32 to vector<16xf32>
        %select_n3A_1145 = arith.select %eq3A_1142, %add3A_1042, %broadcast_in_dim3A_1144 : vector<16xi1>, vector<16xf32>
        %add3A_1146 = arith.addf %add3A_887, %select_n3A_1145 : vector<16xf32>
        %eq3A_1147 = arith.constant 2 : i32
        %eq3A_1148 = vector.broadcast %eq3A_1147 : i32 to vector<16xi32>
        %eq3A_1149 = arith.cmpi eq, %select_n3A_999, %eq3A_1148 : vector<16xi32>
        %jit3A_1150 = arith.constant 0.000000e+00 : f32
        %broadcast_in_dim3A_1151 = vector.broadcast %jit3A_1150 : f32 to vector<16xf32>
        %select_n3A_1152 = arith.select %eq3A_1149, %add3A_1042, %broadcast_in_dim3A_1151 : vector<16xi1>, vector<16xf32>
        %add3A_1153 = arith.addf %add3A_894, %select_n3A_1152 : vector<16xf32>
        %eq3A_1154 = arith.constant 3 : i32
        %eq3A_1155 = vector.broadcast %eq3A_1154 : i32 to vector<16xi32>
        %eq3A_1156 = arith.cmpi eq, %select_n3A_999, %eq3A_1155 : vector<16xi32>
        %jit3A_1157 = arith.constant 0.000000e+00 : f32
        %broadcast_in_dim3A_1158 = vector.broadcast %jit3A_1157 : f32 to vector<16xf32>
        %select_n3A_1159 = arith.select %eq3A_1156, %add3A_1042, %broadcast_in_dim3A_1158 : vector<16xi1>, vector<16xf32>
        %add3A_1160 = arith.addf %add3A_901, %select_n3A_1159 : vector<16xf32>
        %eq3A_1161 = arith.constant 4 : i32
        %eq3A_1162 = vector.broadcast %eq3A_1161 : i32 to vector<16xi32>
        %eq3A_1163 = arith.cmpi eq, %select_n3A_999, %eq3A_1162 : vector<16xi32>
        %jit3A_1164 = arith.constant 0.000000e+00 : f32
        %broadcast_in_dim3A_1165 = vector.broadcast %jit3A_1164 : f32 to vector<16xf32>
        %select_n3A_1166 = arith.select %eq3A_1163, %add3A_1042, %broadcast_in_dim3A_1165 : vector<16xi1>, vector<16xf32>
        %add3A_1167 = arith.addf %add3A_908, %select_n3A_1166 : vector<16xf32>
        %eq3A_1168 = arith.constant 5 : i32
        %eq3A_1169 = vector.broadcast %eq3A_1168 : i32 to vector<16xi32>
        %eq3A_1170 = arith.cmpi eq, %select_n3A_999, %eq3A_1169 : vector<16xi32>
        %jit3A_1171 = arith.constant 0.000000e+00 : f32
        %broadcast_in_dim3A_1172 = vector.broadcast %jit3A_1171 : f32 to vector<16xf32>
        %select_n3A_1173 = arith.select %eq3A_1170, %add3A_1042, %broadcast_in_dim3A_1172 : vector<16xi1>, vector<16xf32>
        %add3A_1174 = arith.addf %add3A_915, %select_n3A_1173 : vector<16xf32>
        %eq3A_1175 = arith.constant 6 : i32
        %eq3A_1176 = vector.broadcast %eq3A_1175 : i32 to vector<16xi32>
        %eq3A_1177 = arith.cmpi eq, %select_n3A_999, %eq3A_1176 : vector<16xi32>
        %jit3A_1178 = arith.constant 0.000000e+00 : f32
        %broadcast_in_dim3A_1179 = vector.broadcast %jit3A_1178 : f32 to vector<16xf32>
        %select_n3A_1180 = arith.select %eq3A_1177, %add3A_1042, %broadcast_in_dim3A_1179 : vector<16xi1>, vector<16xf32>
        %add3A_1181 = arith.addf %add3A_922, %select_n3A_1180 : vector<16xf32>
        %eq3A_1182 = arith.constant 7 : i32
        %eq3A_1183 = vector.broadcast %eq3A_1182 : i32 to vector<16xi32>
        %eq3A_1184 = arith.cmpi eq, %select_n3A_999, %eq3A_1183 : vector<16xi32>
        %jit3A_1185 = arith.constant 0.000000e+00 : f32
        %broadcast_in_dim3A_1186 = vector.broadcast %jit3A_1185 : f32 to vector<16xf32>
        %select_n3A_1187 = arith.select %eq3A_1184, %add3A_1042, %broadcast_in_dim3A_1186 : vector<16xi1>, vector<16xf32>
        %add3A_1188 = arith.addf %add3A_929, %select_n3A_1187 : vector<16xf32>
        %eq3A_1189 = arith.constant 8 : i32
        %eq3A_1190 = vector.broadcast %eq3A_1189 : i32 to vector<16xi32>
        %eq3A_1191 = arith.cmpi eq, %select_n3A_999, %eq3A_1190 : vector<16xi32>
        %jit3A_1192 = arith.constant 0.000000e+00 : f32
        %broadcast_in_dim3A_1193 = vector.broadcast %jit3A_1192 : f32 to vector<16xf32>
        %select_n3A_1194 = arith.select %eq3A_1191, %add3A_1042, %broadcast_in_dim3A_1193 : vector<16xi1>, vector<16xf32>
        %add3A_1195 = arith.addf %add3A_936, %select_n3A_1194 : vector<16xf32>
        %eq3A_1196 = arith.constant 9 : i32
        %eq3A_1197 = vector.broadcast %eq3A_1196 : i32 to vector<16xi32>
        %eq3A_1198 = arith.cmpi eq, %select_n3A_999, %eq3A_1197 : vector<16xi32>
        %jit3A_1199 = arith.constant 0.000000e+00 : f32
        %broadcast_in_dim3A_1200 = vector.broadcast %jit3A_1199 : f32 to vector<16xf32>
        %select_n3A_1201 = arith.select %eq3A_1198, %add3A_1042, %broadcast_in_dim3A_1200 : vector<16xi1>, vector<16xf32>
        %add3A_1202 = arith.addf %add3A_943, %select_n3A_1201 : vector<16xf32>
        %get3A_1203 = arith.index_cast %scan3A_156 : i32 to index
        %get3A_1204 = arith.constant 64 : index
        %get3A_1205 = tpu.vector_load %arg7[%get3A_1203, %get3A_1204] {strides = array<i32>} : memref<128x80xf32, #tpu.memory_space<vmem>>, vector<16xf32>,
        %get3A_1206 = arith.index_cast %scan3A_156 : i32 to index
        %get3A_1207 = arith.constant 64 : index
        %get3A_1208 = tpu.vector_load %arg9[%get3A_1206, %get3A_1207] {strides = array<i32>} : memref<128x80xi32, #tpu.memory_space<vmem>>, vector<16xi32>,
        %get3A_1209 = arith.index_cast %scan3A_156 : i32 to index
        %get3A_1210 = arith.constant 64 : index
        %get3A_1211 = tpu.vector_load %arg11[%get3A_1209, %get3A_1210] {strides = array<i32>} : memref<128x80xi32, #tpu.memory_space<vmem>>, vector<16xi32>,
        %gt3A_1212 = arith.constant 0 : i32
        %gt3A_1213 = vector.broadcast %gt3A_1212 : i32 to vector<16xi32>
        %gt3A_1214 = arith.cmpi sgt, %get3A_1208, %gt3A_1213 : vector<16xi32>
        %neg3A_1215 = arith.constant 0.000000e+00 : f32
        %neg3A_1216 = vector.broadcast %neg3A_1215 : f32 to vector<16xf32>
        %neg3A_1217 = arith.subf %neg3A_1216, %get3A_1205 : vector<16xf32>
        %select_n3A_1218 = arith.select %gt3A_1214, %neg3A_1217, %get3A_1205 : vector<16xi1>, vector<16xf32>
        %gt3A_1219 = arith.constant 0 : i32
        %gt3A_1220 = vector.broadcast %gt3A_1219 : i32 to vector<16xi32>
        %gt3A_1221 = arith.cmpi sgt, %get3A_1211, %gt3A_1220 : vector<16xi32>
        %max3A_1222 = arith.constant -2.310000e+00 : f32
        %max3A_1223 = vector.broadcast %max3A_1222 : f32 to vector<16xf32>
        %max3A_1224 = arith.maximumf %select_n3A_1218, %max3A_1223 : vector<16xf32>
        %min3A_1225 = arith.constant 2.310000e+00 : f32
        %min3A_1226 = vector.broadcast %min3A_1225 : f32 to vector<16xf32>
        %min3A_1227 = arith.minimumf %max3A_1224, %min3A_1226 : vector<16xf32>
        %mul3A_1228 = arith.mulf %min3A_1227, %min3A_1227 : vector<16xf32>
        %broadcast_in_dim3A_1229 = arith.constant -5.25261385E-6 : f32
        %broadcast_in_dim3A_1230 = vector.broadcast %broadcast_in_dim3A_1229 : f32 to vector<16xf32>
        %mul3A_1231 = arith.mulf %broadcast_in_dim3A_1230, %mul3A_1228 : vector<16xf32>
        %add3A_1232 = arith.constant 1.38540621E-4 : f32
        %add3A_1233 = vector.broadcast %add3A_1232 : f32 to vector<16xf32>
        %add3A_1234 = arith.addf %mul3A_1231, %add3A_1233 : vector<16xf32>
        %mul3A_1235 = arith.mulf %add3A_1234, %mul3A_1228 : vector<16xf32>
        %add3A_1236 = arith.constant -0.0019150459 : f32
        %add3A_1237 = vector.broadcast %add3A_1236 : f32 to vector<16xf32>
        %add3A_1238 = arith.addf %mul3A_1235, %add3A_1237 : vector<16xf32>
        %mul3A_1239 = arith.mulf %add3A_1238, %mul3A_1228 : vector<16xf32>
        %add3A_1240 = arith.constant 0.0205756668 : f32
        %add3A_1241 = vector.broadcast %add3A_1240 : f32 to vector<16xf32>
        %add3A_1242 = arith.addf %mul3A_1239, %add3A_1241 : vector<16xf32>
        %mul3A_1243 = arith.mulf %add3A_1242, %mul3A_1228 : vector<16xf32>
        %add3A_1244 = arith.constant -0.208181709 : f32
        %add3A_1245 = vector.broadcast %add3A_1244 : f32 to vector<16xf32>
        %add3A_1246 = arith.addf %mul3A_1243, %add3A_1245 : vector<16xf32>
        %mul3A_1247 = arith.mulf %add3A_1246, %mul3A_1228 : vector<16xf32>
        %add3A_1248 = arith.constant 2.49997425 : f32
        %add3A_1249 = vector.broadcast %add3A_1248 : f32 to vector<16xf32>
        %add3A_1250 = arith.addf %mul3A_1247, %add3A_1249 : vector<16xf32>
        %mul3A_1251 = arith.mulf %min3A_1227, %add3A_1250 : vector<16xf32>
        %add3A_1252 = arith.constant 5.000000e+00 : f32
        %add3A_1253 = vector.broadcast %add3A_1252 : f32 to vector<16xf32>
        %add3A_1254 = arith.addf %mul3A_1251, %add3A_1253 : vector<16xf32>
        %convert_element_type3A_1255 = arith.fptosi %add3A_1254 : vector<16xf32> to vector<16xi32>
        %jit3A_1256 = arith.constant 12 : i32
        %broadcast_in_dim3A_1257 = vector.broadcast %jit3A_1256 : i32 to vector<16xi32>
        %select_n3A_1258 = arith.select %gt3A_1221, %convert_element_type3A_1255, %broadcast_in_dim3A_1257 : vector<16xi1>, vector<16xi32>
        %abs3A_1259 = math.absf %select_n3A_1218 : vector<16xf32>
        %neg3A_1260 = arith.constant 0.000000e+00 : f32
        %neg3A_1261 = vector.broadcast %neg3A_1260 : f32 to vector<16xf32>
        %neg3A_1262 = arith.subf %neg3A_1261, %abs3A_1259 : vector<16xf32>
        %exp3A_1263 = math.exp %neg3A_1262 : vector<16xf32>
        %broadcast_in_dim3A_1264 = arith.constant -0.00615154486 : f32
        %broadcast_in_dim3A_1265 = vector.broadcast %broadcast_in_dim3A_1264 : f32 to vector<16xf32>
        %mul3A_1266 = arith.mulf %broadcast_in_dim3A_1265, %exp3A_1263 : vector<16xf32>
        %add3A_1267 = arith.constant 0.034850128 : f32
        %add3A_1268 = vector.broadcast %add3A_1267 : f32 to vector<16xf32>
        %add3A_1269 = arith.addf %mul3A_1266, %add3A_1268 : vector<16xf32>
        %mul3A_1270 = arith.mulf %add3A_1269, %exp3A_1263 : vector<16xf32>
        %add3A_1271 = arith.constant -0.093252942 : f32
        %add3A_1272 = vector.broadcast %add3A_1271 : f32 to vector<16xf32>
        %add3A_1273 = arith.addf %mul3A_1270, %add3A_1272 : vector<16xf32>
        %mul3A_1274 = arith.mulf %add3A_1273, %exp3A_1263 : vector<16xf32>
        %add3A_1275 = arith.constant 0.165823758 : f32
        %add3A_1276 = vector.broadcast %add3A_1275 : f32 to vector<16xf32>
        %add3A_1277 = arith.addf %mul3A_1274, %add3A_1276 : vector<16xf32>
        %mul3A_1278 = arith.mulf %add3A_1277, %exp3A_1263 : vector<16xf32>
        %add3A_1279 = arith.constant -0.239826784 : f32
        %add3A_1280 = vector.broadcast %add3A_1279 : f32 to vector<16xf32>
        %add3A_1281 = arith.addf %mul3A_1278, %add3A_1280 : vector<16xf32>
        %mul3A_1282 = arith.mulf %add3A_1281, %exp3A_1263 : vector<16xf32>
        %add3A_1283 = arith.constant 0.33154884 : f32
        %add3A_1284 = vector.broadcast %add3A_1283 : f32 to vector<16xf32>
        %add3A_1285 = arith.addf %mul3A_1282, %add3A_1284 : vector<16xf32>
        %mul3A_1286 = arith.mulf %add3A_1285, %exp3A_1263 : vector<16xf32>
        %add3A_1287 = arith.constant -0.499838591 : f32
        %add3A_1288 = vector.broadcast %add3A_1287 : f32 to vector<16xf32>
        %add3A_1289 = arith.addf %mul3A_1286, %add3A_1288 : vector<16xf32>
        %mul3A_1290 = arith.mulf %add3A_1289, %exp3A_1263 : vector<16xf32>
        %add3A_1291 = arith.constant 0.999994277 : f32
        %add3A_1292 = vector.broadcast %add3A_1291 : f32 to vector<16xf32>
        %add3A_1293 = arith.addf %mul3A_1290, %add3A_1292 : vector<16xf32>
        %mul3A_1294 = arith.mulf %add3A_1293, %exp3A_1263 : vector<16xf32>
        %add3A_1295 = arith.constant 3.38009194E-8 : f32
        %add3A_1296 = vector.broadcast %add3A_1295 : f32 to vector<16xf32>
        %add3A_1297 = arith.addf %mul3A_1294, %add3A_1296 : vector<16xf32>
        %max3A_1298 = arith.constant 0.000000e+00 : f32
        %max3A_1299 = vector.broadcast %max3A_1298 : f32 to vector<16xf32>
        %max3A_1300 = arith.maximumf %select_n3A_1218, %max3A_1299 : vector<16xf32>
        %add3A_1301 = arith.addf %max3A_1300, %add3A_1297 : vector<16xf32>
        %eq3A_1302 = arith.constant 0 : i32
        %eq3A_1303 = vector.broadcast %eq3A_1302 : i32 to vector<16xi32>
        %eq3A_1304 = arith.cmpi eq, %select_n3A_1258, %eq3A_1303 : vector<16xi32>
        %jit3A_1305 = arith.constant 1.000000e+00 : f32
        %jit3A_1306 = arith.constant 0.000000e+00 : f32
        %broadcast_in_dim3A_1307 = vector.broadcast %jit3A_1305 : f32 to vector<16xf32>
        %broadcast_in_dim3A_1308 = vector.broadcast %jit3A_1306 : f32 to vector<16xf32>
        %select_n3A_1309 = arith.select %eq3A_1304, %broadcast_in_dim3A_1307, %broadcast_in_dim3A_1308 : vector<16xi1>, vector<16xf32>
        %add3A_1310 = arith.addf %add3A_1051, %select_n3A_1309 : vector<16xf32>
        %eq3A_1311 = arith.constant 1 : i32
        %eq3A_1312 = vector.broadcast %eq3A_1311 : i32 to vector<16xi32>
        %eq3A_1313 = arith.cmpi eq, %select_n3A_1258, %eq3A_1312 : vector<16xi32>
        %jit3A_1314 = arith.constant 1.000000e+00 : f32
        %jit3A_1315 = arith.constant 0.000000e+00 : f32
        %broadcast_in_dim3A_1316 = vector.broadcast %jit3A_1314 : f32 to vector<16xf32>
        %broadcast_in_dim3A_1317 = vector.broadcast %jit3A_1315 : f32 to vector<16xf32>
        %select_n3A_1318 = arith.select %eq3A_1313, %broadcast_in_dim3A_1316, %broadcast_in_dim3A_1317 : vector<16xi1>, vector<16xf32>
        %add3A_1319 = arith.addf %add3A_1060, %select_n3A_1318 : vector<16xf32>
        %eq3A_1320 = arith.constant 2 : i32
        %eq3A_1321 = vector.broadcast %eq3A_1320 : i32 to vector<16xi32>
        %eq3A_1322 = arith.cmpi eq, %select_n3A_1258, %eq3A_1321 : vector<16xi32>
        %jit3A_1323 = arith.constant 1.000000e+00 : f32
        %jit3A_1324 = arith.constant 0.000000e+00 : f32
        %broadcast_in_dim3A_1325 = vector.broadcast %jit3A_1323 : f32 to vector<16xf32>
        %broadcast_in_dim3A_1326 = vector.broadcast %jit3A_1324 : f32 to vector<16xf32>
        %select_n3A_1327 = arith.select %eq3A_1322, %broadcast_in_dim3A_1325, %broadcast_in_dim3A_1326 : vector<16xi1>, vector<16xf32>
        %add3A_1328 = arith.addf %add3A_1069, %select_n3A_1327 : vector<16xf32>
        %eq3A_1329 = arith.constant 3 : i32
        %eq3A_1330 = vector.broadcast %eq3A_1329 : i32 to vector<16xi32>
        %eq3A_1331 = arith.cmpi eq, %select_n3A_1258, %eq3A_1330 : vector<16xi32>
        %jit3A_1332 = arith.constant 1.000000e+00 : f32
        %jit3A_1333 = arith.constant 0.000000e+00 : f32
        %broadcast_in_dim3A_1334 = vector.broadcast %jit3A_1332 : f32 to vector<16xf32>
        %broadcast_in_dim3A_1335 = vector.broadcast %jit3A_1333 : f32 to vector<16xf32>
        %select_n3A_1336 = arith.select %eq3A_1331, %broadcast_in_dim3A_1334, %broadcast_in_dim3A_1335 : vector<16xi1>, vector<16xf32>
        %add3A_1337 = arith.addf %add3A_1078, %select_n3A_1336 : vector<16xf32>
        %eq3A_1338 = arith.constant 4 : i32
        %eq3A_1339 = vector.broadcast %eq3A_1338 : i32 to vector<16xi32>
        %eq3A_1340 = arith.cmpi eq, %select_n3A_1258, %eq3A_1339 : vector<16xi32>
        %jit3A_1341 = arith.constant 1.000000e+00 : f32
        %jit3A_1342 = arith.constant 0.000000e+00 : f32
        %broadcast_in_dim3A_1343 = vector.broadcast %jit3A_1341 : f32 to vector<16xf32>
        %broadcast_in_dim3A_1344 = vector.broadcast %jit3A_1342 : f32 to vector<16xf32>
        %select_n3A_1345 = arith.select %eq3A_1340, %broadcast_in_dim3A_1343, %broadcast_in_dim3A_1344 : vector<16xi1>, vector<16xf32>
        %add3A_1346 = arith.addf %add3A_1087, %select_n3A_1345 : vector<16xf32>
        %eq3A_1347 = arith.constant 5 : i32
        %eq3A_1348 = vector.broadcast %eq3A_1347 : i32 to vector<16xi32>
        %eq3A_1349 = arith.cmpi eq, %select_n3A_1258, %eq3A_1348 : vector<16xi32>
        %jit3A_1350 = arith.constant 1.000000e+00 : f32
        %jit3A_1351 = arith.constant 0.000000e+00 : f32
        %broadcast_in_dim3A_1352 = vector.broadcast %jit3A_1350 : f32 to vector<16xf32>
        %broadcast_in_dim3A_1353 = vector.broadcast %jit3A_1351 : f32 to vector<16xf32>
        %select_n3A_1354 = arith.select %eq3A_1349, %broadcast_in_dim3A_1352, %broadcast_in_dim3A_1353 : vector<16xi1>, vector<16xf32>
        %add3A_1355 = arith.addf %add3A_1096, %select_n3A_1354 : vector<16xf32>
        %eq3A_1356 = arith.constant 6 : i32
        %eq3A_1357 = vector.broadcast %eq3A_1356 : i32 to vector<16xi32>
        %eq3A_1358 = arith.cmpi eq, %select_n3A_1258, %eq3A_1357 : vector<16xi32>
        %jit3A_1359 = arith.constant 1.000000e+00 : f32
        %jit3A_1360 = arith.constant 0.000000e+00 : f32
        %broadcast_in_dim3A_1361 = vector.broadcast %jit3A_1359 : f32 to vector<16xf32>
        %broadcast_in_dim3A_1362 = vector.broadcast %jit3A_1360 : f32 to vector<16xf32>
        %select_n3A_1363 = arith.select %eq3A_1358, %broadcast_in_dim3A_1361, %broadcast_in_dim3A_1362 : vector<16xi1>, vector<16xf32>
        %add3A_1364 = arith.addf %add3A_1105, %select_n3A_1363 : vector<16xf32>
        %eq3A_1365 = arith.constant 7 : i32
        %eq3A_1366 = vector.broadcast %eq3A_1365 : i32 to vector<16xi32>
        %eq3A_1367 = arith.cmpi eq, %select_n3A_1258, %eq3A_1366 : vector<16xi32>
        %jit3A_1368 = arith.constant 1.000000e+00 : f32
        %jit3A_1369 = arith.constant 0.000000e+00 : f32
        %broadcast_in_dim3A_1370 = vector.broadcast %jit3A_1368 : f32 to vector<16xf32>
        %broadcast_in_dim3A_1371 = vector.broadcast %jit3A_1369 : f32 to vector<16xf32>
        %select_n3A_1372 = arith.select %eq3A_1367, %broadcast_in_dim3A_1370, %broadcast_in_dim3A_1371 : vector<16xi1>, vector<16xf32>
        %add3A_1373 = arith.addf %add3A_1114, %select_n3A_1372 : vector<16xf32>
        %eq3A_1374 = arith.constant 8 : i32
        %eq3A_1375 = vector.broadcast %eq3A_1374 : i32 to vector<16xi32>
        %eq3A_1376 = arith.cmpi eq, %select_n3A_1258, %eq3A_1375 : vector<16xi32>
        %jit3A_1377 = arith.constant 1.000000e+00 : f32
        %jit3A_1378 = arith.constant 0.000000e+00 : f32
        %broadcast_in_dim3A_1379 = vector.broadcast %jit3A_1377 : f32 to vector<16xf32>
        %broadcast_in_dim3A_1380 = vector.broadcast %jit3A_1378 : f32 to vector<16xf32>
        %select_n3A_1381 = arith.select %eq3A_1376, %broadcast_in_dim3A_1379, %broadcast_in_dim3A_1380 : vector<16xi1>, vector<16xf32>
        %add3A_1382 = arith.addf %add3A_1123, %select_n3A_1381 : vector<16xf32>
        %eq3A_1383 = arith.constant 9 : i32
        %eq3A_1384 = vector.broadcast %eq3A_1383 : i32 to vector<16xi32>
        %eq3A_1385 = arith.cmpi eq, %select_n3A_1258, %eq3A_1384 : vector<16xi32>
        %jit3A_1386 = arith.constant 1.000000e+00 : f32
        %jit3A_1387 = arith.constant 0.000000e+00 : f32
        %broadcast_in_dim3A_1388 = vector.broadcast %jit3A_1386 : f32 to vector<16xf32>
        %broadcast_in_dim3A_1389 = vector.broadcast %jit3A_1387 : f32 to vector<16xf32>
        %select_n3A_1390 = arith.select %eq3A_1385, %broadcast_in_dim3A_1388, %broadcast_in_dim3A_1389 : vector<16xi1>, vector<16xf32>
        %add3A_1391 = arith.addf %add3A_1132, %select_n3A_1390 : vector<16xf32>
        %eq3A_1392 = arith.constant 0 : i32
        %eq3A_1393 = vector.broadcast %eq3A_1392 : i32 to vector<16xi32>
        %eq3A_1394 = arith.cmpi eq, %select_n3A_1258, %eq3A_1393 : vector<16xi32>
        %jit3A_1395 = arith.constant 0.000000e+00 : f32
        %broadcast_in_dim3A_1396 = vector.broadcast %jit3A_1395 : f32 to vector<16xf32>
        %select_n3A_1397 = arith.select %eq3A_1394, %add3A_1301, %broadcast_in_dim3A_1396 : vector<16xi1>, vector<16xf32>
        %add3A_1398 = arith.addf %add3A_1139, %select_n3A_1397 : vector<16xf32>
        %eq3A_1399 = arith.constant 1 : i32
        %eq3A_1400 = vector.broadcast %eq3A_1399 : i32 to vector<16xi32>
        %eq3A_1401 = arith.cmpi eq, %select_n3A_1258, %eq3A_1400 : vector<16xi32>
        %jit3A_1402 = arith.constant 0.000000e+00 : f32
        %broadcast_in_dim3A_1403 = vector.broadcast %jit3A_1402 : f32 to vector<16xf32>
        %select_n3A_1404 = arith.select %eq3A_1401, %add3A_1301, %broadcast_in_dim3A_1403 : vector<16xi1>, vector<16xf32>
        %add3A_1405 = arith.addf %add3A_1146, %select_n3A_1404 : vector<16xf32>
        %eq3A_1406 = arith.constant 2 : i32
        %eq3A_1407 = vector.broadcast %eq3A_1406 : i32 to vector<16xi32>
        %eq3A_1408 = arith.cmpi eq, %select_n3A_1258, %eq3A_1407 : vector<16xi32>
        %jit3A_1409 = arith.constant 0.000000e+00 : f32
        %broadcast_in_dim3A_1410 = vector.broadcast %jit3A_1409 : f32 to vector<16xf32>
        %select_n3A_1411 = arith.select %eq3A_1408, %add3A_1301, %broadcast_in_dim3A_1410 : vector<16xi1>, vector<16xf32>
        %add3A_1412 = arith.addf %add3A_1153, %select_n3A_1411 : vector<16xf32>
        %eq3A_1413 = arith.constant 3 : i32
        %eq3A_1414 = vector.broadcast %eq3A_1413 : i32 to vector<16xi32>
        %eq3A_1415 = arith.cmpi eq, %select_n3A_1258, %eq3A_1414 : vector<16xi32>
        %jit3A_1416 = arith.constant 0.000000e+00 : f32
        %broadcast_in_dim3A_1417 = vector.broadcast %jit3A_1416 : f32 to vector<16xf32>
        %select_n3A_1418 = arith.select %eq3A_1415, %add3A_1301, %broadcast_in_dim3A_1417 : vector<16xi1>, vector<16xf32>
        %add3A_1419 = arith.addf %add3A_1160, %select_n3A_1418 : vector<16xf32>
        %eq3A_1420 = arith.constant 4 : i32
        %eq3A_1421 = vector.broadcast %eq3A_1420 : i32 to vector<16xi32>
        %eq3A_1422 = arith.cmpi eq, %select_n3A_1258, %eq3A_1421 : vector<16xi32>
        %jit3A_1423 = arith.constant 0.000000e+00 : f32
        %broadcast_in_dim3A_1424 = vector.broadcast %jit3A_1423 : f32 to vector<16xf32>
        %select_n3A_1425 = arith.select %eq3A_1422, %add3A_1301, %broadcast_in_dim3A_1424 : vector<16xi1>, vector<16xf32>
        %add3A_1426 = arith.addf %add3A_1167, %select_n3A_1425 : vector<16xf32>
        %eq3A_1427 = arith.constant 5 : i32
        %eq3A_1428 = vector.broadcast %eq3A_1427 : i32 to vector<16xi32>
        %eq3A_1429 = arith.cmpi eq, %select_n3A_1258, %eq3A_1428 : vector<16xi32>
        %jit3A_1430 = arith.constant 0.000000e+00 : f32
        %broadcast_in_dim3A_1431 = vector.broadcast %jit3A_1430 : f32 to vector<16xf32>
        %select_n3A_1432 = arith.select %eq3A_1429, %add3A_1301, %broadcast_in_dim3A_1431 : vector<16xi1>, vector<16xf32>
        %add3A_1433 = arith.addf %add3A_1174, %select_n3A_1432 : vector<16xf32>
        %eq3A_1434 = arith.constant 6 : i32
        %eq3A_1435 = vector.broadcast %eq3A_1434 : i32 to vector<16xi32>
        %eq3A_1436 = arith.cmpi eq, %select_n3A_1258, %eq3A_1435 : vector<16xi32>
        %jit3A_1437 = arith.constant 0.000000e+00 : f32
        %broadcast_in_dim3A_1438 = vector.broadcast %jit3A_1437 : f32 to vector<16xf32>
        %select_n3A_1439 = arith.select %eq3A_1436, %add3A_1301, %broadcast_in_dim3A_1438 : vector<16xi1>, vector<16xf32>
        %add3A_1440 = arith.addf %add3A_1181, %select_n3A_1439 : vector<16xf32>
        %eq3A_1441 = arith.constant 7 : i32
        %eq3A_1442 = vector.broadcast %eq3A_1441 : i32 to vector<16xi32>
        %eq3A_1443 = arith.cmpi eq, %select_n3A_1258, %eq3A_1442 : vector<16xi32>
        %jit3A_1444 = arith.constant 0.000000e+00 : f32
        %broadcast_in_dim3A_1445 = vector.broadcast %jit3A_1444 : f32 to vector<16xf32>
        %select_n3A_1446 = arith.select %eq3A_1443, %add3A_1301, %broadcast_in_dim3A_1445 : vector<16xi1>, vector<16xf32>
        %add3A_1447 = arith.addf %add3A_1188, %select_n3A_1446 : vector<16xf32>
        %eq3A_1448 = arith.constant 8 : i32
        %eq3A_1449 = vector.broadcast %eq3A_1448 : i32 to vector<16xi32>
        %eq3A_1450 = arith.cmpi eq, %select_n3A_1258, %eq3A_1449 : vector<16xi32>
        %jit3A_1451 = arith.constant 0.000000e+00 : f32
        %broadcast_in_dim3A_1452 = vector.broadcast %jit3A_1451 : f32 to vector<16xf32>
        %select_n3A_1453 = arith.select %eq3A_1450, %add3A_1301, %broadcast_in_dim3A_1452 : vector<16xi1>, vector<16xf32>
        %add3A_1454 = arith.addf %add3A_1195, %select_n3A_1453 : vector<16xf32>
        %eq3A_1455 = arith.constant 9 : i32
        %eq3A_1456 = vector.broadcast %eq3A_1455 : i32 to vector<16xi32>
        %eq3A_1457 = arith.cmpi eq, %select_n3A_1258, %eq3A_1456 : vector<16xi32>
        %jit3A_1458 = arith.constant 0.000000e+00 : f32
        %broadcast_in_dim3A_1459 = vector.broadcast %jit3A_1458 : f32 to vector<16xf32>
        %select_n3A_1460 = arith.select %eq3A_1457, %add3A_1301, %broadcast_in_dim3A_1459 : vector<16xi1>, vector<16xf32>
        %add3A_1461 = arith.addf %add3A_1202, %select_n3A_1460 : vector<16xf32>
        scf.yield %add3A_1310, %add3A_1319, %add3A_1328, %add3A_1337, %add3A_1346, %add3A_1355, %add3A_1364, %add3A_1373, %add3A_1382, %add3A_1391, %add3A_1398, %add3A_1405, %add3A_1412, %add3A_1419, %add3A_1426, %add3A_1433, %add3A_1440, %add3A_1447, %add3A_1454, %add3A_1461 : vector<16xf32>, vector<16xf32>, vector<16xf32>, vector<16xf32>, vector<16xf32>, vector<16xf32>, vector<16xf32>, vector<16xf32>, vector<16xf32>, vector<16xf32>, vector<16xf32>, vector<16xf32>, vector<16xf32>, vector<16xf32>, vector<16xf32>, vector<16xf32>, vector<16xf32>, vector<16xf32>, vector<16xf32>, vector<16xf32>
      }
      %scan3A_155 = arith.constant 128 : i32
      scf.yield %scan3A_154#0, %scan3A_154#1, %scan3A_154#2, %scan3A_154#3, %scan3A_154#4, %scan3A_154#5, %scan3A_154#6, %scan3A_154#7, %scan3A_154#8, %scan3A_154#9, %scan3A_154#10, %scan3A_154#11, %scan3A_154#12, %scan3A_154#13, %scan3A_154#14, %scan3A_154#15, %scan3A_154#16, %scan3A_154#17, %scan3A_154#18, %scan3A_154#19 : vector<16xf32>, vector<16xf32>, vector<16xf32>, vector<16xf32>, vector<16xf32>, vector<16xf32>, vector<16xf32>, vector<16xf32>, vector<16xf32>, vector<16xf32>, vector<16xf32>, vector<16xf32>, vector<16xf32>, vector<16xf32>, vector<16xf32>, vector<16xf32>, vector<16xf32>, vector<16xf32>, vector<16xf32>, vector<16xf32>
    }
    %scan3A_21 = arith.constant 4 : i32
    %swap3A = arith.constant 0 : index
    %swap3A_22 = tpu.vector_load %arg12[%swap3A] {strides = array<i32>} : memref<320xf32, #tpu.memory_space<vmem>>, vector<16xf32>,
    tpu.vector_store %arg12[%swap3A], %scan3A_20#0 {strides = array<i32>} : memref<320xf32, #tpu.memory_space<vmem>>, vector<16xf32>,
    %swap3A_23 = arith.constant 160 : index
    %swap3A_24 = tpu.vector_load %arg12[%swap3A_23] {strides = array<i32>} : memref<320xf32, #tpu.memory_space<vmem>>, vector<16xf32>,
    tpu.vector_store %arg12[%swap3A_23], %scan3A_20#10 {strides = array<i32>} : memref<320xf32, #tpu.memory_space<vmem>>, vector<16xf32>,
    %swap3A_25 = arith.constant 16 : index
    %swap3A_26 = tpu.vector_load %arg12[%swap3A_25] {strides = array<i32>} : memref<320xf32, #tpu.memory_space<vmem>>, vector<16xf32>,
    tpu.vector_store %arg12[%swap3A_25], %scan3A_20#1 {strides = array<i32>} : memref<320xf32, #tpu.memory_space<vmem>>, vector<16xf32>,
    %swap3A_27 = arith.constant 176 : index
    %swap3A_28 = tpu.vector_load %arg12[%swap3A_27] {strides = array<i32>} : memref<320xf32, #tpu.memory_space<vmem>>, vector<16xf32>,
    tpu.vector_store %arg12[%swap3A_27], %scan3A_20#11 {strides = array<i32>} : memref<320xf32, #tpu.memory_space<vmem>>, vector<16xf32>,
    %swap3A_29 = arith.constant 32 : index
    %swap3A_30 = tpu.vector_load %arg12[%swap3A_29] {strides = array<i32>} : memref<320xf32, #tpu.memory_space<vmem>>, vector<16xf32>,
    tpu.vector_store %arg12[%swap3A_29], %scan3A_20#2 {strides = array<i32>} : memref<320xf32, #tpu.memory_space<vmem>>, vector<16xf32>,
    %swap3A_31 = arith.constant 192 : index
    %swap3A_32 = tpu.vector_load %arg12[%swap3A_31] {strides = array<i32>} : memref<320xf32, #tpu.memory_space<vmem>>, vector<16xf32>,
    tpu.vector_store %arg12[%swap3A_31], %scan3A_20#12 {strides = array<i32>} : memref<320xf32, #tpu.memory_space<vmem>>, vector<16xf32>,
    %swap3A_33 = arith.constant 48 : index
    %swap3A_34 = tpu.vector_load %arg12[%swap3A_33] {strides = array<i32>} : memref<320xf32, #tpu.memory_space<vmem>>, vector<16xf32>,
    tpu.vector_store %arg12[%swap3A_33], %scan3A_20#3 {strides = array<i32>} : memref<320xf32, #tpu.memory_space<vmem>>, vector<16xf32>,
    %swap3A_35 = arith.constant 208 : index
    %swap3A_36 = tpu.vector_load %arg12[%swap3A_35] {strides = array<i32>} : memref<320xf32, #tpu.memory_space<vmem>>, vector<16xf32>,
    tpu.vector_store %arg12[%swap3A_35], %scan3A_20#13 {strides = array<i32>} : memref<320xf32, #tpu.memory_space<vmem>>, vector<16xf32>,
    %swap3A_37 = arith.constant 64 : index
    %swap3A_38 = tpu.vector_load %arg12[%swap3A_37] {strides = array<i32>} : memref<320xf32, #tpu.memory_space<vmem>>, vector<16xf32>,
    tpu.vector_store %arg12[%swap3A_37], %scan3A_20#4 {strides = array<i32>} : memref<320xf32, #tpu.memory_space<vmem>>, vector<16xf32>,
    %swap3A_39 = arith.constant 224 : index
    %swap3A_40 = tpu.vector_load %arg12[%swap3A_39] {strides = array<i32>} : memref<320xf32, #tpu.memory_space<vmem>>, vector<16xf32>,
    tpu.vector_store %arg12[%swap3A_39], %scan3A_20#14 {strides = array<i32>} : memref<320xf32, #tpu.memory_space<vmem>>, vector<16xf32>,
    %swap3A_41 = arith.constant 80 : index
    %swap3A_42 = tpu.vector_load %arg12[%swap3A_41] {strides = array<i32>} : memref<320xf32, #tpu.memory_space<vmem>>, vector<16xf32>,
    tpu.vector_store %arg12[%swap3A_41], %scan3A_20#5 {strides = array<i32>} : memref<320xf32, #tpu.memory_space<vmem>>, vector<16xf32>,
    %swap3A_43 = arith.constant 240 : index
    %swap3A_44 = tpu.vector_load %arg12[%swap3A_43] {strides = array<i32>} : memref<320xf32, #tpu.memory_space<vmem>>, vector<16xf32>,
    tpu.vector_store %arg12[%swap3A_43], %scan3A_20#15 {strides = array<i32>} : memref<320xf32, #tpu.memory_space<vmem>>, vector<16xf32>,
    %swap3A_45 = arith.constant 96 : index
    %swap3A_46 = tpu.vector_load %arg12[%swap3A_45] {strides = array<i32>} : memref<320xf32, #tpu.memory_space<vmem>>, vector<16xf32>,
    tpu.vector_store %arg12[%swap3A_45], %scan3A_20#6 {strides = array<i32>} : memref<320xf32, #tpu.memory_space<vmem>>, vector<16xf32>,
    %swap3A_47 = arith.constant 256 : index
    %swap3A_48 = tpu.vector_load %arg12[%swap3A_47] {strides = array<i32>} : memref<320xf32, #tpu.memory_space<vmem>>, vector<16xf32>,
    tpu.vector_store %arg12[%swap3A_47], %scan3A_20#16 {strides = array<i32>} : memref<320xf32, #tpu.memory_space<vmem>>, vector<16xf32>,
    %swap3A_49 = arith.constant 112 : index
    %swap3A_50 = tpu.vector_load %arg12[%swap3A_49] {strides = array<i32>} : memref<320xf32, #tpu.memory_space<vmem>>, vector<16xf32>,
    tpu.vector_store %arg12[%swap3A_49], %scan3A_20#7 {strides = array<i32>} : memref<320xf32, #tpu.memory_space<vmem>>, vector<16xf32>,
    %swap3A_51 = arith.constant 272 : index
    %swap3A_52 = tpu.vector_load %arg12[%swap3A_51] {strides = array<i32>} : memref<320xf32, #tpu.memory_space<vmem>>, vector<16xf32>,
    tpu.vector_store %arg12[%swap3A_51], %scan3A_20#17 {strides = array<i32>} : memref<320xf32, #tpu.memory_space<vmem>>, vector<16xf32>,
    %swap3A_53 = arith.constant 128 : index
    %swap3A_54 = tpu.vector_load %arg12[%swap3A_53] {strides = array<i32>} : memref<320xf32, #tpu.memory_space<vmem>>, vector<16xf32>,
    tpu.vector_store %arg12[%swap3A_53], %scan3A_20#8 {strides = array<i32>} : memref<320xf32, #tpu.memory_space<vmem>>, vector<16xf32>,
    %swap3A_55 = arith.constant 288 : index
    %swap3A_56 = tpu.vector_load %arg12[%swap3A_55] {strides = array<i32>} : memref<320xf32, #tpu.memory_space<vmem>>, vector<16xf32>,
    tpu.vector_store %arg12[%swap3A_55], %scan3A_20#18 {strides = array<i32>} : memref<320xf32, #tpu.memory_space<vmem>>, vector<16xf32>,
    %swap3A_57 = arith.constant 144 : index
    %swap3A_58 = tpu.vector_load %arg12[%swap3A_57] {strides = array<i32>} : memref<320xf32, #tpu.memory_space<vmem>>, vector<16xf32>,
    tpu.vector_store %arg12[%swap3A_57], %scan3A_20#9 {strides = array<i32>} : memref<320xf32, #tpu.memory_space<vmem>>, vector<16xf32>,
    %swap3A_59 = arith.constant 304 : index
    %swap3A_60 = tpu.vector_load %arg12[%swap3A_59] {strides = array<i32>} : memref<320xf32, #tpu.memory_space<vmem>>, vector<16xf32>,
    tpu.vector_store %arg12[%swap3A_59], %scan3A_20#19 {strides = array<i32>} : memref<320xf32, #tpu.memory_space<vmem>>, vector<16xf32>,
    %mul3A_61 = arith.constant 2 : i32
    %mul3A_62 = arith.muli %add3A, %mul3A_61 : i32
    %mul3A_63 = arith.constant 10 : i32
    %mul3A_64 = arith.muli %mul3A_62, %mul3A_63 : i32
    %mul3A_65 = arith.constant 16 : i32
    %mul3A_66 = arith.muli %mul3A_64, %mul3A_65 : i32
    "tpu.region"() ({
      %run_scoped3A = tpu.sem_alloc : memref<!tpu.dma_semaphore, #tpu.memory_space<semaphore_mem>>
      %dma_start3A_67 = tpu.memref_slice %arg5[%mul3A_66] : memref<10240xf32, #tpu.memory_space<hbm>> -> memref<320xf32, #tpu.memory_space<hbm>>
      %dma_start3A_68 = tpu.memref_slice %arg5[%mul3A_66] : memref<10240xf32, #tpu.memory_space<hbm>> -> memref<320xf32, #tpu.memory_space<hbm>>
      tpu.enqueue_dma source(%arg12 : memref<320xf32, #tpu.memory_space<vmem>>) target(%dma_start3A_68 : memref<320xf32, #tpu.memory_space<hbm>>) target_semaphore(%run_scoped3A : memref<!tpu.dma_semaphore, #tpu.memory_space<semaphore_mem>>)
      %dma_wait3A = tpu.memref_slice %arg5[%mul3A_66] : memref<10240xf32, #tpu.memory_space<hbm>> -> memref<320xf32, #tpu.memory_space<hbm>>
      %dma_wait3A_69 = tpu.memref_slice %arg5[%mul3A_66] : memref<10240xf32, #tpu.memory_space<hbm>> -> memref<320xf32, #tpu.memory_space<hbm>>
      tpu.wait_dma2 semaphore(%run_scoped3A : memref<!tpu.dma_semaphore, #tpu.memory_space<semaphore_mem>>) src(%arg12 : memref<320xf32, #tpu.memory_space<vmem>>) dst(%dma_wait3A_69 : memref<320xf32, #tpu.memory_space<hbm>>)
      tpu.yield
    }) : () -> ()
    return
  }
}

module attributes {stable_mosaic.version = 14 : i64} {
  func.func @_ghm_tc_body(%arg0: i32, %arg1: memref<512x80xf32, #tpu.memory_space<vmem>>, %arg2: memref<512x80xi32, #tpu.memory_space<vmem>>, %arg3: memref<512x80xi32, #tpu.memory_space<vmem>>, %arg4: memref<2x10xf32, #tpu.memory_space<smem>>, %arg5: memref<10x512x80xf32, #tpu.memory_space<vmem>>) attributes {dimension_semantics = [#tpu.dimension_semantics<arbitrary>], iteration_bounds = array<i64: 192>, scalar_prefetch = 0 : i64, scratch_operands = 1 : i64, tpu.core_type = #tpu.core_type<tc>, window_params = [{transform_indices = @transform_0, window_bounds = array<i64: 512, 80>}, {transform_indices = @transform_1, window_bounds = array<i64: 512, 80>}, {transform_indices = @transform_2, window_bounds = array<i64: 512, 80>}, {transform_indices = @transform_3, window_bounds = array<i64: 2, 10>}]} {
    %eq3A = arith.constant 0 : i32
    %eq3A_0 = arith.cmpi eq, %arg0, %eq3A : i32
    %convert_element_type3A = arith.extui %eq3A_0 : i1 to i32
    %cond3A = arith.constant 0 : i32
    %cond3A_1 = arith.cmpi ne, %convert_element_type3A, %cond3A : i32
    scf.if %cond3A_1 {
      %broadcast_in_dim3A_217 = arith.constant 0.000000e+00 : f32
      %broadcast_in_dim3A_218 = vector.broadcast %broadcast_in_dim3A_217 : f32 to vector<512x80xf32>
      %swap3A_219 = arith.constant 0 : index
      %swap3A_220 = arith.constant 0 : index
      %swap3A_221 = arith.constant 0 : index
      %swap3A_222 = vector.load %arg5[%swap3A_219, %swap3A_220, %swap3A_221] : memref<10x512x80xf32, #tpu.memory_space<vmem>>, vector<1x512x80xf32>
      %swap3A_223 = vector.shape_cast %swap3A_222 : vector<1x512x80xf32> to vector<512x80xf32>
      %swap3A_224 = vector.shape_cast %broadcast_in_dim3A_218 : vector<512x80xf32> to vector<1x512x80xf32>
      tpu.vector_store %arg5[%swap3A_219, %swap3A_220, %swap3A_221], %swap3A_224 {strides = array<i32>} : memref<10x512x80xf32, #tpu.memory_space<vmem>>, vector<1x512x80xf32>,
      %swap3A_225 = arith.constant 1 : index
      %swap3A_226 = arith.constant 0 : index
      %swap3A_227 = arith.constant 0 : index
      %swap3A_228 = vector.load %arg5[%swap3A_225, %swap3A_226, %swap3A_227] : memref<10x512x80xf32, #tpu.memory_space<vmem>>, vector<1x512x80xf32>
      %swap3A_229 = vector.shape_cast %swap3A_228 : vector<1x512x80xf32> to vector<512x80xf32>
      %swap3A_230 = vector.shape_cast %broadcast_in_dim3A_218 : vector<512x80xf32> to vector<1x512x80xf32>
      tpu.vector_store %arg5[%swap3A_225, %swap3A_226, %swap3A_227], %swap3A_230 {strides = array<i32>} : memref<10x512x80xf32, #tpu.memory_space<vmem>>, vector<1x512x80xf32>,
      %swap3A_231 = arith.constant 2 : index
      %swap3A_232 = arith.constant 0 : index
      %swap3A_233 = arith.constant 0 : index
      %swap3A_234 = vector.load %arg5[%swap3A_231, %swap3A_232, %swap3A_233] : memref<10x512x80xf32, #tpu.memory_space<vmem>>, vector<1x512x80xf32>
      %swap3A_235 = vector.shape_cast %swap3A_234 : vector<1x512x80xf32> to vector<512x80xf32>
      %swap3A_236 = vector.shape_cast %broadcast_in_dim3A_218 : vector<512x80xf32> to vector<1x512x80xf32>
      tpu.vector_store %arg5[%swap3A_231, %swap3A_232, %swap3A_233], %swap3A_236 {strides = array<i32>} : memref<10x512x80xf32, #tpu.memory_space<vmem>>, vector<1x512x80xf32>,
      %swap3A_237 = arith.constant 3 : index
      %swap3A_238 = arith.constant 0 : index
      %swap3A_239 = arith.constant 0 : index
      %swap3A_240 = vector.load %arg5[%swap3A_237, %swap3A_238, %swap3A_239] : memref<10x512x80xf32, #tpu.memory_space<vmem>>, vector<1x512x80xf32>
      %swap3A_241 = vector.shape_cast %swap3A_240 : vector<1x512x80xf32> to vector<512x80xf32>
      %swap3A_242 = vector.shape_cast %broadcast_in_dim3A_218 : vector<512x80xf32> to vector<1x512x80xf32>
      tpu.vector_store %arg5[%swap3A_237, %swap3A_238, %swap3A_239], %swap3A_242 {strides = array<i32>} : memref<10x512x80xf32, #tpu.memory_space<vmem>>, vector<1x512x80xf32>,
      %swap3A_243 = arith.constant 4 : index
      %swap3A_244 = arith.constant 0 : index
      %swap3A_245 = arith.constant 0 : index
      %swap3A_246 = vector.load %arg5[%swap3A_243, %swap3A_244, %swap3A_245] : memref<10x512x80xf32, #tpu.memory_space<vmem>>, vector<1x512x80xf32>
      %swap3A_247 = vector.shape_cast %swap3A_246 : vector<1x512x80xf32> to vector<512x80xf32>
      %swap3A_248 = vector.shape_cast %broadcast_in_dim3A_218 : vector<512x80xf32> to vector<1x512x80xf32>
      tpu.vector_store %arg5[%swap3A_243, %swap3A_244, %swap3A_245], %swap3A_248 {strides = array<i32>} : memref<10x512x80xf32, #tpu.memory_space<vmem>>, vector<1x512x80xf32>,
      %swap3A_249 = arith.constant 5 : index
      %swap3A_250 = arith.constant 0 : index
      %swap3A_251 = arith.constant 0 : index
      %swap3A_252 = vector.load %arg5[%swap3A_249, %swap3A_250, %swap3A_251] : memref<10x512x80xf32, #tpu.memory_space<vmem>>, vector<1x512x80xf32>
      %swap3A_253 = vector.shape_cast %swap3A_252 : vector<1x512x80xf32> to vector<512x80xf32>
      %swap3A_254 = vector.shape_cast %broadcast_in_dim3A_218 : vector<512x80xf32> to vector<1x512x80xf32>
      tpu.vector_store %arg5[%swap3A_249, %swap3A_250, %swap3A_251], %swap3A_254 {strides = array<i32>} : memref<10x512x80xf32, #tpu.memory_space<vmem>>, vector<1x512x80xf32>,
      %swap3A_255 = arith.constant 6 : index
      %swap3A_256 = arith.constant 0 : index
      %swap3A_257 = arith.constant 0 : index
      %swap3A_258 = vector.load %arg5[%swap3A_255, %swap3A_256, %swap3A_257] : memref<10x512x80xf32, #tpu.memory_space<vmem>>, vector<1x512x80xf32>
      %swap3A_259 = vector.shape_cast %swap3A_258 : vector<1x512x80xf32> to vector<512x80xf32>
      %swap3A_260 = vector.shape_cast %broadcast_in_dim3A_218 : vector<512x80xf32> to vector<1x512x80xf32>
      tpu.vector_store %arg5[%swap3A_255, %swap3A_256, %swap3A_257], %swap3A_260 {strides = array<i32>} : memref<10x512x80xf32, #tpu.memory_space<vmem>>, vector<1x512x80xf32>,
      %swap3A_261 = arith.constant 7 : index
      %swap3A_262 = arith.constant 0 : index
      %swap3A_263 = arith.constant 0 : index
      %swap3A_264 = vector.load %arg5[%swap3A_261, %swap3A_262, %swap3A_263] : memref<10x512x80xf32, #tpu.memory_space<vmem>>, vector<1x512x80xf32>
      %swap3A_265 = vector.shape_cast %swap3A_264 : vector<1x512x80xf32> to vector<512x80xf32>
      %swap3A_266 = vector.shape_cast %broadcast_in_dim3A_218 : vector<512x80xf32> to vector<1x512x80xf32>
      tpu.vector_store %arg5[%swap3A_261, %swap3A_262, %swap3A_263], %swap3A_266 {strides = array<i32>} : memref<10x512x80xf32, #tpu.memory_space<vmem>>, vector<1x512x80xf32>,
      %swap3A_267 = arith.constant 8 : index
      %swap3A_268 = arith.constant 0 : index
      %swap3A_269 = arith.constant 0 : index
      %swap3A_270 = vector.load %arg5[%swap3A_267, %swap3A_268, %swap3A_269] : memref<10x512x80xf32, #tpu.memory_space<vmem>>, vector<1x512x80xf32>
      %swap3A_271 = vector.shape_cast %swap3A_270 : vector<1x512x80xf32> to vector<512x80xf32>
      %swap3A_272 = vector.shape_cast %broadcast_in_dim3A_218 : vector<512x80xf32> to vector<1x512x80xf32>
      tpu.vector_store %arg5[%swap3A_267, %swap3A_268, %swap3A_269], %swap3A_272 {strides = array<i32>} : memref<10x512x80xf32, #tpu.memory_space<vmem>>, vector<1x512x80xf32>,
      %swap3A_273 = arith.constant 9 : index
      %swap3A_274 = arith.constant 0 : index
      %swap3A_275 = arith.constant 0 : index
      %swap3A_276 = vector.load %arg5[%swap3A_273, %swap3A_274, %swap3A_275] : memref<10x512x80xf32, #tpu.memory_space<vmem>>, vector<1x512x80xf32>
      %swap3A_277 = vector.shape_cast %swap3A_276 : vector<1x512x80xf32> to vector<512x80xf32>
      %swap3A_278 = vector.shape_cast %broadcast_in_dim3A_218 : vector<512x80xf32> to vector<1x512x80xf32>
      tpu.vector_store %arg5[%swap3A_273, %swap3A_274, %swap3A_275], %swap3A_278 {strides = array<i32>} : memref<10x512x80xf32, #tpu.memory_space<vmem>>, vector<1x512x80xf32>,
    } else {
    }
    %get3A = arith.constant 0 : index
    %get3A_2 = arith.constant 0 : index
    %get3A_3 = vector.load %arg1[%get3A, %get3A_2] : memref<512x80xf32, #tpu.memory_space<vmem>>, vector<512x80xf32>
    %get3A_4 = arith.constant 0 : index
    %get3A_5 = arith.constant 0 : index
    %get3A_6 = vector.load %arg2[%get3A_4, %get3A_5] : memref<512x80xi32, #tpu.memory_space<vmem>>, vector<512x80xi32>
    %convert_element_type3A_7 = arith.sitofp %get3A_6 : vector<512x80xi32> to vector<512x80xf32>
    %get3A_8 = arith.constant 0 : index
    %get3A_9 = arith.constant 0 : index
    %get3A_10 = vector.load %arg3[%get3A_8, %get3A_9] : memref<512x80xi32, #tpu.memory_space<vmem>>, vector<512x80xi32>
    %gt3A = arith.constant 0 : i32
    %gt3A_11 = vector.broadcast %gt3A : i32 to vector<512x80xi32>
    %gt3A_12 = arith.cmpi sgt, %get3A_10, %gt3A_11 : vector<512x80xi32>
    %logistic3A = arith.negf %get3A_3 : vector<512x80xf32>
    %logistic3A_13 = math.exp %logistic3A : vector<512x80xf32>
    %logistic3A_14 = arith.constant 1.000000e+00 : f32
    %logistic3A_15 = vector.broadcast %logistic3A_14 : f32 to vector<512x80xf32>
    %logistic3A_16 = arith.addf %logistic3A_15, %logistic3A_13 : vector<512x80xf32>
    %logistic3A_17 = arith.divf %logistic3A_15, %logistic3A_16 : vector<512x80xf32>
    %sub3A = arith.subf %logistic3A_17, %convert_element_type3A_7 : vector<512x80xf32>
    %abs3A = math.absf %sub3A : vector<512x80xf32>
    %mul3A = arith.constant 1.000000e+01 : f32
    %mul3A_18 = vector.broadcast %mul3A : f32 to vector<512x80xf32>
    %mul3A_19 = arith.mulf %abs3A, %mul3A_18 : vector<512x80xf32>
    %convert_element_type3A_20 = arith.fptosi %mul3A_19 : vector<512x80xf32> to vector<512x80xi32>
    %min3A = arith.constant 9 : i32
    %min3A_21 = vector.broadcast %min3A : i32 to vector<512x80xi32>
    %min3A_22 = arith.minsi %convert_element_type3A_20, %min3A_21 : vector<512x80xi32>
    %jit3A = arith.constant 12 : i32
    %broadcast_in_dim3A = vector.broadcast %jit3A : i32 to vector<512x80xi32>
    %select_n3A = arith.select %gt3A_12, %min3A_22, %broadcast_in_dim3A : vector<512x80xi1>, vector<512x80xi32>
    %max3A = arith.constant 0.000000e+00 : f32
    %max3A_23 = vector.broadcast %max3A : f32 to vector<512x80xf32>
    %max3A_24 = arith.maximumf %get3A_3, %max3A_23 : vector<512x80xf32>
    %mul3A_25 = arith.mulf %get3A_3, %convert_element_type3A_7 : vector<512x80xf32>
    %sub3A_26 = arith.subf %max3A_24, %mul3A_25 : vector<512x80xf32>
    %abs3A_27 = math.absf %get3A_3 : vector<512x80xf32>
    %neg3A = arith.constant 0.000000e+00 : f32
    %neg3A_28 = vector.broadcast %neg3A : f32 to vector<512x80xf32>
    %neg3A_29 = arith.subf %neg3A_28, %abs3A_27 : vector<512x80xf32>
    %exp3A = math.exp %neg3A_29 : vector<512x80xf32>
    %log1p3A = math.log1p %exp3A : vector<512x80xf32>
    %add3A = arith.addf %sub3A_26, %log1p3A : vector<512x80xf32>
    %add3A_30 = arith.constant 4.096000e+03 : f32
    %add3A_31 = vector.broadcast %add3A_30 : f32 to vector<512x80xf32>
    %add3A_32 = arith.addf %add3A, %add3A_31 : vector<512x80xf32>
    %get3A_33 = arith.constant 0 : index
    %get3A_34 = arith.constant 0 : index
    %get3A_35 = arith.constant 0 : index
    %get3A_36 = vector.load %arg5[%get3A_33, %get3A_34, %get3A_35] : memref<10x512x80xf32, #tpu.memory_space<vmem>>, vector<1x512x80xf32>
    %get3A_37 = vector.shape_cast %get3A_36 : vector<1x512x80xf32> to vector<512x80xf32>
    %eq3A_38 = arith.constant 0 : i32
    %eq3A_39 = vector.broadcast %eq3A_38 : i32 to vector<512x80xi32>
    %eq3A_40 = arith.cmpi eq, %select_n3A, %eq3A_39 : vector<512x80xi32>
    %jit3A_41 = arith.constant 0.000000e+00 : f32
    %broadcast_in_dim3A_42 = vector.broadcast %jit3A_41 : f32 to vector<512x80xf32>
    %select_n3A_43 = arith.select %eq3A_40, %add3A_32, %broadcast_in_dim3A_42 : vector<512x80xi1>, vector<512x80xf32>
    %add3A_44 = arith.addf %get3A_37, %select_n3A_43 : vector<512x80xf32>
    %swap3A = arith.constant 0 : index
    %swap3A_45 = arith.constant 0 : index
    %swap3A_46 = arith.constant 0 : index
    %swap3A_47 = vector.load %arg5[%swap3A, %swap3A_45, %swap3A_46] : memref<10x512x80xf32, #tpu.memory_space<vmem>>, vector<1x512x80xf32>
    %swap3A_48 = vector.shape_cast %swap3A_47 : vector<1x512x80xf32> to vector<512x80xf32>
    %swap3A_49 = vector.shape_cast %add3A_44 : vector<512x80xf32> to vector<1x512x80xf32>
    tpu.vector_store %arg5[%swap3A, %swap3A_45, %swap3A_46], %swap3A_49 {strides = array<i32>} : memref<10x512x80xf32, #tpu.memory_space<vmem>>, vector<1x512x80xf32>,
    %get3A_50 = arith.constant 1 : index
    %get3A_51 = arith.constant 0 : index
    %get3A_52 = arith.constant 0 : index
    %get3A_53 = vector.load %arg5[%get3A_50, %get3A_51, %get3A_52] : memref<10x512x80xf32, #tpu.memory_space<vmem>>, vector<1x512x80xf32>
    %get3A_54 = vector.shape_cast %get3A_53 : vector<1x512x80xf32> to vector<512x80xf32>
    %eq3A_55 = arith.constant 1 : i32
    %eq3A_56 = vector.broadcast %eq3A_55 : i32 to vector<512x80xi32>
    %eq3A_57 = arith.cmpi eq, %select_n3A, %eq3A_56 : vector<512x80xi32>
    %jit3A_58 = arith.constant 0.000000e+00 : f32
    %broadcast_in_dim3A_59 = vector.broadcast %jit3A_58 : f32 to vector<512x80xf32>
    %select_n3A_60 = arith.select %eq3A_57, %add3A_32, %broadcast_in_dim3A_59 : vector<512x80xi1>, vector<512x80xf32>
    %add3A_61 = arith.addf %get3A_54, %select_n3A_60 : vector<512x80xf32>
    %swap3A_62 = arith.constant 1 : index
    %swap3A_63 = arith.constant 0 : index
    %swap3A_64 = arith.constant 0 : index
    %swap3A_65 = vector.load %arg5[%swap3A_62, %swap3A_63, %swap3A_64] : memref<10x512x80xf32, #tpu.memory_space<vmem>>, vector<1x512x80xf32>
    %swap3A_66 = vector.shape_cast %swap3A_65 : vector<1x512x80xf32> to vector<512x80xf32>
    %swap3A_67 = vector.shape_cast %add3A_61 : vector<512x80xf32> to vector<1x512x80xf32>
    tpu.vector_store %arg5[%swap3A_62, %swap3A_63, %swap3A_64], %swap3A_67 {strides = array<i32>} : memref<10x512x80xf32, #tpu.memory_space<vmem>>, vector<1x512x80xf32>,
    %get3A_68 = arith.constant 2 : index
    %get3A_69 = arith.constant 0 : index
    %get3A_70 = arith.constant 0 : index
    %get3A_71 = vector.load %arg5[%get3A_68, %get3A_69, %get3A_70] : memref<10x512x80xf32, #tpu.memory_space<vmem>>, vector<1x512x80xf32>
    %get3A_72 = vector.shape_cast %get3A_71 : vector<1x512x80xf32> to vector<512x80xf32>
    %eq3A_73 = arith.constant 2 : i32
    %eq3A_74 = vector.broadcast %eq3A_73 : i32 to vector<512x80xi32>
    %eq3A_75 = arith.cmpi eq, %select_n3A, %eq3A_74 : vector<512x80xi32>
    %jit3A_76 = arith.constant 0.000000e+00 : f32
    %broadcast_in_dim3A_77 = vector.broadcast %jit3A_76 : f32 to vector<512x80xf32>
    %select_n3A_78 = arith.select %eq3A_75, %add3A_32, %broadcast_in_dim3A_77 : vector<512x80xi1>, vector<512x80xf32>
    %add3A_79 = arith.addf %get3A_72, %select_n3A_78 : vector<512x80xf32>
    %swap3A_80 = arith.constant 2 : index
    %swap3A_81 = arith.constant 0 : index
    %swap3A_82 = arith.constant 0 : index
    %swap3A_83 = vector.load %arg5[%swap3A_80, %swap3A_81, %swap3A_82] : memref<10x512x80xf32, #tpu.memory_space<vmem>>, vector<1x512x80xf32>
    %swap3A_84 = vector.shape_cast %swap3A_83 : vector<1x512x80xf32> to vector<512x80xf32>
    %swap3A_85 = vector.shape_cast %add3A_79 : vector<512x80xf32> to vector<1x512x80xf32>
    tpu.vector_store %arg5[%swap3A_80, %swap3A_81, %swap3A_82], %swap3A_85 {strides = array<i32>} : memref<10x512x80xf32, #tpu.memory_space<vmem>>, vector<1x512x80xf32>,
    %get3A_86 = arith.constant 3 : index
    %get3A_87 = arith.constant 0 : index
    %get3A_88 = arith.constant 0 : index
    %get3A_89 = vector.load %arg5[%get3A_86, %get3A_87, %get3A_88] : memref<10x512x80xf32, #tpu.memory_space<vmem>>, vector<1x512x80xf32>
    %get3A_90 = vector.shape_cast %get3A_89 : vector<1x512x80xf32> to vector<512x80xf32>
    %eq3A_91 = arith.constant 3 : i32
    %eq3A_92 = vector.broadcast %eq3A_91 : i32 to vector<512x80xi32>
    %eq3A_93 = arith.cmpi eq, %select_n3A, %eq3A_92 : vector<512x80xi32>
    %jit3A_94 = arith.constant 0.000000e+00 : f32
    %broadcast_in_dim3A_95 = vector.broadcast %jit3A_94 : f32 to vector<512x80xf32>
    %select_n3A_96 = arith.select %eq3A_93, %add3A_32, %broadcast_in_dim3A_95 : vector<512x80xi1>, vector<512x80xf32>
    %add3A_97 = arith.addf %get3A_90, %select_n3A_96 : vector<512x80xf32>
    %swap3A_98 = arith.constant 3 : index
    %swap3A_99 = arith.constant 0 : index
    %swap3A_100 = arith.constant 0 : index
    %swap3A_101 = vector.load %arg5[%swap3A_98, %swap3A_99, %swap3A_100] : memref<10x512x80xf32, #tpu.memory_space<vmem>>, vector<1x512x80xf32>
    %swap3A_102 = vector.shape_cast %swap3A_101 : vector<1x512x80xf32> to vector<512x80xf32>
    %swap3A_103 = vector.shape_cast %add3A_97 : vector<512x80xf32> to vector<1x512x80xf32>
    tpu.vector_store %arg5[%swap3A_98, %swap3A_99, %swap3A_100], %swap3A_103 {strides = array<i32>} : memref<10x512x80xf32, #tpu.memory_space<vmem>>, vector<1x512x80xf32>,
    %get3A_104 = arith.constant 4 : index
    %get3A_105 = arith.constant 0 : index
    %get3A_106 = arith.constant 0 : index
    %get3A_107 = vector.load %arg5[%get3A_104, %get3A_105, %get3A_106] : memref<10x512x80xf32, #tpu.memory_space<vmem>>, vector<1x512x80xf32>
    %get3A_108 = vector.shape_cast %get3A_107 : vector<1x512x80xf32> to vector<512x80xf32>
    %eq3A_109 = arith.constant 4 : i32
    %eq3A_110 = vector.broadcast %eq3A_109 : i32 to vector<512x80xi32>
    %eq3A_111 = arith.cmpi eq, %select_n3A, %eq3A_110 : vector<512x80xi32>
    %jit3A_112 = arith.constant 0.000000e+00 : f32
    %broadcast_in_dim3A_113 = vector.broadcast %jit3A_112 : f32 to vector<512x80xf32>
    %select_n3A_114 = arith.select %eq3A_111, %add3A_32, %broadcast_in_dim3A_113 : vector<512x80xi1>, vector<512x80xf32>
    %add3A_115 = arith.addf %get3A_108, %select_n3A_114 : vector<512x80xf32>
    %swap3A_116 = arith.constant 4 : index
    %swap3A_117 = arith.constant 0 : index
    %swap3A_118 = arith.constant 0 : index
    %swap3A_119 = vector.load %arg5[%swap3A_116, %swap3A_117, %swap3A_118] : memref<10x512x80xf32, #tpu.memory_space<vmem>>, vector<1x512x80xf32>
    %swap3A_120 = vector.shape_cast %swap3A_119 : vector<1x512x80xf32> to vector<512x80xf32>
    %swap3A_121 = vector.shape_cast %add3A_115 : vector<512x80xf32> to vector<1x512x80xf32>
    tpu.vector_store %arg5[%swap3A_116, %swap3A_117, %swap3A_118], %swap3A_121 {strides = array<i32>} : memref<10x512x80xf32, #tpu.memory_space<vmem>>, vector<1x512x80xf32>,
    %get3A_122 = arith.constant 5 : index
    %get3A_123 = arith.constant 0 : index
    %get3A_124 = arith.constant 0 : index
    %get3A_125 = vector.load %arg5[%get3A_122, %get3A_123, %get3A_124] : memref<10x512x80xf32, #tpu.memory_space<vmem>>, vector<1x512x80xf32>
    %get3A_126 = vector.shape_cast %get3A_125 : vector<1x512x80xf32> to vector<512x80xf32>
    %eq3A_127 = arith.constant 5 : i32
    %eq3A_128 = vector.broadcast %eq3A_127 : i32 to vector<512x80xi32>
    %eq3A_129 = arith.cmpi eq, %select_n3A, %eq3A_128 : vector<512x80xi32>
    %jit3A_130 = arith.constant 0.000000e+00 : f32
    %broadcast_in_dim3A_131 = vector.broadcast %jit3A_130 : f32 to vector<512x80xf32>
    %select_n3A_132 = arith.select %eq3A_129, %add3A_32, %broadcast_in_dim3A_131 : vector<512x80xi1>, vector<512x80xf32>
    %add3A_133 = arith.addf %get3A_126, %select_n3A_132 : vector<512x80xf32>
    %swap3A_134 = arith.constant 5 : index
    %swap3A_135 = arith.constant 0 : index
    %swap3A_136 = arith.constant 0 : index
    %swap3A_137 = vector.load %arg5[%swap3A_134, %swap3A_135, %swap3A_136] : memref<10x512x80xf32, #tpu.memory_space<vmem>>, vector<1x512x80xf32>
    %swap3A_138 = vector.shape_cast %swap3A_137 : vector<1x512x80xf32> to vector<512x80xf32>
    %swap3A_139 = vector.shape_cast %add3A_133 : vector<512x80xf32> to vector<1x512x80xf32>
    tpu.vector_store %arg5[%swap3A_134, %swap3A_135, %swap3A_136], %swap3A_139 {strides = array<i32>} : memref<10x512x80xf32, #tpu.memory_space<vmem>>, vector<1x512x80xf32>,
    %get3A_140 = arith.constant 6 : index
    %get3A_141 = arith.constant 0 : index
    %get3A_142 = arith.constant 0 : index
    %get3A_143 = vector.load %arg5[%get3A_140, %get3A_141, %get3A_142] : memref<10x512x80xf32, #tpu.memory_space<vmem>>, vector<1x512x80xf32>
    %get3A_144 = vector.shape_cast %get3A_143 : vector<1x512x80xf32> to vector<512x80xf32>
    %eq3A_145 = arith.constant 6 : i32
    %eq3A_146 = vector.broadcast %eq3A_145 : i32 to vector<512x80xi32>
    %eq3A_147 = arith.cmpi eq, %select_n3A, %eq3A_146 : vector<512x80xi32>
    %jit3A_148 = arith.constant 0.000000e+00 : f32
    %broadcast_in_dim3A_149 = vector.broadcast %jit3A_148 : f32 to vector<512x80xf32>
    %select_n3A_150 = arith.select %eq3A_147, %add3A_32, %broadcast_in_dim3A_149 : vector<512x80xi1>, vector<512x80xf32>
    %add3A_151 = arith.addf %get3A_144, %select_n3A_150 : vector<512x80xf32>
    %swap3A_152 = arith.constant 6 : index
    %swap3A_153 = arith.constant 0 : index
    %swap3A_154 = arith.constant 0 : index
    %swap3A_155 = vector.load %arg5[%swap3A_152, %swap3A_153, %swap3A_154] : memref<10x512x80xf32, #tpu.memory_space<vmem>>, vector<1x512x80xf32>
    %swap3A_156 = vector.shape_cast %swap3A_155 : vector<1x512x80xf32> to vector<512x80xf32>
    %swap3A_157 = vector.shape_cast %add3A_151 : vector<512x80xf32> to vector<1x512x80xf32>
    tpu.vector_store %arg5[%swap3A_152, %swap3A_153, %swap3A_154], %swap3A_157 {strides = array<i32>} : memref<10x512x80xf32, #tpu.memory_space<vmem>>, vector<1x512x80xf32>,
    %get3A_158 = arith.constant 7 : index
    %get3A_159 = arith.constant 0 : index
    %get3A_160 = arith.constant 0 : index
    %get3A_161 = vector.load %arg5[%get3A_158, %get3A_159, %get3A_160] : memref<10x512x80xf32, #tpu.memory_space<vmem>>, vector<1x512x80xf32>
    %get3A_162 = vector.shape_cast %get3A_161 : vector<1x512x80xf32> to vector<512x80xf32>
    %eq3A_163 = arith.constant 7 : i32
    %eq3A_164 = vector.broadcast %eq3A_163 : i32 to vector<512x80xi32>
    %eq3A_165 = arith.cmpi eq, %select_n3A, %eq3A_164 : vector<512x80xi32>
    %jit3A_166 = arith.constant 0.000000e+00 : f32
    %broadcast_in_dim3A_167 = vector.broadcast %jit3A_166 : f32 to vector<512x80xf32>
    %select_n3A_168 = arith.select %eq3A_165, %add3A_32, %broadcast_in_dim3A_167 : vector<512x80xi1>, vector<512x80xf32>
    %add3A_169 = arith.addf %get3A_162, %select_n3A_168 : vector<512x80xf32>
    %swap3A_170 = arith.constant 7 : index
    %swap3A_171 = arith.constant 0 : index
    %swap3A_172 = arith.constant 0 : index
    %swap3A_173 = vector.load %arg5[%swap3A_170, %swap3A_171, %swap3A_172] : memref<10x512x80xf32, #tpu.memory_space<vmem>>, vector<1x512x80xf32>
    %swap3A_174 = vector.shape_cast %swap3A_173 : vector<1x512x80xf32> to vector<512x80xf32>
    %swap3A_175 = vector.shape_cast %add3A_169 : vector<512x80xf32> to vector<1x512x80xf32>
    tpu.vector_store %arg5[%swap3A_170, %swap3A_171, %swap3A_172], %swap3A_175 {strides = array<i32>} : memref<10x512x80xf32, #tpu.memory_space<vmem>>, vector<1x512x80xf32>,
    %get3A_176 = arith.constant 8 : index
    %get3A_177 = arith.constant 0 : index
    %get3A_178 = arith.constant 0 : index
    %get3A_179 = vector.load %arg5[%get3A_176, %get3A_177, %get3A_178] : memref<10x512x80xf32, #tpu.memory_space<vmem>>, vector<1x512x80xf32>
    %get3A_180 = vector.shape_cast %get3A_179 : vector<1x512x80xf32> to vector<512x80xf32>
    %eq3A_181 = arith.constant 8 : i32
    %eq3A_182 = vector.broadcast %eq3A_181 : i32 to vector<512x80xi32>
    %eq3A_183 = arith.cmpi eq, %select_n3A, %eq3A_182 : vector<512x80xi32>
    %jit3A_184 = arith.constant 0.000000e+00 : f32
    %broadcast_in_dim3A_185 = vector.broadcast %jit3A_184 : f32 to vector<512x80xf32>
    %select_n3A_186 = arith.select %eq3A_183, %add3A_32, %broadcast_in_dim3A_185 : vector<512x80xi1>, vector<512x80xf32>
    %add3A_187 = arith.addf %get3A_180, %select_n3A_186 : vector<512x80xf32>
    %swap3A_188 = arith.constant 8 : index
    %swap3A_189 = arith.constant 0 : index
    %swap3A_190 = arith.constant 0 : index
    %swap3A_191 = vector.load %arg5[%swap3A_188, %swap3A_189, %swap3A_190] : memref<10x512x80xf32, #tpu.memory_space<vmem>>, vector<1x512x80xf32>
    %swap3A_192 = vector.shape_cast %swap3A_191 : vector<1x512x80xf32> to vector<512x80xf32>
    %swap3A_193 = vector.shape_cast %add3A_187 : vector<512x80xf32> to vector<1x512x80xf32>
    tpu.vector_store %arg5[%swap3A_188, %swap3A_189, %swap3A_190], %swap3A_193 {strides = array<i32>} : memref<10x512x80xf32, #tpu.memory_space<vmem>>, vector<1x512x80xf32>,
    %get3A_194 = arith.constant 9 : index
    %get3A_195 = arith.constant 0 : index
    %get3A_196 = arith.constant 0 : index
    %get3A_197 = vector.load %arg5[%get3A_194, %get3A_195, %get3A_196] : memref<10x512x80xf32, #tpu.memory_space<vmem>>, vector<1x512x80xf32>
    %get3A_198 = vector.shape_cast %get3A_197 : vector<1x512x80xf32> to vector<512x80xf32>
    %eq3A_199 = arith.constant 9 : i32
    %eq3A_200 = vector.broadcast %eq3A_199 : i32 to vector<512x80xi32>
    %eq3A_201 = arith.cmpi eq, %select_n3A, %eq3A_200 : vector<512x80xi32>
    %jit3A_202 = arith.constant 0.000000e+00 : f32
    %broadcast_in_dim3A_203 = vector.broadcast %jit3A_202 : f32 to vector<512x80xf32>
    %select_n3A_204 = arith.select %eq3A_201, %add3A_32, %broadcast_in_dim3A_203 : vector<512x80xi1>, vector<512x80xf32>
    %add3A_205 = arith.addf %get3A_198, %select_n3A_204 : vector<512x80xf32>
    %swap3A_206 = arith.constant 9 : index
    %swap3A_207 = arith.constant 0 : index
    %swap3A_208 = arith.constant 0 : index
    %swap3A_209 = vector.load %arg5[%swap3A_206, %swap3A_207, %swap3A_208] : memref<10x512x80xf32, #tpu.memory_space<vmem>>, vector<1x512x80xf32>
    %swap3A_210 = vector.shape_cast %swap3A_209 : vector<1x512x80xf32> to vector<512x80xf32>
    %swap3A_211 = vector.shape_cast %add3A_205 : vector<512x80xf32> to vector<1x512x80xf32>
    tpu.vector_store %arg5[%swap3A_206, %swap3A_207, %swap3A_208], %swap3A_211 {strides = array<i32>} : memref<10x512x80xf32, #tpu.memory_space<vmem>>, vector<1x512x80xf32>,
    %eq3A_212 = arith.constant 191 : i32
    %eq3A_213 = arith.cmpi eq, %arg0, %eq3A_212 : i32
    %convert_element_type3A_214 = arith.extui %eq3A_213 : i1 to i32
    %cond3A_215 = arith.constant 0 : i32
    %cond3A_216 = arith.cmpi ne, %convert_element_type3A_214, %cond3A_215 : i32
    scf.if %cond3A_216 {
      %get3A_217 = arith.constant 0 : index
      %get3A_218 = arith.constant 0 : index
      %get3A_219 = arith.constant 0 : index
      %get3A_220 = vector.load %arg5[%get3A_217, %get3A_218, %get3A_219] : memref<10x512x80xf32, #tpu.memory_space<vmem>>, vector<1x512x80xf32>
      %get3A_221 = vector.shape_cast %get3A_220 : vector<1x512x80xf32> to vector<512x80xf32>
      %mul3A_222 = arith.constant 2.44140625E-4 : f32
      %mul3A_223 = vector.broadcast %mul3A_222 : f32 to vector<512x80xf32>
      %mul3A_224 = arith.mulf %get3A_221, %mul3A_223 : vector<512x80xf32>
      %floor3A = math.floor %mul3A_224 : vector<512x80xf32>
      %reduce_sum3A = vector.shape_cast %floor3A : vector<512x80xf32> to vector<1x512x80xf32>
      %reduce_sum3A_225 = arith.constant dense<0.000000e+00> : vector<1xf32>
      %reduce_sum3A_226 = vector.multi_reduction <add>, %reduce_sum3A, %reduce_sum3A_225 [1, 2] : vector<1x512x80xf32> to vector<1xf32>
      %reduce_sum3A_227 = vector.shape_cast %reduce_sum3A_226 : vector<1xf32> to vector<1x1x1xf32>
      %reduce_sum3A_228 = vector.extract %reduce_sum3A_227[0, 0, 0] : f32 from vector<1x1x1xf32>
      %swap3A_229 = arith.constant 0 : index
      %swap3A_230 = arith.constant 0 : index
      %swap3A_231 = memref.load %arg4[%swap3A_229, %swap3A_230] : memref<2x10xf32, #tpu.memory_space<smem>>
      memref.store %reduce_sum3A_228, %arg4[%swap3A_229, %swap3A_230] : memref<2x10xf32, #tpu.memory_space<smem>>
      %mul3A_232 = arith.constant 4.096000e+03 : f32
      %mul3A_233 = vector.broadcast %mul3A_232 : f32 to vector<512x80xf32>
      %mul3A_234 = arith.mulf %mul3A_233, %floor3A : vector<512x80xf32>
      %sub3A_235 = arith.subf %get3A_221, %mul3A_234 : vector<512x80xf32>
      %reduce_sum3A_236 = vector.shape_cast %sub3A_235 : vector<512x80xf32> to vector<1x512x80xf32>
      %reduce_sum3A_237 = arith.constant dense<0.000000e+00> : vector<1xf32>
      %reduce_sum3A_238 = vector.multi_reduction <add>, %reduce_sum3A_236, %reduce_sum3A_237 [1, 2] : vector<1x512x80xf32> to vector<1xf32>
      %reduce_sum3A_239 = vector.shape_cast %reduce_sum3A_238 : vector<1xf32> to vector<1x1x1xf32>
      %reduce_sum3A_240 = vector.extract %reduce_sum3A_239[0, 0, 0] : f32 from vector<1x1x1xf32>
      %swap3A_241 = arith.constant 1 : index
      %swap3A_242 = arith.constant 0 : index
      %swap3A_243 = memref.load %arg4[%swap3A_241, %swap3A_242] : memref<2x10xf32, #tpu.memory_space<smem>>
      memref.store %reduce_sum3A_240, %arg4[%swap3A_241, %swap3A_242] : memref<2x10xf32, #tpu.memory_space<smem>>
      %get3A_244 = arith.constant 1 : index
      %get3A_245 = arith.constant 0 : index
      %get3A_246 = arith.constant 0 : index
      %get3A_247 = vector.load %arg5[%get3A_244, %get3A_245, %get3A_246] : memref<10x512x80xf32, #tpu.memory_space<vmem>>, vector<1x512x80xf32>
      %get3A_248 = vector.shape_cast %get3A_247 : vector<1x512x80xf32> to vector<512x80xf32>
      %mul3A_249 = arith.constant 2.44140625E-4 : f32
      %mul3A_250 = vector.broadcast %mul3A_249 : f32 to vector<512x80xf32>
      %mul3A_251 = arith.mulf %get3A_248, %mul3A_250 : vector<512x80xf32>
      %floor3A_252 = math.floor %mul3A_251 : vector<512x80xf32>
      %reduce_sum3A_253 = vector.shape_cast %floor3A_252 : vector<512x80xf32> to vector<1x512x80xf32>
      %reduce_sum3A_254 = arith.constant dense<0.000000e+00> : vector<1xf32>
      %reduce_sum3A_255 = vector.multi_reduction <add>, %reduce_sum3A_253, %reduce_sum3A_254 [1, 2] : vector<1x512x80xf32> to vector<1xf32>
      %reduce_sum3A_256 = vector.shape_cast %reduce_sum3A_255 : vector<1xf32> to vector<1x1x1xf32>
      %reduce_sum3A_257 = vector.extract %reduce_sum3A_256[0, 0, 0] : f32 from vector<1x1x1xf32>
      %swap3A_258 = arith.constant 0 : index
      %swap3A_259 = arith.constant 1 : index
      %swap3A_260 = memref.load %arg4[%swap3A_258, %swap3A_259] : memref<2x10xf32, #tpu.memory_space<smem>>
      memref.store %reduce_sum3A_257, %arg4[%swap3A_258, %swap3A_259] : memref<2x10xf32, #tpu.memory_space<smem>>
      %mul3A_261 = arith.constant 4.096000e+03 : f32
      %mul3A_262 = vector.broadcast %mul3A_261 : f32 to vector<512x80xf32>
      %mul3A_263 = arith.mulf %mul3A_262, %floor3A_252 : vector<512x80xf32>
      %sub3A_264 = arith.subf %get3A_248, %mul3A_263 : vector<512x80xf32>
      %reduce_sum3A_265 = vector.shape_cast %sub3A_264 : vector<512x80xf32> to vector<1x512x80xf32>
      %reduce_sum3A_266 = arith.constant dense<0.000000e+00> : vector<1xf32>
      %reduce_sum3A_267 = vector.multi_reduction <add>, %reduce_sum3A_265, %reduce_sum3A_266 [1, 2] : vector<1x512x80xf32> to vector<1xf32>
      %reduce_sum3A_268 = vector.shape_cast %reduce_sum3A_267 : vector<1xf32> to vector<1x1x1xf32>
      %reduce_sum3A_269 = vector.extract %reduce_sum3A_268[0, 0, 0] : f32 from vector<1x1x1xf32>
      %swap3A_270 = arith.constant 1 : index
      %swap3A_271 = arith.constant 1 : index
      %swap3A_272 = memref.load %arg4[%swap3A_270, %swap3A_271] : memref<2x10xf32, #tpu.memory_space<smem>>
      memref.store %reduce_sum3A_269, %arg4[%swap3A_270, %swap3A_271] : memref<2x10xf32, #tpu.memory_space<smem>>
      %get3A_273 = arith.constant 2 : index
      %get3A_274 = arith.constant 0 : index
      %get3A_275 = arith.constant 0 : index
      %get3A_276 = vector.load %arg5[%get3A_273, %get3A_274, %get3A_275] : memref<10x512x80xf32, #tpu.memory_space<vmem>>, vector<1x512x80xf32>
      %get3A_277 = vector.shape_cast %get3A_276 : vector<1x512x80xf32> to vector<512x80xf32>
      %mul3A_278 = arith.constant 2.44140625E-4 : f32
      %mul3A_279 = vector.broadcast %mul3A_278 : f32 to vector<512x80xf32>
      %mul3A_280 = arith.mulf %get3A_277, %mul3A_279 : vector<512x80xf32>
      %floor3A_281 = math.floor %mul3A_280 : vector<512x80xf32>
      %reduce_sum3A_282 = vector.shape_cast %floor3A_281 : vector<512x80xf32> to vector<1x512x80xf32>
      %reduce_sum3A_283 = arith.constant dense<0.000000e+00> : vector<1xf32>
      %reduce_sum3A_284 = vector.multi_reduction <add>, %reduce_sum3A_282, %reduce_sum3A_283 [1, 2] : vector<1x512x80xf32> to vector<1xf32>
      %reduce_sum3A_285 = vector.shape_cast %reduce_sum3A_284 : vector<1xf32> to vector<1x1x1xf32>
      %reduce_sum3A_286 = vector.extract %reduce_sum3A_285[0, 0, 0] : f32 from vector<1x1x1xf32>
      %swap3A_287 = arith.constant 0 : index
      %swap3A_288 = arith.constant 2 : index
      %swap3A_289 = memref.load %arg4[%swap3A_287, %swap3A_288] : memref<2x10xf32, #tpu.memory_space<smem>>
      memref.store %reduce_sum3A_286, %arg4[%swap3A_287, %swap3A_288] : memref<2x10xf32, #tpu.memory_space<smem>>
      %mul3A_290 = arith.constant 4.096000e+03 : f32
      %mul3A_291 = vector.broadcast %mul3A_290 : f32 to vector<512x80xf32>
      %mul3A_292 = arith.mulf %mul3A_291, %floor3A_281 : vector<512x80xf32>
      %sub3A_293 = arith.subf %get3A_277, %mul3A_292 : vector<512x80xf32>
      %reduce_sum3A_294 = vector.shape_cast %sub3A_293 : vector<512x80xf32> to vector<1x512x80xf32>
      %reduce_sum3A_295 = arith.constant dense<0.000000e+00> : vector<1xf32>
      %reduce_sum3A_296 = vector.multi_reduction <add>, %reduce_sum3A_294, %reduce_sum3A_295 [1, 2] : vector<1x512x80xf32> to vector<1xf32>
      %reduce_sum3A_297 = vector.shape_cast %reduce_sum3A_296 : vector<1xf32> to vector<1x1x1xf32>
      %reduce_sum3A_298 = vector.extract %reduce_sum3A_297[0, 0, 0] : f32 from vector<1x1x1xf32>
      %swap3A_299 = arith.constant 1 : index
      %swap3A_300 = arith.constant 2 : index
      %swap3A_301 = memref.load %arg4[%swap3A_299, %swap3A_300] : memref<2x10xf32, #tpu.memory_space<smem>>
      memref.store %reduce_sum3A_298, %arg4[%swap3A_299, %swap3A_300] : memref<2x10xf32, #tpu.memory_space<smem>>
      %get3A_302 = arith.constant 3 : index
      %get3A_303 = arith.constant 0 : index
      %get3A_304 = arith.constant 0 : index
      %get3A_305 = vector.load %arg5[%get3A_302, %get3A_303, %get3A_304] : memref<10x512x80xf32, #tpu.memory_space<vmem>>, vector<1x512x80xf32>
      %get3A_306 = vector.shape_cast %get3A_305 : vector<1x512x80xf32> to vector<512x80xf32>
      %mul3A_307 = arith.constant 2.44140625E-4 : f32
      %mul3A_308 = vector.broadcast %mul3A_307 : f32 to vector<512x80xf32>
      %mul3A_309 = arith.mulf %get3A_306, %mul3A_308 : vector<512x80xf32>
      %floor3A_310 = math.floor %mul3A_309 : vector<512x80xf32>
      %reduce_sum3A_311 = vector.shape_cast %floor3A_310 : vector<512x80xf32> to vector<1x512x80xf32>
      %reduce_sum3A_312 = arith.constant dense<0.000000e+00> : vector<1xf32>
      %reduce_sum3A_313 = vector.multi_reduction <add>, %reduce_sum3A_311, %reduce_sum3A_312 [1, 2] : vector<1x512x80xf32> to vector<1xf32>
      %reduce_sum3A_314 = vector.shape_cast %reduce_sum3A_313 : vector<1xf32> to vector<1x1x1xf32>
      %reduce_sum3A_315 = vector.extract %reduce_sum3A_314[0, 0, 0] : f32 from vector<1x1x1xf32>
      %swap3A_316 = arith.constant 0 : index
      %swap3A_317 = arith.constant 3 : index
      %swap3A_318 = memref.load %arg4[%swap3A_316, %swap3A_317] : memref<2x10xf32, #tpu.memory_space<smem>>
      memref.store %reduce_sum3A_315, %arg4[%swap3A_316, %swap3A_317] : memref<2x10xf32, #tpu.memory_space<smem>>
      %mul3A_319 = arith.constant 4.096000e+03 : f32
      %mul3A_320 = vector.broadcast %mul3A_319 : f32 to vector<512x80xf32>
      %mul3A_321 = arith.mulf %mul3A_320, %floor3A_310 : vector<512x80xf32>
      %sub3A_322 = arith.subf %get3A_306, %mul3A_321 : vector<512x80xf32>
      %reduce_sum3A_323 = vector.shape_cast %sub3A_322 : vector<512x80xf32> to vector<1x512x80xf32>
      %reduce_sum3A_324 = arith.constant dense<0.000000e+00> : vector<1xf32>
      %reduce_sum3A_325 = vector.multi_reduction <add>, %reduce_sum3A_323, %reduce_sum3A_324 [1, 2] : vector<1x512x80xf32> to vector<1xf32>
      %reduce_sum3A_326 = vector.shape_cast %reduce_sum3A_325 : vector<1xf32> to vector<1x1x1xf32>
      %reduce_sum3A_327 = vector.extract %reduce_sum3A_326[0, 0, 0] : f32 from vector<1x1x1xf32>
      %swap3A_328 = arith.constant 1 : index
      %swap3A_329 = arith.constant 3 : index
      %swap3A_330 = memref.load %arg4[%swap3A_328, %swap3A_329] : memref<2x10xf32, #tpu.memory_space<smem>>
      memref.store %reduce_sum3A_327, %arg4[%swap3A_328, %swap3A_329] : memref<2x10xf32, #tpu.memory_space<smem>>
      %get3A_331 = arith.constant 4 : index
      %get3A_332 = arith.constant 0 : index
      %get3A_333 = arith.constant 0 : index
      %get3A_334 = vector.load %arg5[%get3A_331, %get3A_332, %get3A_333] : memref<10x512x80xf32, #tpu.memory_space<vmem>>, vector<1x512x80xf32>
      %get3A_335 = vector.shape_cast %get3A_334 : vector<1x512x80xf32> to vector<512x80xf32>
      %mul3A_336 = arith.constant 2.44140625E-4 : f32
      %mul3A_337 = vector.broadcast %mul3A_336 : f32 to vector<512x80xf32>
      %mul3A_338 = arith.mulf %get3A_335, %mul3A_337 : vector<512x80xf32>
      %floor3A_339 = math.floor %mul3A_338 : vector<512x80xf32>
      %reduce_sum3A_340 = vector.shape_cast %floor3A_339 : vector<512x80xf32> to vector<1x512x80xf32>
      %reduce_sum3A_341 = arith.constant dense<0.000000e+00> : vector<1xf32>
      %reduce_sum3A_342 = vector.multi_reduction <add>, %reduce_sum3A_340, %reduce_sum3A_341 [1, 2] : vector<1x512x80xf32> to vector<1xf32>
      %reduce_sum3A_343 = vector.shape_cast %reduce_sum3A_342 : vector<1xf32> to vector<1x1x1xf32>
      %reduce_sum3A_344 = vector.extract %reduce_sum3A_343[0, 0, 0] : f32 from vector<1x1x1xf32>
      %swap3A_345 = arith.constant 0 : index
      %swap3A_346 = arith.constant 4 : index
      %swap3A_347 = memref.load %arg4[%swap3A_345, %swap3A_346] : memref<2x10xf32, #tpu.memory_space<smem>>
      memref.store %reduce_sum3A_344, %arg4[%swap3A_345, %swap3A_346] : memref<2x10xf32, #tpu.memory_space<smem>>
      %mul3A_348 = arith.constant 4.096000e+03 : f32
      %mul3A_349 = vector.broadcast %mul3A_348 : f32 to vector<512x80xf32>
      %mul3A_350 = arith.mulf %mul3A_349, %floor3A_339 : vector<512x80xf32>
      %sub3A_351 = arith.subf %get3A_335, %mul3A_350 : vector<512x80xf32>
      %reduce_sum3A_352 = vector.shape_cast %sub3A_351 : vector<512x80xf32> to vector<1x512x80xf32>
      %reduce_sum3A_353 = arith.constant dense<0.000000e+00> : vector<1xf32>
      %reduce_sum3A_354 = vector.multi_reduction <add>, %reduce_sum3A_352, %reduce_sum3A_353 [1, 2] : vector<1x512x80xf32> to vector<1xf32>
      %reduce_sum3A_355 = vector.shape_cast %reduce_sum3A_354 : vector<1xf32> to vector<1x1x1xf32>
      %reduce_sum3A_356 = vector.extract %reduce_sum3A_355[0, 0, 0] : f32 from vector<1x1x1xf32>
      %swap3A_357 = arith.constant 1 : index
      %swap3A_358 = arith.constant 4 : index
      %swap3A_359 = memref.load %arg4[%swap3A_357, %swap3A_358] : memref<2x10xf32, #tpu.memory_space<smem>>
      memref.store %reduce_sum3A_356, %arg4[%swap3A_357, %swap3A_358] : memref<2x10xf32, #tpu.memory_space<smem>>
      %get3A_360 = arith.constant 5 : index
      %get3A_361 = arith.constant 0 : index
      %get3A_362 = arith.constant 0 : index
      %get3A_363 = vector.load %arg5[%get3A_360, %get3A_361, %get3A_362] : memref<10x512x80xf32, #tpu.memory_space<vmem>>, vector<1x512x80xf32>
      %get3A_364 = vector.shape_cast %get3A_363 : vector<1x512x80xf32> to vector<512x80xf32>
      %mul3A_365 = arith.constant 2.44140625E-4 : f32
      %mul3A_366 = vector.broadcast %mul3A_365 : f32 to vector<512x80xf32>
      %mul3A_367 = arith.mulf %get3A_364, %mul3A_366 : vector<512x80xf32>
      %floor3A_368 = math.floor %mul3A_367 : vector<512x80xf32>
      %reduce_sum3A_369 = vector.shape_cast %floor3A_368 : vector<512x80xf32> to vector<1x512x80xf32>
      %reduce_sum3A_370 = arith.constant dense<0.000000e+00> : vector<1xf32>
      %reduce_sum3A_371 = vector.multi_reduction <add>, %reduce_sum3A_369, %reduce_sum3A_370 [1, 2] : vector<1x512x80xf32> to vector<1xf32>
      %reduce_sum3A_372 = vector.shape_cast %reduce_sum3A_371 : vector<1xf32> to vector<1x1x1xf32>
      %reduce_sum3A_373 = vector.extract %reduce_sum3A_372[0, 0, 0] : f32 from vector<1x1x1xf32>
      %swap3A_374 = arith.constant 0 : index
      %swap3A_375 = arith.constant 5 : index
      %swap3A_376 = memref.load %arg4[%swap3A_374, %swap3A_375] : memref<2x10xf32, #tpu.memory_space<smem>>
      memref.store %reduce_sum3A_373, %arg4[%swap3A_374, %swap3A_375] : memref<2x10xf32, #tpu.memory_space<smem>>
      %mul3A_377 = arith.constant 4.096000e+03 : f32
      %mul3A_378 = vector.broadcast %mul3A_377 : f32 to vector<512x80xf32>
      %mul3A_379 = arith.mulf %mul3A_378, %floor3A_368 : vector<512x80xf32>
      %sub3A_380 = arith.subf %get3A_364, %mul3A_379 : vector<512x80xf32>
      %reduce_sum3A_381 = vector.shape_cast %sub3A_380 : vector<512x80xf32> to vector<1x512x80xf32>
      %reduce_sum3A_382 = arith.constant dense<0.000000e+00> : vector<1xf32>
      %reduce_sum3A_383 = vector.multi_reduction <add>, %reduce_sum3A_381, %reduce_sum3A_382 [1, 2] : vector<1x512x80xf32> to vector<1xf32>
      %reduce_sum3A_384 = vector.shape_cast %reduce_sum3A_383 : vector<1xf32> to vector<1x1x1xf32>
      %reduce_sum3A_385 = vector.extract %reduce_sum3A_384[0, 0, 0] : f32 from vector<1x1x1xf32>
      %swap3A_386 = arith.constant 1 : index
      %swap3A_387 = arith.constant 5 : index
      %swap3A_388 = memref.load %arg4[%swap3A_386, %swap3A_387] : memref<2x10xf32, #tpu.memory_space<smem>>
      memref.store %reduce_sum3A_385, %arg4[%swap3A_386, %swap3A_387] : memref<2x10xf32, #tpu.memory_space<smem>>
      %get3A_389 = arith.constant 6 : index
      %get3A_390 = arith.constant 0 : index
      %get3A_391 = arith.constant 0 : index
      %get3A_392 = vector.load %arg5[%get3A_389, %get3A_390, %get3A_391] : memref<10x512x80xf32, #tpu.memory_space<vmem>>, vector<1x512x80xf32>
      %get3A_393 = vector.shape_cast %get3A_392 : vector<1x512x80xf32> to vector<512x80xf32>
      %mul3A_394 = arith.constant 2.44140625E-4 : f32
      %mul3A_395 = vector.broadcast %mul3A_394 : f32 to vector<512x80xf32>
      %mul3A_396 = arith.mulf %get3A_393, %mul3A_395 : vector<512x80xf32>
      %floor3A_397 = math.floor %mul3A_396 : vector<512x80xf32>
      %reduce_sum3A_398 = vector.shape_cast %floor3A_397 : vector<512x80xf32> to vector<1x512x80xf32>
      %reduce_sum3A_399 = arith.constant dense<0.000000e+00> : vector<1xf32>
      %reduce_sum3A_400 = vector.multi_reduction <add>, %reduce_sum3A_398, %reduce_sum3A_399 [1, 2] : vector<1x512x80xf32> to vector<1xf32>
      %reduce_sum3A_401 = vector.shape_cast %reduce_sum3A_400 : vector<1xf32> to vector<1x1x1xf32>
      %reduce_sum3A_402 = vector.extract %reduce_sum3A_401[0, 0, 0] : f32 from vector<1x1x1xf32>
      %swap3A_403 = arith.constant 0 : index
      %swap3A_404 = arith.constant 6 : index
      %swap3A_405 = memref.load %arg4[%swap3A_403, %swap3A_404] : memref<2x10xf32, #tpu.memory_space<smem>>
      memref.store %reduce_sum3A_402, %arg4[%swap3A_403, %swap3A_404] : memref<2x10xf32, #tpu.memory_space<smem>>
      %mul3A_406 = arith.constant 4.096000e+03 : f32
      %mul3A_407 = vector.broadcast %mul3A_406 : f32 to vector<512x80xf32>
      %mul3A_408 = arith.mulf %mul3A_407, %floor3A_397 : vector<512x80xf32>
      %sub3A_409 = arith.subf %get3A_393, %mul3A_408 : vector<512x80xf32>
      %reduce_sum3A_410 = vector.shape_cast %sub3A_409 : vector<512x80xf32> to vector<1x512x80xf32>
      %reduce_sum3A_411 = arith.constant dense<0.000000e+00> : vector<1xf32>
      %reduce_sum3A_412 = vector.multi_reduction <add>, %reduce_sum3A_410, %reduce_sum3A_411 [1, 2] : vector<1x512x80xf32> to vector<1xf32>
      %reduce_sum3A_413 = vector.shape_cast %reduce_sum3A_412 : vector<1xf32> to vector<1x1x1xf32>
      %reduce_sum3A_414 = vector.extract %reduce_sum3A_413[0, 0, 0] : f32 from vector<1x1x1xf32>
      %swap3A_415 = arith.constant 1 : index
      %swap3A_416 = arith.constant 6 : index
      %swap3A_417 = memref.load %arg4[%swap3A_415, %swap3A_416] : memref<2x10xf32, #tpu.memory_space<smem>>
      memref.store %reduce_sum3A_414, %arg4[%swap3A_415, %swap3A_416] : memref<2x10xf32, #tpu.memory_space<smem>>
      %get3A_418 = arith.constant 7 : index
      %get3A_419 = arith.constant 0 : index
      %get3A_420 = arith.constant 0 : index
      %get3A_421 = vector.load %arg5[%get3A_418, %get3A_419, %get3A_420] : memref<10x512x80xf32, #tpu.memory_space<vmem>>, vector<1x512x80xf32>
      %get3A_422 = vector.shape_cast %get3A_421 : vector<1x512x80xf32> to vector<512x80xf32>
      %mul3A_423 = arith.constant 2.44140625E-4 : f32
      %mul3A_424 = vector.broadcast %mul3A_423 : f32 to vector<512x80xf32>
      %mul3A_425 = arith.mulf %get3A_422, %mul3A_424 : vector<512x80xf32>
      %floor3A_426 = math.floor %mul3A_425 : vector<512x80xf32>
      %reduce_sum3A_427 = vector.shape_cast %floor3A_426 : vector<512x80xf32> to vector<1x512x80xf32>
      %reduce_sum3A_428 = arith.constant dense<0.000000e+00> : vector<1xf32>
      %reduce_sum3A_429 = vector.multi_reduction <add>, %reduce_sum3A_427, %reduce_sum3A_428 [1, 2] : vector<1x512x80xf32> to vector<1xf32>
      %reduce_sum3A_430 = vector.shape_cast %reduce_sum3A_429 : vector<1xf32> to vector<1x1x1xf32>
      %reduce_sum3A_431 = vector.extract %reduce_sum3A_430[0, 0, 0] : f32 from vector<1x1x1xf32>
      %swap3A_432 = arith.constant 0 : index
      %swap3A_433 = arith.constant 7 : index
      %swap3A_434 = memref.load %arg4[%swap3A_432, %swap3A_433] : memref<2x10xf32, #tpu.memory_space<smem>>
      memref.store %reduce_sum3A_431, %arg4[%swap3A_432, %swap3A_433] : memref<2x10xf32, #tpu.memory_space<smem>>
      %mul3A_435 = arith.constant 4.096000e+03 : f32
      %mul3A_436 = vector.broadcast %mul3A_435 : f32 to vector<512x80xf32>
      %mul3A_437 = arith.mulf %mul3A_436, %floor3A_426 : vector<512x80xf32>
      %sub3A_438 = arith.subf %get3A_422, %mul3A_437 : vector<512x80xf32>
      %reduce_sum3A_439 = vector.shape_cast %sub3A_438 : vector<512x80xf32> to vector<1x512x80xf32>
      %reduce_sum3A_440 = arith.constant dense<0.000000e+00> : vector<1xf32>
      %reduce_sum3A_441 = vector.multi_reduction <add>, %reduce_sum3A_439, %reduce_sum3A_440 [1, 2] : vector<1x512x80xf32> to vector<1xf32>
      %reduce_sum3A_442 = vector.shape_cast %reduce_sum3A_441 : vector<1xf32> to vector<1x1x1xf32>
      %reduce_sum3A_443 = vector.extract %reduce_sum3A_442[0, 0, 0] : f32 from vector<1x1x1xf32>
      %swap3A_444 = arith.constant 1 : index
      %swap3A_445 = arith.constant 7 : index
      %swap3A_446 = memref.load %arg4[%swap3A_444, %swap3A_445] : memref<2x10xf32, #tpu.memory_space<smem>>
      memref.store %reduce_sum3A_443, %arg4[%swap3A_444, %swap3A_445] : memref<2x10xf32, #tpu.memory_space<smem>>
      %get3A_447 = arith.constant 8 : index
      %get3A_448 = arith.constant 0 : index
      %get3A_449 = arith.constant 0 : index
      %get3A_450 = vector.load %arg5[%get3A_447, %get3A_448, %get3A_449] : memref<10x512x80xf32, #tpu.memory_space<vmem>>, vector<1x512x80xf32>
      %get3A_451 = vector.shape_cast %get3A_450 : vector<1x512x80xf32> to vector<512x80xf32>
      %mul3A_452 = arith.constant 2.44140625E-4 : f32
      %mul3A_453 = vector.broadcast %mul3A_452 : f32 to vector<512x80xf32>
      %mul3A_454 = arith.mulf %get3A_451, %mul3A_453 : vector<512x80xf32>
      %floor3A_455 = math.floor %mul3A_454 : vector<512x80xf32>
      %reduce_sum3A_456 = vector.shape_cast %floor3A_455 : vector<512x80xf32> to vector<1x512x80xf32>
      %reduce_sum3A_457 = arith.constant dense<0.000000e+00> : vector<1xf32>
      %reduce_sum3A_458 = vector.multi_reduction <add>, %reduce_sum3A_456, %reduce_sum3A_457 [1, 2] : vector<1x512x80xf32> to vector<1xf32>
      %reduce_sum3A_459 = vector.shape_cast %reduce_sum3A_458 : vector<1xf32> to vector<1x1x1xf32>
      %reduce_sum3A_460 = vector.extract %reduce_sum3A_459[0, 0, 0] : f32 from vector<1x1x1xf32>
      %swap3A_461 = arith.constant 0 : index
      %swap3A_462 = arith.constant 8 : index
      %swap3A_463 = memref.load %arg4[%swap3A_461, %swap3A_462] : memref<2x10xf32, #tpu.memory_space<smem>>
      memref.store %reduce_sum3A_460, %arg4[%swap3A_461, %swap3A_462] : memref<2x10xf32, #tpu.memory_space<smem>>
      %mul3A_464 = arith.constant 4.096000e+03 : f32
      %mul3A_465 = vector.broadcast %mul3A_464 : f32 to vector<512x80xf32>
      %mul3A_466 = arith.mulf %mul3A_465, %floor3A_455 : vector<512x80xf32>
      %sub3A_467 = arith.subf %get3A_451, %mul3A_466 : vector<512x80xf32>
      %reduce_sum3A_468 = vector.shape_cast %sub3A_467 : vector<512x80xf32> to vector<1x512x80xf32>
      %reduce_sum3A_469 = arith.constant dense<0.000000e+00> : vector<1xf32>
      %reduce_sum3A_470 = vector.multi_reduction <add>, %reduce_sum3A_468, %reduce_sum3A_469 [1, 2] : vector<1x512x80xf32> to vector<1xf32>
      %reduce_sum3A_471 = vector.shape_cast %reduce_sum3A_470 : vector<1xf32> to vector<1x1x1xf32>
      %reduce_sum3A_472 = vector.extract %reduce_sum3A_471[0, 0, 0] : f32 from vector<1x1x1xf32>
      %swap3A_473 = arith.constant 1 : index
      %swap3A_474 = arith.constant 8 : index
      %swap3A_475 = memref.load %arg4[%swap3A_473, %swap3A_474] : memref<2x10xf32, #tpu.memory_space<smem>>
      memref.store %reduce_sum3A_472, %arg4[%swap3A_473, %swap3A_474] : memref<2x10xf32, #tpu.memory_space<smem>>
      %get3A_476 = arith.constant 9 : index
      %get3A_477 = arith.constant 0 : index
      %get3A_478 = arith.constant 0 : index
      %get3A_479 = vector.load %arg5[%get3A_476, %get3A_477, %get3A_478] : memref<10x512x80xf32, #tpu.memory_space<vmem>>, vector<1x512x80xf32>
      %get3A_480 = vector.shape_cast %get3A_479 : vector<1x512x80xf32> to vector<512x80xf32>
      %mul3A_481 = arith.constant 2.44140625E-4 : f32
      %mul3A_482 = vector.broadcast %mul3A_481 : f32 to vector<512x80xf32>
      %mul3A_483 = arith.mulf %get3A_480, %mul3A_482 : vector<512x80xf32>
      %floor3A_484 = math.floor %mul3A_483 : vector<512x80xf32>
      %reduce_sum3A_485 = vector.shape_cast %floor3A_484 : vector<512x80xf32> to vector<1x512x80xf32>
      %reduce_sum3A_486 = arith.constant dense<0.000000e+00> : vector<1xf32>
      %reduce_sum3A_487 = vector.multi_reduction <add>, %reduce_sum3A_485, %reduce_sum3A_486 [1, 2] : vector<1x512x80xf32> to vector<1xf32>
      %reduce_sum3A_488 = vector.shape_cast %reduce_sum3A_487 : vector<1xf32> to vector<1x1x1xf32>
      %reduce_sum3A_489 = vector.extract %reduce_sum3A_488[0, 0, 0] : f32 from vector<1x1x1xf32>
      %swap3A_490 = arith.constant 0 : index
      %swap3A_491 = arith.constant 9 : index
      %swap3A_492 = memref.load %arg4[%swap3A_490, %swap3A_491] : memref<2x10xf32, #tpu.memory_space<smem>>
      memref.store %reduce_sum3A_489, %arg4[%swap3A_490, %swap3A_491] : memref<2x10xf32, #tpu.memory_space<smem>>
      %mul3A_493 = arith.constant 4.096000e+03 : f32
      %mul3A_494 = vector.broadcast %mul3A_493 : f32 to vector<512x80xf32>
      %mul3A_495 = arith.mulf %mul3A_494, %floor3A_484 : vector<512x80xf32>
      %sub3A_496 = arith.subf %get3A_480, %mul3A_495 : vector<512x80xf32>
      %reduce_sum3A_497 = vector.shape_cast %sub3A_496 : vector<512x80xf32> to vector<1x512x80xf32>
      %reduce_sum3A_498 = arith.constant dense<0.000000e+00> : vector<1xf32>
      %reduce_sum3A_499 = vector.multi_reduction <add>, %reduce_sum3A_497, %reduce_sum3A_498 [1, 2] : vector<1x512x80xf32> to vector<1xf32>
      %reduce_sum3A_500 = vector.shape_cast %reduce_sum3A_499 : vector<1xf32> to vector<1x1x1xf32>
      %reduce_sum3A_501 = vector.extract %reduce_sum3A_500[0, 0, 0] : f32 from vector<1x1x1xf32>
      %swap3A_502 = arith.constant 1 : index
      %swap3A_503 = arith.constant 9 : index
      %swap3A_504 = memref.load %arg4[%swap3A_502, %swap3A_503] : memref<2x10xf32, #tpu.memory_space<smem>>
      memref.store %reduce_sum3A_501, %arg4[%swap3A_502, %swap3A_503] : memref<2x10xf32, #tpu.memory_space<smem>>
    } else {
    }
    return
  }
  func.func @transform_0(%arg0: i32) -> (i32, i32) {
    %add3A = arith.constant 64 : i32
    %add3A_0 = arith.addi %arg0, %add3A : i32
    %c0_i32 = arith.constant 0 : i32
    %c0_i32_1 = arith.constant 0 : i32
    return %add3A_0, %c0_i32 : i32, i32
  }
  func.func @transform_1(%arg0: i32) -> (i32, i32) {
    %add3A = arith.constant 64 : i32
    %add3A_0 = arith.addi %arg0, %add3A : i32
    %c0_i32 = arith.constant 0 : i32
    %c0_i32_1 = arith.constant 0 : i32
    return %add3A_0, %c0_i32 : i32, i32
  }
  func.func @transform_2(%arg0: i32) -> (i32, i32) {
    %add3A = arith.constant 64 : i32
    %add3A_0 = arith.addi %arg0, %add3A : i32
    %c0_i32 = arith.constant 0 : i32
    %c0_i32_1 = arith.constant 0 : i32
    return %add3A_0, %c0_i32 : i32, i32
  }
  func.func @transform_3(%arg0: i32) -> (i32, i32) {
    %c0_i32 = arith.constant 0 : i32
    %c0_i32_0 = arith.constant 0 : i32
    %c0_i32_1 = arith.constant 0 : i32
    return %c0_i32, %c0_i32_0 : i32, i32
  }
}

</mosaic_0001>

<sc_bundles>
// kernel: kernel.4.cloned.1.call-start
scs
__scs_entry_jumppad:
0x0: {  	(pc) =	sbr.rel $0x88, $3  }
0x1: {  	(tag) =	ssettag $0x0;
	lr =	simm.s32 $0x1  }
0x2: {  	[smem:$0x3F9E] =	sst lr;
	_ =	strace $0xD0000000  }
0x3: {  	_ = 	snop  }
0x4: {  	_ = 	snop  }
0x5: {  	_ = 	snop  }
0x6: {  	_ = 	snop  }
0x7: {  	_ = 	snop  }
__scs_overlays_trampoline_lowered:
0x8: {  	[smem:$0x3FAD] =	sst s0  }
0x9: {  	[smem:$0x3FAE] =	sst s1  }
0xa: {  	[smem:$0x3FAF] =	sst s2  }
0xb: {  	[smem:$0x3FB0] =	sst s3  }
0xc: {  	[smem:$0x3FB1] =	sst s4  }
0xd: {  	[smem:$0x3FB2] =	sst s5  }
0xe: {  	[smem:$0x3FB3] =	sst s6  }
0xf: {  	[smem:$0x3FB4] =	sst s7  }
0x10: {  	[smem:$0x3FB5] =	sst s8  }
0x11: {  	[smem:$0x3FB6] =	sst s9;
	s0 =	simm.s32 @!p0 $0x0  }
0x12: {  	s1 =	sld [smem:$0x3F9C];
	s0 =	simm.s32 @p0 $0x1  }
0x13: {  	[smem:$0x3FB7] =	sst s0;
	s0 =	simm.s32 @!p1 $0x0  }
0x14: {  	s2 =	sld [smem:$0x3F9B];
	s0 =	simm.s32 @p1 $0x1  }
0x15: {  	[smem:$0x3FB8] =	sst s0;
	s0 =	simm.s32 @!p2 $0x0  }
0x16: {  	s3 =	sld [smem:$0x3FDB];
	s0 =	simm.s32 @p2 $0x1  }
0x17: {  	s4 =	simm.s32 $0x1BF5;
	[smem:$0x3FBA] =	sst s0  }
0x18: {  	s0 =	sld [smem:$0x3F9D];
	_ =	swait.ge [sflag:s4], $0x0  }
0x19: {  	s7 =	sld [smem:$0x3F9E]  }
0x1a: {  	s8 =	sadd.s32 $0xFFFFE003, lr  }
0x1b: {  	s9 =	sadd.s32 $0xFFFFFEF7, lr;
	s5 =	simm.s32 $0xFFFFFFFF;
	p2 =	slt.u32 s8, $0xFFFFF086  }
0x1c: {  	p1 =	slt.u32 s9, $0xF7A;
	s5 =	simm.s32 @!p2 $0x0  }
0x1d: {  	s5 =	simm.s32 @p1 $0x1;
	p0 =	seq.s32 s7, s2  }
0x1e: {  	s7 =	smul.u32 @!p0 $0xF7A, s2;
	p2 =	seq.s32 @!p0 s5, $0x0  }
0x1f: {  	s9 =	smul.u32 $0xF7A, s1;
	s8 =	simm.s32 @!p0 $0x1BF5;
	p2 =	por !p2, p0  }
0x20: {  	[sflag:s8] =	ssyncset.s32 @!p0 $0xFFFFF086;
	s6 =	sadd.s32 @!p0 s3, s7;
	s7 =	simm.s32 @!p0 $0x108  }
0x21: {  	s3 =	sadd.s32 s3, s9;
	s6 =	sadd.s32 @!p0 $0x88, s6;
	s7 =	simm.s32 @p2 $0x1082  }
0x22: {  	[simem:s7], [sflag:s8] =	dma.local @!p0 [hbm:s6], $0xF7A  }
0x23: {  	s9 =	sor.u32 $0xD0000000, s2;
	s6 =	simm.s32 $0x108;
	_ =	swait.ge @!p0 [sflag:s8], $0x0  }
0x24: {  	s3 =	sadd.s32 $0x88, s3;
	s6 =	simm.s32 @!p1 $0x1082;
	[sflag:s4] =	ssyncset.s32 $0xFFFFF086  }
0x25: {  	[simem:s6], [sflag:s4] =	dma.local [hbm:s3], $0xF7A  }
0x26: {  	[smem:$0x3F9E] =	sst s1;
	(tag) =	ssettag s2;
	_ =	strace s9  }
0x27: {  	s1 =	sld [smem:$0x3FAE]  }
0x28: {  	s2 =	sld [smem:$0x3FAF]  }
0x29: {  	s4 =	sld [smem:$0x3FB1]  }
0x2a: {  	p0 =	seq.s32 s5, $0x0;
	s5 =	sld [smem:$0x3FB2]  }
0x2b: {  	s6 =	sld [smem:$0x3FB3]  }
0x2c: {  	s7 =	sld [smem:$0x3FB4]  }
0x2d: {  	s3 =	simm.s32 $0x108;
	s8 =	sld [smem:$0x3FB5]  }
0x2e: {  	s3 =	simm.s32 @!p0 $0x1082;
	s9 =	sld [smem:$0x3FB6]  }
0x2f: {  	lr =	sadd.s32 s0, s3;
	s0 =	sld [smem:$0x3FAD]  }
0x30: {  	s3 =	sld [smem:$0x3FB0]  }
0x31: {  	[smem:$0x3FB9] =	sst s10  }
0x32: {  	s10 =	sld [smem:$0x3FB7];
	_ =	sdelay $0x3  }
0x33: {  	p0 =	seq.s32 s10, $0x1;
	s10 =	sld [smem:$0x3FB9];
	_ =	sdelay $0x3  }
0x34: {  	[smem:$0x3FB9] =	sst s10  }
0x35: {  	s10 =	sld [smem:$0x3FB8];
	_ =	sdelay $0x3  }
0x36: {  	p1 =	seq.s32 s10, $0x1;
	s10 =	sld [smem:$0x3FB9];
	_ =	sdelay $0x3  }
0x37: {  	[smem:$0x3FB9] =	sst s10  }
0x38: {  	s10 =	sld [smem:$0x3FBA]  }
0x39: {  	_ = 	snop;
	(pc) =	sbr.ind lr, $3  }
0x3a: {  	_ = 	snop  }
0x3b: {  	_ = 	snop  }
0x3c: {  	p2 =	seq.s32 s10, $0x1;
	s10 =	sld [smem:$0x3FB9]  }
0x3d: {  	_ =	shalt  }
0x3e: {  	_ =	shalt  }
0x3f: {  	_ =	shalt  }
0x40: {  	_ =	shalt  }
0x41: {  	_ =	shalt  }
0x42: {  	_ =	shalt  }
0x43: {  	_ =	shalt  }
0x44: {  	_ =	shalt  }
0x45: {  	_ =	shalt  }
0x46: {  	_ =	shalt  }
0x47: {  	_ =	shalt  }
0x48: {  	_ =	shalt  }
0x49: {  	_ =	shalt  }
0x4a: {  	_ =	shalt  }
0x4b: {  	_ =	shalt  }
0x4c: {  	_ =	shalt  }
0x4d: {  	_ =	shalt  }
0x4e: {  	_ =	shalt  }
0x4f: {  	_ =	shalt  }
0x50: {  	_ =	shalt  }
0x51: {  	_ =	shalt  }
0x52: {  	_ =	shalt  }
0x53: {  	_ =	shalt  }
0x54: {  	_ =	shalt  }
0x55: {  	_ =	shalt  }
0x56: {  	_ =	shalt  }
0x57: {  	_ =	shalt  }
0x58: {  	_ =	shalt  }
0x59: {  	_ =	shalt  }
0x5a: {  	_ =	shalt  }
0x5b: {  	_ =	shalt  }
0x5c: {  	_ =	shalt  }
0x5d: {  	_ =	shalt  }
0x5e: {  	_ =	shalt  }
0x5f: {  	_ =	shalt  }
0x60: {  	_ =	shalt  }
0x61: {  	_ =	shalt  }
0x62: {  	_ =	shalt  }
0x63: {  	_ =	shalt  }
0x64: {  	_ =	shalt  }
0x65: {  	_ =	shalt  }
0x66: {  	_ =	shalt  }
0x67: {  	_ =	shalt  }
0x68: {  	_ =	shalt  }
0x69: {  	_ =	shalt  }
0x6a: {  	_ =	shalt  }
0x6b: {  	_ =	shalt  }
0x6c: {  	_ =	shalt  }
0x6d: {  	_ =	shalt  }
0x6e: {  	_ =	shalt  }
0x6f: {  	_ =	shalt  }
0x70: {  	_ =	shalt  }
0x71: {  	_ =	shalt  }
0x72: {  	_ =	shalt  }
0x73: {  	_ =	shalt  }
0x74: {  	_ =	shalt  }
0x75: {  	_ =	shalt  }
0x76: {  	_ =	shalt  }
0x77: {  	_ =	shalt  }
0x78: {  	_ =	shalt  }
0x79: {  	_ =	shalt  }
0x7a: {  	_ =	shalt  }
0x7b: {  	_ =	shalt  }
0x7c: {  	_ =	shalt  }
0x7d: {  	_ =	shalt  }
0x7e: {  	_ =	shalt  }
0x7f: {  	_ =	shalt  }
0x80: {  	_ =	shalt  }
0x81: {  	_ =	shalt  }
0x82: {  	_ =	shalt  }
0x83: {  	_ =	shalt  }
0x84: {  	_ =	shalt  }
0x85: {  	_ =	shalt  }
0x86: {  	_ =	shalt  }
0x87: {  	_ =	shalt  }
.Lfunc_end0:
.L_simem_size_0:
called_computation_lowered:
.L_overlay_start_0:
0x88: {  	s2 =	sld [smem:$0x3FD9]  }
0x89: {  	s3 =	sld [smem:$0x3FFE];
	_ =	sdelay $0x1  }
0x8a: {  	s1 =	srdreg.scid  }
0x8b: {  	s0 =	sand.u32 $0x1, s1  }
0x8c: {  	s16 =	sshll.u32 s0, $0xA;
	s2 =	sadd.s32 s3, s2  }
0x8d: {  	s2 =	sadd.s32 s2, s16  }
0x8e: {  	[smem:$0x3FC5] =	sst s2  }
0x8f: {  	_ = 	snop  }
0x90: {  	(tm) =	ssettm $0x1  }
0x91: {  	s17 =	sld [smem:$0x3FFB];
	_ =	sdelay $0x3  }
0x92: {  	_ =	strace s17  }
0x93: {  	s2 =	sld [smem:$0x3FFC];
	_ =	sdelay $0x3  }
0x94: {  	_ =	strace s2  }
0x95: {  	s2 =	sld [smem:$0x3FFD];
	_ =	sdelay $0x3  }
0x96: {  	_ =	strace s2  }
0x97: {  	_ =	strace $0x8FFFFFFF  }
0x98: {  	s18 =	sld [smem:$0x3FDB];
	_ =	sdelay $0x1  }
0x99: {  	s19 =	simm.s32 $_scs_section_size  }
0x9a: {  	s4 =	simm.s32 $_size__tile_overlayer_lowered;
	s5 =	simm.s32 $_tile_overlayer_lowered  }
0x9b: {  	s22 =	simm.s32 $0x1BFF;
	s21 =	sshll.u32 s5, $0x1;
	s2 =	sadd.s32 s19, s18  }
0x9c: {  	s6 =	simm.s32 $0x0;
	s20 =	sshll.u32 s4, $0x1;
	s4 =	sadd.s32 s21, s2  }
0x9d: {  	[timem:s6], [sflag:s22] =	dma.local [hbm:s4], s20  }
0x9e: {  	_ =	swait.ge [sflag:s22], s20  }
0x9f: {  	s3 =	ssub.s32 $0x0, s20;
	[sflag:s22] =	ssyncset.done $0x0  }
0xa0: {  	[sflag:s22] =	ssyncadd.s32 s3;
	_ =	sdelay $0x1  }
0xa1: {  	s23 =	simm.s32 $0x1B8B  }
0xa2: {  	_ =	swait.ge [sflag:s23], $0x1  }
0xa3: {  	[sflag:s23] =	ssyncset.done $0x0  }
0xa4: {  	s25 =	simm.s32 $0x1B8E;
	s24 =	sld [smem:$0x3FFE];
	[sflag:s23] =	ssyncadd.s32 $0xFFFFFFFF  }
0xa5: {  	s26 =	simm.s32 $execute0_lowered;
	[smem:$0x3FD2] =	sst s25  }
0xa6: {  	s4 =	sshll.u32 s26, $0x1;
	_ =	strace $0x80000046;
	[dreg:$0x1] =	wrdreg $0xFFFFFFFF  }
0xa7: {  	s28 =	simm.s32 $_size_execute0_lowered;
	s2 =	sadd.s32 s2, s4;
	[dreg:$0x0] =	wrdreg $0x0  }
0xa8: {  	s4 =	sshll.u32 s28, $0x1;
	[dreg:$0x2] =	wrdreg s2  }
0xa9: {  	[dreg:$0x3] =	wrdreg s4  }
0xaa: {  	[dreg:$0x4] =	wrdreg $0xC0  }
0xab: {  	_ =	task [dreg:s6], $0x5FFFF  }
0xac: {  	[dreg:$0x1] =	wrdreg $0xFFFFFFFF  }
0xad: {  	[dreg:$0x0] =	wrdreg $0x60  }
0xae: {  	[dreg:$0x2] =	wrdreg s24  }
0xaf: {  	[dreg:$0x3] =	wrdreg $0x9  }
0xb0: {  	_ =	task.clear_ibuf [dreg:s6], $0x4FFFF;
	_ =	strace $0x90000046  }
0xb1: {  	s29 =	simm.s32 $0x9;
	_ =	strace $0x80000048  }
0xb2: {  	_ =	swait.ge [sflag:s29], $0x1  }
0xb3: {  	[sflag:s29] =	ssyncadd.s32 $0xFFFFFFFF  }
0xb4: {  	_ =	strace $0x90000048  }
0xb5: {  	_ =	sfence  }
0xb6: {  	s30 =	sld [smem:$0x0];
	_ =	sdelay $0x2  }
0xb7: {  	s31 =	sshll.u32 s1, $0xD;
	s1 =	sshrl.u32 s1, $0x2  }
0xb8: {  	s3 =	sand.u32 $0x4000, s31;
	s1 =	sadd.s32 s1, s30  }
0xb9: {  	s0 =	sor.u32 s3, s0;
	s1 =	sshll.u32 s1, $0x11  }
0xba: {  	s0 =	sor.u32 s1, s0  }
0xbb: {  	s0 =	sadd.s32 $0x8F2B, s0  }
0xbc: {  	[sflag:s0] =	ssyncadd.remote.s32 $0x1  }
0xbd: {  	_ =	sfence.sel $0xFFFF  }
0xbe: {  	[dreg:$0x0] =	wrdreg $0xFFFFFFFF;
	(pc) =	sbr.abs _section_cstart, $3  }
0xbf: {  	[dreg:$0x1] =	wrdreg $0xFFFFFFFF  }
0xc0: {  	_ =	task.clear_ibuf [dreg:s6], $0x2FFFF;
	_ =	strace $0x9FFFFFFF  }
0xc1: {  	(tm) =	ssettm $0x7FFFFFFF  }
tec
execute0_lowered:
.L_overlay_start_1:
0x0: {  	(tag) =	ssettag $0x1  }
0x1: {  	s2 =	rddreg [dreg:$0x0]  }
0x2: {  	s0 =	rddreg [dreg:$0x1]  }
0x3: {  	s4 =	srdreg.scid;
	s1 =	stileid.u32;
	s3 =	simm.s32 $0x0  }
0x4: {  	s13 =	simm.s32 $0x8000;
	s14 =	simm.s32 $0x10000;
	s15 =	simm.s32 $0x4000  }
0x5: {  	s16 =	simm.s32 $0xC000;
	s17 =	simm.s32 $0x14000;
	s18 =	simm.s32 $0x1  }
0x6: {  	s19 =	simm.s32 $0x2;
	s20 =	simm.s32 $0x18000;
	s21 =	simm.s32 $0x3  }
0x7: {  	s22 =	simm.s32 $0x0;
	s6 =	sand.u32 $0x1, s4;
	s30 =	sshll.u32 s1, $0x1  }
0x8: {  	[smem:$0x7FF] =	sst s3;
	s4 =	sadd.s32 $0x200000, s2;
	s5 =	sadd.s32 $0x400000, s2  }
0x9: {  	s7 =	sor.u32 s6, s30;
	_ =	strace $0x80000047;
	s6 =	ssub.s32 $0x2, s6  }
0xa: {  	s8 =	smul.u32 $0x28, s7;
	s31 =	sshrl.u32 s6, $0x1;
	s9 =	sshll.u32 s7, $0xE  }
0xb: {  	s12 =	ssub.s32 s6, s31;
	s6 =	sshll.u32 s7, $0xA;
	s7 =	sadd.s32 s2, s9  }
0xc: {  	s11 =	sadd.s32 s8, s2;
	s8 =	sadd.s32 s4, s9;
	s9 =	sadd.s32 s5, s9  }
0xd: {  	v0 =	vimm.f32 $0.0e+00;
	s10 =	sor.u32 $0x100, s6;
	s12 =	smax.u32 s12, $0x1;
	s11 =	sadd.s32 $0x600000, s11  }
.LBB2_1:
0xe: {  	v1 =	vimm.f32 $0.0e+00;
	v2 =	vimm.f32 $0.0e+00  }
0xf: {  	v4 =	vimm.f32 $0.0e+00;
	v6 =	vimm.f32 $0.0e+00;
	v12 =	vimm.f32 $0.0e+00  }
0x10: {  	[tilespmem:s3], [sflag:$0x1] =	stream.linear.gather [hbm4b:s7+s3], $0x4000, $0x38;
	v13 =	vimm.f32 $0.0e+00;
	v16 =	vimm.f32 $0.0e+00;
	v17 =	vimm.f32 $0.0e+00;
	[tilespmem:$0x18180] =	vst v63  }
0x11: {  	v33 =	vimm.f32 $0.0e+00;
	v37 =	vimm.f32 $0.0e+00;
	v31 =	vimm.f32 $0.0e+00  }
0x12: {  	v32 =	vimm.f32 $0.0e+00;
	v34 =	vimm.f32 $0.0e+00;
	v35 =	vimm.f32 $0.0e+00;
	[tilespmem:s13], [sflag:$0x1] =	stream.linear.gather [hbm4b:s8+s3], $0x4000, $0x38;
	[tilespmem:$0x18180] =	vst v63  }
0x13: {  	v36 =	vimm.f32 $0.0e+00;
	v41 =	vimm.f32 $0.0e+00;
	v45 =	vimm.f32 $0.0e+00;
	s23 =	simm.s32 $0x0  }
0x14: {  	v46 =	vimm.f32 $0.0e+00;
	v47 =	vimm.f32 $0.0e+00;
	v53 =	vimm.f32 $0.0e+00;
	[tilespmem:s14], [sflag:$0x1] =	stream.linear.gather [hbm4b:s9+s3], $0x4000, $0x38;
	[tilespmem:$0x18180] =	vst v63  }
.LBB2_2:
0x15: {  	[tilespmem:$0x1FC20] =	vst v53  }
0x16: {  	[tilespmem:$0x1FC30] =	vst v47  }
0x17: {  	[tilespmem:$0x1FC40] =	vst v46  }
0x18: {  	[tilespmem:$0x1FC50] =	vst v45  }
0x19: {  	[tilespmem:$0x1FC60] =	vst v17  }
0x1a: {  	[tilespmem:$0x1FC70] =	vst v16  }
0x1b: {  	[tilespmem:$0x1FC80] =	vst v13  }
0x1c: {  	[tilespmem:$0x1FC90] =	vst v12  }
0x1d: {  	[tilespmem:$0x1FCA0] =	vst v41  }
0x1e: {  	[tilespmem:$0x1FCB0] =	vst v36  }
0x1f: {  	[tilespmem:$0x1FCC0] =	vst v35  }
0x20: {  	[tilespmem:$0x1FCD0] =	vst v34  }
0x21: {  	[tilespmem:$0x1FCE0] =	vst v37  }
0x22: {  	[tilespmem:$0x1FCF0] =	vst v32;
	s24 =	sshll.u32 s23, $0x8  }
0x23: {  	[tilespmem:$0x1FD00] =	vst v33;
	s25 =	sor.u32 s24, s6  }
0x24: {  	[tilespmem:$0x1FD10] =	vst v31;
	s25 =	sshll.u32 s25, $0x4  }
0x25: {  	[tilespmem:$0x1FD20] =	vst v6;
	s25 =	sor.u32 $0x800, s25  }
0x26: {  	[tilespmem:$0x1FD30] =	vst v4;
	s28 =	simm.s32 $0x0;
	s26 =	sadd.s32 s2, s25  }
0x27: {  	[tilespmem:s15], [sflag:$0x2] =	stream.linear.gather [hbm4b:s26+s28], $0x4000, $0x38;
	[tilespmem:$0x18180] =	vst v63  }
0x28: {  	[tilespmem:$0x1FD40] =	vst v2;
	s30 =	sadd.s32 s4, s25  }
0x29: {  	[tilespmem:s16], [sflag:$0x2] =	stream.linear.gather [hbm4b:s30+s28], $0x4000, $0x38;
	[tilespmem:$0x18180] =	vst v63  }
0x2a: {  	[tilespmem:$0x1FD50] =	vst v1;
	s25 =	sadd.s32 s5, s25  }
0x2b: {  	[tilespmem:s17], [sflag:$0x2] =	stream.linear.gather [hbm4b:s25+s28], $0x4000, $0x38;
	[tilespmem:$0x18180] =	vst v63  }
0x2c: {  	_ =	swait.ge [sflag:s18], $0x4000  }
0x2d: {  	[sflag:s18] =	ssyncset.done $0x0  }
0x2e: {  	[sflag:s18] =	ssyncadd.s32 $0xFFFFC000  }
0x2f: {  	_ =	swait.ge [sflag:s18], $0x4000  }
0x30: {  	[sflag:s18] =	ssyncset.done $0x0  }
0x31: {  	[sflag:s18] =	ssyncadd.s32 $0xFFFFC000  }
0x32: {  	_ =	swait.ge [sflag:s18], $0x4000  }
0x33: {  	[sflag:s18] =	ssyncset.done $0x0  }
0x34: {  	s31 =	simm.s32 $0x0;
	[sflag:s18] =	ssyncadd.s32 $0xFFFFC000  }
0x35: {  	v1 =	vld [tilespmem:s31+$0x8040]  }
0x36: {  	v2 =	vld [tilespmem:s31+$0x40]  }
0x37: {  	v3 =	vld [tilespmem:s31+$0x8030]  }
0x38: {  	v4 =	vld [tilespmem:s31+$0x30]  }
0x39: {  	v5 =	vld [tilespmem:s31+$0x8020]  }
0x3a: {  	v6 =	vld [tilespmem:s31+$0x20]  }
0x3b: {  	v7 =	vld [tilespmem:s31+$0x8010]  }
0x3c: {  	v8 =	vld [tilespmem:s31+$0x10]  }
0x3d: {  	v9 =	vld [tilespmem:s31+$0x8000]  }
0x3e: {  	v21 =	vld [tilespmem:s31+$0x0];
	_ =	sdelay $0x1  }
0x3f: {  	vm0 =	vgt.s32 v1, $0x0;
	v1 =	vsub.f32 $0.0e+00, v2  }
0x40: {  	vm1 =	vgt.s32 v5, $0x0;
	vm2 =	vgt.s32 v3, $0x0;
	v3 =	vsub.f32 $0.0e+00, v4  }
0x41: {  	vm3 =	vgt.s32 v7, $0x0;
	v5 =	vsub.f32 $0.0e+00, v8;
	v7 =	vsub.f32 $0.0e+00, v6  }
0x42: {  	vm4 =	vgt.s32 v9, $0x0;
	v9 =	vsub.f32 $0.0e+00, v21;
	v22 =	vsel vm0, v1, v2  }
0x43: {  	v1 =	vsel vm3, v5, v8;
	v2 =	vsel vm1, v7, v6;
	v3 =	vsel vm2, v3, v4  }
0x44: {  	v28 =	vsel vm4, v9, v21;
	v4 =	vmax.f32 v3, $-2.309999940e+00;
	v5 =	vmax.f32 v22, $-2.309999940e+00  }
0x45: {  	v6 =	vmax.f32 v28, $-2.309999940e+00;
	v7 =	vmax.f32 v1, $-2.309999940e+00;
	v8 =	vmax.f32 v2, $-2.309999940e+00  }
0x46: {  	v9 =	vand.u32 $0x7FFFFFFF, v2;
	v21 =	vand.u32 $0x7FFFFFFF, v3;
	v23 =	vand.u32 $0x7FFFFFFF, v22  }
0x47: {  	v24 =	vand.u32 $0x7FFFFFFF, v28;
	v25 =	vand.u32 $0x7FFFFFFF, v1;
	v5 =	vmin.f32 v5, $2.309999940e+00  }
0x48: {  	v7 =	vmin.f32 v7, $2.309999940e+00;
	v8 =	vmin.f32 v8, $2.309999940e+00;
	v4 =	vmin.f32 v4, $2.309999940e+00  }
0x49: {  	v6 =	vmin.f32 v6, $2.309999940e+00;
	v21 =	vsub.f32 $0.0e+00, v21;
	v23 =	vsub.f32 $0.0e+00, v23  }
0x4a: {  	v26 =	vld [tilespmem:s31+$0x10040];
	v9 =	vsub.f32 $0.0e+00, v9;
	v29 =	vmul.f32 v4, v4;
	v30 =	vmul.f32 v5, v5  }
0x4b: {  	v25 =	vsub.f32 $0.0e+00, v25;
	v31 =	vmul.f32 v7, v7;
	v53 =	vmul.f32 v8, v8  }
0x4c: {  	v27 =	vld [tilespmem:s31+$0x10030];
	v24 =	vsub.f32 $0.0e+00, v24;
	v54 =	vmul.f32 v6, v6;
	v23 =	vmul.f32 $1.442695020e+00, v23  }
0x4d: {  	v9 =	vmul.f32 $1.442695020e+00, v9;
	v21 =	vmul.f32 $1.442695020e+00, v21  }
0x4e: {  	v24 =	vmul.f32 $1.442695020e+00, v24;
	v25 =	vmul.f32 $1.442695020e+00, v25  }
0x4f: {  	vm0 =	vgt.s32 v26, $0x0;
	v57 =	vmul.f32 $5.252613850e-06, v29;
	v26 =	vmul.f32 $5.252613850e-06, v30  }
0x50: {  	v58 =	vmul.f32 $5.252613850e-06, v53;
	(erf) = vpow2.f32 v23  }
0x51: {  	vm1 =	vgt.s32 v27, $0x0;
	v27 =	vmul.f32 $5.252613850e-06, v31;
	v23 =	vld [tilespmem:s31+$0x10000];
	(erf) = vpow2.f32 v21  }
0x52: {  	v21 =	vmul.f32 $5.252613850e-06, v54;
	(erf) = vpow2.f32 v9  }
0x53: {  	v26 =	vsub.f32 $1.385406210e-04, v26;
	v9 =	vsub.f32 $1.385406210e-04, v57;
	(erf) = vpow2.f32 v25  }
0x54: {  	v25 =	vsub.f32 $1.385406210e-04, v27;
	v27 =	vsub.f32 $1.385406210e-04, v58;
	(erf) = vpow2.f32 v24  }
0x55: {  	v21 =	vsub.f32 $1.385406210e-04, v21;
	v9 =	vmul.f32 v9, v29;
	v24 =	vmul.f32 v26, v30  }
0x56: {  	vm4 =	vgt.s32 v23, $0x0;
	v23 =	vmul.f32 v25, v31;
	v25 =	vmul.f32 v27, v53  }
0x57: {  	v21 =	vmul.f32 v21, v54;
	v9 =	vadd.f32 $-1.915045900e-03, v9;
	v24 =	vadd.f32 $-1.915045900e-03, v24  }
0x58: {  	v23 =	vadd.f32 $-1.915045900e-03, v23;
	v25 =	vadd.f32 $-1.915045900e-03, v25  }
0x59: {  	v27 =	vadd.f32 $-1.915045900e-03, v21;
	v9 =	vmul.f32 v9, v29;
	v59 =	vmul.f32 v24, v30  }
0x5a: {  	v21 =	vmax.f32 v3, $0.0e+00;
	v26 =	vpop (erf);
	v60 =	vmul.f32 v23, v31;
	v25 =	vmul.f32 v25, v53  }
0x5b: {  	v3 =	vmul.f32 v27, v54;
	v24 =	vpop (erf);
	v9 =	vadd.f32 $2.057566680e-02, v9;
	v34 =	vadd.f32 $2.057566680e-02, v59  }
0x5c: {  	v61 =	vadd.f32 $2.057566680e-02, v25;
	v62 =	vmul.f32 $6.151544860e-03, v24;
	v35 =	vadd.f32 $2.057566680e-02, v60  }
0x5d: {  	v23 =	vpop (erf);
	v3 =	vadd.f32 $2.057566680e-02, v3;
	v34 =	vmul.f32 v34, v30;
	v9 =	vmul.f32 v9, v29  }
0x5e: {  	v25 =	vpop (erf);
	v36 =	vmul.f32 v61, v53;
	v35 =	vmul.f32 v35, v31;
	v37 =	vsub.f32 $3.485012800e-02, v62  }
0x5f: {  	v3 =	vmul.f32 v3, v54;
	v27 =	vpop (erf);
	v9 =	vadd.f32 $-2.081817090e-01, v9;
	v34 =	vadd.f32 $-2.081817090e-01, v34  }
0x60: {  	v63 =	vmul.f32 $6.151544860e-03, v27;
	v36 =	vadd.f32 $-2.081817090e-01, v36;
	v37 =	vmul.f32 v37, v24  }
0x61: {  	v35 =	vadd.f32 $-2.081817090e-01, v35;
	v3 =	vadd.f32 $-2.081817090e-01, v3;
	v9 =	vmul.f32 v9, v29  }
0x62: {  	v29 =	vmul.f32 v34, v30;
	v41 =	vsub.f32 $3.485012800e-02, v63;
	v30 =	vmul.f32 v36, v53  }
0x63: {  	v12 =	vadd.f32 $-9.325294200e-02, v37;
	v31 =	vmul.f32 v35, v31;
	v3 =	vmul.f32 v3, v54  }
0x64: {  	v29 =	vadd.f32 $2.499974250e+00, v29;
	v9 =	vadd.f32 $2.499974250e+00, v9;
	v41 =	vmul.f32 v41, v27  }
0x65: {  	v30 =	vadd.f32 $2.499974250e+00, v30;
	v31 =	vadd.f32 $2.499974250e+00, v31;
	v32 =	vmul.f32 v12, v24  }
0x66: {  	v3 =	vadd.f32 $2.499974250e+00, v3;
	v4 =	vmul.f32 v9, v4;
	v5 =	vmul.f32 v29, v5  }
0x67: {  	v16 =	vadd.f32 $-9.325294200e-02, v41;
	v8 =	vmul.f32 v30, v8;
	v30 =	vadd.f32 $1.658237580e-01, v32  }
0x68: {  	v7 =	vmul.f32 v31, v7;
	v3 =	vmul.f32 v3, v6;
	v32 =	vmax.f32 v2, $0.0e+00  }
0x69: {  	v56 =	vld [tilespmem:s31+$0x10010];
	v4 =	vadd.f32 $5.000000000e+00, v4;
	v5 =	vadd.f32 $5.000000000e+00, v5;
	v33 =	vmul.f32 v16, v27  }
0x6a: {  	v6 =	vadd.f32 $5.000000000e+00, v8;
	v8 =	vmul.f32 v30, v24;
	v7 =	vadd.f32 $5.000000000e+00, v7  }
0x6b: {  	v5 =	vtrunc.f32 v5;
	v2 =	vtrunc.f32 v4;
	v17 =	vadd.f32 $1.658237580e-01, v33  }
0x6c: {  	v4 =	vtrunc.f32 v7;
	v33 =	vmax.f32 v1, $0.0e+00;
	v1 =	vadd.f32 $-2.398267840e-01, v8  }
0x6d: {  	v5 =	vcvt.f32.s32 v5;
	v4 =	vcvt.f32.s32 v4  }
0x6e: {  	vm3 =	vgt.s32 v56, $0x0;
	v6 =	vtrunc.f32 v6;
	v1 =	vmul.f32 v1, v24  }
0x6f: {  	v18 =	vcvt.f32.s32 v6;
	v5 =	vnsel vm0, $0xC, v5;
	v6 =	vnsel vm3, $0xC, v4  }
0x70: {  	vm15 =	veq.s32 v5, $0x0;
	v4 =	vadd.f32 $3.315488400e-01, v1;
	v1 =	vimm.s32 $0x0  }
0x71: {  	v1 =	vsel vm15, $0xFFFFFFFF, v1  }
0x72: {  	v55 =	vld [tilespmem:s31+$0x10020];
	vm14 =	veq.s32 v5, $0x1;
	[tilespmem:$0x1FD60] =	vst v1;
	v1 =	vimm.s32 $0x0  }
0x73: {  	v1 =	vsel vm14, $0xFFFFFFFF, v1  }
0x74: {  	vm13 =	veq.s32 v5, $0x2;
	[tilespmem:$0x1FD70] =	vst v1;
	v1 =	vimm.s32 $0x0  }
0x75: {  	v1 =	vsel vm13, $0xFFFFFFFF, v1  }
0x76: {  	vm12 =	veq.s32 v5, $0x3;
	[tilespmem:$0x1FD80] =	vst v1;
	v1 =	vimm.s32 $0x0  }
0x77: {  	vm2 =	vgt.s32 v55, $0x0;
	v38 =	vmul.f32 $6.151544860e-03, v26;
	v1 =	vsel vm12, $0xFFFFFFFF, v1  }
0x78: {  	v40 =	vmul.f32 $6.151544860e-03, v23;
	vm11 =	veq.s32 v5, $0x4;
	[tilespmem:$0x1FD90] =	vst v1;
	v1 =	vimm.s32 $0x0  }
0x79: {  	v38 =	vsub.f32 $3.485012800e-02, v38;
	v39 =	vmul.f32 $6.151544860e-03, v25;
	v1 =	vsel vm11, $0xFFFFFFFF, v1  }
0x7a: {  	v40 =	vsub.f32 $3.485012800e-02, v40;
	vm10 =	veq.s32 v5, $0x5;
	[tilespmem:$0x1FDA0] =	vst v1;
	v1 =	vimm.s32 $0x0  }
0x7b: {  	v38 =	vmul.f32 v38, v26;
	v39 =	vsub.f32 $3.485012800e-02, v39;
	v1 =	vsel vm10, $0xFFFFFFFF, v1  }
0x7c: {  	v40 =	vmul.f32 v40, v23;
	vm9 =	veq.s32 v5, $0x6;
	[tilespmem:$0x1FDB0] =	vst v1;
	v1 =	vimm.s32 $0x0  }
0x7d: {  	v13 =	vadd.f32 $-9.325294200e-02, v38;
	v2 =	vcvt.f32.s32 v2;
	v1 =	vsel vm9, $0xFFFFFFFF, v1  }
0x7e: {  	v39 =	vmul.f32 v39, v25;
	vm0 =	veq.s32 v5, $0x7;
	[tilespmem:$0x1FDC0] =	vst v1;
	v1 =	vimm.s32 $0x0  }
0x7f: {  	v15 =	vadd.f32 $-9.325294200e-02, v40;
	v2 =	vnsel vm1, $0xC, v2;
	v1 =	vsel vm0, $0xFFFFFFFF, v1  }
0x80: {  	v34 =	vmul.f32 v13, v26;
	vm8 =	veq.s32 v2, $0x0;
	[tilespmem:$0x1FDD0] =	vst v1;
	v1 =	vimm.s32 $0x0  }
0x81: {  	v14 =	vadd.f32 $-9.325294200e-02, v39;
	v36 =	vmul.f32 v15, v23;
	v1 =	vsel vm8, $0xFFFFFFFF, v1  }
0x82: {  	v9 =	vadd.f32 $1.658237580e-01, v34;
	vm3 =	veq.s32 v5, $0x8;
	[tilespmem:$0x1FDE0] =	vst v1;
	v1 =	vimm.s32 $0x0  }
0x83: {  	v38 =	vmax.f32 v28, $0.0e+00;
	v35 =	vmul.f32 v14, v25;
	v1 =	vsel vm3, $0xFFFFFFFF, v1  }
0x84: {  	v29 =	vadd.f32 $1.658237580e-01, v36;
	v9 =	vmul.f32 v9, v26;
	[tilespmem:$0x1FDF0] =	vst v1;
	v1 =	vsel vm3, $0x3F800000, v0  }
0x85: {  	v19 =	vnsel vm2, $0xC, v18;
	vm2 =	veq.s32 v5, $0x9;
	[tilespmem:$0x1FE00] =	vst v1;
	v1 =	vimm.s32 $0x0  }
0x86: {  	v3 =	vadd.f32 $5.000000000e+00, v3;
	v31 =	vadd.f32 $1.658237580e-01, v35;
	v1 =	vsel vm2, $0xFFFFFFFF, v1  }
0x87: {  	v29 =	vmul.f32 v29, v23;
	vm7 =	veq.s32 v2, $0x1;
	[tilespmem:$0x1FE10] =	vst v1;
	v1 =	vimm.s32 $0x0  }
0x88: {  	v3 =	vtrunc.f32 v3;
	v7 =	vadd.f32 $-2.398267840e-01, v9;
	v1 =	vsel vm7, $0xFFFFFFFF, v1  }
0x89: {  	v30 =	vmul.f32 v31, v25;
	vm6 =	veq.s32 v2, $0x2;
	[tilespmem:$0x1FE20] =	vst v1;
	v1 =	vimm.s32 $0x0  }
0x8a: {  	v8 =	vadd.f32 $-2.398267840e-01, v29;
	v3 =	vcvt.f32.s32 v3;
	v1 =	vsel vm6, $0xFFFFFFFF, v1  }
0x8b: {  	v31 =	vmul.f32 v17, v27;
	vm5 =	veq.s32 v2, $0x3;
	[tilespmem:$0x1FE30] =	vst v1;
	v1 =	vimm.s32 $0x0  }
0x8c: {  	v7 =	vmul.f32 v7, v26;
	v9 =	vadd.f32 $-2.398267840e-01, v30;
	v1 =	vsel vm5, $0xFFFFFFFF, v1  }
0x8d: {  	v10 =	vnsel vm4, $0xC, v3;
	vm4 =	veq.s32 v2, $0x4;
	[tilespmem:$0x1FE40] =	vst v1;
	v1 =	vimm.s32 $0x0  }
0x8e: {  	v8 =	vmul.f32 v8, v23;
	v29 =	vadd.f32 $-2.398267840e-01, v31;
	v1 =	vsel vm4, $0xFFFFFFFF, v1  }
0x8f: {  	vm1 =	veq.s32 v2, $0x5;
	v35 =	vsel vm0, $0x3F800000, v0;
	[tilespmem:$0x1FE50] =	vst v1;
	v1 =	vimm.s32 $0x0  }
0x90: {  	v28 =	vmul.f32 v9, v25;
	v29 =	vmul.f32 v29, v27;
	v1 =	vsel vm1, $0xFFFFFFFF, v1  }
0x91: {  	v9 =	vadd.f32 $3.315488400e-01, v7;
	vm0 =	veq.s32 v2, $0x6;
	[tilespmem:$0x1FE60] =	vst v1;
	v1 =	vimm.s32 $0x0  }
0x92: {  	v7 =	vadd.f32 $3.315488400e-01, v8;
	v8 =	vadd.f32 $3.315488400e-01, v29;
	v1 =	vsel vm0, $0xFFFFFFFF, v1  }
0x93: {  	v29 =	vsel vm2, $0x3F800000, v0;
	vm2 =	veq.s32 v2, $0x7;
	[tilespmem:$0x1FE70] =	vst v1;
	v1 =	vimm.s32 $0x0  }
0x94: {  	v1 =	vsel vm2, $0xFFFFFFFF, v1  }
0x95: {  	v41 =	vsel vm0, $0x3F800000, v0;
	vm0 =	veq.s32 v2, $0x8;
	[tilespmem:$0x1FE80] =	vst v1;
	v1 =	vimm.s32 $0x0  }
0x96: {  	v1 =	vsel vm0, $0xFFFFFFFF, v1  }
0x97: {  	v43 =	vsel vm1, $0x3F800000, v0;
	vm1 =	veq.s32 v2, $0x9;
	[tilespmem:$0x1FE90] =	vst v1;
	v1 =	vimm.s32 $0x0  }
0x98: {  	v1 =	vsel vm1, $0xFFFFFFFF, v1  }
0x99: {  	vm3 =	veq.s32 v19, $0x1;
	[tilespmem:$0x1FEA0] =	vst v1;
	v1 =	vimm.s32 $0x0  }
0x9a: {  	v1 =	vsel vm3, $0xFFFFFFFF, v1  }
0x9b: {  	v30 =	vsel vm0, $0x3F800000, v0;
	vm0 =	veq.s32 v19, $0x2;
	[tilespmem:$0x1FEB0] =	vst v1;
	v1 =	vimm.s32 $0x0  }
0x9c: {  	v1 =	vsel vm0, $0xFFFFFFFF, v1  }
0x9d: {  	v60 =	vsel vm3, $0x3F800000, v0;
	vm3 =	veq.s32 v19, $0x3;
	[tilespmem:$0x1FEC0] =	vst v1;
	v1 =	vimm.s32 $0x0  }
0x9e: {  	v31 =	vsel vm1, $0x3F800000, v0;
	v58 =	vsel vm0, $0x3F800000, v0;
	v1 =	vsel vm3, $0xFFFFFFFF, v1  }
0x9f: {  	vm1 =	veq.s32 v19, $0x0;
	vm0 =	veq.s32 v19, $0x4;
	[tilespmem:$0x1FED0] =	vst v1;
	v1 =	vimm.s32 $0x0  }
0xa0: {  	v44 =	vsel vm2, $0x3F800000, v0;
	vm2 =	vmmov vm1;
	v1 =	vsel vm0, $0xFFFFFFFF, v1  }
0xa1: {  	v59 =	vsel vm1, $0x3F800000, v0;
	vm1 =	veq.s32 v19, $0x5;
	[tilespmem:$0x1FEE0] =	vst v1;
	v1 =	vimm.s32 $0x0  }
0xa2: {  	v1 =	vsel vm1, $0xFFFFFFFF, v1  }
0xa3: {  	v49 =	vsel vm0, $0x3F800000, v0;
	vm0 =	veq.s32 v19, $0x6;
	[tilespmem:$0x1FEF0] =	vst v1;
	v1 =	vimm.s32 $0x0  }
0xa4: {  	v1 =	vsel vm0, $0xFFFFFFFF, v1  }
0xa5: {  	v50 =	vsel vm1, $0x3F800000, v0;
	vm1 =	veq.s32 v19, $0x7;
	[tilespmem:$0x1FF00] =	vst v1;
	v1 =	vimm.s32 $0x0  }
0xa6: {  	v22 =	vmax.f32 v22, $0.0e+00;
	v5 =	vimm.s32 $0x0;
	v1 =	vsel vm1, $0xFFFFFFFF, v1  }
0xa7: {  	v61 =	vsel vm3, $0x3F800000, v0;
	vm3 =	veq.s32 v19, $0x8;
	[tilespmem:$0x1FF10] =	vst v1;
	v1 =	vimm.s32 $0x0  }
0xa8: {  	v47 =	vsel vm15, $0x3F800000, v0;
	v48 =	vsel vm14, $0x3F800000, v0;
	v1 =	vsel vm3, $0xFFFFFFFF, v1  }
0xa9: {  	v52 =	vsel vm1, $0x3F800000, v0;
	vm1 =	veq.s32 v6, $0x1;
	[tilespmem:$0x1FF20] =	vst v1;
	v1 =	vimm.s32 $0x0  }
0xaa: {  	v46 =	vsel vm13, $0x3F800000, v0;
	v45 =	vsel vm12, $0x3F800000, v0;
	v1 =	vsel vm1, $0xFFFFFFFF, v1  }
0xab: {  	v51 =	vsel vm0, $0x3F800000, v0;
	vm0 =	veq.s32 v19, $0x9;
	[tilespmem:$0x1FF30] =	vst v1;
	v1 =	vimm.s32 $0x0  }
0xac: {  	v40 =	vsel vm0, $0x3F800000, v0;
	v1 =	vsel vm0, $0xFFFFFFFF, v1;
	vm0 =	veq.s32 v6, $0x4  }
0xad: {  	v36 =	vsel vm11, $0x3F800000, v0;
	v37 =	vsel vm10, $0x3F800000, v0;
	v5 =	vsel vm0, $0xFFFFFFFF, v5  }
0xae: {  	v57 =	vsel vm0, $0x3F800000, v0;
	vm0 =	veq.s32 v6, $0x8;
	[tilespmem:$0x1FF70] =	vst v5;
	v5 =	vimm.s32 $0x0  }
0xaf: {  	v34 =	vsel vm9, $0x3F800000, v0;
	v53 =	vsel vm8, $0x3F800000, v0;
	v5 =	vsel vm0, $0xFFFFFFFF, v5  }
0xb0: {  	v56 =	vsel vm7, $0x3F800000, v0;
	vm0 =	veq.s32 v10, $0x0;
	[tilespmem:$0x1FF80] =	vst v5;
	v5 =	vimm.s32 $0x0  }
0xb1: {  	v54 =	vsel vm6, $0x3F800000, v0;
	v55 =	vsel vm5, $0x3F800000, v0;
	v5 =	vsel vm0, $0xFFFFFFFF, v5  }
0xb2: {  	v42 =	vsel vm4, $0x3F800000, v0;
	vm0 =	veq.s32 v10, $0x1;
	[tilespmem:$0x1FF90] =	vst v5;
	v5 =	vimm.s32 $0x0  }
0xb3: {  	vm15 =	veq.s32 v6, $0x5;
	v3 =	vadd.f32 $3.315488400e-01, v28;
	v5 =	vsel vm0, $0xFFFFFFFF, v5  }
0xb4: {  	vm14 =	veq.s32 v10, $0x4;
	vm0 =	veq.s32 v10, $0x2;
	[tilespmem:$0x1FFA0] =	vst v5;
	v5 =	vimm.s32 $0x0  }
0xb5: {  	vm13 =	veq.s32 v10, $0x5;
	vm12 =	veq.s32 v6, $0x7;
	v5 =	vsel vm0, $0xFFFFFFFF, v5  }
0xb6: {  	v2 =	vimm.s32 $0x0;
	vm0 =	veq.s32 v10, $0x3;
	[tilespmem:$0x1FFB0] =	vst v5;
	v5 =	vimm.s32 $0x0  }
0xb7: {  	v63 =	vsel vm1, $0x3F800000, v0;
	vm1 =	veq.s32 v6, $0x3;
	v5 =	vsel vm0, $0xFFFFFFFF, v5  }
0xb8: {  	v2 =	vsel vm1, $0xFFFFFFFF, v2;
	vm0 =	veq.s32 v10, $0x6;
	[tilespmem:$0x1FFC0] =	vst v5;
	v5 =	vimm.s32 $0x0  }
0xb9: {  	vm7 =	veq.s32 v6, $0x0;
	v39 =	vsel vm3, $0x3F800000, v0;
	[tilespmem:$0x1FF60] =	vst v2;
	v5 =	vsel vm0, $0xFFFFFFFF, v5  }
0xba: {  	v2 =	vsel vm1, $0x3F800000, v0;
	vm1 =	veq.s32 v10, $0x8;
	[tilespmem:$0x1FFD0] =	vst v5;
	v5 =	vimm.s32 $0x0  }
0xbb: {  	vm3 =	veq.s32 v6, $0x2;
	[tilespmem:$0x1FF40] =	vst v1;
	v1 =	vimm.s32 $0x0;
	v5 =	vsel vm1, $0xFFFFFFFF, v5  }
0xbc: {  	v1 =	vsel vm3, $0xFFFFFFFF, v1;
	vm1 =	veq.s32 v10, $0x9;
	[tilespmem:$0x1FFE0] =	vst v5;
	v5 =	vimm.s32 $0x0  }
0xbd: {  	vm11 =	veq.s32 v6, $0x6;
	v62 =	vsel vm7, $0x3F800000, v0;
	[tilespmem:$0x1FF50] =	vst v1;
	v5 =	vsel vm1, $0xFFFFFFFF, v5  }
0xbe: {  	s25 =	simm.s32 $0x200;
	vm6 =	veq.s32 v6, $0x9;
	v1 =	vsel vm3, $0x3F800000, v0;
	vm0 =	veq.s32 v10, $0x7;
	[tilespmem:$0x1FFF0] =	vst v5  }
.LBB2_3:
0xbf: {  	v3 =	vmul.f32 v3, v25;
	_ =	sdelay $0x1  }
0xc0: {  	v3 =	vadd.f32 $-4.998385910e-01, v3;
	_ =	sdelay $0x1  }
0xc1: {  	v3 =	vmul.f32 v3, v25;
	_ =	sdelay $0x1  }
0xc2: {  	v3 =	vadd.f32 $9.999942770e-01, v3;
	_ =	sdelay $0x1  }
0xc3: {  	v3 =	vmul.f32 v3, v25;
	_ =	sdelay $0x1  }
0xc4: {  	v4 =	vmul.f32 v4, v24;
	v3 =	vadd.f32 $3.380091940e-08, v3;
	_ =	sdelay $0x1  }
0xc5: {  	v4 =	vadd.f32 $-4.998385910e-01, v4;
	v25 =	vadd.f32 v3, v33;
	v3 =	vld [tilespmem:$0x1FD60]  }
0xc6: {  	v5 =	vimm.s32 $0x0;
	v7 =	vmul.f32 v7, v23  }
0xc7: {  	v5 =	vsel vm11, $0xFFFFFFFF, v5;
	v4 =	vmul.f32 v4, v24  }
0xc8: {  	[tilespmem:$0x1FBD0] =	vst v5;
	v5 =	vld [tilespmem:$0x1FF90];
	v7 =	vadd.f32 $-4.998385910e-01, v7  }
0xc9: {  	v4 =	vadd.f32 $9.999942770e-01, v4  }
0xca: {  	v7 =	vmul.f32 v7, v23;
	vm3 =	vnez.u8 v3;
	v3 =	vld [tilespmem:$0x1FC20]  }
0xcb: {  	v9 =	vmul.f32 v9, v26;
	v4 =	vmul.f32 v4, v24  }
0xcc: {  	v7 =	vadd.f32 $9.999942770e-01, v7  }
0xcd: {  	v14 =	vld [tilespmem:$0x1FFA0];
	v9 =	vadd.f32 $-4.998385910e-01, v9;
	vm9 =	vnez.u8 v5;
	v4 =	vadd.f32 $3.380091940e-08, v4  }
0xce: {  	v13 =	vsel vm9, $0x3F800000, v0;
	v7 =	vmul.f32 v7, v23;
	v23 =	vld [tilespmem:$0x1FFE0]  }
0xcf: {  	v9 =	vmul.f32 v9, v26;
	v21 =	vadd.f32 v4, v21;
	v4 =	vadd.f32 v13, v3;
	v3 =	vld [tilespmem:$0x1FC30];
	_ =	sdelay $0x1  }
0xd0: {  	vm8 =	vmmov vm13;
	v8 =	vmul.f32 v8, v27;
	v9 =	vadd.f32 $9.999942770e-01, v9  }
0xd1: {  	v18 =	vsel vm13, $0x3F800000, v0;
	vm10 =	vnez.u8 v14;
	v7 =	vadd.f32 $3.380091940e-08, v7  }
0xd2: {  	v8 =	vadd.f32 $-4.998385910e-01, v8;
	v14 =	vsel vm10, $0x3F800000, v0;
	v9 =	vmul.f32 v9, v26  }
0xd3: {  	vm13 =	vnez.u8 v23;
	v23 =	vadd.f32 v7, v32;
	v7 =	vadd.f32 v14, v3;
	v3 =	vld [tilespmem:$0x1FD70]  }
0xd4: {  	v9 =	vadd.f32 $3.380091940e-08, v9  }
0xd5: {  	v8 =	vmul.f32 v8, v27  }
0xd6: {  	v15 =	vld [tilespmem:$0x1FFB0];
	v22 =	vadd.f32 v9, v22  }
0xd7: {  	v8 =	vadd.f32 $9.999942770e-01, v8  }
0xd8: {  	v32 =	vnsel vm3, $0x0, v22;
	vm3 =	vnez.u8 v3;
	v3 =	vld [tilespmem:$0x1FC40]  }
0xd9: {  	v8 =	vmul.f32 v8, v27;
	_ =	sdelay $0x1  }
0xda: {  	v16 =	vld [tilespmem:$0x1FFC0];
	vm4 =	vnez.u8 v15;
	v8 =	vadd.f32 $3.380091940e-08, v8  }
0xdb: {  	v15 =	vsel vm4, $0x3F800000, v0  }
0xdc: {  	v27 =	vadd.f32 v8, v38;
	v8 =	vadd.f32 v15, v3;
	v3 =	vld [tilespmem:$0x1FC50];
	_ =	sdelay $0x2  }
0xdd: {  	vm5 =	vnez.u8 v16  }
0xde: {  	v16 =	vsel vm5, $0x3F800000, v0  }
0xdf: {  	v7 =	vadd.f32 v63, v7;
	v33 =	vadd.f32 v16, v3;
	v3 =	vld [tilespmem:$0x1FD80]  }
0xe0: {  	v38 =	vadd.f32 v62, v4;
	v4 =	vld [tilespmem:$0x1FD90]  }
0xe1: {  	v7 =	vadd.f32 v60, v7;
	v8 =	vadd.f32 v1, v8;
	v1 =	vld [tilespmem:$0x1FDA0]  }
0xe2: {  	v14 =	vadd.f32 v2, v33;
	v2 =	vld [tilespmem:$0x1FDB0]  }
0xe3: {  	v60 =	vld [tilespmem:$0x1FDC0];
	v7 =	vadd.f32 v56, v7  }
0xe4: {  	v13 =	vnsel vm3, $0x0, v22;
	v14 =	vadd.f32 v61, v14;
	v61 =	vld [tilespmem:$0x1FDD0];
	vm3 =	vnez.u8 v3  }
0xe5: {  	v62 =	vld [tilespmem:$0x1FDE0];
	v7 =	vadd.f32 v48, v7;
	v3 =	vnsel vm3, $0x0, v22;
	vm3 =	vnez.u8 v4  }
0xe6: {  	v63 =	vld [tilespmem:$0x1FE20];
	v4 =	vnsel vm3, $0x0, v22;
	vm3 =	vnez.u8 v1  }
0xe7: {  	[tilespmem:$0x1FC30] =	vst v7;
	v7 =	vld [tilespmem:$0x1FE30];
	v1 =	vnsel vm3, $0x0, v22;
	vm3 =	vnez.u8 v2  }
0xe8: {  	v8 =	vadd.f32 v58, v8;
	v2 =	vnsel vm3, $0x0, v22;
	vm3 =	vnez.u8 v60  }
0xe9: {  	v24 =	vnsel vm3, $0x0, v22;
	vm3 =	vnez.u8 v61  }
0xea: {  	v8 =	vadd.f32 v54, v8;
	v26 =	vnsel vm3, $0x0, v22;
	vm3 =	vnez.u8 v62  }
0xeb: {  	v14 =	vadd.f32 v55, v14;
	v16 =	vnsel vm3, $0x0, v21;
	vm3 =	vnez.u8 v63  }
0xec: {  	v5 =	vld [tilespmem:$0x1FF80];
	v33 =	vnsel vm3, $0x0, v21;
	vm3 =	vnez.u8 v7;
	v7 =	vadd.f32 v46, v8;
	_ =	sdelay $0x1  }
0xed: {  	v19 =	vld [tilespmem:$0x1FFD0];
	[tilespmem:$0x1FC40] =	vst v7;
	v7 =	vadd.f32 v45, v14  }
0xee: {  	v45 =	vld [tilespmem:$0x1FCC0]  }
0xef: {  	[tilespmem:$0x1FC50] =	vst v7;
	v7 =	vld [tilespmem:$0x1FCA0]  }
0xf0: {  	vm1 =	vnez.u8 v5;
	v5 =	vimm.s32 $0x0;
	v8 =	vld [tilespmem:$0x1FCB0]  }
0xf1: {  	v5 =	vsel vm1, $0xFFFFFFFF, v5;
	v46 =	vld [tilespmem:$0x1FCD0]  }
0xf2: {  	[tilespmem:$0x1FF80] =	vst v5;
	v5 =	vsel vm1, $0x3F800000, v0;
	vm1 =	vnez.u8 v19  }
0xf3: {  	v17 =	vsel vm14, $0x3F800000, v0;
	v19 =	vsel vm1, $0x3F800000, v0  }
0xf4: {  	v7 =	vadd.f32 v17, v7;
	v17 =	vadd.f32 v19, v45  }
0xf5: {  	v11 =	vsel vm11, $0x3F800000, v0;
	v20 =	vsel vm0, $0x3F800000, v0;
	v8 =	vadd.f32 v18, v8  }
0xf6: {  	v18 =	vadd.f32 v20, v46;
	v11 =	vadd.f32 v11, v17  }
0xf7: {  	v12 =	vsel vm12, $0x3F800000, v0  }
0xf8: {  	v12 =	vadd.f32 v12, v18;
	v11 =	vadd.f32 v51, v11;
	_ =	sdelay $0x1  }
0xf9: {  	v12 =	vadd.f32 v52, v12;
	v11 =	vadd.f32 v41, v11;
	_ =	sdelay $0x1  }
0xfa: {  	v12 =	vadd.f32 v44, v12;
	v11 =	vadd.f32 v34, v11  }
0xfb: {  	v9 =	vld [tilespmem:$0x1FFF0]  }
0xfc: {  	v15 =	vadd.f32 v59, v38;
	v38 =	vld [tilespmem:$0x1FE40];
	[tilespmem:$0x1FCC0] =	vst v11;
	v11 =	vadd.f32 v35, v12  }
0xfd: {  	v10 =	vsel vm15, $0x3F800000, v0;
	v55 =	vld [tilespmem:$0x1FD10]  }
0xfe: {  	v8 =	vadd.f32 v10, v8;
	v20 =	vadd.f32 v57, v7;
	[tilespmem:$0x1FCD0] =	vst v11;
	v11 =	vld [tilespmem:$0x1FCF0]  }
0xff: {  	v15 =	vadd.f32 v53, v15;
	v58 =	vld [tilespmem:$0x1FD00]  }
0x100: {  	vm11 =	vnez.u8 v9;
	v48 =	vadd.f32 v49, v20;
	v49 =	vadd.f32 v50, v8;
	v50 =	vld [tilespmem:$0x1FEB0]  }
0x101: {  	v6 =	vsel vm6, $0x3F800000, v0;
	v28 =	vsel vm13, $0x3F800000, v0;
	v9 =	vsel vm11, $0x3F800000, v0;
	v57 =	vld [tilespmem:$0x1FCE0]  }
0x102: {  	v56 =	vnsel vm10, $0x0, v27;
	v15 =	vadd.f32 v47, v15;
	v9 =	vadd.f32 v9, v55;
	v51 =	vld [tilespmem:$0x1FEC0]  }
0x103: {  	v59 =	vnsel vm7, $0x0, v25;
	v52 =	vld [tilespmem:$0x1FED0];
	v17 =	vadd.f32 v42, v48;
	v11 =	vadd.f32 v28, v11  }
0x104: {  	v54 =	vnsel vm9, $0x0, v27;
	v6 =	vadd.f32 v6, v9;
	v9 =	vld [tilespmem:$0x1FF30];
	v20 =	vnsel vm2, $0x0, v23  }
0x105: {  	v17 =	vadd.f32 v36, v17;
	vm2 =	vnez.u8 v50;
	v5 =	vadd.f32 v5, v11  }
0x106: {  	[tilespmem:$0x1FC20] =	vst v15;
	v15 =	vnsel vm3, $0x0, v21;
	vm3 =	vnez.u8 v38;
	v38 =	vnsel vm2, $0x0, v23  }
0x107: {  	vm2 =	vnez.u8 v51;
	[tilespmem:$0x1FCA0] =	vst v17;
	v17 =	vadd.f32 v54, v57;
	v5 =	vadd.f32 v39, v5  }
0x108: {  	v12 =	vadd.f32 v56, v58;
	v42 =	vnsel vm2, $0x0, v23;
	vm2 =	vnez.u8 v52  }
0x109: {  	v41 =	vnsel vm2, $0x0, v23;
	vm2 =	vnez.u8 v9;
	v5 =	vadd.f32 v30, v5;
	v30 =	vld [tilespmem:$0x1FE00]  }
0x10a: {  	v9 =	vnsel vm2, $0x0, v25;
	v11 =	vadd.f32 v59, v17  }
0x10b: {  	v60 =	vld [tilespmem:$0x1FEE0];
	v6 =	vadd.f32 v40, v6;
	v9 =	vadd.f32 v9, v12  }
0x10c: {  	v61 =	vld [tilespmem:$0x1FEF0];
	v11 =	vadd.f32 v20, v11  }
0x10d: {  	v62 =	vld [tilespmem:$0x1FF50];
	v6 =	vadd.f32 v31, v6;
	v9 =	vadd.f32 v38, v9  }
0x10e: {  	v20 =	vld [tilespmem:$0x1FF60];
	v11 =	vadd.f32 v16, v11;
	v5 =	vadd.f32 v30, v5  }
0x10f: {  	v9 =	vadd.f32 v33, v9;
	v33 =	vld [tilespmem:$0x1FF70]  }
0x110: {  	vm2 =	vnez.u8 v60;
	v16 =	vld [tilespmem:$0x1FC80];
	[tilespmem:$0x1FCF0] =	vst v5;
	v5 =	vadd.f32 v29, v6;
	v6 =	vadd.f32 v32, v11  }
0x111: {  	v18 =	vadd.f32 v43, v49;
	v12 =	vnsel vm2, $0x0, v23;
	vm2 =	vnez.u8 v61;
	v32 =	vld [tilespmem:$0x1FC90]  }
0x112: {  	v47 =	vld [tilespmem:$0x1FE50];
	v17 =	vnsel vm2, $0x0, v23;
	vm2 =	vnez.u8 v62;
	[tilespmem:$0x1FCE0] =	vst v6;
	v6 =	vadd.f32 v13, v9  }
0x113: {  	v7 =	vld [tilespmem:$0x1FE60];
	v53 =	vadd.f32 v37, v18;
	v18 =	vnsel vm2, $0x0, v25;
	vm2 =	vnez.u8 v20;
	[tilespmem:$0x1FD10] =	vst v5  }
0x114: {  	v20 =	vnsel vm2, $0x0, v25;
	v5 =	vnsel vm14, $0x0, v27;
	[tilespmem:$0x1FD00] =	vst v6;
	v6 =	vld [tilespmem:$0x1FC60]  }
0x115: {  	vm2 =	vnez.u8 v33;
	v11 =	vnsel vm8, $0x0, v27;
	v9 =	vld [tilespmem:$0x1FC70];
	v5 =	vadd.f32 v5, v16  }
0x116: {  	v63 =	vnsel vm5, $0x0, v27;
	v13 =	vnsel vm2, $0x0, v25;
	v11 =	vadd.f32 v11, v32  }
0x117: {  	v14 =	vnsel vm3, $0x0, v21;
	v34 =	vnsel vm15, $0x0, v25;
	v5 =	vadd.f32 v13, v5  }
0x118: {  	vm3 =	vnez.u8 v47;
	v28 =	vnsel vm4, $0x0, v27;
	v11 =	vadd.f32 v34, v11  }
0x119: {  	v19 =	vnsel vm3, $0x0, v21;
	v5 =	vadd.f32 v12, v5;
	v6 =	vadd.f32 v28, v6  }
0x11a: {  	vm3 =	vnez.u8 v7;
	v9 =	vadd.f32 v63, v9;
	v11 =	vadd.f32 v17, v11  }
0x11b: {  	v10 =	vnsel vm3, $0x0, v21;
	v5 =	vadd.f32 v19, v5;
	v6 =	vadd.f32 v18, v6  }
0x11c: {  	v9 =	vadd.f32 v20, v9;
	v10 =	vadd.f32 v10, v11  }
0x11d: {  	v1 =	vadd.f32 v1, v5;
	v6 =	vadd.f32 v42, v6  }
0x11e: {  	v9 =	vadd.f32 v41, v9  }
0x11f: {  	[tilespmem:$0x1FC80] =	vst v1;
	v1 =	vadd.f32 v2, v10;
	v10 =	vld [tilespmem:$0x1FD40];
	v6 =	vadd.f32 v15, v6;
	_ =	sdelay $0x1  }
0x120: {  	v9 =	vadd.f32 v14, v9;
	v3 =	vadd.f32 v3, v6;
	_ =	sdelay $0x1  }
0x121: {  	[tilespmem:$0x1FC60] =	vst v3;
	v3 =	vadd.f32 v4, v9;
	v4 =	vnsel vm13, $0x0, v27  }
0x122: {  	v4 =	vadd.f32 v4, v10;
	v10 =	vld [tilespmem:$0x1FD50];
	_ =	sdelay $0x3  }
0x123: {  	v6 =	vnsel vm11, $0x0, v27  }
0x124: {  	v6 =	vadd.f32 v6, v10;
	v10 =	vld [tilespmem:$0x1FF80]  }
0x125: {  	v36 =	vld [tilespmem:$0x1FF10]  }
0x126: {  	v35 =	vld [tilespmem:$0x1FF00]  }
0x127: {  	v37 =	vld [tilespmem:$0x1FBD0]  }
0x128: {  	v2 =	vld [tilespmem:$0x1FD20]  }
0x129: {  	v7 =	vld [tilespmem:$0x1FE70];
	v11 =	vnsel vm0, $0x0, v27;
	vm0 =	vnez.u8 v10  }
0x12a: {  	v5 =	vld [tilespmem:$0x1FD30];
	v10 =	vnsel vm0, $0x0, v25  }
0x12b: {  	vm2 =	vnez.u8 v35;
	v4 =	vadd.f32 v10, v4;
	v10 =	vld [tilespmem:$0x1FF20]  }
0x12c: {  	v39 =	vnsel vm1, $0x0, v27;
	v13 =	vnsel vm2, $0x0, v23;
	vm2 =	vnez.u8 v36  }
0x12d: {  	v16 =	vnsel vm2, $0x0, v23;
	vm2 =	vnez.u8 v37;
	v2 =	vadd.f32 v39, v2  }
0x12e: {  	v18 =	vnsel vm2, $0x0, v25  }
0x12f: {  	v8 =	vld [tilespmem:$0x1FE80];
	v2 =	vadd.f32 v18, v2  }
0x130: {  	vm3 =	vnez.u8 v7;
	v5 =	vadd.f32 v11, v5;
	vm0 =	vnez.u8 v10  }
0x131: {  	v43 =	vld [tilespmem:$0x1FF40];
	v38 =	vnsel vm12, $0x0, v25;
	v2 =	vadd.f32 v13, v2;
	v10 =	vnsel vm0, $0x0, v23  }
0x132: {  	v7 =	vnsel vm3, $0x0, v21;
	v5 =	vadd.f32 v38, v5;
	v4 =	vadd.f32 v10, v4;
	v10 =	vld [tilespmem:$0x1FE90]  }
0x133: {  	s26 =	sshra.s32 s25, $0x2;
	v2 =	vadd.f32 v7, v2;
	v7 =	vld [tilespmem:$0x1FEA0]  }
0x134: {  	v45 =	vld [tilespmem:s26+$0x10];
	vm3 =	vnez.u8 v8;
	v5 =	vadd.f32 v16, v5  }
0x135: {  	v40 =	vnsel vm6, $0x0, v25;
	v44 =	vld [tilespmem:s26+$0x8010];
	v8 =	vnsel vm3, $0x0, v21  }
0x136: {  	v41 =	vld [tilespmem:s26+$0x8020];
	v5 =	vadd.f32 v8, v5;
	v6 =	vadd.f32 v40, v6;
	vm0 =	vnez.u8 v43  }
0x137: {  	v42 =	vld [tilespmem:s26+$0x20];
	v2 =	vadd.f32 v24, v2;
	v13 =	vnsel vm0, $0x0, v23;
	vm0 =	vnez.u8 v10  }
0x138: {  	[tilespmem:$0x1FC90] =	vst v1;
	v1 =	vld [tilespmem:s26+$0x40];
	v6 =	vadd.f32 v13, v6;
	v10 =	vnsel vm0, $0x0, v21;
	vm0 =	vnez.u8 v7  }
0x139: {  	v8 =	vld [tilespmem:s26+$0x8000];
	[tilespmem:$0x1FD20] =	vst v2;
	v2 =	vadd.f32 v26, v5;
	v7 =	vnsel vm0, $0x0, v21  }
0x13a: {  	v6 =	vadd.f32 v7, v6;
	v7 =	vld [tilespmem:$0x1FDF0]  }
0x13b: {  	[tilespmem:$0x1FD30] =	vst v2;
	v2 =	vld [tilespmem:$0x1FE10]  }
0x13c: {  	v11 =	vld [tilespmem:s26+$0x30]  }
0x13d: {  	v9 =	vld [tilespmem:s26+$0x8030];
	v5 =	vsub.f32 $0.0e+00, v42  }
0x13e: {  	vm1 =	vgt.s32 v41, $0x0;
	v4 =	vadd.f32 v10, v4;
	v10 =	vld [tilespmem:s26+$0x0]  }
0x13f: {  	[tilespmem:$0x1FC70] =	vst v3;
	v3 =	vld [tilespmem:s26+$0x8040];
	vm4 =	vgt.s32 v8, $0x0;
	v30 =	vsel vm1, v5, v42;
	vm0 =	vnez.u8 v7  }
0x140: {  	v8 =	vand.u32 $0x7FFFFFFF, v30;
	v7 =	vnsel vm0, $0x0, v22;
	vm0 =	vnez.u8 v2  }
0x141: {  	v8 =	vsub.f32 $0.0e+00, v8;
	v2 =	vnsel vm0, $0x0, v22;
	v4 =	vadd.f32 v7, v4  }
0x142: {  	vm3 =	vgt.s32 v44, $0x0;
	vm2 =	vgt.s32 v9, $0x0;
	v2 =	vadd.f32 v2, v6  }
0x143: {  	v8 =	vmul.f32 $1.442695020e+00, v8;
	v6 =	vsub.f32 $0.0e+00, v10;
	[tilespmem:$0x1FD40] =	vst v4;
	v4 =	vsub.f32 $0.0e+00, v45  }
0x144: {  	vm0 =	vgt.s32 v3, $0x0;
	v3 =	vsub.f32 $0.0e+00, v11;
	[tilespmem:$0x1FD50] =	vst v2;
	v2 =	vsub.f32 $0.0e+00, v1  }
0x145: {  	v28 =	vsel vm4, v6, v10;
	v6 =	vmax.f32 v30, $-2.309999940e+00;
	v29 =	vsel vm3, v4, v45  }
0x146: {  	v4 =	vsel vm2, v3, v11;
	v5 =	vmax.f32 v28, $-2.309999940e+00;
	v11 =	vand.u32 $0x7FFFFFFF, v28  }
0x147: {  	v31 =	vmin.f32 v6, $2.309999940e+00;
	v7 =	vsel vm0, v2, v1;
	v2 =	vmax.f32 v4, $-2.309999940e+00  }
0x148: {  	v3 =	vmax.f32 v29, $-2.309999940e+00;
	v9 =	vand.u32 $0x7FFFFFFF, v4;
	v46 =	vand.u32 $0x7FFFFFFF, v29  }
0x149: {  	v50 =	vmul.f32 v31, v31;
	v11 =	vsub.f32 $0.0e+00, v11;
	v1 =	vmax.f32 v7, $-2.309999940e+00  }
0x14a: {  	v10 =	vand.u32 $0x7FFFFFFF, v7;
	v12 =	vsub.f32 $0.0e+00, v46;
	v47 =	vmin.f32 v1, $2.309999940e+00  }
0x14b: {  	v1 =	vmin.f32 v3, $2.309999940e+00;
	v3 =	vmin.f32 v2, $2.309999940e+00;
	v2 =	vmin.f32 v5, $2.309999940e+00  }
0x14c: {  	v5 =	vsub.f32 $0.0e+00, v9;
	v11 =	vmul.f32 $1.442695020e+00, v11;
	v21 =	vmul.f32 $5.252613850e-06, v50  }
0x14d: {  	v6 =	vsub.f32 $0.0e+00, v10;
	v10 =	vld [tilespmem:s26+$0x10040];
	v9 =	vmul.f32 v3, v3;
	v48 =	vmul.f32 v47, v47  }
0x14e: {  	v49 =	vmul.f32 v1, v1;
	v52 =	vmul.f32 v2, v2  }
0x14f: {  	v12 =	vmul.f32 $1.442695020e+00, v12;
	v6 =	vmul.f32 $1.442695020e+00, v6  }
0x150: {  	v5 =	vmul.f32 $1.442695020e+00, v5;
	v20 =	vmul.f32 $5.252613850e-06, v9  }
0x151: {  	v57 =	vsub.f32 $1.385406210e-04, v21;
	v55 =	vmul.f32 $5.252613850e-06, v49;
	(erf) = vpow2.f32 v6;
	v6 =	vld [tilespmem:s26+$0x10000]  }
0x152: {  	vm0 =	vgt.s32 v10, $0x0;
	v10 =	vmul.f32 $5.252613850e-06, v48;
	(erf) = vpow2.f32 v5  }
0x153: {  	v5 =	vmul.f32 $5.252613850e-06, v52;
	(erf) = vpow2.f32 v8;
	v8 =	vsub.f32 $1.385406210e-04, v20  }
0x154: {  	v56 =	vsub.f32 $1.385406210e-04, v55;
	v10 =	vsub.f32 $1.385406210e-04, v10;
	(erf) = vpow2.f32 v12  }
0x155: {  	v5 =	vsub.f32 $1.385406210e-04, v5;
	(erf) = vpow2.f32 v11;
	v8 =	vmul.f32 v8, v9  }
0x156: {  	v10 =	vmul.f32 v10, v48;
	vm4 =	vgt.s32 v6, $0x0;
	v6 =	vmul.f32 v56, v49  }
0x157: {  	v11 =	vmul.f32 v57, v50;
	v5 =	vmul.f32 v5, v52;
	v8 =	vadd.f32 $-1.915045900e-03, v8  }
0x158: {  	v22 =	vmax.f32 v7, $0.0e+00;
	v10 =	vadd.f32 $-1.915045900e-03, v10;
	v6 =	vadd.f32 $-1.915045900e-03, v6  }
0x159: {  	v11 =	vadd.f32 $-1.915045900e-03, v11;
	v5 =	vadd.f32 $-1.915045900e-03, v5;
	v7 =	vmul.f32 v8, v9  }
0x15a: {  	v8 =	vmul.f32 v10, v48;
	v6 =	vmul.f32 v6, v49  }
0x15b: {  	v21 =	vmax.f32 v4, $0.0e+00;
	v26 =	vpop (erf);
	v10 =	vmul.f32 v11, v50;
	v4 =	vmul.f32 v5, v52  }
0x15c: {  	v24 =	vpop (erf);
	v5 =	vadd.f32 $2.057566680e-02, v7;
	v11 =	vmul.f32 $6.151544860e-03, v26;
	v7 =	vadd.f32 $2.057566680e-02, v8  }
0x15d: {  	v23 =	vpop (erf);
	v8 =	vadd.f32 $2.057566680e-02, v10;
	v10 =	vmul.f32 $6.151544860e-03, v24;
	v6 =	vadd.f32 $2.057566680e-02, v6  }
0x15e: {  	v4 =	vadd.f32 $2.057566680e-02, v4;
	v25 =	vpop (erf);
	v59 =	vmul.f32 $6.151544860e-03, v23;
	v5 =	vmul.f32 v5, v9  }
0x15f: {  	v11 =	vsub.f32 $3.485012800e-02, v11;
	v58 =	vmul.f32 $6.151544860e-03, v25;
	v7 =	vmul.f32 v7, v48  }
0x160: {  	v8 =	vmul.f32 v8, v50;
	v6 =	vmul.f32 v6, v49;
	v10 =	vsub.f32 $3.485012800e-02, v10  }
0x161: {  	v4 =	vmul.f32 v4, v52;
	v16 =	vsub.f32 $3.485012800e-02, v59;
	v5 =	vadd.f32 $-2.081817090e-01, v5  }
0x162: {  	v11 =	vmul.f32 v11, v26;
	v12 =	vsub.f32 $3.485012800e-02, v58;
	v7 =	vadd.f32 $-2.081817090e-01, v7  }
0x163: {  	v8 =	vadd.f32 $-2.081817090e-01, v8;
	v10 =	vmul.f32 v10, v24;
	v16 =	vmul.f32 v16, v23  }
0x164: {  	v6 =	vadd.f32 $-2.081817090e-01, v6;
	v5 =	vmul.f32 v5, v9;
	v12 =	vmul.f32 v12, v25  }
0x165: {  	v4 =	vadd.f32 $-2.081817090e-01, v4;
	v7 =	vmul.f32 v7, v48;
	v8 =	vmul.f32 v8, v50  }
0x166: {  	v9 =	vadd.f32 $-9.325294200e-02, v10;
	v10 =	vadd.f32 $-9.325294200e-02, v11;
	v6 =	vmul.f32 v6, v49  }
0x167: {  	v4 =	vmul.f32 v4, v52;
	v61 =	vadd.f32 $-9.325294200e-02, v16;
	v5 =	vadd.f32 $2.499974250e+00, v5  }
0x168: {  	v11 =	vadd.f32 $-9.325294200e-02, v12;
	v7 =	vadd.f32 $2.499974250e+00, v7;
	v10 =	vmul.f32 v10, v26  }
0x169: {  	v8 =	vadd.f32 $2.499974250e+00, v8;
	v9 =	vmul.f32 v9, v24;
	v12 =	vmul.f32 v61, v23  }
0x16a: {  	v51 =	vld [tilespmem:s26+$0x10030];
	v4 =	vadd.f32 $2.499974250e+00, v4;
	v3 =	vmul.f32 v5, v3;
	v5 =	vmul.f32 v7, v47  }
0x16b: {  	v7 =	vadd.f32 $1.658237580e-01, v10;
	v8 =	vmul.f32 v8, v31;
	v9 =	vadd.f32 $1.658237580e-01, v9  }
0x16c: {  	v2 =	vmul.f32 v4, v2;
	v10 =	vadd.f32 $1.658237580e-01, v12;
	v4 =	vadd.f32 $5.000000000e+00, v5  }
0x16d: {  	v11 =	vmul.f32 v11, v25;
	v5 =	vadd.f32 $5.000000000e+00, v8;
	v8 =	vmul.f32 v9, v24  }
0x16e: {  	v6 =	vadd.f32 $2.499974250e+00, v6;
	v9 =	vmul.f32 v10, v23;
	v4 =	vtrunc.f32 v4  }
0x16f: {  	vm2 =	vgt.s32 v51, $0x0;
	v3 =	vadd.f32 $5.000000000e+00, v3;
	v4 =	vcvt.f32.s32 v4  }
0x170: {  	v1 =	vmul.f32 v6, v1;
	v6 =	vadd.f32 $1.658237580e-01, v11;
	v9 =	vadd.f32 $-2.398267840e-01, v9  }
0x171: {  	v2 =	vadd.f32 $5.000000000e+00, v2;
	v3 =	vtrunc.f32 v3;
	v4 =	vnsel vm0, $0xC, v4  }
0x172: {  	v11 =	vmul.f32 v9, v23;
	v9 =	vimm.s32 $0x0;
	vm0 =	veq.s32 v4, $0x2  }
0x173: {  	v2 =	vtrunc.f32 v2;
	v3 =	vcvt.f32.s32 v3;
	v9 =	vsel vm0, $0xFFFFFFFF, v9  }
0x174: {  	v2 =	vcvt.f32.s32 v2;
	vm0 =	veq.s32 v4, $0x5;
	[tilespmem:$0x1FD80] =	vst v9;
	v9 =	vimm.s32 $0x0  }
0x175: {  	v3 =	vnsel vm2, $0xC, v3;
	v9 =	vsel vm0, $0xFFFFFFFF, v9  }
0x176: {  	v2 =	vnsel vm4, $0xC, v2;
	vm0 =	veq.s32 v4, $0x7;
	[tilespmem:$0x1FDB0] =	vst v9;
	v9 =	vimm.s32 $0x0  }
0x177: {  	vm10 =	veq.s32 v4, $0x0;
	vm9 =	veq.s32 v4, $0x1;
	v9 =	vsel vm0, $0xFFFFFFFF, v9  }
0x178: {  	vm7 =	veq.s32 v4, $0x3;
	vm0 =	veq.s32 v4, $0x8;
	[tilespmem:$0x1FDD0] =	vst v9;
	v9 =	vimm.s32 $0x0  }
0x179: {  	vm5 =	veq.s32 v4, $0x4;
	vm4 =	veq.s32 v4, $0x6;
	v9 =	vsel vm0, $0xFFFFFFFF, v9  }
0x17a: {  	vm2 =	veq.s32 v4, $0x9;
	vm0 =	veq.s32 v3, $0x1;
	[tilespmem:$0x1FDF0] =	vst v9;
	v9 =	vimm.s32 $0x0  }
0x17b: {  	v4 =	vimm.s32 $0x0;
	v9 =	vsel vm0, $0xFFFFFFFF, v9;
	vm0 =	veq.s32 v3, $0x2  }
0x17c: {  	v4 =	vsel vm0, $0xFFFFFFFF, v4  }
0x17d: {  	vm0 =	veq.s32 v3, $0x3;
	[tilespmem:$0x1FE30] =	vst v4;
	v4 =	vimm.s32 $0x0  }
0x17e: {  	v4 =	vsel vm0, $0xFFFFFFFF, v4  }
0x17f: {  	vm0 =	veq.s32 v3, $0x4;
	[tilespmem:$0x1FE40] =	vst v4;
	v4 =	vimm.s32 $0x0  }
0x180: {  	[tilespmem:$0x1FCB0] =	vst v53;
	v53 =	vld [tilespmem:s26+$0x10020];
	v4 =	vsel vm0, $0xFFFFFFFF, v4  }
0x181: {  	vm0 =	veq.s32 v3, $0x5;
	[tilespmem:$0x1FE50] =	vst v4;
	v4 =	vimm.s32 $0x0  }
0x182: {  	v4 =	vsel vm0, $0xFFFFFFFF, v4  }
0x183: {  	v5 =	vtrunc.f32 v5;
	vm0 =	veq.s32 v3, $0x6;
	[tilespmem:$0x1FE60] =	vst v4;
	v4 =	vimm.s32 $0x0  }
0x184: {  	v5 =	vcvt.f32.s32 v5;
	v4 =	vsel vm0, $0xFFFFFFFF, v4  }
0x185: {  	vm1 =	vgt.s32 v53, $0x0;
	vm0 =	veq.s32 v3, $0x7;
	[tilespmem:$0x1FE70] =	vst v4;
	v4 =	vimm.s32 $0x0  }
0x186: {  	v5 =	vnsel vm1, $0xC, v5;
	v4 =	vsel vm0, $0xFFFFFFFF, v4  }
0x187: {  	vm0 =	veq.s32 v5, $0x0;
	[tilespmem:$0x1FE80] =	vst v4;
	v4 =	vimm.s32 $0x0  }
0x188: {  	v4 =	vsel vm0, $0xFFFFFFFF, v4  }
0x189: {  	vm1 =	veq.s32 v3, $0x0;
	vm0 =	veq.s32 v3, $0x8;
	[tilespmem:$0x1FBE0] =	vst v4;
	v4 =	vimm.s32 $0x0  }
0x18a: {  	v4 =	vsel vm0, $0xFFFFFFFF, v4;
	vm0 =	veq.s32 v3, $0x9;
	v3 =	vimm.s32 $0x0  }
0x18b: {  	v3 =	vsel vm0, $0xFFFFFFFF, v3  }
0x18c: {  	vm0 =	veq.s32 v5, $0x1;
	[tilespmem:$0x1FEA0] =	vst v3;
	v3 =	vimm.s32 $0x0  }
0x18d: {  	v3 =	vsel vm0, $0xFFFFFFFF, v3  }
0x18e: {  	vm0 =	veq.s32 v5, $0x2;
	[tilespmem:$0x1FEB0] =	vst v3;
	v3 =	vimm.s32 $0x0  }
0x18f: {  	v3 =	vsel vm0, $0xFFFFFFFF, v3  }
0x190: {  	vm0 =	veq.s32 v5, $0x3;
	[tilespmem:$0x1FEC0] =	vst v3;
	v3 =	vimm.s32 $0x0  }
0x191: {  	v3 =	vsel vm0, $0xFFFFFFFF, v3  }
0x192: {  	vm0 =	veq.s32 v5, $0x4;
	[tilespmem:$0x1FED0] =	vst v3;
	v3 =	vimm.s32 $0x0  }
0x193: {  	v3 =	vsel vm0, $0xFFFFFFFF, v3  }
0x194: {  	vm0 =	veq.s32 v5, $0x5;
	[tilespmem:$0x1FEE0] =	vst v3;
	v3 =	vimm.s32 $0x0  }
0x195: {  	v3 =	vsel vm0, $0xFFFFFFFF, v3  }
0x196: {  	vm0 =	veq.s32 v5, $0x6;
	[tilespmem:$0x1FEF0] =	vst v3;
	v3 =	vimm.s32 $0x0  }
0x197: {  	v54 =	vld [tilespmem:s26+$0x10010];
	v3 =	vsel vm0, $0xFFFFFFFF, v3  }
0x198: {  	v1 =	vadd.f32 $5.000000000e+00, v1;
	vm0 =	veq.s32 v5, $0x7;
	[tilespmem:$0x1FF00] =	vst v3;
	v3 =	vimm.s32 $0x0  }
0x199: {  	v3 =	vsel vm0, $0xFFFFFFFF, v3  }
0x19a: {  	v1 =	vtrunc.f32 v1;
	vm0 =	veq.s32 v5, $0x8;
	[tilespmem:$0x1FF10] =	vst v3;
	v3 =	vimm.s32 $0x0  }
0x19b: {  	v1 =	vcvt.f32.s32 v1;
	v3 =	vsel vm0, $0xFFFFFFFF, v3  }
0x19c: {  	vm3 =	vgt.s32 v54, $0x0;
	vm0 =	veq.s32 v5, $0x9;
	[tilespmem:$0x1FF20] =	vst v3;
	v3 =	vimm.s32 $0x0  }
0x19d: {  	v1 =	vnsel vm3, $0xC, v1;
	v3 =	vsel vm0, $0xFFFFFFFF, v3  }
0x19e: {  	vm0 =	veq.s32 v1, $0x0;
	[tilespmem:$0x1FF40] =	vst v3;
	v3 =	vimm.s32 $0x0  }
0x19f: {  	v3 =	vsel vm0, $0xFFFFFFFF, v3  }
0x1a0: {  	vm0 =	veq.s32 v1, $0x6;
	[tilespmem:$0x1FBF0] =	vst v3;
	v3 =	vimm.s32 $0x0  }
0x1a1: {  	v3 =	vsel vm0, $0xFFFFFFFF, v3  }
0x1a2: {  	vm13 =	veq.s32 v1, $0x1;
	vm0 =	veq.s32 v1, $0x8;
	[tilespmem:$0x1FBD0] =	vst v3;
	v3 =	vimm.s32 $0x0  }
0x1a3: {  	vm14 =	veq.s32 v1, $0x2;
	vm8 =	veq.s32 v1, $0x3;
	v3 =	vsel vm0, $0xFFFFFFFF, v3  }
0x1a4: {  	vm3 =	veq.s32 v1, $0x4;
	vm0 =	veq.s32 v2, $0x0;
	[tilespmem:$0x1FF80] =	vst v3;
	v3 =	vimm.s32 $0x0  }
0x1a5: {  	vm15 =	veq.s32 v1, $0x5;
	vm12 =	veq.s32 v1, $0x7;
	v3 =	vsel vm0, $0xFFFFFFFF, v3  }
0x1a6: {  	vm6 =	veq.s32 v1, $0x9;
	vm0 =	veq.s32 v2, $0x1;
	[tilespmem:$0x1FF90] =	vst v3;
	v3 =	vimm.s32 $0x0  }
0x1a7: {  	v1 =	vimm.s32 $0x0;
	v3 =	vsel vm0, $0xFFFFFFFF, v3;
	vm0 =	veq.s32 v2, $0x2  }
0x1a8: {  	v1 =	vsel vm0, $0xFFFFFFFF, v1  }
0x1a9: {  	vm0 =	veq.s32 v2, $0x3;
	[tilespmem:$0x1FFB0] =	vst v1;
	v1 =	vimm.s32 $0x0  }
0x1aa: {  	v1 =	vsel vm0, $0xFFFFFFFF, v1  }
0x1ab: {  	vm0 =	veq.s32 v2, $0x4;
	[tilespmem:$0x1FFC0] =	vst v1;
	v1 =	vimm.s32 $0x0  }
0x1ac: {  	v1 =	vsel vm0, $0xFFFFFFFF, v1  }
0x1ad: {  	vm0 =	veq.s32 v2, $0x5;
	[tilespmem:$0x1FC10] =	vst v1;
	v1 =	vimm.s32 $0x0  }
0x1ae: {  	v1 =	vsel vm0, $0xFFFFFFFF, v1  }
0x1af: {  	vm0 =	veq.s32 v2, $0x6;
	[tilespmem:$0x1FC00] =	vst v1;
	v1 =	vimm.s32 $0x0  }
0x1b0: {  	v1 =	vsel vm0, $0xFFFFFFFF, v1  }
0x1b1: {  	vm11 =	veq.s32 v2, $0x8;
	[tilespmem:$0x1FFD0] =	vst v1;
	v1 =	vimm.s32 $0x0  }
0x1b2: {  	v1 =	vsel vm11, $0xFFFFFFFF, v1  }
0x1b3: {  	vm11 =	veq.s32 v2, $0x9;
	[tilespmem:$0x1FFE0] =	vst v1;
	v1 =	vimm.s32 $0x0  }
0x1b4: {  	v1 =	vsel vm11, $0xFFFFFFFF, v1  }
0x1b5: {  	[tilespmem:$0x1FFF0] =	vst v1;
	v1 =	vimm.s32 $0x0  }
0x1b6: {  	v1 =	vsel vm10, $0xFFFFFFFF, v1  }
0x1b7: {  	[tilespmem:$0x1FD60] =	vst v1;
	v1 =	vimm.s32 $0x0  }
0x1b8: {  	v1 =	vsel vm9, $0xFFFFFFFF, v1  }
0x1b9: {  	[tilespmem:$0x1FD70] =	vst v1;
	v1 =	vld [tilespmem:$0x1FD80];
	_ =	sdelay $0x4  }
0x1ba: {  	v48 =	vsel vm9, $0x3F800000, v0;
	vm9 =	vnez.u8 v1;
	v1 =	vimm.s32 $0x0  }
0x1bb: {  	v1 =	vsel vm7, $0xFFFFFFFF, v1  }
0x1bc: {  	[tilespmem:$0x1FD90] =	vst v1;
	v1 =	vimm.s32 $0x0  }
0x1bd: {  	v1 =	vsel vm5, $0xFFFFFFFF, v1  }
0x1be: {  	[tilespmem:$0x1FDA0] =	vst v1;
	v1 =	vld [tilespmem:$0x1FDB0];
	_ =	sdelay $0x4  }
0x1bf: {  	v36 =	vsel vm5, $0x3F800000, v0;
	vm5 =	vnez.u8 v1;
	v1 =	vimm.s32 $0x0  }
0x1c0: {  	v1 =	vsel vm4, $0xFFFFFFFF, v1  }
0x1c1: {  	[tilespmem:$0x1FDC0] =	vst v1;
	v1 =	vld [tilespmem:$0x1FDD0];
	_ =	sdelay $0x4  }
0x1c2: {  	v34 =	vsel vm4, $0x3F800000, v0;
	vm4 =	vnez.u8 v1;
	v1 =	vimm.s32 $0x0  }
0x1c3: {  	v1 =	vsel vm1, $0xFFFFFFFF, v1  }
0x1c4: {  	[tilespmem:$0x1FDE0] =	vst v1;
	v1 =	vld [tilespmem:$0x1FDF0];
	_ =	sdelay $0x4  }
0x1c5: {  	v53 =	vsel vm1, $0x3F800000, v0;
	vm1 =	vnez.u8 v1  }
0x1c6: {  	[tilespmem:$0x1FE90] =	vst v4;
	v1 =	vsel vm1, $0x3F800000, v0  }
0x1c7: {  	[tilespmem:$0x1FE00] =	vst v1;
	v1 =	vld [tilespmem:$0x1FE90];
	_ =	sdelay $0x4  }
0x1c8: {  	v35 =	vsel vm4, $0x3F800000, v0;
	vm4 =	vnez.u8 v1;
	v1 =	vld [tilespmem:$0x1FF10];
	_ =	sdelay $0x4  }
0x1c9: {  	v47 =	vsel vm10, $0x3F800000, v0;
	vm10 =	vnez.u8 v1;
	v1 =	vld [tilespmem:$0x1FF20];
	_ =	sdelay $0x4  }
0x1ca: {  	v37 =	vsel vm5, $0x3F800000, v0;
	vm5 =	vnez.u8 v1;
	v1 =	vimm.s32 $0x0  }
0x1cb: {  	v1 =	vsel vm2, $0xFFFFFFFF, v1  }
0x1cc: {  	[tilespmem:$0x1FE10] =	vst v1;
	v1 =	vld [tilespmem:$0x1FEA0];
	_ =	sdelay $0x4  }
0x1cd: {  	v33 =	vmax.f32 v29, $0.0e+00;
	v29 =	vsel vm2, $0x3F800000, v0;
	vm2 =	vnez.u8 v1;
	v1 =	vld [tilespmem:$0x1FBD0];
	_ =	sdelay $0x4  }
0x1ce: {  	vm11 =	vnez.u8 v1;
	v1 =	vld [tilespmem:$0x1FF00];
	_ =	sdelay $0x4  }
0x1cf: {  	vm1 =	vnez.u8 v1;
	v1 =	vld [tilespmem:$0x1FF40];
	_ =	sdelay $0x3  }
0x1d0: {  	[tilespmem:$0x1FE20] =	vst v9  }
0x1d1: {  	v46 =	vsel vm9, $0x3F800000, v0;
	vm9 =	vnez.u8 v1;
	v1 =	vld [tilespmem:$0x1FE20];
	_ =	sdelay $0x4  }
0x1d2: {  	v45 =	vsel vm7, $0x3F800000, v0;
	vm7 =	vnez.u8 v1;
	v1 =	vld [tilespmem:$0x1FE30];
	_ =	sdelay $0x4  }
0x1d3: {  	v56 =	vsel vm7, $0x3F800000, v0;
	vm7 =	vnez.u8 v1;
	v1 =	vld [tilespmem:$0x1FE40];
	_ =	sdelay $0x4  }
0x1d4: {  	v54 =	vsel vm7, $0x3F800000, v0;
	vm7 =	vnez.u8 v1;
	v1 =	vld [tilespmem:$0x1FE50];
	_ =	sdelay $0x4  }
0x1d5: {  	v55 =	vsel vm7, $0x3F800000, v0;
	vm7 =	vnez.u8 v1;
	v1 =	vld [tilespmem:$0x1FE60];
	_ =	sdelay $0x4  }
0x1d6: {  	v42 =	vsel vm7, $0x3F800000, v0;
	vm7 =	vnez.u8 v1;
	v1 =	vld [tilespmem:$0x1FE70];
	_ =	sdelay $0x4  }
0x1d7: {  	v43 =	vsel vm7, $0x3F800000, v0;
	vm7 =	vnez.u8 v1;
	v1 =	vld [tilespmem:$0x1FE80];
	_ =	sdelay $0x4  }
0x1d8: {  	v41 =	vsel vm7, $0x3F800000, v0;
	vm7 =	vnez.u8 v1;
	v1 =	vld [tilespmem:$0x1FBE0];
	_ =	sdelay $0x4  }
0x1d9: {  	v32 =	vmax.f32 v30, $0.0e+00;
	v30 =	vsel vm4, $0x3F800000, v0;
	vm4 =	vnez.u8 v1;
	v1 =	vld [tilespmem:$0x1FEB0];
	_ =	sdelay $0x3  }
0x1da: {  	v31 =	vsel vm2, $0x3F800000, v0  }
0x1db: {  	vm2 =	vmmov vm4;
	v59 =	vsel vm4, $0x3F800000, v0;
	vm4 =	vnez.u8 v1;
	v1 =	vld [tilespmem:$0x1FEC0];
	_ =	sdelay $0x1  }
0x1dc: {  	v27 =	vpop (erf)  }
0x1dd: {  	v60 =	vmul.f32 $6.151544860e-03, v27;
	_ =	sdelay $0x1  }
0x1de: {  	v18 =	vsub.f32 $3.485012800e-02, v60;
	v60 =	vsel vm4, $0x3F800000, v0;
	vm4 =	vnez.u8 v1;
	v1 =	vld [tilespmem:$0x1FED0];
	_ =	sdelay $0x4  }
0x1df: {  	v58 =	vsel vm4, $0x3F800000, v0;
	vm4 =	vnez.u8 v1;
	v1 =	vld [tilespmem:$0x1FBF0];
	_ =	sdelay $0x4  }
0x1e0: {  	v44 =	vsel vm7, $0x3F800000, v0;
	vm7 =	vnez.u8 v1;
	v1 =	vld [tilespmem:$0x1FEE0]  }
0x1e1: {  	v18 =	vmul.f32 v18, v27;
	_ =	sdelay $0x1  }
0x1e2: {  	v62 =	vadd.f32 $-9.325294200e-02, v18;
	_ =	sdelay $0x1  }
0x1e3: {  	v13 =	vmul.f32 v62, v27;
	v61 =	vsel vm4, $0x3F800000, v0;
	vm4 =	vnez.u8 v1;
	v1 =	vld [tilespmem:$0x1FEF0];
	_ =	sdelay $0x1  }
0x1e4: {  	v7 =	vmul.f32 v7, v26;
	v63 =	vadd.f32 $1.658237580e-01, v13  }
0x1e5: {  	v6 =	vmul.f32 v6, v25  }
0x1e6: {  	v8 =	vadd.f32 $-2.398267840e-01, v8;
	v7 =	vadd.f32 $-2.398267840e-01, v7;
	v10 =	vmul.f32 v63, v27  }
0x1e7: {  	v49 =	vsel vm4, $0x3F800000, v0;
	vm4 =	vnez.u8 v1;
	v1 =	vimm.s32 $0x0  }
0x1e8: {  	v6 =	vadd.f32 $-2.398267840e-01, v6;
	v10 =	vadd.f32 $-2.398267840e-01, v10;
	v1 =	vsel vm13, $0xFFFFFFFF, v1  }
0x1e9: {  	v8 =	vmul.f32 v8, v24;
	v7 =	vmul.f32 v7, v26;
	[tilespmem:$0x1FF30] =	vst v1;
	v1 =	vld [tilespmem:$0x1FC00]  }
0x1ea: {  	v38 =	vmax.f32 v28, $0.0e+00;
	v6 =	vmul.f32 v6, v25;
	v10 =	vmul.f32 v10, v27  }
0x1eb: {  	v63 =	vsel vm13, $0x3F800000, v0;
	v9 =	vadd.f32 $3.315488400e-01, v7;
	v7 =	vadd.f32 $3.315488400e-01, v11;
	v5 =	vld [tilespmem:$0x1FC10]  }
0x1ec: {  	v57 =	vsel vm3, $0x3F800000, v0;
	v4 =	vadd.f32 $3.315488400e-01, v8;
	v8 =	vadd.f32 $3.315488400e-01, v10  }
0x1ed: {  	p0 =	sne.s32 s25, $0xFE00;
	[tilespmem:$0x1FFA0] =	vst v3;
	v3 =	vadd.f32 $3.315488400e-01, v6;
	vm0 =	veq.s32 v2, $0x7;
	v2 =	vimm.s32 $0x0  }
.Ltmp0:
0x1ee: {  	v2 =	vsel vm8, $0xFFFFFFFF, v2;
	vm13 =	vnez.u8 v1;
	v1 =	vimm.s32 $0x0;
	(pc) =	sbr.rel @p0 .LBB2_3-.Ltmp0, $4  }
0x1ef: {  	[tilespmem:$0x1FF60] =	vst v2;
	v2 =	vsel vm8, $0x3F800000, v0;
	v52 =	vsel vm10, $0x3F800000, v0;
	v1 =	vsel vm14, $0xFFFFFFFF, v1  }
0x1f0: {  	[tilespmem:$0x1FF50] =	vst v1;
	v1 =	vsel vm14, $0x3F800000, v0;
	vm14 =	vnez.u8 v5;
	v5 =	vimm.s32 $0x0  }
0x1f1: {  	v39 =	vsel vm5, $0x3F800000, v0;
	v51 =	vsel vm1, $0x3F800000, v0;
	v5 =	vsel vm3, $0xFFFFFFFF, v5  }
0x1f2: {  	s25 =	sadd.s32 $0x200, s25;
	v40 =	vsel vm9, $0x3F800000, v0;
	v62 =	vsel vm7, $0x3F800000, v0;
	v50 =	vsel vm4, $0x3F800000, v0;
	[tilespmem:$0x1FF70] =	vst v5  }
0x1f3: {  	v5 =	vmul.f32 v9, v26;
	_ =	sdelay $0x1  }
0x1f4: {  	v5 =	vadd.f32 $-4.998385910e-01, v5;
	_ =	sdelay $0x1  }
0x1f5: {  	v5 =	vmul.f32 v5, v26;
	_ =	sdelay $0x1  }
0x1f6: {  	v5 =	vadd.f32 $9.999942770e-01, v5;
	_ =	sdelay $0x1  }
0x1f7: {  	v13 =	vmul.f32 v8, v27;
	v5 =	vmul.f32 v5, v26  }
0x1f8: {  	v4 =	vmul.f32 v4, v24;
	v3 =	vmul.f32 v3, v25  }
0x1f9: {  	v6 =	vmul.f32 v7, v23;
	v14 =	vadd.f32 $-4.998385910e-01, v13;
	v5 =	vadd.f32 $3.380091940e-08, v5  }
0x1fa: {  	v4 =	vadd.f32 $-4.998385910e-01, v4;
	v3 =	vadd.f32 $-4.998385910e-01, v3;
	v13 =	vld [tilespmem:$0x1FD60]  }
0x1fb: {  	v22 =	vadd.f32 v5, v22;
	v5 =	vadd.f32 $-4.998385910e-01, v6;
	v6 =	vmul.f32 v14, v27;
	v14 =	vld [tilespmem:$0x1FD70]  }
0x1fc: {  	v9 =	vld [tilespmem:$0x1FD80];
	v3 =	vmul.f32 v3, v25  }
0x1fd: {  	v4 =	vmul.f32 v4, v24  }
0x1fe: {  	v3 =	vadd.f32 $9.999942770e-01, v3  }
0x1ff: {  	v12 =	vadd.f32 $9.999942770e-01, v4;
	vm1 =	vnez.u8 v13  }
0x200: {  	v3 =	vmul.f32 v3, v25;
	v4 =	vnsel vm1, $0x0, v22;
	vm1 =	vnez.u8 v14  }
0x201: {  	v8 =	vmul.f32 v5, v23;
	v5 =	vnsel vm1, $0x0, v22;
	vm1 =	vnez.u8 v9  }
0x202: {  	v10 =	vadd.f32 $3.380091940e-08, v3;
	v9 =	vnsel vm1, $0x0, v22  }
0x203: {  	[tilespmem:$0x1F840] =	vst v9;
	v9 =	vld [tilespmem:$0x1FD90]  }
0x204: {  	v25 =	vadd.f32 v10, v33;
	v33 =	vld [tilespmem:$0x1FFA0];
	_ =	sdelay $0x1  }
0x205: {  	v7 =	vmul.f32 v12, v24;
	v10 =	vld [tilespmem:$0x1FC30];
	v6 =	vadd.f32 $9.999942770e-01, v6  }
0x206: {  	v8 =	vadd.f32 $9.999942770e-01, v8  }
0x207: {  	v7 =	vadd.f32 $3.380091940e-08, v7;
	v6 =	vmul.f32 v6, v27;
	vm1 =	vnez.u8 v9;
	v9 =	vld [tilespmem:$0x1FDA0]  }
0x208: {  	v11 =	vld [tilespmem:$0x1FFC0];
	vm10 =	vnez.u8 v33;
	v8 =	vmul.f32 v8, v23  }
0x209: {  	v14 =	vld [tilespmem:$0x1FF90];
	v23 =	vadd.f32 v7, v21;
	v6 =	vadd.f32 $3.380091940e-08, v6;
	v7 =	vsel vm10, $0x3F800000, v0  }
0x20a: {  	v7 =	vadd.f32 v7, v10;
	v10 =	vld [tilespmem:$0x1FFB0];
	v13 =	vadd.f32 $3.380091940e-08, v8  }
0x20b: {  	v3 =	vadd.f32 v6, v38;
	v38 =	vld [tilespmem:$0x1FC50]  }
0x20c: {  	v24 =	vadd.f32 v13, v32;
	v32 =	vld [tilespmem:$0x1FC20];
	v26 =	vnsel vm1, $0x0, v22;
	vm1 =	vnez.u8 v9  }
0x20d: {  	v13 =	vld [tilespmem:$0x1FC40];
	v9 =	vnsel vm1, $0x0, v22  }
0x20e: {  	[tilespmem:$0x1F870] =	vst v9;
	v9 =	vld [tilespmem:$0x1FDB0]  }
0x20f: {  	vm5 =	vnez.u8 v11;
	v12 =	vld [tilespmem:$0x1FDC0]  }
0x210: {  	v11 =	vsel vm5, $0x3F800000, v0;
	vm4 =	vnez.u8 v10  }
0x211: {  	vm9 =	vnez.u8 v14;
	v10 =	vsel vm4, $0x3F800000, v0;
	v11 =	vadd.f32 v11, v38  }
0x212: {  	v8 =	vld [tilespmem:$0x1FDE0];
	v6 =	vsel vm9, $0x3F800000, v0;
	v10 =	vadd.f32 v10, v13  }
0x213: {  	v6 =	vadd.f32 v6, v32;
	v2 =	vadd.f32 v2, v11;
	vm1 =	vnez.u8 v9;
	v9 =	vld [tilespmem:$0x1FE20]  }
0x214: {  	v10 =	vadd.f32 v1, v10;
	v27 =	vnsel vm1, $0x0, v22;
	vm1 =	vnez.u8 v12;
	v12 =	vld [tilespmem:$0x1FE30]  }
0x215: {  	v7 =	vadd.f32 v63, v7;
	v32 =	vld [tilespmem:$0x1FE40];
	v6 =	vadd.f32 v62, v6  }
0x216: {  	v33 =	vld [tilespmem:$0x1FE50];
	v38 =	vadd.f32 v61, v2;
	v10 =	vadd.f32 v58, v10  }
0x217: {  	v1 =	vld [tilespmem:$0x1FE60];
	v6 =	vadd.f32 v59, v6;
	v21 =	vnsel vm1, $0x0, v22;
	vm1 =	vnez.u8 v8  }
0x218: {  	v10 =	vadd.f32 v54, v10;
	v8 =	vnsel vm1, $0x0, v23;
	vm1 =	vnez.u8 v9  }
0x219: {  	v13 =	vadd.f32 v55, v38;
	v9 =	vnsel vm1, $0x0, v23;
	vm1 =	vnez.u8 v12  }
0x21a: {  	v55 =	vadd.f32 v46, v10;
	v10 =	vld [tilespmem:$0x1FCA0];
	v12 =	vnsel vm1, $0x0, v23;
	vm1 =	vnez.u8 v32  }
0x21b: {  	v6 =	vadd.f32 v53, v6;
	v14 =	vnsel vm1, $0x0, v23;
	vm1 =	vnez.u8 v33  }
0x21c: {  	v7 =	vadd.f32 v60, v7;
	v16 =	vnsel vm1, $0x0, v23;
	vm1 =	vnez.u8 v1;
	v1 =	vld [tilespmem:$0x1FE70]  }
0x21d: {  	v2 =	vld [tilespmem:$0x1FE80];
	v6 =	vadd.f32 v47, v6  }
0x21e: {  	v17 =	vld [tilespmem:$0x1FEB0];
	v7 =	vadd.f32 v56, v7;
	v56 =	vsel vm14, $0x3F800000, v0  }
0x21f: {  	[tilespmem:$0x1F780] =	vst v6;
	v6 =	vadd.f32 v56, v10;
	v10 =	vld [tilespmem:$0x1FFD0];
	_ =	sdelay $0x1  }
0x220: {  	v18 =	vld [tilespmem:$0x1FCC0];
	v11 =	vnsel vm1, $0x0, v23;
	vm1 =	vnez.u8 v1  }
0x221: {  	v19 =	vld [tilespmem:$0x1FCD0];
	v1 =	vnsel vm1, $0x0, v23;
	vm1 =	vnez.u8 v2  }
0x222: {  	v2 =	vnsel vm1, $0x0, v23;
	vm1 =	vnez.u8 v17  }
0x223: {  	v17 =	vnsel vm1, $0x0, v24;
	vm1 =	vnez.u8 v10  }
0x224: {  	v10 =	vsel vm1, $0x3F800000, v0  }
0x225: {  	v61 =	vsel vm0, $0x3F800000, v0;
	v10 =	vadd.f32 v10, v18  }
0x226: {  	v60 =	vld [tilespmem:$0x1FCB0];
	v58 =	vadd.f32 v45, v13;
	v13 =	vadd.f32 v61, v19;
	v19 =	vsel vm11, $0x3F800000, v0  }
0x227: {  	v20 =	vsel vm12, $0x3F800000, v0;
	v10 =	vadd.f32 v19, v10  }
0x228: {  	v13 =	vadd.f32 v20, v13;
	v6 =	vadd.f32 v57, v6  }
0x229: {  	v54 =	vadd.f32 v48, v7;
	v10 =	vadd.f32 v51, v10  }
0x22a: {  	v63 =	vld [tilespmem:$0x1FFE0];
	v59 =	vsel vm13, $0x3F800000, v0;
	v13 =	vadd.f32 v52, v13;
	v6 =	vadd.f32 v49, v6  }
0x22b: {  	v7 =	vadd.f32 v59, v60;
	v48 =	vld [tilespmem:$0x1FD00];
	v10 =	vadd.f32 v41, v10  }
0x22c: {  	v13 =	vadd.f32 v44, v13;
	v44 =	vld [tilespmem:$0x1FF80];
	v6 =	vadd.f32 v42, v6;
	v18 =	vsel vm15, $0x3F800000, v0  }
0x22d: {  	v7 =	vadd.f32 v18, v7;
	v42 =	vadd.f32 v34, v10;
	v10 =	vld [tilespmem:$0x1FCF0]  }
0x22e: {  	v47 =	vld [tilespmem:$0x1FCE0]  }
0x22f: {  	v18 =	vld [tilespmem:$0x1FEC0];
	v7 =	vadd.f32 v50, v7  }
0x230: {  	vm8 =	vmmov vm13;
	vm3 =	vmmov vm11;
	vm13 =	vnez.u8 v63;
	v19 =	vld [tilespmem:$0x1FED0]  }
0x231: {  	v28 =	vnsel vm10, $0x0, v3;
	v33 =	vsel vm13, $0x3F800000, v0;
	v7 =	vadd.f32 v43, v7;
	v41 =	vld [tilespmem:$0x1FFF0]  }
0x232: {  	p0 =	seq.s32 s23, $0x3;
	v62 =	vnsel vm7, $0x0, v25;
	vm7 =	vnez.u8 v44;
	v49 =	vld [tilespmem:$0x1FF30];
	v10 =	vadd.f32 v33, v10  }
0x233: {  	s24 =	sadd.s32 @!p0 s24, s10;
	v15 =	vnsel vm2, $0x0, v24;
	v45 =	vld [tilespmem:$0x1FD10];
	v38 =	vadd.f32 v37, v7;
	v7 =	vsel vm7, $0x3F800000, v0  }
0x234: {  	s24 =	sshll.u32 @!p0 s24, $0x4;
	v20 =	vnsel vm9, $0x0, v3;
	v28 =	vadd.f32 v28, v48;
	v7 =	vadd.f32 v7, v10;
	v10 =	vld [tilespmem:$0x1FEE0]  }
0x235: {  	s26 =	simm.s32 @!p0 $0x0;
	s25 =	sadd.s32 @!p0 s2, s24;
	v20 =	vadd.f32 v20, v47;
	v6 =	vadd.f32 v36, v6;
	vm2 =	vnez.u8 v18  }
0x236: {  	[tilespmem:s26], [sflag:$0x1] =	stream.linear.gather @!p0 [hbm4b:s25+s26], $0x4000, $0x38;
	v18 =	vnsel vm2, $0x0, v24;
	vm2 =	vnez.u8 v19;
	vm11 =	vnez.u8 v41;
	[tilespmem:$0x18180] =	vst v63  }
0x237: {  	s28 =	simm.s32 @!p0 $0x8000;
	s25 =	sadd.s32 @!p0 s4, s24;
	[tilespmem:$0x1F7C0] =	vst v6;
	v19 =	vnsel vm2, $0x0, v24;
	vm2 =	vnez.u8 v49;
	v6 =	vsel vm11, $0x3F800000, v0  }
0x238: {  	[tilespmem:s28], [sflag:$0x1] =	stream.linear.gather @!p0 [hbm4b:s25+s26], $0x4000, $0x38;
	v46 =	vsel vm6, $0x3F800000, v0;
	v6 =	vadd.f32 v6, v45;
	v33 =	vnsel vm2, $0x0, v25;
	[tilespmem:$0x18180] =	vst v63  }
0x239: {  	s24 =	sadd.s32 @!p0 s5, s24;
	s25 =	simm.s32 @!p0 $0x10000;
	v51 =	vadd.f32 v33, v28;
	vm2 =	vnez.u8 v10;
	v10 =	vadd.f32 v62, v20  }
0x23a: {  	[tilespmem:s25], [sflag:$0x1] =	stream.linear.gather @!p0 [hbm4b:s24+s26], $0x4000, $0x38;
	v43 =	vadd.f32 v35, v13;
	v6 =	vadd.f32 v46, v6;
	[tilespmem:$0x18180] =	vst v63  }
0x23b: {  	[tilespmem:$0x1F790] =	vst v54;
	v13 =	vadd.f32 v17, v51;
	v10 =	vadd.f32 v15, v10  }
0x23c: {  	[tilespmem:$0x1F7B0] =	vst v58;
	v6 =	vadd.f32 v40, v6  }
0x23d: {  	[tilespmem:$0x1F7A0] =	vst v55;
	v9 =	vadd.f32 v9, v13;
	v8 =	vadd.f32 v8, v10;
	v10 =	vld [tilespmem:$0x1FE00]  }
0x23e: {  	[tilespmem:$0x1F7F0] =	vst v43;
	v7 =	vadd.f32 v39, v7;
	v6 =	vadd.f32 v31, v6  }
0x23f: {  	[tilespmem:$0x1F7D0] =	vst v38;
	v53 =	vadd.f32 v5, v9  }
0x240: {  	[tilespmem:$0x1F7E0] =	vst v42;
	v7 =	vadd.f32 v30, v7;
	v6 =	vadd.f32 v29, v6  }
0x241: {  	[tilespmem:$0x1F830] =	vst v53;
	v4 =	vadd.f32 v4, v8  }
0x242: {  	[tilespmem:$0x1F810] =	vst v6;
	v7 =	vadd.f32 v10, v7  }
0x243: {  	v28 =	vld [tilespmem:$0x1FF50];
	[tilespmem:$0x1F820] =	vst v4  }
0x244: {  	v20 =	vld [tilespmem:$0x1FEF0];
	[tilespmem:$0x1F800] =	vst v7  }
0x245: {  	v15 =	vld [tilespmem:$0x1FF60];
	_ =	swait.ge [sflag:s19], $0x4000  }
0x246: {  	v9 =	vld [tilespmem:$0x1FC80]  }
0x247: {  	v8 =	vld [tilespmem:$0x1FF70];
	_ =	sdelay $0x1  }
0x248: {  	v50 =	vnsel vm2, $0x0, v24;
	vm2 =	vnez.u8 v20;
	v55 =	vld [tilespmem:$0x1FC60];
	[sflag:s19] =	ssyncset.done $0x0  }
0x249: {  	v52 =	vnsel vm14, $0x0, v3;
	v20 =	vnsel vm2, $0x0, v24;
	vm2 =	vnez.u8 v28;
	v56 =	vld [tilespmem:$0x1FC70];
	[sflag:s19] =	ssyncadd.s32 $0xFFFFC000  }
0x24a: {  	v28 =	vnsel vm2, $0x0, v25;
	vm2 =	vnez.u8 v15;
	v6 =	vadd.f32 v52, v9;
	v9 =	vld [tilespmem:$0x1FC90];
	_ =	swait.ge [sflag:s19], $0x4000  }
0x24b: {  	v17 =	vnsel vm2, $0x0, v25;
	vm2 =	vnez.u8 v8;
	[sflag:s19] =	ssyncset.done $0x0  }
0x24c: {  	v8 =	vnsel vm2, $0x0, v25;
	v10 =	vld [tilespmem:$0x1FF00];
	[sflag:s19] =	ssyncadd.s32 $0xFFFFC000  }
0x24d: {  	v30 =	vnsel vm4, $0x0, v3;
	v31 =	vnsel vm5, $0x0, v3;
	v6 =	vadd.f32 v8, v6;
	v8 =	vld [tilespmem:$0x1FF10];
	_ =	swait.ge [sflag:s19], $0x4000  }
0x24e: {  	v5 =	vadd.f32 v30, v55;
	v7 =	vadd.f32 v31, v56;
	v58 =	vld [tilespmem:$0x1F840]  }
0x24f: {  	v61 =	vld [tilespmem:$0x1F870]  }
0x250: {  	v5 =	vadd.f32 v28, v5;
	v7 =	vadd.f32 v17, v7;
	v63 =	vld [tilespmem:$0x1FD20]  }
0x251: {  	v54 =	vnsel vm8, $0x0, v3;
	v57 =	vnsel vm1, $0x0, v3;
	v13 =	vld [tilespmem:$0x1FD30]  }
0x252: {  	v5 =	vadd.f32 v18, v5;
	v7 =	vadd.f32 v19, v7;
	v18 =	vnsel vm3, $0x0, v25;
	v32 =	vld [tilespmem:$0x1FD40]  }
0x253: {  	v6 =	vadd.f32 v50, v6;
	v19 =	vnsel vm12, $0x0, v25;
	v33 =	vld [tilespmem:$0x1FD50];
	v4 =	vadd.f32 v54, v9  }
0x254: {  	[sflag:s19] =	ssyncset.done $0x0;
	v34 =	vld [tilespmem:$0x1FF20];
	v9 =	vnsel vm15, $0x0, v25;
	vm2 =	vnez.u8 v10;
	v5 =	vadd.f32 v12, v5  }
0x255: {  	s31 =	simm.s32 $0x0;
	v35 =	vld [tilespmem:$0x1FF40];
	[sflag:s19] =	ssyncadd.s32 $0xFFFFC000;
	v7 =	vadd.f32 v14, v7;
	v17 =	vnsel vm2, $0x0, v24;
	v4 =	vadd.f32 v9, v4  }
0x256: {  	v62 =	vld [tilespmem:s31+$0x4040];
	vm2 =	vnez.u8 v8;
	v8 =	vadd.f32 v16, v6;
	v16 =	vnsel vm13, $0x0, v3  }
0x257: {  	v36 =	vld [tilespmem:$0x1FE90];
	v9 =	vnsel vm2, $0x0, v24;
	v59 =	vadd.f32 v26, v7;
	v4 =	vadd.f32 v20, v4  }
0x258: {  	v38 =	vld [tilespmem:s31+$0xC000];
	v26 =	vnsel vm7, $0x0, v25;
	v5 =	vadd.f32 v58, v5;
	v12 =	vadd.f32 v57, v63  }
0x259: {  	v37 =	vld [tilespmem:$0x1FEA0];
	v16 =	vadd.f32 v16, v32;
	v4 =	vadd.f32 v11, v4;
	v11 =	vnsel vm0, $0x0, v3  }
0x25a: {  	v39 =	vld [tilespmem:$0x1FDD0];
	[tilespmem:$0x1F850] =	vst v5;
	v5 =	vadd.f32 v61, v8;
	v3 =	vnsel vm11, $0x0, v3;
	v12 =	vadd.f32 v18, v12  }
0x25b: {  	v40 =	vld [tilespmem:$0x1FDF0];
	v18 =	vnsel vm6, $0x0, v25;
	v16 =	vadd.f32 v26, v16;
	v41 =	vsub.f32 $0.0e+00, v62  }
0x25c: {  	v20 =	vld [tilespmem:s31+$0xC030];
	vm0 =	vnez.u8 v34;
	v11 =	vadd.f32 v11, v13;
	v3 =	vadd.f32 v3, v33  }
0x25d: {  	v25 =	vld [tilespmem:s31+$0x4020];
	vm4 =	vgt.s32 v38, $0x0;
	v4 =	vadd.f32 v27, v4;
	v12 =	vadd.f32 v17, v12  }
0x25e: {  	v17 =	vld [tilespmem:s31+$0xC010];
	v11 =	vadd.f32 v19, v11;
	v3 =	vadd.f32 v18, v3;
	v18 =	vnsel vm0, $0x0, v24  }
0x25f: {  	v27 =	vld [tilespmem:s31+$0x4030];
	vm0 =	vnez.u8 v35;
	v16 =	vadd.f32 v18, v16;
	v1 =	vadd.f32 v1, v12  }
0x260: {  	v18 =	vld [tilespmem:s31+$0x4010];
	v9 =	vadd.f32 v9, v11;
	v11 =	vnsel vm0, $0x0, v24;
	vm0 =	vnez.u8 v36  }
0x261: {  	v19 =	vld [tilespmem:s31+$0xC020];
	v3 =	vadd.f32 v11, v3;
	v11 =	vnsel vm0, $0x0, v23;
	vm0 =	vnez.u8 v37  }
0x262: {  	v1 =	vadd.f32 v21, v1;
	v2 =	vadd.f32 v2, v9;
	v9 =	vnsel vm0, $0x0, v23  }
0x263: {  	vm0 =	vnez.u8 v39;
	v11 =	vadd.f32 v11, v16;
	vm3 =	vgt.s32 v17, $0x0  }
0x264: {  	v17 =	vsub.f32 $0.0e+00, v25;
	v23 =	vnsel vm0, $0x0, v22;
	v9 =	vadd.f32 v9, v3;
	v3 =	vld [tilespmem:s31+$0x4000]  }
0x265: {  	vm2 =	vgt.s32 v20, $0x0;
	[tilespmem:$0x1F8A0] =	vst v1;
	v1 =	vadd.f32 v23, v2;
	v16 =	vsub.f32 $0.0e+00, v18  }
0x266: {  	vm0 =	vnez.u8 v40;
	vm1 =	vgt.s32 v19, $0x0;
	v19 =	vsub.f32 $0.0e+00, v27  }
0x267: {  	v24 =	vnsel vm0, $0x0, v22;
	[tilespmem:$0x1F8B0] =	vst v1;
	v1 =	vld [tilespmem:$0x1FE10];
	v16 =	vsel vm3, v16, v18;
	v18 =	vsel vm1, v17, v25  }
0x268: {  	v17 =	vsel vm2, v19, v27;
	v19 =	vmax.f32 v16, $-2.309999940e+00;
	v20 =	vmax.f32 v18, $-2.309999940e+00  }
0x269: {  	v23 =	vand.u32 $0x7FFFFFFF, v17;
	v27 =	vand.u32 $0x7FFFFFFF, v16;
	v42 =	vsub.f32 $0.0e+00, v3  }
0x26a: {  	v60 =	vld [tilespmem:s31+$0xC040];
	v19 =	vmin.f32 v19, $2.309999940e+00;
	v20 =	vmin.f32 v20, $2.309999940e+00;
	v43 =	vsub.f32 $0.0e+00, v23  }
0x26b: {  	v45 =	vmul.f32 v19, v19;
	v46 =	vmul.f32 v20, v20;
	v28 =	vsel vm4, v42, v3  }
0x26c: {  	v3 =	vmax.f32 v17, $-2.309999940e+00;
	vm0 =	vnez.u8 v1;
	v12 =	vmax.f32 v28, $-2.309999940e+00  }
0x26d: {  	v26 =	vand.u32 $0x7FFFFFFF, v28;
	v30 =	vmin.f32 v3, $2.309999940e+00;
	v1 =	vadd.f32 v24, v11  }
0x26e: {  	v24 =	vmul.f32 $1.442695020e+00, v43;
	v50 =	vmul.f32 $5.252613850e-06, v45;
	v21 =	vnsel vm0, $0x0, v22  }
0x26f: {  	vm0 =	vgt.s32 v60, $0x0;
	v22 =	vand.u32 $0x7FFFFFFF, v18;
	v12 =	vmin.f32 v12, $2.309999940e+00  }
0x270: {  	v23 =	vld [tilespmem:s31+$0x14040];
	v31 =	vmul.f32 v30, v30;
	v26 =	vsub.f32 $0.0e+00, v26;
	v14 =	vsel vm0, v41, v62  }
0x271: {  	v11 =	vld [tilespmem:s31+$0x14010];
	v22 =	vsub.f32 $0.0e+00, v22;
	[tilespmem:$0x1F8C0] =	vst v1;
	v1 =	vadd.f32 v21, v9;
	v25 =	vand.u32 $0x7FFFFFFF, v14  }
0x272: {  	[tilespmem:$0x1F890] =	vst v4;
	v47 =	vmul.f32 v12, v12;
	v3 =	vsub.f32 $0.0e+00, v25;
	v25 =	vsub.f32 $0.0e+00, v27;
	v27 =	vld [tilespmem:s31+$0x14030]  }
0x273: {  	v4 =	vmax.f32 v14, $-2.309999940e+00;
	v9 =	vmul.f32 $1.442695020e+00, v26;
	v26 =	vmul.f32 $5.252613850e-06, v46  }
0x274: {  	v29 =	vmin.f32 v4, $2.309999940e+00;
	v22 =	vmul.f32 $1.442695020e+00, v22;
	v49 =	vmul.f32 $1.442695020e+00, v3  }
0x275: {  	vm0 =	vgt.s32 v23, $0x0;
	v44 =	vmul.f32 v29, v29;
	v21 =	vmul.f32 $1.442695020e+00, v25  }
0x276: {  	vm3 =	vgt.s32 v11, $0x0;
	v25 =	vmul.f32 $5.252613850e-06, v31;
	(erf) = vpow2.f32 v49  }
0x277: {  	v23 =	vmul.f32 $5.252613850e-06, v44;
	vm1 =	vgt.s32 v27, $0x0;
	v27 =	vld [tilespmem:s31+$0x14000];
	(erf) = vpow2.f32 v24  }
0x278: {  	v11 =	vsub.f32 $1.385406210e-04, v25;
	v24 =	vmul.f32 $5.252613850e-06, v47;
	(erf) = vpow2.f32 v22  }
0x279: {  	v22 =	vsub.f32 $1.385406210e-04, v23;
	v23 =	vsub.f32 $1.385406210e-04, v26;
	(erf) = vpow2.f32 v21  }
0x27a: {  	v11 =	vmul.f32 v11, v31;
	v21 =	vsub.f32 $1.385406210e-04, v50;
	(erf) = vpow2.f32 v9  }
0x27b: {  	v9 =	vsub.f32 $1.385406210e-04, v24;
	v22 =	vmul.f32 v22, v44;
	v23 =	vmul.f32 v23, v46  }
0x27c: {  	v11 =	vadd.f32 $-1.915045900e-03, v11;
	v21 =	vmul.f32 v21, v45;
	vm4 =	vgt.s32 v27, $0x0  }
0x27d: {  	v9 =	vmul.f32 v9, v47;
	v24 =	vadd.f32 $-1.915045900e-03, v22;
	v23 =	vadd.f32 $-1.915045900e-03, v23  }
0x27e: {  	v22 =	vmax.f32 v14, $0.0e+00;
	v11 =	vmul.f32 v11, v31;
	v21 =	vadd.f32 $-1.915045900e-03, v21  }
0x27f: {  	v9 =	vadd.f32 $-1.915045900e-03, v9;
	v51 =	vmul.f32 v24, v44;
	v25 =	vmul.f32 v23, v46  }
0x280: {  	v11 =	vadd.f32 $2.057566680e-02, v11;
	v26 =	vpop (erf);
	v27 =	vmul.f32 v21, v45;
	v21 =	vmax.f32 v17, $0.0e+00  }
0x281: {  	v24 =	vpop (erf);
	v9 =	vmul.f32 v9, v47;
	v14 =	vadd.f32 $2.057566680e-02, v51;
	v53 =	vmul.f32 $6.151544860e-03, v26  }
0x282: {  	v17 =	vadd.f32 $2.057566680e-02, v25;
	v11 =	vmul.f32 v11, v31;
	v23 =	vpop (erf);
	v52 =	vmul.f32 $6.151544860e-03, v24  }
0x283: {  	v54 =	vadd.f32 $2.057566680e-02, v27;
	v25 =	vpop (erf);
	v9 =	vadd.f32 $2.057566680e-02, v9;
	v14 =	vmul.f32 v14, v44  }
0x284: {  	v17 =	vmul.f32 v17, v46;
	v37 =	vsub.f32 $3.485012800e-02, v53;
	v11 =	vadd.f32 $-2.081817090e-01, v11;
	v27 =	vpop (erf)  }
0x285: {  	v38 =	vmul.f32 v54, v45;
	v36 =	vsub.f32 $3.485012800e-02, v52;
	v57 =	vmul.f32 $6.151544860e-03, v27  }
0x286: {  	v9 =	vmul.f32 v9, v47;
	v14 =	vadd.f32 $-2.081817090e-01, v14;
	v37 =	vmul.f32 v37, v26  }
0x287: {  	v17 =	vadd.f32 $-2.081817090e-01, v17;
	v11 =	vmul.f32 v11, v31;
	v38 =	vadd.f32 $-2.081817090e-01, v38  }
0x288: {  	v36 =	vmul.f32 v36, v24;
	v41 =	vsub.f32 $3.485012800e-02, v57;
	v9 =	vadd.f32 $-2.081817090e-01, v9  }
0x289: {  	v14 =	vmul.f32 v14, v44;
	v17 =	vmul.f32 v17, v46;
	v58 =	vadd.f32 $-9.325294200e-02, v37  }
0x28a: {  	v11 =	vadd.f32 $2.499974250e+00, v11;
	v31 =	vadd.f32 $-9.325294200e-02, v36;
	v33 =	vmul.f32 v38, v45  }
0x28b: {  	v41 =	vmul.f32 v41, v27;
	v9 =	vmul.f32 v9, v47;
	v14 =	vadd.f32 $2.499974250e+00, v14  }
0x28c: {  	v17 =	vadd.f32 $2.499974250e+00, v17;
	v32 =	vmul.f32 v58, v26;
	v11 =	vmul.f32 v11, v30  }
0x28d: {  	v33 =	vadd.f32 $2.499974250e+00, v33;
	v31 =	vmul.f32 v31, v24;
	v61 =	vadd.f32 $-9.325294200e-02, v41  }
0x28e: {  	v9 =	vadd.f32 $2.499974250e+00, v9;
	v14 =	vmul.f32 v14, v29;
	v29 =	vadd.f32 $1.658237580e-01, v32  }
0x28f: {  	v17 =	vmul.f32 v17, v20;
	v11 =	vadd.f32 $5.000000000e+00, v11;
	v19 =	vmul.f32 v33, v19  }
0x290: {  	v30 =	vadd.f32 $1.658237580e-01, v31;
	v35 =	vmul.f32 v61, v27;
	v9 =	vmul.f32 v9, v12  }
0x291: {  	v63 =	vadd.f32 $5.000000000e+00, v14;
	v4 =	vadd.f32 $5.000000000e+00, v17;
	v29 =	vmul.f32 v29, v26  }
0x292: {  	v11 =	vtrunc.f32 v11;
	v17 =	vmul.f32 v30, v24;
	v31 =	vadd.f32 $1.658237580e-01, v35  }
0x293: {  	v11 =	vcvt.f32.s32 v11;
	v12 =	vtrunc.f32 v63  }
0x294: {  	v12 =	vcvt.f32.s32 v12;
	v31 =	vmul.f32 v31, v27  }
0x295: {  	v33 =	vmax.f32 v16, $0.0e+00;
	v16 =	vadd.f32 $-2.398267840e-01, v17;
	v17 =	vadd.f32 $-2.398267840e-01, v29  }
0x296: {  	v29 =	vadd.f32 $-2.398267840e-01, v31;
	v31 =	vnsel vm1, $0xC, v11;
	v11 =	vnsel vm0, $0xC, v12  }
0x297: {  	[tilespmem:$0x1F8D0] =	vst v1;
	v1 =	vimm.s32 $0x0;
	vm15 =	veq.s32 v11, $0x0  }
0x298: {  	v1 =	vsel vm15, $0xFFFFFFFF, v1  }
0x299: {  	vm14 =	veq.s32 v11, $0x1;
	[tilespmem:$0x1F8E0] =	vst v1;
	v1 =	vimm.s32 $0x0  }
0x29a: {  	v1 =	vsel vm14, $0xFFFFFFFF, v1  }
0x29b: {  	vm13 =	veq.s32 v11, $0x2;
	[tilespmem:$0x1F8F0] =	vst v1;
	v1 =	vimm.s32 $0x0  }
0x29c: {  	v1 =	vsel vm13, $0xFFFFFFFF, v1  }
0x29d: {  	vm12 =	veq.s32 v11, $0x3;
	[tilespmem:$0x1F900] =	vst v1;
	v1 =	vimm.s32 $0x0  }
0x29e: {  	v1 =	vsel vm12, $0xFFFFFFFF, v1  }
0x29f: {  	vm11 =	veq.s32 v11, $0x4;
	[tilespmem:$0x1F910] =	vst v1;
	v1 =	vimm.s32 $0x0  }
0x2a0: {  	v1 =	vsel vm11, $0xFFFFFFFF, v1  }
0x2a1: {  	vm10 =	veq.s32 v11, $0x5;
	[tilespmem:$0x1F920] =	vst v1;
	v1 =	vimm.s32 $0x0  }
0x2a2: {  	v1 =	vsel vm10, $0xFFFFFFFF, v1  }
0x2a3: {  	vm9 =	veq.s32 v11, $0x6;
	[tilespmem:$0x1F930] =	vst v1;
	v1 =	vimm.s32 $0x0  }
0x2a4: {  	v19 =	vadd.f32 $5.000000000e+00, v19;
	v1 =	vsel vm9, $0xFFFFFFFF, v1  }
0x2a5: {  	vm7 =	veq.s32 v11, $0x7;
	[tilespmem:$0x1F940] =	vst v1;
	v1 =	vimm.s32 $0x0  }
0x2a6: {  	v48 =	vld [tilespmem:s31+$0x14020];
	v30 =	vmax.f32 v18, $0.0e+00;
	v18 =	vtrunc.f32 v19;
	v1 =	vsel vm7, $0xFFFFFFFF, v1  }
0x2a7: {  	v18 =	vcvt.f32.s32 v18;
	vm8 =	veq.s32 v31, $0x0;
	[tilespmem:$0x1F950] =	vst v1;
	v1 =	vimm.s32 $0x0  }
0x2a8: {  	v14 =	vtrunc.f32 v4;
	v1 =	vsel vm8, $0xFFFFFFFF, v1  }
0x2a9: {  	v7 =	vnsel vm3, $0xC, v18;
	vm3 =	veq.s32 v11, $0x8;
	[tilespmem:$0x1F960] =	vst v1;
	v1 =	vimm.s32 $0x0  }
0x2aa: {  	[tilespmem:$0x1F880] =	vst v5;
	v5 =	vcvt.f32.s32 v14;
	v1 =	vsel vm3, $0xFFFFFFFF, v1  }
0x2ab: {  	vm2 =	vgt.s32 v48, $0x0;
	[tilespmem:$0x1F970] =	vst v1;
	v1 =	vsel vm3, $0x3F800000, v0  }
0x2ac: {  	v18 =	vnsel vm2, $0xC, v5;
	vm2 =	veq.s32 v11, $0x9;
	[tilespmem:$0x1F980] =	vst v1;
	v1 =	vimm.s32 $0x0  }
0x2ad: {  	v1 =	vsel vm2, $0xFFFFFFFF, v1  }
0x2ae: {  	v9 =	vadd.f32 $5.000000000e+00, v9;
	[tilespmem:$0x1F990] =	vst v1;
	v1 =	vsel vm2, $0x3F800000, v0  }
0x2af: {  	vm6 =	veq.s32 v31, $0x1;
	[tilespmem:$0x1F9A0] =	vst v1;
	v1 =	vimm.s32 $0x0  }
0x2b0: {  	v9 =	vtrunc.f32 v9;
	v1 =	vsel vm6, $0xFFFFFFFF, v1  }
0x2b1: {  	v9 =	vcvt.f32.s32 v9;
	vm5 =	veq.s32 v31, $0x2;
	[tilespmem:$0x1F9B0] =	vst v1;
	v1 =	vimm.s32 $0x0  }
0x2b2: {  	v56 =	vmul.f32 $6.151544860e-03, v23;
	v55 =	vmul.f32 $6.151544860e-03, v25;
	v1 =	vsel vm5, $0xFFFFFFFF, v1  }
0x2b3: {  	v6 =	vnsel vm4, $0xC, v9;
	vm4 =	veq.s32 v31, $0x3;
	[tilespmem:$0x1F9C0] =	vst v1;
	v1 =	vimm.s32 $0x0  }
0x2b4: {  	v40 =	vsub.f32 $3.485012800e-02, v56;
	v39 =	vsub.f32 $3.485012800e-02, v55;
	v1 =	vsel vm4, $0xFFFFFFFF, v1  }
0x2b5: {  	vm1 =	veq.s32 v31, $0x4;
	[tilespmem:$0x1F9D0] =	vst v1;
	v1 =	vimm.s32 $0x0  }
0x2b6: {  	v40 =	vmul.f32 v40, v23;
	v39 =	vmul.f32 v39, v25;
	v1 =	vsel vm1, $0xFFFFFFFF, v1  }
0x2b7: {  	vm0 =	veq.s32 v31, $0x5;
	[tilespmem:$0x1F9E0] =	vst v1;
	v1 =	vimm.s32 $0x0  }
0x2b8: {  	[tilespmem:$0x1F860] =	vst v59;
	v60 =	vadd.f32 $-9.325294200e-02, v40;
	v59 =	vadd.f32 $-9.325294200e-02, v39;
	v1 =	vsel vm0, $0xFFFFFFFF, v1  }
0x2b9: {  	vm2 =	veq.s32 v31, $0x6;
	[tilespmem:$0x1F9F0] =	vst v1;
	v1 =	vimm.s32 $0x0  }
0x2ba: {  	v36 =	vmul.f32 v60, v23;
	v34 =	vmul.f32 v59, v25;
	v1 =	vsel vm2, $0xFFFFFFFF, v1  }
0x2bb: {  	v41 =	vsel vm2, $0x3F800000, v0;
	vm2 =	veq.s32 v31, $0x7;
	[tilespmem:$0x1FA00] =	vst v1;
	v1 =	vimm.s32 $0x0  }
0x2bc: {  	v20 =	vadd.f32 $1.658237580e-01, v36;
	v62 =	vadd.f32 $1.658237580e-01, v34;
	v1 =	vsel vm2, $0xFFFFFFFF, v1  }
0x2bd: {  	v42 =	vsel vm0, $0x3F800000, v0;
	vm0 =	veq.s32 v31, $0x8;
	[tilespmem:$0x1FA10] =	vst v1;
	v1 =	vimm.s32 $0x0  }
0x2be: {  	v20 =	vmul.f32 v20, v23;
	v32 =	vmul.f32 v62, v25;
	v1 =	vsel vm0, $0xFFFFFFFF, v1  }
0x2bf: {  	v43 =	vsel vm1, $0x3F800000, v0;
	vm1 =	veq.s32 v31, $0x9;
	[tilespmem:$0x1FA20] =	vst v1;
	v1 =	vimm.s32 $0x0  }
0x2c0: {  	v19 =	vadd.f32 $-2.398267840e-01, v20;
	v20 =	vadd.f32 $-2.398267840e-01, v32;
	v1 =	vsel vm1, $0xFFFFFFFF, v1  }
0x2c1: {  	v32 =	vsel vm1, $0x3F800000, v0;
	vm1 =	veq.s32 v18, $0x0;
	[tilespmem:$0x1FA30] =	vst v1;
	v1 =	vimm.s32 $0x0  }
0x2c2: {  	v1 =	vsel vm1, $0xFFFFFFFF, v1  }
0x2c3: {  	v31 =	vsel vm0, $0x3F800000, v0;
	vm0 =	veq.s32 v18, $0x1;
	[tilespmem:$0x1FA40] =	vst v1;
	v1 =	vimm.s32 $0x0  }
0x2c4: {  	v1 =	vsel vm0, $0xFFFFFFFF, v1  }
0x2c5: {  	v60 =	vsel vm1, $0x3F800000, v0;
	vm1 =	veq.s32 v18, $0x3;
	[tilespmem:$0x1FA50] =	vst v1;
	v1 =	vimm.s32 $0x0  }
0x2c6: {  	v1 =	vsel vm1, $0xFFFFFFFF, v1  }
0x2c7: {  	v44 =	vsel vm2, $0x3F800000, v0;
	vm2 =	veq.s32 v18, $0x4;
	[tilespmem:$0x1FA60] =	vst v1;
	v1 =	vimm.s32 $0x0  }
0x2c8: {  	v1 =	vsel vm2, $0xFFFFFFFF, v1  }
0x2c9: {  	v59 =	vsel vm0, $0x3F800000, v0;
	vm0 =	veq.s32 v18, $0x5;
	[tilespmem:$0x1FA70] =	vst v1;
	v1 =	vimm.s32 $0x0  }
0x2ca: {  	v1 =	vsel vm0, $0xFFFFFFFF, v1  }
0x2cb: {  	v50 =	vsel vm2, $0x3F800000, v0;
	vm2 =	veq.s32 v18, $0x6;
	[tilespmem:$0x1FA80] =	vst v1;
	v1 =	vimm.s32 $0x0  }
0x2cc: {  	v1 =	vsel vm2, $0xFFFFFFFF, v1  }
0x2cd: {  	v49 =	vsel vm0, $0x3F800000, v0;
	vm0 =	veq.s32 v18, $0x7;
	[tilespmem:$0x1FA90] =	vst v1;
	v1 =	vimm.s32 $0x0  }
0x2ce: {  	v1 =	vsel vm0, $0xFFFFFFFF, v1  }
0x2cf: {  	v54 =	vsel vm4, $0x3F800000, v0;
	vm4 =	veq.s32 v18, $0x8;
	[tilespmem:$0x1FAA0] =	vst v1;
	v1 =	vimm.s32 $0x0  }
0x2d0: {  	v1 =	vsel vm4, $0xFFFFFFFF, v1  }
0x2d1: {  	v52 =	vsel vm2, $0x3F800000, v0;
	vm2 =	veq.s32 v7, $0x0;
	[tilespmem:$0x1FAB0] =	vst v1;
	v1 =	vimm.s32 $0x0  }
0x2d2: {  	v1 =	vsel vm2, $0xFFFFFFFF, v1  }
0x2d3: {  	v61 =	vsel vm1, $0x3F800000, v0;
	vm1 =	veq.s32 v7, $0x1;
	[tilespmem:$0x1FAC0] =	vst v1;
	v1 =	vimm.s32 $0x0  }
0x2d4: {  	v1 =	vsel vm1, $0xFFFFFFFF, v1  }
0x2d5: {  	v51 =	vsel vm0, $0x3F800000, v0;
	vm0 =	veq.s32 v18, $0x9;
	[tilespmem:$0x1FAD0] =	vst v1;
	v1 =	vimm.s32 $0x0  }
0x2d6: {  	v1 =	vsel vm0, $0xFFFFFFFF, v1  }
0x2d7: {  	v63 =	vsel vm2, $0x3F800000, v0;
	vm2 =	veq.s32 v7, $0x2;
	[tilespmem:$0x1FAE0] =	vst v1;
	v1 =	vimm.s32 $0x0  }
0x2d8: {  	v1 =	vsel vm2, $0xFFFFFFFF, v1  }
0x2d9: {  	v39 =	vsel vm4, $0x3F800000, v0;
	vm4 =	veq.s32 v7, $0x3;
	[tilespmem:$0x1FAF0] =	vst v1;
	v1 =	vimm.s32 $0x0  }
0x2da: {  	v1 =	vsel vm4, $0xFFFFFFFF, v1  }
0x2db: {  	v40 =	vsel vm0, $0x3F800000, v0;
	vm0 =	veq.s32 v7, $0x4;
	[tilespmem:$0x1FB00] =	vst v1;
	v1 =	vimm.s32 $0x0  }
0x2dc: {  	v1 =	vsel vm0, $0xFFFFFFFF, v1  }
0x2dd: {  	v57 =	vsel vm0, $0x3F800000, v0;
	vm0 =	veq.s32 v7, $0x5;
	[tilespmem:$0x1FB10] =	vst v1;
	v1 =	vimm.s32 $0x0  }
0x2de: {  	v1 =	vsel vm0, $0xFFFFFFFF, v1  }
0x2df: {  	vm0 =	veq.s32 v7, $0x6;
	[tilespmem:$0x1FB20] =	vst v1;
	v1 =	vimm.s32 $0x0  }
0x2e0: {  	v38 =	vmax.f32 v28, $0.0e+00;
	v1 =	vsel vm0, $0xFFFFFFFF, v1  }
0x2e1: {  	v16 =	vmul.f32 v16, v24;
	vm0 =	veq.s32 v7, $0x7;
	[tilespmem:$0x1FB30] =	vst v1;
	v1 =	vimm.s32 $0x0  }
0x2e2: {  	v17 =	vmul.f32 v17, v26;
	v28 =	vmul.f32 v19, v23;
	v1 =	vsel vm0, $0xFFFFFFFF, v1  }
0x2e3: {  	v20 =	vmul.f32 v20, v25;
	vm0 =	veq.s32 v7, $0x8;
	[tilespmem:$0x1FB40] =	vst v1;
	v1 =	vimm.s32 $0x0  }
0x2e4: {  	v11 =	vadd.f32 $3.315488400e-01, v16;
	v9 =	vadd.f32 $3.315488400e-01, v17;
	v1 =	vsel vm0, $0xFFFFFFFF, v1  }
0x2e5: {  	v29 =	vmul.f32 v29, v27;
	vm0 =	veq.s32 v6, $0x0;
	[tilespmem:$0x1FB50] =	vst v1;
	v1 =	vimm.s32 $0x0  }
0x2e6: {  	v17 =	vadd.f32 $3.315488400e-01, v28;
	v47 =	vsel vm15, $0x3F800000, v0;
	v1 =	vsel vm0, $0xFFFFFFFF, v1  }
0x2e7: {  	v48 =	vsel vm14, $0x3F800000, v0;
	vm0 =	veq.s32 v6, $0x1;
	[tilespmem:$0x1FB60] =	vst v1;
	v1 =	vimm.s32 $0x0  }
0x2e8: {  	v46 =	vsel vm13, $0x3F800000, v0;
	v45 =	vsel vm12, $0x3F800000, v0;
	v1 =	vsel vm0, $0xFFFFFFFF, v1  }
0x2e9: {  	v36 =	vsel vm11, $0x3F800000, v0;
	vm0 =	veq.s32 v6, $0x2;
	[tilespmem:$0x1FB70] =	vst v1;
	v1 =	vimm.s32 $0x0  }
0x2ea: {  	v37 =	vsel vm10, $0x3F800000, v0;
	v35 =	vsel vm9, $0x3F800000, v0;
	v1 =	vsel vm0, $0xFFFFFFFF, v1  }
0x2eb: {  	v34 =	vsel vm7, $0x3F800000, v0;
	vm0 =	veq.s32 v6, $0x3;
	[tilespmem:$0x1FB80] =	vst v1;
	v1 =	vimm.s32 $0x0  }
0x2ec: {  	v53 =	vsel vm8, $0x3F800000, v0;
	v56 =	vsel vm6, $0x3F800000, v0;
	v1 =	vsel vm0, $0xFFFFFFFF, v1  }
0x2ed: {  	v55 =	vsel vm5, $0x3F800000, v0;
	vm0 =	veq.s32 v6, $0x4;
	[tilespmem:$0x1FB90] =	vst v1;
	v1 =	vimm.s32 $0x0  }
0x2ee: {  	vm15 =	veq.s32 v18, $0x2;
	v19 =	vadd.f32 $3.315488400e-01, v20;
	v1 =	vsel vm0, $0xFFFFFFFF, v1  }
0x2ef: {  	v58 =	vsel vm15, $0x3F800000, v0;
	vm0 =	veq.s32 v6, $0x5;
	[tilespmem:$0x1FBA0] =	vst v1;
	v1 =	vimm.s32 $0x0  }
0x2f0: {  	v20 =	vadd.f32 $3.315488400e-01, v29;
	vm14 =	veq.s32 v6, $0x7;
	v1 =	vsel vm0, $0xFFFFFFFF, v1  }
0x2f1: {  	v62 =	vsel vm1, $0x3F800000, v0;
	vm1 =	veq.s32 v6, $0x9;
	[tilespmem:$0x1FBB0] =	vst v1;
	v1 =	vimm.s32 $0x0  }
0x2f2: {  	vm12 =	veq.s32 v6, $0x8;
	vm6 =	veq.s32 v7, $0x9;
	v1 =	vsel vm1, $0xFFFFFFFF, v1  }
0x2f3: {  	s24 =	simm.s32 $0x200;
	v16 =	vsel vm4, $0x3F800000, v0;
	v18 =	vsel vm2, $0x3F800000, v0;
	vm0 =	veq.s32 v6, $0x6;
	[tilespmem:$0x1FBC0] =	vst v1  }
.LBB2_5:
0x2f4: {  	v1 =	vld [tilespmem:$0x1FB20];
	_ =	sdelay $0x3  }
0x2f5: {  	v9 =	vmul.f32 v9, v26  }
0x2f6: {  	vm4 =	vnez.u8 v1;
	v1 =	vld [tilespmem:$0x1FB30]  }
0x2f7: {  	v9 =	vadd.f32 $-4.998385910e-01, v9;
	_ =	sdelay $0x1  }
0x2f8: {  	v9 =	vmul.f32 v9, v26;
	_ =	sdelay $0x1  }
0x2f9: {  	v9 =	vadd.f32 $9.999942770e-01, v9;
	vm13 =	vnez.u8 v1;
	v1 =	vld [tilespmem:$0x1FB40];
	_ =	sdelay $0x1  }
0x2fa: {  	v9 =	vmul.f32 v9, v26;
	_ =	sdelay $0x1  }
0x2fb: {  	v9 =	vadd.f32 $3.380091940e-08, v9  }
0x2fc: {  	vm11 =	vnez.u8 v1;
	v1 =	vld [tilespmem:$0x1FB60]  }
0x2fd: {  	v22 =	vadd.f32 v9, v22;
	v9 =	vld [tilespmem:$0x1FBC0];
	_ =	sdelay $0x3  }
0x2fe: {  	vm9 =	vnez.u8 v1;
	v1 =	vld [tilespmem:$0x1FB50]  }
0x2ff: {  	vm10 =	vnez.u8 v9;
	v9 =	vld [tilespmem:$0x1F8E0];
	_ =	sdelay $0x3  }
0x300: {  	vm1 =	vnez.u8 v1;
	v1 =	vimm.s32 $0x0  }
0x301: {  	v1 =	vsel vm1, $0xFFFFFFFF, v1;
	v12 =	vsel vm1, $0x3F800000, v0;
	vm1 =	vnez.u8 v9;
	v9 =	vld [tilespmem:$0x1F780];
	_ =	sdelay $0x2  }
0x302: {  	v20 =	vmul.f32 v20, v27;
	[tilespmem:$0x1FB50] =	vst v1;
	v1 =	vld [tilespmem:$0x1FB70]  }
0x303: {  	v5 =	vsel vm9, $0x3F800000, v0  }
0x304: {  	v20 =	vadd.f32 $-4.998385910e-01, v20;
	v5 =	vadd.f32 v5, v9;
	v9 =	vld [tilespmem:$0x1F790];
	_ =	sdelay $0x1  }
0x305: {  	v20 =	vmul.f32 v20, v27  }
0x306: {  	vm7 =	vnez.u8 v1  }
0x307: {  	v20 =	vadd.f32 $9.999942770e-01, v20;
	v6 =	vsel vm7, $0x3F800000, v0  }
0x308: {  	v6 =	vadd.f32 v6, v9;
	v9 =	vld [tilespmem:$0x1F8F0]  }
0x309: {  	v20 =	vmul.f32 v20, v27;
	_ =	sdelay $0x1  }
0x30a: {  	v20 =	vadd.f32 $3.380091940e-08, v20;
	v1 =	vld [tilespmem:$0x1FB80];
	_ =	sdelay $0x1  }
0x30b: {  	v27 =	vadd.f32 v20, v38;
	v20 =	vnsel vm1, $0x0, v22;
	vm1 =	vnez.u8 v9;
	v9 =	vld [tilespmem:$0x1F7A0];
	_ =	sdelay $0x2  }
0x30c: {  	v17 =	vmul.f32 v17, v23;
	vm3 =	vnez.u8 v1;
	v1 =	vld [tilespmem:$0x1FB90]  }
0x30d: {  	v7 =	vsel vm3, $0x3F800000, v0  }
0x30e: {  	v17 =	vadd.f32 $-4.998385910e-01, v17;
	v7 =	vadd.f32 v7, v9;
	v9 =	vld [tilespmem:$0x1F7B0]  }
0x30f: {  	v11 =	vmul.f32 v11, v24  }
0x310: {  	v17 =	vmul.f32 v17, v23  }
0x311: {  	v11 =	vadd.f32 $-4.998385910e-01, v11;
	vm8 =	vnez.u8 v1  }
0x312: {  	v17 =	vadd.f32 $9.999942770e-01, v17;
	v8 =	vsel vm8, $0x3F800000, v0  }
0x313: {  	v11 =	vmul.f32 v11, v24;
	v8 =	vadd.f32 v8, v9;
	v9 =	vld [tilespmem:$0x1F900]  }
0x314: {  	v17 =	vmul.f32 v17, v23  }
0x315: {  	v11 =	vadd.f32 $9.999942770e-01, v11  }
0x316: {  	v17 =	vadd.f32 $3.380091940e-08, v17  }
0x317: {  	v11 =	vmul.f32 v11, v24  }
0x318: {  	v23 =	vadd.f32 v17, v30;
	v30 =	vnsel vm1, $0x0, v22;
	vm1 =	vnez.u8 v9;
	v9 =	vld [tilespmem:$0x1F910]  }
0x319: {  	v11 =	vadd.f32 $3.380091940e-08, v11  }
0x31a: {  	v5 =	vadd.f32 v63, v5  }
0x31b: {  	v2 =	vld [tilespmem:$0x1FBB0];
	v21 =	vadd.f32 v11, v21  }
0x31c: {  	v19 =	vmul.f32 v19, v25;
	v5 =	vadd.f32 v60, v5;
	v60 =	vld [tilespmem:$0x1F7F0];
	v6 =	vadd.f32 v62, v6  }
0x31d: {  	v7 =	vadd.f32 v18, v7;
	v11 =	vnsel vm1, $0x0, v22;
	vm1 =	vnez.u8 v9;
	v9 =	vld [tilespmem:$0x1F920]  }
0x31e: {  	v6 =	vadd.f32 v59, v6;
	v59 =	vld [tilespmem:$0x1F7E0]  }
0x31f: {  	v19 =	vadd.f32 $-4.998385910e-01, v19;
	v1 =	vld [tilespmem:$0x1FBA0];
	v7 =	vadd.f32 v58, v7  }
0x320: {  	v6 =	vadd.f32 v56, v6;
	v56 =	vld [tilespmem:$0x1F7D0]  }
0x321: {  	v3 =	vsel vm0, $0x3F800000, v0;
	v19 =	vmul.f32 v19, v25;
	v7 =	vadd.f32 v55, v7;
	v55 =	vld [tilespmem:$0x1F7C0]  }
0x322: {  	vm2 =	vnez.u8 v2;
	v17 =	vnsel vm1, $0x0, v22;
	vm1 =	vnez.u8 v9;
	v9 =	vld [tilespmem:$0x1F930]  }
0x323: {  	v4 =	vsel vm14, $0x3F800000, v0;
	v2 =	vsel vm2, $0x3F800000, v0;
	v19 =	vadd.f32 $9.999942770e-01, v19;
	v18 =	vld [tilespmem:$0x1F940]  }
0x324: {  	v13 =	vsel vm13, $0x3F800000, v0;
	v5 =	vadd.f32 v53, v5;
	vm5 =	vnez.u8 v1  }
0x325: {  	v4 =	vadd.f32 v4, v60;
	v3 =	vadd.f32 v3, v59;
	v1 =	vsel vm5, $0x3F800000, v0  }
0x326: {  	v15 =	vsel vm11, $0x3F800000, v0;
	v2 =	vadd.f32 v2, v56;
	v1 =	vadd.f32 v1, v55  }
0x327: {  	v8 =	vadd.f32 v16, v8;
	v16 =	vnsel vm1, $0x0, v22;
	vm1 =	vnez.u8 v9  }
0x328: {  	v1 =	vadd.f32 v57, v1;
	v9 =	vnsel vm1, $0x0, v22;
	vm1 =	vnez.u8 v18;
	v18 =	vld [tilespmem:$0x1F950]  }
0x329: {  	v10 =	vsel vm4, $0x3F800000, v0;
	v4 =	vadd.f32 v15, v4;
	v3 =	vadd.f32 v13, v3  }
0x32a: {  	v2 =	vadd.f32 v10, v2;
	v1 =	vadd.f32 v50, v1  }
0x32b: {  	v4 =	vadd.f32 v51, v4;
	v3 =	vadd.f32 v52, v3  }
0x32c: {  	v2 =	vadd.f32 v49, v2;
	v1 =	vadd.f32 v43, v1  }
0x32d: {  	v3 =	vadd.f32 v41, v3;
	v24 =	vnsel vm1, $0x0, v22;
	vm1 =	vnez.u8 v18;
	v18 =	vld [tilespmem:$0x1F960]  }
0x32e: {  	v2 =	vadd.f32 v42, v2;
	v1 =	vadd.f32 v36, v1  }
0x32f: {  	v5 =	vadd.f32 v47, v5;
	v4 =	vadd.f32 v44, v4  }
0x330: {  	[tilespmem:$0x1F7C0] =	vst v1;
	v1 =	vadd.f32 v37, v2;
	v2 =	vadd.f32 v35, v3  }
0x331: {  	v47 =	vadd.f32 v48, v6;
	v48 =	vld [tilespmem:$0x1F9C0];
	v8 =	vadd.f32 v61, v8  }
0x332: {  	[tilespmem:$0x1F7E0] =	vst v2;
	v2 =	vadd.f32 v34, v4;
	v26 =	vnsel vm1, $0x0, v22;
	vm1 =	vnez.u8 v18;
	v18 =	vld [tilespmem:$0x1F9B0]  }
0x333: {  	v19 =	vmul.f32 v19, v25;
	v58 =	vld [tilespmem:$0x1F9D0]  }
0x334: {  	v8 =	vadd.f32 v54, v8;
	[tilespmem:$0x1F7F0] =	vst v2;
	v2 =	vld [tilespmem:$0x1F800]  }
0x335: {  	v19 =	vadd.f32 $3.380091940e-08, v19;
	v61 =	vld [tilespmem:$0x1F9E0]  }
0x336: {  	v54 =	vadd.f32 v45, v8;
	v8 =	vld [tilespmem:$0x1F9F0]  }
0x337: {  	v25 =	vadd.f32 v19, v33;
	v10 =	vld [tilespmem:$0x1FA00];
	v33 =	vnsel vm1, $0x0, v21;
	vm1 =	vnez.u8 v18  }
0x338: {  	v28 =	vsel vm12, $0x3F800000, v0;
	v38 =	vnsel vm1, $0x0, v21;
	vm1 =	vnez.u8 v48  }
0x339: {  	[tilespmem:$0x1F780] =	vst v5;
	v2 =	vadd.f32 v28, v2;
	v28 =	vld [tilespmem:$0x1F820];
	v5 =	vnsel vm1, $0x0, v21;
	vm1 =	vnez.u8 v58  }
0x33a: {  	v6 =	vnsel vm1, $0x0, v21;
	vm1 =	vnez.u8 v61  }
0x33b: {  	v53 =	vadd.f32 v46, v7;
	v7 =	vnsel vm1, $0x0, v21;
	vm1 =	vnez.u8 v8  }
0x33c: {  	v8 =	vnsel vm1, $0x0, v21;
	vm1 =	vnez.u8 v10;
	v10 =	vld [tilespmem:$0x1FA10]  }
0x33d: {  	[tilespmem:$0x1F7D0] =	vst v1;
	v1 =	vnsel vm9, $0x0, v27  }
0x33e: {  	v1 =	vadd.f32 v1, v28;
	v28 =	vld [tilespmem:$0x1F830];
	_ =	sdelay $0x1  }
0x33f: {  	v62 =	vld [tilespmem:$0x1FA50]  }
0x340: {  	v2 =	vadd.f32 v12, v2;
	v18 =	vnsel vm1, $0x0, v21;
	vm1 =	vnez.u8 v10;
	v10 =	vld [tilespmem:$0x1FA40]  }
0x341: {  	v42 =	vnsel vm7, $0x0, v27;
	v43 =	vld [tilespmem:$0x1FAD0]  }
0x342: {  	v2 =	vadd.f32 v39, v2;
	v4 =	vadd.f32 v42, v28;
	v28 =	vld [tilespmem:$0x1FAC0]  }
0x343: {  	v3 =	vld [tilespmem:$0x1F810]  }
0x344: {  	v2 =	vadd.f32 v31, v2;
	v31 =	vld [tilespmem:$0x1F980]  }
0x345: {  	v19 =	vnsel vm1, $0x0, v21;
	vm1 =	vnez.u8 v10  }
0x346: {  	v10 =	vnsel vm1, $0x0, v23;
	vm1 =	vnez.u8 v62  }
0x347: {  	v29 =	vsel vm10, $0x3F800000, v0;
	v13 =	vnsel vm1, $0x0, v23;
	vm1 =	vnez.u8 v28  }
0x348: {  	v14 =	vsel vm6, $0x3F800000, v0;
	v3 =	vadd.f32 v29, v3;
	v28 =	vnsel vm1, $0x0, v25  }
0x349: {  	v2 =	vadd.f32 v31, v2;
	vm1 =	vnez.u8 v43;
	v1 =	vadd.f32 v28, v1  }
0x34a: {  	v3 =	vadd.f32 v14, v3;
	v12 =	vnsel vm1, $0x0, v25  }
0x34b: {  	[tilespmem:$0x1F800] =	vst v2;
	v2 =	vld [tilespmem:$0x1F9A0];
	v4 =	vadd.f32 v12, v4;
	v1 =	vadd.f32 v10, v1  }
0x34c: {  	v3 =	vadd.f32 v40, v3  }
0x34d: {  	v4 =	vadd.f32 v13, v4;
	v1 =	vadd.f32 v33, v1  }
0x34e: {  	v63 =	vld [tilespmem:$0x1FA60];
	v3 =	vadd.f32 v32, v3  }
0x34f: {  	v49 =	vld [tilespmem:$0x1F890];
	v4 =	vadd.f32 v38, v4;
	v1 =	vadd.f32 v20, v1  }
0x350: {  	v2 =	vadd.f32 v2, v3;
	v3 =	vld [tilespmem:$0x1F860]  }
0x351: {  	v28 =	vld [tilespmem:$0x1FAF0];
	[tilespmem:$0x1F820] =	vst v1;
	v1 =	vadd.f32 v30, v4  }
0x352: {  	v10 =	vld [tilespmem:$0x1FB00]  }
0x353: {  	[tilespmem:$0x1F830] =	vst v1;
	v1 =	vld [tilespmem:$0x1F850];
	_ =	sdelay $0x1  }
0x354: {  	v15 =	vnsel vm15, $0x0, v23;
	vm15 =	vnez.u8 v63;
	[tilespmem:$0x1F790] =	vst v47;
	v47 =	vnsel vm2, $0x0, v27;
	v45 =	vld [tilespmem:$0x1FA80]  }
0x355: {  	v46 =	vnsel vm3, $0x0, v27;
	v29 =	vnsel vm8, $0x0, v27;
	vm1 =	vnez.u8 v28  }
0x356: {  	v3 =	vadd.f32 v29, v3;
	v28 =	vnsel vm1, $0x0, v25;
	vm1 =	vnez.u8 v10  }
0x357: {  	v10 =	vnsel vm1, $0x0, v25;
	v4 =	vadd.f32 v47, v49;
	v1 =	vadd.f32 v46, v1  }
0x358: {  	v41 =	vnsel vm15, $0x0, v23;
	v3 =	vadd.f32 v10, v3;
	v10 =	vnsel vm4, $0x0, v25  }
0x359: {  	vm15 =	vnez.u8 v45;
	v4 =	vadd.f32 v10, v4;
	v1 =	vadd.f32 v28, v1  }
0x35a: {  	v14 =	vnsel vm15, $0x0, v23  }
0x35b: {  	v4 =	vadd.f32 v14, v4;
	v1 =	vadd.f32 v15, v1  }
0x35c: {  	v3 =	vadd.f32 v41, v3  }
0x35d: {  	v4 =	vadd.f32 v8, v4;
	v8 =	vld [tilespmem:$0x1F8C0];
	v1 =	vadd.f32 v5, v1;
	_ =	sdelay $0x1  }
0x35e: {  	v3 =	vadd.f32 v6, v3;
	v1 =	vadd.f32 v11, v1  }
0x35f: {  	v50 =	vld [tilespmem:$0x1FB10]  }
0x360: {  	v48 =	vld [tilespmem:$0x1F880];
	[tilespmem:$0x1F850] =	vst v1;
	v1 =	vadd.f32 v17, v3;
	v3 =	vnsel vm12, $0x0, v27  }
0x361: {  	v3 =	vadd.f32 v3, v8;
	v8 =	vld [tilespmem:$0x1F8D0]  }
0x362: {  	v44 =	vld [tilespmem:$0x1FA70];
	_ =	sdelay $0x1  }
0x363: {  	[tilespmem:$0x1F810] =	vst v2;
	v2 =	vnsel vm5, $0x0, v27  }
0x364: {  	v57 =	vnsel vm10, $0x0, v27;
	v2 =	vadd.f32 v2, v48;
	vm1 =	vnez.u8 v50  }
0x365: {  	v13 =	vnsel vm1, $0x0, v25;
	v6 =	vadd.f32 v57, v8;
	v8 =	vld [tilespmem:$0x1FB50]  }
0x366: {  	vm7 =	vnez.u8 v44;
	v2 =	vadd.f32 v13, v2  }
0x367: {  	v12 =	vnsel vm7, $0x0, v23  }
0x368: {  	v2 =	vadd.f32 v12, v2  }
0x369: {  	v55 =	vld [tilespmem:$0x1F8A0]  }
0x36a: {  	[tilespmem:$0x1F7A0] =	vst v53;
	v53 =	vnsel vm0, $0x0, v27;
	v2 =	vadd.f32 v7, v2;
	vm0 =	vnez.u8 v8  }
0x36b: {  	v10 =	vld [tilespmem:$0x1FA90];
	v8 =	vnsel vm0, $0x0, v25  }
0x36c: {  	v2 =	vadd.f32 v16, v2;
	v3 =	vadd.f32 v8, v3;
	v8 =	vld [tilespmem:$0x1FAB0]  }
0x36d: {  	s25 =	sshra.s32 s24, $0x2  }
0x36e: {  	v60 =	vld [tilespmem:s25+$0xC010];
	[tilespmem:$0x1F880] =	vst v2;
	v2 =	vadd.f32 v9, v4;
	v4 =	vadd.f32 v53, v55  }
0x36f: {  	v51 =	vld [tilespmem:$0x1FAA0];
	v15 =	vnsel vm13, $0x0, v25  }
0x370: {  	v56 =	vld [tilespmem:$0x1F8B0];
	vm1 =	vnez.u8 v10;
	v4 =	vadd.f32 v15, v4  }
0x371: {  	v62 =	vld [tilespmem:s25+$0x4000];
	v10 =	vnsel vm1, $0x0, v23;
	vm0 =	vnez.u8 v8  }
0x372: {  	v4 =	vadd.f32 v10, v4;
	v10 =	vld [tilespmem:$0x1FAE0];
	v8 =	vnsel vm0, $0x0, v23  }
0x373: {  	v3 =	vadd.f32 v8, v3;
	v8 =	vld [tilespmem:$0x1FA20]  }
0x374: {  	v59 =	vld [tilespmem:s25+$0xC020];
	[tilespmem:$0x1F7B0] =	vst v54;
	v54 =	vnsel vm14, $0x0, v27  }
0x375: {  	v52 =	vnsel vm11, $0x0, v25;
	v15 =	vld [tilespmem:s25+$0xC000];
	v5 =	vadd.f32 v54, v56  }
0x376: {  	v58 =	vld [tilespmem:s25+$0xC030];
	v35 =	vsub.f32 $0.0e+00, v62;
	vm1 =	vnez.u8 v51;
	v11 =	vnsel vm6, $0x0, v25  }
0x377: {  	v61 =	vld [tilespmem:$0x1FA30];
	v5 =	vadd.f32 v52, v5;
	v6 =	vadd.f32 v11, v6;
	vm0 =	vnez.u8 v10  }
0x378: {  	v13 =	vnsel vm1, $0x0, v23;
	v11 =	vld [tilespmem:s25+$0x4020];
	v10 =	vnsel vm0, $0x0, v23;
	vm0 =	vnez.u8 v8  }
0x379: {  	v5 =	vadd.f32 v13, v5;
	v6 =	vadd.f32 v10, v6;
	v10 =	vld [tilespmem:s25+$0x4010];
	v8 =	vnsel vm0, $0x0, v21  }
0x37a: {  	vm3 =	vgt.s32 v60, $0x0;
	vm4 =	vgt.s32 v15, $0x0;
	v3 =	vadd.f32 v8, v3;
	v8 =	vld [tilespmem:$0x1F970]  }
0x37b: {  	v32 =	vld [tilespmem:$0x1F990];
	v4 =	vadd.f32 v18, v4;
	v28 =	vsel vm4, v35, v62;
	v5 =	vadd.f32 v19, v5  }
0x37c: {  	vm2 =	vgt.s32 v58, $0x0;
	vm1 =	vgt.s32 v59, $0x0;
	[tilespmem:$0x1F890] =	vst v2;
	v2 =	vld [tilespmem:s25+$0x4040];
	v37 =	vmax.f32 v28, $-2.309999940e+00  }
0x37d: {  	v4 =	vadd.f32 v24, v4;
	[tilespmem:$0x1F860] =	vst v1;
	v1 =	vld [tilespmem:s25+$0xC040];
	v18 =	vmin.f32 v37, $2.309999940e+00;
	v63 =	vadd.f32 v26, v5  }
0x37e: {  	v15 =	vmul.f32 v18, v18;
	v34 =	vsub.f32 $0.0e+00, v11;
	vm0 =	vnez.u8 v61  }
0x37f: {  	v33 =	vsub.f32 $0.0e+00, v10;
	v14 =	vnsel vm0, $0x0, v21;
	vm0 =	vnez.u8 v8  }
0x380: {  	v9 =	vld [tilespmem:s25+$0x4030];
	v30 =	vsel vm1, v34, v11;
	v6 =	vadd.f32 v14, v6;
	v8 =	vnsel vm0, $0x0, v22  }
0x381: {  	v29 =	vsel vm3, v33, v10;
	vm0 =	vnez.u8 v32;
	v3 =	vadd.f32 v8, v3  }
0x382: {  	[tilespmem:$0x1F8A0] =	vst v4;
	v4 =	vnsel vm0, $0x0, v22;
	vm0 =	vgt.s32 v1, $0x0;
	v1 =	vsub.f32 $0.0e+00, v2  }
0x383: {  	v38 =	vmax.f32 v29, $-2.309999940e+00;
	v8 =	vand.u32 $0x7FFFFFFF, v30;
	[tilespmem:$0x1F8C0] =	vst v3;
	v3 =	vadd.f32 v4, v6  }
0x384: {  	v41 =	vand.u32 $0x7FFFFFFF, v29;
	v44 =	vsub.f32 $0.0e+00, v8;
	v1 =	vsel vm0, v1, v2  }
0x385: {  	v36 =	vmax.f32 v1, $-2.309999940e+00;
	v10 =	vand.u32 $0x7FFFFFFF, v1;
	[tilespmem:$0x1F8D0] =	vst v3;
	v3 =	vsub.f32 $0.0e+00, v9  }
0x386: {  	v5 =	vmul.f32 $1.442695020e+00, v44;
	v42 =	vmin.f32 v36, $2.309999940e+00;
	v43 =	vsub.f32 $0.0e+00, v10  }
0x387: {  	v10 =	vsub.f32 $0.0e+00, v41;
	v8 =	vmul.f32 v42, v42;
	v2 =	vsel vm2, v3, v9  }
0x388: {  	v4 =	vmul.f32 $1.442695020e+00, v43;
	v3 =	vmax.f32 v2, $-2.309999940e+00;
	v9 =	vand.u32 $0x7FFFFFFF, v2  }
0x389: {  	v10 =	vmul.f32 $1.442695020e+00, v10;
	v11 =	vmin.f32 v3, $2.309999940e+00;
	v3 =	vsub.f32 $0.0e+00, v9  }
0x38a: {  	v16 =	vmin.f32 v38, $2.309999940e+00;
	v49 =	vmul.f32 $5.252613850e-06, v8;
	v45 =	vmul.f32 v11, v11  }
0x38b: {  	v9 =	vmul.f32 v16, v16;
	v3 =	vmul.f32 $1.442695020e+00, v3  }
0x38c: {  	v39 =	vmax.f32 v30, $-2.309999940e+00;
	(erf) = vpow2.f32 v4;
	v20 =	vmul.f32 $5.252613850e-06, v45  }
0x38d: {  	v7 =	vsub.f32 $1.385406210e-04, v49;
	v51 =	vmul.f32 $5.252613850e-06, v9;
	(erf) = vpow2.f32 v3  }
0x38e: {  	v3 =	vmul.f32 $5.252613850e-06, v15;
	(erf) = vpow2.f32 v5;
	v52 =	vsub.f32 $1.385406210e-04, v20  }
0x38f: {  	v31 =	vmin.f32 v39, $2.309999940e+00;
	v7 =	vmul.f32 v7, v8;
	(erf) = vpow2.f32 v10  }
0x390: {  	v10 =	vsub.f32 $1.385406210e-04, v51;
	v3 =	vsub.f32 $1.385406210e-04, v3;
	v5 =	vmul.f32 v52, v45  }
0x391: {  	v47 =	vmul.f32 v31, v31;
	v7 =	vadd.f32 $-1.915045900e-03, v7  }
0x392: {  	v54 =	vmul.f32 v10, v9;
	v3 =	vmul.f32 v3, v15;
	v5 =	vadd.f32 $-1.915045900e-03, v5  }
0x393: {  	v21 =	vmul.f32 $5.252613850e-06, v47;
	v22 =	vmax.f32 v1, $0.0e+00;
	v55 =	vmul.f32 v7, v8  }
0x394: {  	v4 =	vadd.f32 $-1.915045900e-03, v54;
	v1 =	vadd.f32 $-1.915045900e-03, v3;
	v3 =	vmul.f32 v5, v45  }
0x395: {  	v53 =	vsub.f32 $1.385406210e-04, v21;
	v21 =	vmax.f32 v2, $0.0e+00;
	v26 =	vpop (erf)  }
0x396: {  	v4 =	vmul.f32 v4, v9;
	v24 =	vpop (erf);
	v2 =	vadd.f32 $2.057566680e-02, v3;
	v3 =	vadd.f32 $2.057566680e-02, v55  }
0x397: {  	v23 =	vpop (erf)  }
0x398: {  	v4 =	vadd.f32 $2.057566680e-02, v4;
	v60 =	vmul.f32 $6.151544860e-03, v23;
	v3 =	vmul.f32 v3, v8;
	_ =	sdelay $0x1  }
0x399: {  	v4 =	vmul.f32 v4, v9;
	v14 =	vsub.f32 $3.485012800e-02, v60;
	v3 =	vadd.f32 $-2.081817090e-01, v3;
	_ =	sdelay $0x1  }
0x39a: {  	v4 =	vadd.f32 $-2.081817090e-01, v4;
	v14 =	vmul.f32 v14, v23;
	v3 =	vmul.f32 v3, v8  }
0x39b: {  	v2 =	vmul.f32 v2, v45  }
0x39c: {  	v4 =	vmul.f32 v4, v9;
	v9 =	vadd.f32 $-9.325294200e-02, v14;
	v3 =	vadd.f32 $2.499974250e+00, v3  }
0x39d: {  	v10 =	vmul.f32 v53, v47;
	v2 =	vadd.f32 $-2.081817090e-01, v2  }
0x39e: {  	v9 =	vmul.f32 v9, v23;
	v3 =	vmul.f32 v3, v42  }
0x39f: {  	v46 =	vld [tilespmem:s25+$0x14040];
	v10 =	vadd.f32 $-1.915045900e-03, v10;
	v2 =	vmul.f32 v2, v45  }
0x3a0: {  	v9 =	vadd.f32 $1.658237580e-01, v9;
	v3 =	vadd.f32 $5.000000000e+00, v3  }
0x3a1: {  	v56 =	vmul.f32 v10, v47;
	v2 =	vadd.f32 $2.499974250e+00, v2  }
0x3a2: {  	v9 =	vmul.f32 v9, v23;
	v3 =	vtrunc.f32 v3  }
0x3a3: {  	v57 =	vadd.f32 $2.057566680e-02, v56;
	v2 =	vmul.f32 v2, v11;
	v3 =	vcvt.f32.s32 v3  }
0x3a4: {  	v48 =	vld [tilespmem:s25+$0x14030];
	vm0 =	vgt.s32 v46, $0x0;
	v9 =	vadd.f32 $-2.398267840e-01, v9  }
0x3a5: {  	v5 =	vmul.f32 v57, v47;
	v2 =	vadd.f32 $5.000000000e+00, v2;
	v3 =	vnsel vm0, $0xC, v3  }
0x3a6: {  	[tilespmem:$0x1F8B0] =	vst v63;
	v63 =	vmul.f32 v9, v23;
	vm0 =	veq.s32 v3, $0x0;
	v9 =	vimm.s32 $0x0  }
0x3a7: {  	v5 =	vadd.f32 $-2.081817090e-01, v5;
	v2 =	vtrunc.f32 v2;
	v9 =	vsel vm0, $0xFFFFFFFF, v9  }
0x3a8: {  	v2 =	vcvt.f32.s32 v2;
	vm0 =	veq.s32 v3, $0x2;
	[tilespmem:$0x1F8E0] =	vst v9;
	v9 =	vimm.s32 $0x0  }
0x3a9: {  	vm2 =	vgt.s32 v48, $0x0;
	v5 =	vmul.f32 v5, v47;
	v9 =	vsel vm0, $0xFFFFFFFF, v9  }
0x3aa: {  	v2 =	vnsel vm2, $0xC, v2;
	vm0 =	veq.s32 v3, $0x5;
	[tilespmem:$0x1F900] =	vst v9;
	v9 =	vimm.s32 $0x0  }
0x3ab: {  	vm15 =	veq.s32 v3, $0x1;
	vm9 =	veq.s32 v3, $0x3;
	v9 =	vsel vm0, $0xFFFFFFFF, v9  }
0x3ac: {  	vm8 =	veq.s32 v3, $0x4;
	vm0 =	veq.s32 v3, $0x8;
	[tilespmem:$0x1F930] =	vst v9;
	v9 =	vimm.s32 $0x0  }
0x3ad: {  	vm5 =	veq.s32 v3, $0x6;
	vm11 =	veq.s32 v3, $0x7;
	v9 =	vsel vm0, $0xFFFFFFFF, v9  }
0x3ae: {  	vm2 =	veq.s32 v3, $0x9;
	vm0 =	veq.s32 v2, $0x1;
	[tilespmem:$0x1F970] =	vst v9;
	v9 =	vimm.s32 $0x0  }
0x3af: {  	v3 =	vimm.s32 $0x0;
	v9 =	vsel vm0, $0xFFFFFFFF, v9;
	vm0 =	veq.s32 v2, $0x2  }
0x3b0: {  	v3 =	vsel vm0, $0xFFFFFFFF, v3  }
0x3b1: {  	v5 =	vadd.f32 $2.499974250e+00, v5;
	vm0 =	veq.s32 v2, $0x3;
	[tilespmem:$0x1F9C0] =	vst v3;
	v3 =	vimm.s32 $0x0  }
0x3b2: {  	v4 =	vadd.f32 $2.499974250e+00, v4;
	v3 =	vsel vm0, $0xFFFFFFFF, v3  }
0x3b3: {  	v17 =	vld [tilespmem:s25+$0x14020];
	v5 =	vmul.f32 v5, v31;
	vm0 =	veq.s32 v2, $0x4;
	[tilespmem:$0x1F9D0] =	vst v3;
	v3 =	vimm.s32 $0x0  }
0x3b4: {  	v4 =	vmul.f32 v4, v16;
	v3 =	vsel vm0, $0xFFFFFFFF, v3  }
0x3b5: {  	v5 =	vadd.f32 $5.000000000e+00, v5;
	vm0 =	veq.s32 v2, $0x5;
	[tilespmem:$0x1F9E0] =	vst v3;
	v3 =	vimm.s32 $0x0  }
0x3b6: {  	v19 =	vld [tilespmem:s25+$0x14010];
	v4 =	vadd.f32 $5.000000000e+00, v4;
	v3 =	vsel vm0, $0xFFFFFFFF, v3  }
0x3b7: {  	v5 =	vtrunc.f32 v5;
	vm0 =	veq.s32 v2, $0x6;
	[tilespmem:$0x1F9F0] =	vst v3;
	v3 =	vimm.s32 $0x0  }
0x3b8: {  	vm1 =	vgt.s32 v17, $0x0;
	v5 =	vcvt.f32.s32 v5;
	v3 =	vsel vm0, $0xFFFFFFFF, v3  }
0x3b9: {  	v4 =	vtrunc.f32 v4;
	vm0 =	veq.s32 v2, $0x7;
	[tilespmem:$0x1FA00] =	vst v3;
	v3 =	vimm.s32 $0x0  }
0x3ba: {  	v4 =	vcvt.f32.s32 v4;
	v5 =	vnsel vm1, $0xC, v5;
	v3 =	vsel vm0, $0xFFFFFFFF, v3  }
0x3bb: {  	vm3 =	vgt.s32 v19, $0x0;
	vm0 =	veq.s32 v5, $0x0;
	[tilespmem:$0x1FA10] =	vst v3;
	v3 =	vimm.s32 $0x0  }
0x3bc: {  	v4 =	vnsel vm3, $0xC, v4;
	v3 =	vsel vm0, $0xFFFFFFFF, v3  }
0x3bd: {  	vm3 =	veq.s32 v2, $0x0;
	vm0 =	veq.s32 v2, $0x8;
	[tilespmem:$0x1FA40] =	vst v3;
	v3 =	vimm.s32 $0x0  }
0x3be: {  	v3 =	vsel vm0, $0xFFFFFFFF, v3;
	vm0 =	veq.s32 v2, $0x9;
	v2 =	vimm.s32 $0x0  }
0x3bf: {  	v2 =	vsel vm0, $0xFFFFFFFF, v2  }
0x3c0: {  	vm0 =	veq.s32 v5, $0x1;
	[tilespmem:$0x1FA30] =	vst v2;
	v2 =	vimm.s32 $0x0  }
0x3c1: {  	v2 =	vsel vm0, $0xFFFFFFFF, v2  }
0x3c2: {  	vm0 =	veq.s32 v5, $0x2;
	[tilespmem:$0x1FA50] =	vst v2;
	v2 =	vimm.s32 $0x0  }
0x3c3: {  	v2 =	vsel vm0, $0xFFFFFFFF, v2  }
0x3c4: {  	vm0 =	veq.s32 v5, $0x3;
	[tilespmem:$0x1F770] =	vst v2;
	v2 =	vimm.s32 $0x0  }
0x3c5: {  	v2 =	vsel vm0, $0xFFFFFFFF, v2  }
0x3c6: {  	vm0 =	veq.s32 v5, $0x4;
	[tilespmem:$0x1FA60] =	vst v2;
	v2 =	vimm.s32 $0x0  }
0x3c7: {  	v2 =	vsel vm0, $0xFFFFFFFF, v2  }
0x3c8: {  	v1 =	vmul.f32 v1, v15;
	vm0 =	veq.s32 v5, $0x6;
	[tilespmem:$0x1FA70] =	vst v2;
	v2 =	vimm.s32 $0x0  }
0x3c9: {  	v2 =	vsel vm0, $0xFFFFFFFF, v2  }
0x3ca: {  	v1 =	vadd.f32 $2.057566680e-02, v1;
	vm0 =	veq.s32 v5, $0x7;
	[tilespmem:$0x1FA90] =	vst v2;
	v2 =	vimm.s32 $0x0  }
0x3cb: {  	v2 =	vsel vm0, $0xFFFFFFFF, v2  }
0x3cc: {  	v1 =	vmul.f32 v1, v15;
	vm0 =	veq.s32 v5, $0x8;
	[tilespmem:$0x1FAA0] =	vst v2;
	v2 =	vimm.s32 $0x0  }
0x3cd: {  	v2 =	vsel vm0, $0xFFFFFFFF, v2  }
0x3ce: {  	v1 =	vadd.f32 $-2.081817090e-01, v1;
	vm0 =	veq.s32 v5, $0x9;
	[tilespmem:$0x1FAB0] =	vst v2;
	v2 =	vimm.s32 $0x0  }
0x3cf: {  	v2 =	vsel vm0, $0xFFFFFFFF, v2  }
0x3d0: {  	v1 =	vmul.f32 v1, v15;
	vm0 =	veq.s32 v4, $0x2;
	[tilespmem:$0x1FAE0] =	vst v2;
	v2 =	vimm.s32 $0x0  }
0x3d1: {  	v2 =	vsel vm0, $0xFFFFFFFF, v2  }
0x3d2: {  	v1 =	vadd.f32 $2.499974250e+00, v1;
	vm0 =	veq.s32 v4, $0x4;
	[tilespmem:$0x1FAF0] =	vst v2;
	v2 =	vimm.s32 $0x0  }
0x3d3: {  	v2 =	vsel vm0, $0xFFFFFFFF, v2  }
0x3d4: {  	v1 =	vmul.f32 v1, v18;
	vm0 =	veq.s32 v4, $0x5;
	[tilespmem:$0x1FB10] =	vst v2;
	v2 =	vimm.s32 $0x0  }
0x3d5: {  	v50 =	vld [tilespmem:s25+$0x14000];
	v2 =	vsel vm0, $0xFFFFFFFF, v2  }
0x3d6: {  	v1 =	vadd.f32 $5.000000000e+00, v1;
	vm0 =	veq.s32 v4, $0x6;
	[tilespmem:$0x1FB20] =	vst v2;
	v2 =	vimm.s32 $0x0  }
0x3d7: {  	v2 =	vsel vm0, $0xFFFFFFFF, v2  }
0x3d8: {  	v1 =	vtrunc.f32 v1;
	vm0 =	veq.s32 v4, $0x7;
	[tilespmem:$0x1FB30] =	vst v2;
	v2 =	vimm.s32 $0x0  }
0x3d9: {  	v1 =	vcvt.f32.s32 v1;
	v2 =	vsel vm0, $0xFFFFFFFF, v2  }
0x3da: {  	vm4 =	vgt.s32 v50, $0x0;
	vm0 =	veq.s32 v4, $0x8;
	[tilespmem:$0x1FB40] =	vst v2;
	v2 =	vimm.s32 $0x0  }
0x3db: {  	v1 =	vnsel vm4, $0xC, v1;
	v2 =	vsel vm0, $0xFFFFFFFF, v2  }
0x3dc: {  	vm0 =	veq.s32 v1, $0x0;
	[tilespmem:$0x1FB50] =	vst v2;
	v2 =	vimm.s32 $0x0  }
0x3dd: {  	v2 =	vsel vm0, $0xFFFFFFFF, v2  }
0x3de: {  	vm0 =	veq.s32 v1, $0x1;
	[tilespmem:$0x1FB60] =	vst v2;
	v2 =	vimm.s32 $0x0  }
0x3df: {  	v2 =	vsel vm0, $0xFFFFFFFF, v2  }
0x3e0: {  	vm0 =	veq.s32 v1, $0x2;
	[tilespmem:$0x1FB70] =	vst v2;
	v2 =	vimm.s32 $0x0  }
0x3e1: {  	v2 =	vsel vm0, $0xFFFFFFFF, v2  }
0x3e2: {  	vm0 =	veq.s32 v1, $0x3;
	[tilespmem:$0x1FB80] =	vst v2;
	v2 =	vimm.s32 $0x0  }
0x3e3: {  	v2 =	vsel vm0, $0xFFFFFFFF, v2  }
0x3e4: {  	vm0 =	veq.s32 v1, $0x4;
	[tilespmem:$0x1FB90] =	vst v2;
	v2 =	vimm.s32 $0x0  }
0x3e5: {  	vm14 =	veq.s32 v1, $0x7;
	vm12 =	veq.s32 v1, $0x8;
	v2 =	vsel vm0, $0xFFFFFFFF, v2  }
0x3e6: {  	vm10 =	veq.s32 v1, $0x9;
	vm0 =	veq.s32 v1, $0x5;
	[tilespmem:$0x1FBA0] =	vst v2;
	v2 =	vimm.s32 $0x0  }
0x3e7: {  	v2 =	vsel vm0, $0xFFFFFFFF, v2;
	vm0 =	veq.s32 v1, $0x6;
	v1 =	vimm.s32 $0x0  }
0x3e8: {  	v1 =	vsel vm10, $0xFFFFFFFF, v1  }
0x3e9: {  	[tilespmem:$0x1FBC0] =	vst v1;
	v1 =	vld [tilespmem:$0x1F8E0];
	_ =	sdelay $0x4  }
0x3ea: {  	vm10 =	vnez.u8 v1;
	v1 =	vimm.s32 $0x0  }
0x3eb: {  	v1 =	vsel vm15, $0xFFFFFFFF, v1  }
0x3ec: {  	[tilespmem:$0x1F8F0] =	vst v1;
	v1 =	vld [tilespmem:$0x1F900];
	_ =	sdelay $0x4  }
0x3ed: {  	v47 =	vsel vm10, $0x3F800000, v0;
	vm10 =	vnez.u8 v1;
	v1 =	vimm.s32 $0x0  }
0x3ee: {  	v1 =	vsel vm9, $0xFFFFFFFF, v1  }
0x3ef: {  	[tilespmem:$0x1F910] =	vst v1;
	v1 =	vimm.s32 $0x0  }
0x3f0: {  	v1 =	vsel vm8, $0xFFFFFFFF, v1  }
0x3f1: {  	[tilespmem:$0x1F920] =	vst v1;
	v1 =	vld [tilespmem:$0x1F930];
	_ =	sdelay $0x4  }
0x3f2: {  	v36 =	vsel vm8, $0x3F800000, v0;
	vm8 =	vnez.u8 v1;
	v1 =	vimm.s32 $0x0  }
0x3f3: {  	v1 =	vsel vm5, $0xFFFFFFFF, v1  }
0x3f4: {  	[tilespmem:$0x1F940] =	vst v1;
	v1 =	vimm.s32 $0x0  }
0x3f5: {  	v1 =	vsel vm11, $0xFFFFFFFF, v1  }
0x3f6: {  	[tilespmem:$0x1F950] =	vst v1;
	v1 =	vimm.s32 $0x0  }
0x3f7: {  	v1 =	vsel vm3, $0xFFFFFFFF, v1  }
0x3f8: {  	[tilespmem:$0x1F960] =	vst v1;
	v1 =	vld [tilespmem:$0x1F970];
	_ =	sdelay $0x4  }
0x3f9: {  	v53 =	vsel vm3, $0x3F800000, v0;
	vm3 =	vnez.u8 v1  }
0x3fa: {  	[tilespmem:$0x1FA20] =	vst v3;
	v1 =	vsel vm3, $0x3F800000, v0  }
0x3fb: {  	[tilespmem:$0x1F980] =	vst v1;
	v1 =	vld [tilespmem:$0x1FA20];
	_ =	sdelay $0x4  }
0x3fc: {  	vm3 =	vnez.u8 v1;
	v1 =	vld [tilespmem:$0x1FB10];
	_ =	sdelay $0x4  }
0x3fd: {  	v48 =	vsel vm15, $0x3F800000, v0;
	vm15 =	vnez.u8 v1;
	v1 =	vld [tilespmem:$0x1FA90];
	_ =	sdelay $0x4  }
0x3fe: {  	v34 =	vsel vm11, $0x3F800000, v0;
	vm11 =	vnez.u8 v1;
	v1 =	vld [tilespmem:$0x1FAB0];
	_ =	sdelay $0x4  }
0x3ff: {  	v35 =	vsel vm5, $0x3F800000, v0;
	vm5 =	vnez.u8 v1;
	v1 =	vimm.s32 $0x0  }
0x400: {  	v1 =	vsel vm2, $0xFFFFFFFF, v1  }
0x401: {  	[tilespmem:$0x1F990] =	vst v1;
	v1 =	vsel vm2, $0x3F800000, v0  }
0x402: {  	[tilespmem:$0x1F9A0] =	vst v1;
	v1 =	vld [tilespmem:$0x1FA30];
	_ =	sdelay $0x4  }
0x403: {  	vm2 =	vnez.u8 v1;
	v1 =	vld [tilespmem:$0x1FAA0];
	_ =	sdelay $0x4  }
0x404: {  	v45 =	vsel vm9, $0x3F800000, v0;
	vm9 =	vnez.u8 v1;
	v1 =	vld [tilespmem:$0x1FAE0];
	_ =	sdelay $0x3  }
0x405: {  	[tilespmem:$0x1F9B0] =	vst v9  }
0x406: {  	v37 =	vsel vm8, $0x3F800000, v0;
	vm8 =	vnez.u8 v1;
	v1 =	vld [tilespmem:$0x1F9B0];
	_ =	sdelay $0x4  }
0x407: {  	v46 =	vsel vm10, $0x3F800000, v0;
	vm10 =	vnez.u8 v1;
	v1 =	vld [tilespmem:$0x1F9C0];
	_ =	sdelay $0x4  }
0x408: {  	v56 =	vsel vm10, $0x3F800000, v0;
	vm10 =	vnez.u8 v1;
	v1 =	vld [tilespmem:$0x1F9D0];
	_ =	sdelay $0x4  }
0x409: {  	v55 =	vsel vm10, $0x3F800000, v0;
	vm10 =	vnez.u8 v1;
	v1 =	vld [tilespmem:$0x1F9E0];
	_ =	sdelay $0x4  }
0x40a: {  	v54 =	vsel vm10, $0x3F800000, v0;
	vm10 =	vnez.u8 v1;
	v1 =	vld [tilespmem:$0x1F9F0];
	_ =	sdelay $0x4  }
0x40b: {  	v43 =	vsel vm10, $0x3F800000, v0;
	vm10 =	vnez.u8 v1;
	v1 =	vld [tilespmem:$0x1FA00];
	_ =	sdelay $0x4  }
0x40c: {  	v42 =	vsel vm10, $0x3F800000, v0;
	vm10 =	vnez.u8 v1;
	v1 =	vld [tilespmem:$0x1FA10];
	_ =	sdelay $0x2  }
0x40d: {  	v40 =	vand.u32 $0x7FFFFFFF, v28  }
0x40e: {  	v12 =	vsub.f32 $0.0e+00, v40  }
0x40f: {  	v41 =	vsel vm10, $0x3F800000, v0;
	vm10 =	vnez.u8 v1;
	v1 =	vld [tilespmem:$0x1FA40]  }
0x410: {  	v12 =	vmul.f32 $1.442695020e+00, v12;
	_ =	sdelay $0x1  }
0x411: {  	(erf) = vpow2.f32 v12;
	_ =	sdelay $0x1  }
0x412: {  	v32 =	vsel vm2, $0x3F800000, v0;
	vm2 =	vnez.u8 v1;
	v1 =	vld [tilespmem:$0x1FA50];
	_ =	sdelay $0x2  }
0x413: {  	v10 =	vmul.f32 $6.151544860e-03, v26  }
0x414: {  	v58 =	vmul.f32 $6.151544860e-03, v24  }
0x415: {  	v10 =	vsub.f32 $3.485012800e-02, v10;
	v60 =	vsel vm2, $0x3F800000, v0;
	vm2 =	vnez.u8 v1;
	v1 =	vld [tilespmem:$0x1F770]  }
0x416: {  	v25 =	vpop (erf)  }
0x417: {  	v59 =	vmul.f32 $6.151544860e-03, v25;
	v27 =	vpop (erf);
	v7 =	vsub.f32 $3.485012800e-02, v58;
	v10 =	vmul.f32 v10, v26  }
0x418: {  	v17 =	vmul.f32 $6.151544860e-03, v27  }
0x419: {  	v12 =	vsub.f32 $3.485012800e-02, v59;
	v7 =	vmul.f32 v7, v24;
	v62 =	vadd.f32 $-9.325294200e-02, v10  }
0x41a: {  	v17 =	vsub.f32 $3.485012800e-02, v17;
	v59 =	vsel vm2, $0x3F800000, v0;
	vm2 =	vnez.u8 v1;
	v1 =	vld [tilespmem:$0x1FA60]  }
0x41b: {  	v12 =	vmul.f32 v12, v25  }
0x41c: {  	v61 =	vadd.f32 $-9.325294200e-02, v7;
	v7 =	vmul.f32 v62, v26;
	v17 =	vmul.f32 v17, v27  }
0x41d: {  	v8 =	vadd.f32 $-9.325294200e-02, v12  }
0x41e: {  	v6 =	vmul.f32 v61, v24;
	v7 =	vadd.f32 $1.658237580e-01, v7;
	v10 =	vadd.f32 $-9.325294200e-02, v17  }
0x41f: {  	v8 =	vmul.f32 v8, v25;
	v31 =	vsel vm3, $0x3F800000, v0;
	vm3 =	vnez.u8 v1;
	v1 =	vld [tilespmem:$0x1FA70]  }
0x420: {  	v33 =	vmax.f32 v29, $0.0e+00;
	v6 =	vadd.f32 $1.658237580e-01, v6;
	v7 =	vmul.f32 v7, v26  }
0x421: {  	v38 =	vmax.f32 v28, $0.0e+00;
	v10 =	vmul.f32 v10, v27;
	v8 =	vadd.f32 $1.658237580e-01, v8  }
0x422: {  	v30 =	vmax.f32 v30, $0.0e+00;
	v6 =	vmul.f32 v6, v24;
	v7 =	vadd.f32 $-2.398267840e-01, v7  }
0x423: {  	v10 =	vadd.f32 $1.658237580e-01, v10;
	v8 =	vmul.f32 v8, v25;
	vm13 =	veq.s32 v5, $0x5  }
0x424: {  	v61 =	vsel vm3, $0x3F800000, v0;
	vm3 =	vnez.u8 v1;
	v1 =	vimm.s32 $0x0  }
0x425: {  	v6 =	vadd.f32 $-2.398267840e-01, v6;
	v7 =	vmul.f32 v7, v26;
	v1 =	vsel vm13, $0xFFFFFFFF, v1  }
0x426: {  	v10 =	vmul.f32 v10, v27;
	vm7 =	veq.s32 v4, $0x0;
	[tilespmem:$0x1FA80] =	vst v1;
	v1 =	vimm.s32 $0x0  }
0x427: {  	v8 =	vadd.f32 $-2.398267840e-01, v8;
	v6 =	vmul.f32 v6, v24;
	v1 =	vsel vm7, $0xFFFFFFFF, v1  }
0x428: {  	v10 =	vadd.f32 $-2.398267840e-01, v10;
	vm1 =	veq.s32 v4, $0x1;
	[tilespmem:$0x1FAC0] =	vst v1;
	v1 =	vimm.s32 $0x0  }
0x429: {  	v8 =	vmul.f32 v8, v25;
	vm4 =	veq.s32 v4, $0x3;
	v1 =	vsel vm1, $0xFFFFFFFF, v1  }
0x42a: {  	vm6 =	veq.s32 v4, $0x9;
	v11 =	vadd.f32 $3.315488400e-01, v6;
	v10 =	vmul.f32 v10, v27;
	[tilespmem:$0x1FAD0] =	vst v1;
	v1 =	vld [tilespmem:$0x1FAF0]  }
0x42b: {  	v17 =	vadd.f32 $3.315488400e-01, v63;
	v49 =	vsel vm13, $0x3F800000, v0;
	v63 =	vsel vm7, $0x3F800000, v0  }
0x42c: {  	p0 =	sne.s32 s24, $0xFE00;
	v62 =	vsel vm1, $0x3F800000, v0;
	v16 =	vsel vm4, $0x3F800000, v0;
	v19 =	vadd.f32 $3.315488400e-01, v8  }
.Ltmp1:
0x42d: {  	v20 =	vadd.f32 $3.315488400e-01, v10;
	v9 =	vadd.f32 $3.315488400e-01, v7;
	v57 =	vsel vm15, $0x3F800000, v0;
	(pc) =	sbr.rel @p0 .LBB2_5-.Ltmp1, $4  }
0x42e: {  	v52 =	vsel vm11, $0x3F800000, v0;
	v39 =	vsel vm5, $0x3F800000, v0;
	v51 =	vsel vm9, $0x3F800000, v0  }
0x42f: {  	v40 =	vsel vm8, $0x3F800000, v0;
	vm1 =	vnez.u8 v1;
	v1 =	vimm.s32 $0x0  }
0x430: {  	[tilespmem:$0x1FBB0] =	vst v2;
	v44 =	vsel vm10, $0x3F800000, v0;
	v58 =	vsel vm2, $0x3F800000, v0;
	v1 =	vsel vm4, $0xFFFFFFFF, v1  }
0x431: {  	s24 =	sadd.s32 $0x200, s24;
	vm15 =	vmmov vm2;
	v50 =	vsel vm3, $0x3F800000, v0;
	v18 =	vsel vm1, $0x3F800000, v0;
	[tilespmem:$0x1FB00] =	vst v1  }
0x432: {  	v1 =	vmul.f32 v9, v26;
	_ =	sdelay $0x1  }
0x433: {  	v1 =	vadd.f32 $-4.998385910e-01, v1;
	_ =	sdelay $0x1  }
0x434: {  	v2 =	vmul.f32 v11, v24;
	v1 =	vmul.f32 v1, v26;
	_ =	sdelay $0x1  }
0x435: {  	v2 =	vadd.f32 $-4.998385910e-01, v2;
	v1 =	vadd.f32 $9.999942770e-01, v1;
	_ =	sdelay $0x1  }
0x436: {  	v2 =	vmul.f32 v2, v24;
	v1 =	vmul.f32 v1, v26;
	_ =	sdelay $0x1  }
0x437: {  	v3 =	vmul.f32 v17, v23;
	v2 =	vadd.f32 $9.999942770e-01, v2;
	v1 =	vadd.f32 $3.380091940e-08, v1  }
0x438: {  	v4 =	vmul.f32 v19, v25;
	v5 =	vmul.f32 v20, v27  }
0x439: {  	v2 =	vmul.f32 v2, v24;
	v22 =	vadd.f32 v1, v22;
	v1 =	vadd.f32 $-4.998385910e-01, v3  }
0x43a: {  	v7 =	vld [tilespmem:$0x1F900];
	v3 =	vadd.f32 $-4.998385910e-01, v4;
	v4 =	vadd.f32 $-4.998385910e-01, v5  }
0x43b: {  	v2 =	vadd.f32 $3.380091940e-08, v2  }
0x43c: {  	v3 =	vmul.f32 v3, v25;
	v4 =	vmul.f32 v4, v27  }
0x43d: {  	v24 =	vadd.f32 v2, v21;
	v2 =	vld [tilespmem:$0x1F940]  }
0x43e: {  	v3 =	vadd.f32 $9.999942770e-01, v3;
	v4 =	vadd.f32 $9.999942770e-01, v4  }
0x43f: {  	vm11 =	vnez.u8 v7;
	v1 =	vmul.f32 v1, v23  }
0x440: {  	v7 =	vnsel vm11, $0x0, v22;
	v3 =	vmul.f32 v3, v25;
	v4 =	vmul.f32 v4, v27  }
0x441: {  	[tilespmem:$0x1F760] =	vst v7;
	v7 =	vld [tilespmem:$0x1F910];
	v1 =	vadd.f32 $9.999942770e-01, v1  }
0x442: {  	vm7 =	vnez.u8 v2;
	v2 =	vadd.f32 $3.380091940e-08, v3;
	v3 =	vadd.f32 $3.380091940e-08, v4;
	v4 =	vld [tilespmem:$0x1F950];
	_ =	sdelay $0x1  }
0x443: {  	v1 =	vmul.f32 v1, v23;
	_ =	sdelay $0x1  }
0x444: {  	vm13 =	vnez.u8 v7;
	v7 =	vld [tilespmem:$0x1F920];
	v1 =	vadd.f32 $3.380091940e-08, v1  }
0x445: {  	vm8 =	vnez.u8 v4;
	v4 =	vld [tilespmem:$0x1F960]  }
0x446: {  	v9 =	vadd.f32 v1, v30;
	v1 =	vld [tilespmem:$0x1FB60];
	_ =	sdelay $0x1  }
0x447: {  	v30 =	vadd.f32 v2, v33;
	v2 =	vld [tilespmem:$0x1F780];
	_ =	sdelay $0x1  }
0x448: {  	vm4 =	vnez.u8 v7;
	v7 =	vld [tilespmem:$0x1F930];
	vm9 =	vnez.u8 v4  }
0x449: {  	v4 =	vnsel vm9, $0x0, v24;
	vm9 =	vnez.u8 v1  }
0x44a: {  	v1 =	vsel vm9, $0x3F800000, v0  }
0x44b: {  	v1 =	vadd.f32 v1, v2;
	v2 =	vld [tilespmem:$0x1FB70];
	_ =	sdelay $0x1  }
0x44c: {  	vm5 =	vnez.u8 v7;
	v7 =	vld [tilespmem:$0x1F790];
	_ =	sdelay $0x1  }
0x44d: {  	v6 =	vld [tilespmem:$0x1F8F0]  }
0x44e: {  	v21 =	vnsel vm7, $0x0, v22;
	v38 =	vadd.f32 v3, v38;
	v3 =	vld [tilespmem:$0x1FB80];
	vm7 =	vnez.u8 v2  }
0x44f: {  	v2 =	vsel vm7, $0x3F800000, v0  }
0x450: {  	v2 =	vadd.f32 v2, v7;
	v7 =	vld [tilespmem:$0x1F7A0];
	_ =	sdelay $0x1  }
0x451: {  	vm10 =	vnez.u8 v6  }
0x452: {  	v6 =	vnsel vm10, $0x0, v22;
	vm10 =	vnez.u8 v3  }
0x453: {  	v3 =	vsel vm10, $0x3F800000, v0  }
0x454: {  	v3 =	vadd.f32 v3, v7;
	v7 =	vld [tilespmem:$0x1FB90];
	_ =	sdelay $0x1  }
0x455: {  	v10 =	vld [tilespmem:$0x1F7B0];
	v1 =	vadd.f32 v63, v1;
	_ =	sdelay $0x1  }
0x456: {  	v1 =	vadd.f32 v60, v1;
	v3 =	vadd.f32 v18, v3  }
0x457: {  	v25 =	vnsel vm8, $0x0, v22;
	vm8 =	vnez.u8 v7  }
0x458: {  	v12 =	vld [tilespmem:$0x1F9E0];
	v1 =	vadd.f32 v53, v1;
	v3 =	vadd.f32 v58, v3;
	v7 =	vsel vm8, $0x3F800000, v0  }
0x459: {  	v2 =	vadd.f32 v62, v2;
	v7 =	vadd.f32 v7, v10  }
0x45a: {  	v53 =	vadd.f32 v47, v1;
	v1 =	vld [tilespmem:$0x1FBA0];
	v3 =	vadd.f32 v55, v3  }
0x45b: {  	v2 =	vadd.f32 v59, v2;
	v7 =	vadd.f32 v16, v7  }
0x45c: {  	v27 =	vnsel vm5, $0x0, v22;
	v46 =	vadd.f32 v46, v3;
	v3 =	vld [tilespmem:$0x1F7C0]  }
0x45d: {  	v17 =	vld [tilespmem:$0x1F7E0];
	vm5 =	vnez.u8 v12;
	v2 =	vadd.f32 v56, v2;
	v7 =	vadd.f32 v61, v7  }
0x45e: {  	v12 =	vnsel vm5, $0x0, v24  }
0x45f: {  	vm5 =	vnez.u8 v1;
	v47 =	vadd.f32 v48, v2;
	v2 =	vld [tilespmem:$0x1FBB0];
	v7 =	vadd.f32 v54, v7  }
0x460: {  	v1 =	vsel vm5, $0x3F800000, v0  }
0x461: {  	v1 =	vadd.f32 v1, v3;
	v3 =	vsel vm0, $0x3F800000, v0;
	v45 =	vadd.f32 v45, v7;
	v7 =	vld [tilespmem:$0x1F7D0]  }
0x462: {  	v3 =	vadd.f32 v3, v17;
	v17 =	vld [tilespmem:$0x1F7F0]  }
0x463: {  	v20 =	vld [tilespmem:$0x1F9C0]  }
0x464: {  	v15 =	vld [tilespmem:$0x1FA10];
	vm2 =	vnez.u8 v2  }
0x465: {  	v33 =	vld [tilespmem:$0x1F9D0];
	v2 =	vsel vm2, $0x3F800000, v0  }
0x466: {  	v16 =	vld [tilespmem:$0x1FA40];
	v2 =	vadd.f32 v2, v7;
	v7 =	vsel vm14, $0x3F800000, v0  }
0x467: {  	v7 =	vadd.f32 v7, v17;
	v17 =	vld [tilespmem:$0x1FB20]  }
0x468: {  	v18 =	vld [tilespmem:$0x1FB30]  }
0x469: {  	v26 =	vnsel vm13, $0x0, v22  }
0x46a: {  	vm13 =	vnez.u8 v20;
	v23 =	vnsel vm4, $0x0, v22;
	vm4 =	vnez.u8 v33  }
0x46b: {  	v8 =	vld [tilespmem:$0x1F9B0];
	v11 =	vnsel vm4, $0x0, v24;
	v10 =	vnsel vm13, $0x0, v24;
	vm4 =	vnez.u8 v16  }
0x46c: {  	vm13 =	vnez.u8 v15;
	v16 =	vnsel vm4, $0x0, v9;
	vm4 =	vnez.u8 v17  }
0x46d: {  	v14 =	vld [tilespmem:$0x1FA00];
	v15 =	vnsel vm13, $0x0, v24;
	vm13 =	vnez.u8 v18;
	v17 =	vsel vm4, $0x3F800000, v0  }
0x46e: {  	v18 =	vsel vm13, $0x3F800000, v0;
	v1 =	vadd.f32 v57, v1;
	v2 =	vadd.f32 v17, v2;
	v17 =	vld [tilespmem:$0x1FB40]  }
0x46f: {  	v3 =	vadd.f32 v18, v3  }
0x470: {  	vm11 =	vnez.u8 v8;
	v1 =	vadd.f32 v50, v1;
	v2 =	vadd.f32 v49, v2  }
0x471: {  	v8 =	vnsel vm11, $0x0, v24;
	v3 =	vadd.f32 v52, v3  }
0x472: {  	vm11 =	vnez.u8 v14;
	v1 =	vadd.f32 v43, v1;
	v2 =	vadd.f32 v42, v2  }
0x473: {  	v14 =	vnsel vm11, $0x0, v24;
	v3 =	vadd.f32 v41, v3;
	vm11 =	vnez.u8 v17  }
0x474: {  	v41 =	vadd.f32 v36, v1;
	v17 =	vsel vm11, $0x3F800000, v0;
	v36 =	vadd.f32 v37, v2;
	v2 =	vld [tilespmem:$0x1F800]  }
0x475: {  	v7 =	vadd.f32 v17, v7;
	_ =	sdelay $0x1  }
0x476: {  	v13 =	vld [tilespmem:$0x1F9F0];
	v7 =	vadd.f32 v51, v7  }
0x477: {  	v19 =	vld [tilespmem:$0x1FA60];
	v1 =	vsel vm12, $0x3F800000, v0  }
0x478: {  	v7 =	vadd.f32 v44, v7;
	v1 =	vadd.f32 v1, v2;
	v2 =	vld [tilespmem:$0x1FBC0];
	_ =	sdelay $0x1  }
0x479: {  	v34 =	vadd.f32 v34, v7;
	v7 =	vld [tilespmem:$0x1F810]  }
0x47a: {  	vm10 =	vnez.u8 v13  }
0x47b: {  	v29 =	vld [tilespmem:$0x1F830];
	v13 =	vnsel vm10, $0x0, v24;
	vm10 =	vnez.u8 v19  }
0x47c: {  	v19 =	vnsel vm10, $0x0, v9;
	v56 =	vld [tilespmem:$0x1FAD0];
	vm10 =	vnez.u8 v2  }
0x47d: {  	v35 =	vadd.f32 v35, v3;
	v3 =	vld [tilespmem:$0x1FAC0];
	v2 =	vsel vm10, $0x3F800000, v0  }
0x47e: {  	v2 =	vadd.f32 v2, v7;
	v7 =	vld [tilespmem:$0x1F820];
	_ =	sdelay $0x1  }
0x47f: {  	v18 =	vld [tilespmem:$0x1FA50]  }
0x480: {  	v28 =	vnsel vm7, $0x0, v38;
	v55 =	vld [tilespmem:$0x1FB50]  }
0x481: {  	v28 =	vadd.f32 v28, v29;
	vm7 =	vnez.u8 v56;
	v54 =	vnsel vm9, $0x0, v38  }
0x482: {  	v17 =	vnsel vm15, $0x0, v9;
	vm15 =	vnez.u8 v3;
	v7 =	vadd.f32 v54, v7  }
0x483: {  	v33 =	vnsel vm7, $0x0, v30;
	v3 =	vnsel vm15, $0x0, v30  }
0x484: {  	vm3 =	vnez.u8 v18;
	v3 =	vadd.f32 v3, v7;
	v7 =	vadd.f32 v33, v28  }
0x485: {  	vm9 =	vnez.u8 v55;
	v18 =	vnsel vm3, $0x0, v9  }
0x486: {  	v20 =	vsel vm9, $0x3F800000, v0;
	v3 =	vadd.f32 v16, v3;
	v7 =	vadd.f32 v18, v7  }
0x487: {  	v5 =	vld [tilespmem:$0x1F8E0];
	v1 =	vadd.f32 v20, v1  }
0x488: {  	v29 =	vsel vm6, $0x3F800000, v0;
	v3 =	vadd.f32 v4, v3;
	v4 =	vadd.f32 v8, v7;
	v8 =	vld [tilespmem:$0x1F980]  }
0x489: {  	v57 =	vld [tilespmem:$0x1FA70];
	v1 =	vadd.f32 v39, v1;
	v2 =	vadd.f32 v29, v2  }
0x48a: {  	v29 =	vld [tilespmem:$0x1FAF0]  }
0x48b: {  	v1 =	vadd.f32 v31, v1;
	v2 =	vadd.f32 v40, v2;
	v28 =	vld [tilespmem:$0x1FA80]  }
0x48c: {  	v16 =	vld [tilespmem:$0x1FB00]  }
0x48d: {  	v2 =	vadd.f32 v32, v2;
	v32 =	vadd.f32 v8, v1;
	v1 =	vld [tilespmem:$0x1F9A0]  }
0x48e: {  	vm1 =	vnez.u8 v5;
	v33 =	vadd.f32 v6, v4;
	v6 =	vld [tilespmem:$0x1F880]  }
0x48f: {  	v5 =	vnsel vm1, $0x0, v22;
	v18 =	vld [tilespmem:$0x1FB80]  }
0x490: {  	v37 =	vadd.f32 v5, v3;
	v5 =	vld [tilespmem:$0x1FB10]  }
0x491: {  	v3 =	vld [tilespmem:$0x1F850]  }
0x492: {  	vm15 =	vnez.u8 v57;
	v4 =	vld [tilespmem:$0x1F860];
	v31 =	vadd.f32 v1, v2;
	v1 =	vnsel vm5, $0x0, v38  }
0x493: {  	v20 =	vnsel vm15, $0x0, v9;
	vm15 =	vnez.u8 v29;
	v1 =	vadd.f32 v1, v6;
	v6 =	vld [tilespmem:$0x1F890]  }
0x494: {  	v29 =	vnsel vm15, $0x0, v30;
	v7 =	vnsel vm8, $0x0, v38;
	vm7 =	vnez.u8 v28  }
0x495: {  	v28 =	vnsel vm7, $0x0, v9;
	vm15 =	vnez.u8 v18;
	vm5 =	vnez.u8 v5  }
0x496: {  	vm7 =	vnez.u8 v16;
	v18 =	vnsel vm15, $0x0, v38;
	v5 =	vnsel vm5, $0x0, v30  }
0x497: {  	v4 =	vadd.f32 v7, v4;
	v2 =	vnsel vm2, $0x0, v38;
	v1 =	vadd.f32 v5, v1  }
0x498: {  	v16 =	vnsel vm7, $0x0, v30;
	v3 =	vadd.f32 v18, v3;
	v2 =	vadd.f32 v2, v6  }
0x499: {  	v4 =	vadd.f32 v16, v4;
	v1 =	vadd.f32 v20, v1;
	v6 =	vnsel vm4, $0x0, v30  }
0x49a: {  	v3 =	vadd.f32 v29, v3;
	v2 =	vadd.f32 v6, v2  }
0x49b: {  	v4 =	vadd.f32 v19, v4;
	v1 =	vadd.f32 v12, v1;
	v12 =	vld [tilespmem:$0x1F760]  }
0x49c: {  	v3 =	vadd.f32 v17, v3;
	v2 =	vadd.f32 v28, v2  }
0x49d: {  	v4 =	vadd.f32 v11, v4  }
0x49e: {  	v3 =	vadd.f32 v10, v3;
	v2 =	vadd.f32 v13, v2  }
0x49f: {  	v16 =	vadd.f32 v26, v4;
	v4 =	vld [tilespmem:$0x1F8B0]  }
0x4a0: {  	v17 =	vadd.f32 v12, v3;
	v12 =	vadd.f32 v27, v2;
	v2 =	vld [tilespmem:$0x1F8A0];
	_ =	sdelay $0x1  }
0x4a1: {  	v5 =	vld [tilespmem:$0x1FAA0];
	_ =	sdelay $0x1  }
0x4a2: {  	v59 =	vnsel vm14, $0x0, v38;
	v58 =	vnsel vm0, $0x0, v38  }
0x4a3: {  	v61 =	vld [tilespmem:$0x1F8C0];
	v4 =	vadd.f32 v59, v4;
	v2 =	vadd.f32 v58, v2  }
0x4a4: {  	v8 =	vnsel vm11, $0x0, v30;
	v6 =	vnsel vm13, $0x0, v30  }
0x4a5: {  	vm8 =	vnez.u8 v5;
	v4 =	vadd.f32 v8, v4;
	v2 =	vadd.f32 v6, v2;
	v6 =	vld [tilespmem:$0x1FAB0]  }
0x4a6: {  	v7 =	vld [tilespmem:$0x1FA90];
	v5 =	vnsel vm8, $0x0, v9  }
0x4a7: {  	v3 =	vnsel vm12, $0x0, v38;
	v4 =	vadd.f32 v5, v4;
	v5 =	vld [tilespmem:$0x1FA20]  }
0x4a8: {  	v62 =	vld [tilespmem:$0x1F8D0];
	v3 =	vadd.f32 v3, v61  }
0x4a9: {  	v60 =	vnsel vm9, $0x0, v30;
	v13 =	vadd.f32 v23, v1  }
0x4aa: {  	v1 =	vnsel vm10, $0x0, v38;
	v8 =	vld [tilespmem:$0x1FAE0];
	v3 =	vadd.f32 v60, v3;
	vm10 =	vnez.u8 v6  }
0x4ab: {  	vm7 =	vnez.u8 v7;
	v6 =	vnsel vm10, $0x0, v9  }
0x4ac: {  	v7 =	vnsel vm7, $0x0, v9;
	vm12 =	vnez.u8 v5;
	v3 =	vadd.f32 v6, v3;
	v6 =	vld [tilespmem:$0x1FA30]  }
0x4ad: {  	v1 =	vadd.f32 v1, v62;
	v5 =	vnsel vm12, $0x0, v24;
	v2 =	vadd.f32 v7, v2;
	v7 =	vld [tilespmem:$0x1F970]  }
0x4ae: {  	v63 =	vnsel vm6, $0x0, v30;
	v3 =	vadd.f32 v5, v3;
	v5 =	vld [tilespmem:$0x1F990]  }
0x4af: {  	s23 =	sadd.s32 $0x1, s23;
	v1 =	vadd.f32 v63, v1;
	vm11 =	vnez.u8 v8  }
0x4b0: {  	p0 =	sne.s32 s23, $0x4;
	v4 =	vadd.f32 v15, v4;
	v8 =	vnsel vm11, $0x0, v9  }
.Ltmp2:
0x4b1: {  	v1 =	vadd.f32 v8, v1;
	vm13 =	vnez.u8 v6;
	(pc) =	sbr.rel @p0 .LBB2_2-.Ltmp2, $4  }
0x4b2: {  	v4 =	vadd.f32 v25, v4;
	v2 =	vadd.f32 v14, v2;
	v6 =	vnsel vm13, $0x0, v24  }
0x4b3: {  	vm14 =	vnez.u8 v7;
	v1 =	vadd.f32 v6, v1;
	vm15 =	vnez.u8 v5  }
0x4b4: {  	v7 =	vnsel vm14, $0x0, v22;
	v6 =	vadd.f32 v21, v2;
	v5 =	vnsel vm15, $0x0, v22  }
0x4b5: {  	v2 =	vadd.f32 v7, v3;
	v1 =	vadd.f32 v5, v1  }
0x4b6: {  	[tilespmem:$0x18000] =	vst v53  }
0x4b7: {  	[tilespmem:$0x180A0] =	vst v37  }
0x4b8: {  	[tilespmem:$0x18010] =	vst v47  }
0x4b9: {  	[tilespmem:$0x180B0] =	vst v33  }
0x4ba: {  	[tilespmem:$0x18020] =	vst v46  }
0x4bb: {  	[tilespmem:$0x180C0] =	vst v17  }
0x4bc: {  	[tilespmem:$0x18030] =	vst v45  }
0x4bd: {  	[tilespmem:$0x180D0] =	vst v16  }
0x4be: {  	[tilespmem:$0x18040] =	vst v41  }
0x4bf: {  	[tilespmem:$0x180E0] =	vst v13  }
0x4c0: {  	[tilespmem:$0x18050] =	vst v36  }
0x4c1: {  	[tilespmem:$0x180F0] =	vst v12  }
0x4c2: {  	[tilespmem:$0x18060] =	vst v35  }
0x4c3: {  	[tilespmem:$0x18100] =	vst v6  }
0x4c4: {  	[tilespmem:$0x18070] =	vst v34  }
0x4c5: {  	[tilespmem:$0x18110] =	vst v4  }
0x4c6: {  	[tilespmem:$0x18080] =	vst v32  }
0x4c7: {  	[tilespmem:$0x18090] =	vst v31;
	s22 =	sadd.s32 $0x1, s22  }
0x4c8: {  	[tilespmem:$0x18120] =	vst v2;
	p0 =	sne.s32 s22, s12  }
.Ltmp3:
0x4c9: {  	[tilespmem:$0x18130] =	vst v1;
	(pc) =	sbr.rel @p0 .LBB2_1-.Ltmp3, $4  }
0x4ca: {  	[hbm4b:s11+s3] =	stream.linear.scatter [tilespmem:s20], [sflag:$0x3], $0x140, $0x38;
	[tilespmem:$0x18180] =	vst v63  }
0x4cb: {  	_ =	swait.ge [sflag:s21], $0x140  }
0x4cc: {  	[sflag:s21] =	ssyncset.done $0x0  }
0x4cd: {  	[sflag:s21] =	ssyncadd.s32 $0xFFFFFEC0  }
0x4ce: {  	_ =	sfence.sel $0x180000  }
0x4cf: {  	[bflag:$0x0] =	sbarrier.arrive $0xFFFF  }
0x4d0: {  	p0 =	sne.s32 s1, $0x0;
	_ =	strace $0x90000047  }
0x4d1: {  	s0 =	sadd.s32 @!p0 $0x100000, s0;
	[bflag:$0x2] =	sbarrier.arrive $0xFFFF  }
0x4d2: {  	[sflag:s0] =	ssyncadd.tile.s32 @!p0 $0x1;
	_ =	shalt  }
.Lfunc_end2:
_tile_overlayer_lowered:
.L_overlay_start_2:
0x4d3: {  	(tag) =	ssettag $0x2  }
0x4d4: {  	s0 =	rddreg [dreg:$0x0];
	s2 =	stileid.u32  }
0x4d5: {  	s1 =	rddreg [dreg:$0x1];
	p0 =	sne.s32 s2, $0x0  }
0x4d6: {  	s3 =	rddreg [dreg:$0x2];
	[bflag:$0x3] =	sbarrier.arrive $0xFFFF;
	s2 =	simm.s32 @!p0 $0x1C03  }
0x4d7: {  	[timem:s3], [sflag:s2] =	dma.local @!p0 [hbm:s0], s1  }
0x4d8: {  	s0 =	simm.s32 @!p0 $0x3  }
0x4d9: {  	_ =	swait.ge @!p0 [sflag:s0], s1  }
0x4da: {  	s1 =	ssub.s32 @!p0 $0x0, s1;
	[sflag:s0] =	ssyncset.done @!p0 $0x0  }
0x4db: {  	[sflag:s0] =	ssyncadd.s32 @!p0 s1  }
0x4dc: {  	[bflag:$0x3] =	sbarrier.arrive $0xFFFF  }
0x4dd: {  	_ =	shalt  }

</sc_bundles>
